<compile_context>
chip_gen: v7x
topology: tpu7x:2x2x1
jax: 0.10.2.dev20260603
libtpu: 0.0.44.dev20260713+nightly
codegen_flags: <defaults>
</compile_context>

<pallas_src>
import jax
import jax.numpy as jnp
from jax import lax
from jax.experimental import pallas as pl
from jax.experimental.pallas import tpu as pltpu
from jax.experimental.pallas import tpu_sc as plsc

_NC, _NS, _L = 2, 16, 16
_NW = _NC * _NS
_B, _H, _D = 4096, 200, 128
_RPW = _B // _NW
_CHUNK = 50
_NCHUNK = _H // _CHUNK
_NCH_TOT = _RPW * _NCHUNK
_DV = _D // _L
_UNROLL = 5
_NBUF = 8
_OROWS = 32


def _sc_body(x_hbm, f_hbm, o_hbm, idx_v, rows_v, out_v, *sems):
    wid = lax.axis_index("s") * _NC + lax.axis_index("c")
    pltpu.sync_copy(x_hbm.at[wid], idx_v)

    def issue(c, k):
        cc = jnp.minimum(c, _NCH_TOT - 1)
        pltpu.async_copy(f_hbm.at[idx_v.at[cc]], rows_v.at[k], sems[k])

    def drain(k):
        pltpu.make_async_copy(f_hbm.at[idx_v.at[0]], rows_v.at[k],
                              sems[k]).wait()

    def accumulate(k, accs):
        def h_body(h, accs):
            base = h * _UNROLL
            for u in range(_UNROLL):
                accs = tuple(accs[c] + rows_v[k, base + u, pl.ds(c * _L, _L)]
                             for c in range(_DV))
            return accs
        return lax.fori_loop(0, _CHUNK // _UNROLL, h_body, accs)

    def zeros():
        return tuple(jnp.zeros((_L,), jnp.float32) for _ in range(_DV))

    for k in range(_NBUF - 1):
        issue(k, k)

    @pl.loop(0, _NCH_TOT, step=_NBUF)
    def _macro(t):
        accs = zeros()
        for k in range(_NBUF):
            issue(t + k + _NBUF - 1, (k + _NBUF - 1) % _NBUF)
            drain(k)
            accs = accumulate(k, accs)
            if k % _NCHUNK == _NCHUNK - 1:
                r = (t // _NCHUNK) + (k // _NCHUNK)
                for c in range(_DV):
                    out_v[r & (_OROWS - 1), pl.ds(c * _L, _L)] = accs[c]
                accs = zeros()

        @pl.when((t & (_OROWS * _NCHUNK - 1)) == _OROWS * _NCHUNK - _NBUF)
        def _flush():
            q = t // (_OROWS * _NCHUNK)
            pltpu.sync_copy(out_v,
                            o_hbm.at[pl.ds(wid * _RPW + q * _OROWS, _OROWS)])

    for k in range(_NBUF - 1):
        drain(k)


def kernel(x, F):
    x3 = x.astype(jnp.int32).reshape(_NW, _NCH_TOT, _CHUNK)
    mesh = plsc.VectorSubcoreMesh(
        core_axis_name="c", subcore_axis_name="s",
        num_cores=_NC, num_subcores=_NS,
    )
    run = pl.kernel(
        _sc_body,
        out_type=jax.ShapeDtypeStruct((_B, _D), jnp.float32),
        mesh=mesh,
        scratch_types=[
            pltpu.VMEM((_NCH_TOT, _CHUNK), jnp.int32),
            pltpu.VMEM((_NBUF, _CHUNK, _D), jnp.float32),
            pltpu.VMEM((_OROWS, _D), jnp.float32),
        ] + [pltpu.SemaphoreType.DMA] * _NBUF,
    )
    return run(x3, F)

# --- scband reference (transcript-rebuilt; emitter-appended) ---
"""Pipeline reference for scband-feature-14216341750376 (READ-ONLY COPY).

The authoritative reference and input builder live on the scoring server;
editing this copy changes nothing except your own understanding.
"""

import jax, jax.numpy as jnp
import numpy as np

VOCAB = 100000
EMBED_DIM = 128
BATCH = 4096
HIST = 200

def setup_inputs(seed: int = 0) -> dict:
    key = jax.random.key(seed)
    k1, k2 = jax.random.split(key)
    x = jax.random.randint(k1, (BATCH, HIST), 0, VOCAB, dtype=jnp.int64 if jax.config.jax_enable_x64 else jnp.int32)
    # random_uniform initializer in Keras defaults to U(-0.05, 0.05)
    F = jax.random.uniform(k2, (VOCAB, EMBED_DIM), dtype=jnp.float32, minval=-0.05, maxval=0.05)
    return {"x": x, "F": F}

def reference(x, F):
    # f_rep = tf.nn.embedding_lookup(F, x)  -> gather rows
    f_rep = jnp.take(F, x, axis=0)  # [B, HIST, EMBED_DIM]
    # tf.reduce_sum over axis=1 (reduce_sum_axis=1)
    f_rep = jnp.sum(f_rep, axis=1)  # [B, EMBED_DIM]
    # K.dropout with level=0 is identity (eval-mode / no-op)
    return f_rep

if __name__ == "__main__":
    import jax
    _d = setup_inputs()
    print(jax.jit(kernel)(*tuple(_d.values())))

</pallas_src>

<mosaic_0001>
#map = affine_map<(d0, d1) -> (0, 0, 0)>
#map1 = affine_map<(d0, d1) -> (0, 0)>
module attributes {stable_mosaic.version = 14 : i64} {
  func.func @_sc_body(%arg0: i32, %arg1: i32, %arg2: memref<32x512x50xi32, #tpu.memory_space<hbm>>, %arg3: memref<100000x128xf32, #tpu.memory_space<hbm>>, %arg4: memref<4096x128xf32, #tpu.memory_space<hbm>>, %arg5: memref<512x50xi32, #tpu.memory_space<vmem>>, %arg6: memref<8x50x128xf32, #tpu.memory_space<vmem>>, %arg7: memref<32x128xf32, #tpu.memory_space<vmem>>, %arg8: memref<!tpu.dma_semaphore, #tpu.memory_space<semaphore_mem>>, %arg9: memref<!tpu.dma_semaphore, #tpu.memory_space<semaphore_mem>>, %arg10: memref<!tpu.dma_semaphore, #tpu.memory_space<semaphore_mem>>, %arg11: memref<!tpu.dma_semaphore, #tpu.memory_space<semaphore_mem>>, %arg12: memref<!tpu.dma_semaphore, #tpu.memory_space<semaphore_mem>>, %arg13: memref<!tpu.dma_semaphore, #tpu.memory_space<semaphore_mem>>, %arg14: memref<!tpu.dma_semaphore, #tpu.memory_space<semaphore_mem>>, %arg15: memref<!tpu.dma_semaphore, #tpu.memory_space<semaphore_mem>>) attributes {dimension_semantics = [#tpu.dimension_semantics<core_parallel>, #tpu.dimension_semantics<subcore_parallel>], iteration_bounds = array<i64: 2, 16>, scalar_prefetch = 0 : i64, scratch_operands = 11 : i64, tpu.core_type = #tpu.core_type<sc_vector_subcore>, window_params = [{transform_indices = #map}, {transform_indices = #map1}, {transform_indices = #map1}]} {
    %mul3A = arith.constant 2 : i32
    %mul3A_0 = arith.muli %arg1, %mul3A : i32
    %add3A = arith.addi %mul3A_0, %arg0 : i32
    "tpu.region"() ({
      %run_scoped3A = tpu.sem_alloc : memref<!tpu.dma_semaphore, #tpu.memory_space<semaphore_mem>>
      %dma_start3A_184 = arith.constant 0 : i32
      %dma_start3A_185 = arith.constant 0 : i32
      %dma_start3A_186 = tpu.memref_slice %arg2[%add3A, %dma_start3A_184, %dma_start3A_185] : memref<32x512x50xi32, #tpu.memory_space<hbm>> -> memref<1x512x50xi32, #tpu.memory_space<hbm>>
      %dma_start3A_187 = tpu.memref_squeeze %dma_start3A_186 : memref<1x512x50xi32, #tpu.memory_space<hbm>> -> memref<512x50xi32, #tpu.memory_space<hbm>>
      %dma_start3A_188 = arith.constant 0 : i32
      %dma_start3A_189 = arith.constant 0 : i32
      %dma_start3A_190 = tpu.memref_slice %arg2[%add3A, %dma_start3A_188, %dma_start3A_189] : memref<32x512x50xi32, #tpu.memory_space<hbm>> -> memref<1x512x50xi32, #tpu.memory_space<hbm>>
      %dma_start3A_191 = tpu.memref_squeeze %dma_start3A_190 : memref<1x512x50xi32, #tpu.memory_space<hbm>> -> memref<512x50xi32, #tpu.memory_space<hbm>>
      tpu.enqueue_dma source(%dma_start3A_191 : memref<512x50xi32, #tpu.memory_space<hbm>>) target(%arg5 : memref<512x50xi32, #tpu.memory_space<vmem>>) target_semaphore(%run_scoped3A : memref<!tpu.dma_semaphore, #tpu.memory_space<semaphore_mem>>)
      %dma_wait3A_192 = arith.constant 0 : i32
      %dma_wait3A_193 = arith.constant 0 : i32
      %dma_wait3A_194 = tpu.memref_slice %arg2[%add3A, %dma_wait3A_192, %dma_wait3A_193] : memref<32x512x50xi32, #tpu.memory_space<hbm>> -> memref<1x512x50xi32, #tpu.memory_space<hbm>>
      %dma_wait3A_195 = tpu.memref_squeeze %dma_wait3A_194 : memref<1x512x50xi32, #tpu.memory_space<hbm>> -> memref<512x50xi32, #tpu.memory_space<hbm>>
      %dma_wait3A_196 = arith.constant 0 : i32
      %dma_wait3A_197 = arith.constant 0 : i32
      %dma_wait3A_198 = tpu.memref_slice %arg2[%add3A, %dma_wait3A_196, %dma_wait3A_197] : memref<32x512x50xi32, #tpu.memory_space<hbm>> -> memref<1x512x50xi32, #tpu.memory_space<hbm>>
      %dma_wait3A_199 = tpu.memref_squeeze %dma_wait3A_198 : memref<1x512x50xi32, #tpu.memory_space<hbm>> -> memref<512x50xi32, #tpu.memory_space<hbm>>
      tpu.wait_dma2 semaphore(%run_scoped3A : memref<!tpu.dma_semaphore, #tpu.memory_space<semaphore_mem>>) src(%dma_wait3A_199 : memref<512x50xi32, #tpu.memory_space<hbm>>) dst(%arg5 : memref<512x50xi32, #tpu.memory_space<vmem>>)
      tpu.yield
    }) : () -> ()
    %min3A = arith.constant 0 : i32
    %min3A_1 = arith.constant 511 : i32
    %min3A_2 = arith.minsi %min3A, %min3A_1 : i32
    %dma_start3A = arith.constant 0 : i32
    %dma_start3A_3 = arith.constant 0 : i32
    %dma_start3A_4 = arith.constant 0 : i32
    %dma_start3A_5 = tpu.memref_slice %arg6[%dma_start3A, %dma_start3A_3, %dma_start3A_4] : memref<8x50x128xf32, #tpu.memory_space<vmem>> -> memref<1x50x128xf32, #tpu.memory_space<vmem>>
    %dma_start3A_6 = tpu.memref_squeeze %dma_start3A_5 : memref<1x50x128xf32, #tpu.memory_space<vmem>> -> memref<50x128xf32, #tpu.memory_space<vmem>>
    %dma_start3A_7 = arith.constant 0 : i32
    %dma_start3A_8 = tpu.memref_slice %arg5[%min3A_2, %dma_start3A_7] : memref<512x50xi32, #tpu.memory_space<vmem>> -> memref<1x50xi32, #tpu.memory_space<vmem>>
    %dma_start3A_9 = tpu.memref_squeeze %dma_start3A_8 : memref<1x50xi32, #tpu.memory_space<vmem>> -> memref<50xi32, #tpu.memory_space<vmem>>
    %dma_start3A_10 = arith.constant 0 : i32
    %dma_start3A_11 = arith.constant 0 : i32
    %dma_start3A_12 = tpu.memref_slice %arg3[%dma_start3A_10, %dma_start3A_11] : memref<100000x128xf32, #tpu.memory_space<hbm>> -> memref<100000x128xf32, #tpu.memory_space<hbm>>
    tpu.enqueue_indirect_dma source(%dma_start3A_12 : memref<100000x128xf32, #tpu.memory_space<hbm>>) target(%dma_start3A_6 : memref<50x128xf32, #tpu.memory_space<vmem>>) offsets(%dma_start3A_9 : memref<50xi32, #tpu.memory_space<vmem>>) semaphore(%arg8 : memref<!tpu.dma_semaphore, #tpu.memory_space<semaphore_mem>>)
    %min3A_13 = arith.constant 1 : i32
    %min3A_14 = arith.constant 511 : i32
    %min3A_15 = arith.minsi %min3A_13, %min3A_14 : i32
    %dma_start3A_16 = arith.constant 1 : i32
    %dma_start3A_17 = arith.constant 0 : i32
    %dma_start3A_18 = arith.constant 0 : i32
    %dma_start3A_19 = tpu.memref_slice %arg6[%dma_start3A_16, %dma_start3A_17, %dma_start3A_18] : memref<8x50x128xf32, #tpu.memory_space<vmem>> -> memref<1x50x128xf32, #tpu.memory_space<vmem>>
    %dma_start3A_20 = tpu.memref_squeeze %dma_start3A_19 : memref<1x50x128xf32, #tpu.memory_space<vmem>> -> memref<50x128xf32, #tpu.memory_space<vmem>>
    %dma_start3A_21 = arith.constant 0 : i32
    %dma_start3A_22 = tpu.memref_slice %arg5[%min3A_15, %dma_start3A_21] : memref<512x50xi32, #tpu.memory_space<vmem>> -> memref<1x50xi32, #tpu.memory_space<vmem>>
    %dma_start3A_23 = tpu.memref_squeeze %dma_start3A_22 : memref<1x50xi32, #tpu.memory_space<vmem>> -> memref<50xi32, #tpu.memory_space<vmem>>
    %dma_start3A_24 = arith.constant 0 : i32
    %dma_start3A_25 = arith.constant 0 : i32
    %dma_start3A_26 = tpu.memref_slice %arg3[%dma_start3A_24, %dma_start3A_25] : memref<100000x128xf32, #tpu.memory_space<hbm>> -> memref<100000x128xf32, #tpu.memory_space<hbm>>
    tpu.enqueue_indirect_dma source(%dma_start3A_26 : memref<100000x128xf32, #tpu.memory_space<hbm>>) target(%dma_start3A_20 : memref<50x128xf32, #tpu.memory_space<vmem>>) offsets(%dma_start3A_23 : memref<50xi32, #tpu.memory_space<vmem>>) semaphore(%arg9 : memref<!tpu.dma_semaphore, #tpu.memory_space<semaphore_mem>>)
    %min3A_27 = arith.constant 2 : i32
    %min3A_28 = arith.constant 511 : i32
    %min3A_29 = arith.minsi %min3A_27, %min3A_28 : i32
    %dma_start3A_30 = arith.constant 2 : i32
    %dma_start3A_31 = arith.constant 0 : i32
    %dma_start3A_32 = arith.constant 0 : i32
    %dma_start3A_33 = tpu.memref_slice %arg6[%dma_start3A_30, %dma_start3A_31, %dma_start3A_32] : memref<8x50x128xf32, #tpu.memory_space<vmem>> -> memref<1x50x128xf32, #tpu.memory_space<vmem>>
    %dma_start3A_34 = tpu.memref_squeeze %dma_start3A_33 : memref<1x50x128xf32, #tpu.memory_space<vmem>> -> memref<50x128xf32, #tpu.memory_space<vmem>>
    %dma_start3A_35 = arith.constant 0 : i32
    %dma_start3A_36 = tpu.memref_slice %arg5[%min3A_29, %dma_start3A_35] : memref<512x50xi32, #tpu.memory_space<vmem>> -> memref<1x50xi32, #tpu.memory_space<vmem>>
    %dma_start3A_37 = tpu.memref_squeeze %dma_start3A_36 : memref<1x50xi32, #tpu.memory_space<vmem>> -> memref<50xi32, #tpu.memory_space<vmem>>
    %dma_start3A_38 = arith.constant 0 : i32
    %dma_start3A_39 = arith.constant 0 : i32
    %dma_start3A_40 = tpu.memref_slice %arg3[%dma_start3A_38, %dma_start3A_39] : memref<100000x128xf32, #tpu.memory_space<hbm>> -> memref<100000x128xf32, #tpu.memory_space<hbm>>
    tpu.enqueue_indirect_dma source(%dma_start3A_40 : memref<100000x128xf32, #tpu.memory_space<hbm>>) target(%dma_start3A_34 : memref<50x128xf32, #tpu.memory_space<vmem>>) offsets(%dma_start3A_37 : memref<50xi32, #tpu.memory_space<vmem>>) semaphore(%arg10 : memref<!tpu.dma_semaphore, #tpu.memory_space<semaphore_mem>>)
    %min3A_41 = arith.constant 3 : i32
    %min3A_42 = arith.constant 511 : i32
    %min3A_43 = arith.minsi %min3A_41, %min3A_42 : i32
    %dma_start3A_44 = arith.constant 3 : i32
    %dma_start3A_45 = arith.constant 0 : i32
    %dma_start3A_46 = arith.constant 0 : i32
    %dma_start3A_47 = tpu.memref_slice %arg6[%dma_start3A_44, %dma_start3A_45, %dma_start3A_46] : memref<8x50x128xf32, #tpu.memory_space<vmem>> -> memref<1x50x128xf32, #tpu.memory_space<vmem>>
    %dma_start3A_48 = tpu.memref_squeeze %dma_start3A_47 : memref<1x50x128xf32, #tpu.memory_space<vmem>> -> memref<50x128xf32, #tpu.memory_space<vmem>>
    %dma_start3A_49 = arith.constant 0 : i32
    %dma_start3A_50 = tpu.memref_slice %arg5[%min3A_43, %dma_start3A_49] : memref<512x50xi32, #tpu.memory_space<vmem>> -> memref<1x50xi32, #tpu.memory_space<vmem>>
    %dma_start3A_51 = tpu.memref_squeeze %dma_start3A_50 : memref<1x50xi32, #tpu.memory_space<vmem>> -> memref<50xi32, #tpu.memory_space<vmem>>
    %dma_start3A_52 = arith.constant 0 : i32
    %dma_start3A_53 = arith.constant 0 : i32
    %dma_start3A_54 = tpu.memref_slice %arg3[%dma_start3A_52, %dma_start3A_53] : memref<100000x128xf32, #tpu.memory_space<hbm>> -> memref<100000x128xf32, #tpu.memory_space<hbm>>
    tpu.enqueue_indirect_dma source(%dma_start3A_54 : memref<100000x128xf32, #tpu.memory_space<hbm>>) target(%dma_start3A_48 : memref<50x128xf32, #tpu.memory_space<vmem>>) offsets(%dma_start3A_51 : memref<50xi32, #tpu.memory_space<vmem>>) semaphore(%arg11 : memref<!tpu.dma_semaphore, #tpu.memory_space<semaphore_mem>>)
    %min3A_55 = arith.constant 4 : i32
    %min3A_56 = arith.constant 511 : i32
    %min3A_57 = arith.minsi %min3A_55, %min3A_56 : i32
    %dma_start3A_58 = arith.constant 4 : i32
    %dma_start3A_59 = arith.constant 0 : i32
    %dma_start3A_60 = arith.constant 0 : i32
    %dma_start3A_61 = tpu.memref_slice %arg6[%dma_start3A_58, %dma_start3A_59, %dma_start3A_60] : memref<8x50x128xf32, #tpu.memory_space<vmem>> -> memref<1x50x128xf32, #tpu.memory_space<vmem>>
    %dma_start3A_62 = tpu.memref_squeeze %dma_start3A_61 : memref<1x50x128xf32, #tpu.memory_space<vmem>> -> memref<50x128xf32, #tpu.memory_space<vmem>>
    %dma_start3A_63 = arith.constant 0 : i32
    %dma_start3A_64 = tpu.memref_slice %arg5[%min3A_57, %dma_start3A_63] : memref<512x50xi32, #tpu.memory_space<vmem>> -> memref<1x50xi32, #tpu.memory_space<vmem>>
    %dma_start3A_65 = tpu.memref_squeeze %dma_start3A_64 : memref<1x50xi32, #tpu.memory_space<vmem>> -> memref<50xi32, #tpu.memory_space<vmem>>
    %dma_start3A_66 = arith.constant 0 : i32
    %dma_start3A_67 = arith.constant 0 : i32
    %dma_start3A_68 = tpu.memref_slice %arg3[%dma_start3A_66, %dma_start3A_67] : memref<100000x128xf32, #tpu.memory_space<hbm>> -> memref<100000x128xf32, #tpu.memory_space<hbm>>
    tpu.enqueue_indirect_dma source(%dma_start3A_68 : memref<100000x128xf32, #tpu.memory_space<hbm>>) target(%dma_start3A_62 : memref<50x128xf32, #tpu.memory_space<vmem>>) offsets(%dma_start3A_65 : memref<50xi32, #tpu.memory_space<vmem>>) semaphore(%arg12 : memref<!tpu.dma_semaphore, #tpu.memory_space<semaphore_mem>>)
    %min3A_69 = arith.constant 5 : i32
    %min3A_70 = arith.constant 511 : i32
    %min3A_71 = arith.minsi %min3A_69, %min3A_70 : i32
    %dma_start3A_72 = arith.constant 5 : i32
    %dma_start3A_73 = arith.constant 0 : i32
    %dma_start3A_74 = arith.constant 0 : i32
    %dma_start3A_75 = tpu.memref_slice %arg6[%dma_start3A_72, %dma_start3A_73, %dma_start3A_74] : memref<8x50x128xf32, #tpu.memory_space<vmem>> -> memref<1x50x128xf32, #tpu.memory_space<vmem>>
    %dma_start3A_76 = tpu.memref_squeeze %dma_start3A_75 : memref<1x50x128xf32, #tpu.memory_space<vmem>> -> memref<50x128xf32, #tpu.memory_space<vmem>>
    %dma_start3A_77 = arith.constant 0 : i32
    %dma_start3A_78 = tpu.memref_slice %arg5[%min3A_71, %dma_start3A_77] : memref<512x50xi32, #tpu.memory_space<vmem>> -> memref<1x50xi32, #tpu.memory_space<vmem>>
    %dma_start3A_79 = tpu.memref_squeeze %dma_start3A_78 : memref<1x50xi32, #tpu.memory_space<vmem>> -> memref<50xi32, #tpu.memory_space<vmem>>
    %dma_start3A_80 = arith.constant 0 : i32
    %dma_start3A_81 = arith.constant 0 : i32
    %dma_start3A_82 = tpu.memref_slice %arg3[%dma_start3A_80, %dma_start3A_81] : memref<100000x128xf32, #tpu.memory_space<hbm>> -> memref<100000x128xf32, #tpu.memory_space<hbm>>
    tpu.enqueue_indirect_dma source(%dma_start3A_82 : memref<100000x128xf32, #tpu.memory_space<hbm>>) target(%dma_start3A_76 : memref<50x128xf32, #tpu.memory_space<vmem>>) offsets(%dma_start3A_79 : memref<50xi32, #tpu.memory_space<vmem>>) semaphore(%arg13 : memref<!tpu.dma_semaphore, #tpu.memory_space<semaphore_mem>>)
    %min3A_83 = arith.constant 6 : i32
    %min3A_84 = arith.constant 511 : i32
    %min3A_85 = arith.minsi %min3A_83, %min3A_84 : i32
    %dma_start3A_86 = arith.constant 6 : i32
    %dma_start3A_87 = arith.constant 0 : i32
    %dma_start3A_88 = arith.constant 0 : i32
    %dma_start3A_89 = tpu.memref_slice %arg6[%dma_start3A_86, %dma_start3A_87, %dma_start3A_88] : memref<8x50x128xf32, #tpu.memory_space<vmem>> -> memref<1x50x128xf32, #tpu.memory_space<vmem>>
    %dma_start3A_90 = tpu.memref_squeeze %dma_start3A_89 : memref<1x50x128xf32, #tpu.memory_space<vmem>> -> memref<50x128xf32, #tpu.memory_space<vmem>>
    %dma_start3A_91 = arith.constant 0 : i32
    %dma_start3A_92 = tpu.memref_slice %arg5[%min3A_85, %dma_start3A_91] : memref<512x50xi32, #tpu.memory_space<vmem>> -> memref<1x50xi32, #tpu.memory_space<vmem>>
    %dma_start3A_93 = tpu.memref_squeeze %dma_start3A_92 : memref<1x50xi32, #tpu.memory_space<vmem>> -> memref<50xi32, #tpu.memory_space<vmem>>
    %dma_start3A_94 = arith.constant 0 : i32
    %dma_start3A_95 = arith.constant 0 : i32
    %dma_start3A_96 = tpu.memref_slice %arg3[%dma_start3A_94, %dma_start3A_95] : memref<100000x128xf32, #tpu.memory_space<hbm>> -> memref<100000x128xf32, #tpu.memory_space<hbm>>
    tpu.enqueue_indirect_dma source(%dma_start3A_96 : memref<100000x128xf32, #tpu.memory_space<hbm>>) target(%dma_start3A_90 : memref<50x128xf32, #tpu.memory_space<vmem>>) offsets(%dma_start3A_93 : memref<50xi32, #tpu.memory_space<vmem>>) semaphore(%arg14 : memref<!tpu.dma_semaphore, #tpu.memory_space<semaphore_mem>>)
    %scan3A = arith.constant 0 : i32
    %scan3A_97 = arith.constant 64 : i32
    %scan3A_98 = arith.addi %scan3A, %scan3A_97 : i32
    %scan3A_99 = arith.constant 1 : i32
    scf.for %scan3A_184 = %scan3A to %scan3A_98 step %scan3A_99  : i32 {
      %mul3A_185 = arith.constant 8 : i32
      %mul3A_186 = arith.muli %scan3A_184, %mul3A_185 : i32
      %add3A_187 = arith.constant 0 : i32
      %add3A_188 = arith.addi %add3A_187, %mul3A_186 : i32
      %broadcast_in_dim3A = arith.constant 0.000000e+00 : f32
      %broadcast_in_dim3A_189 = vector.broadcast %broadcast_in_dim3A : f32 to vector<16xf32>
      %broadcast_in_dim3A_190 = arith.constant 0.000000e+00 : f32
      %broadcast_in_dim3A_191 = vector.broadcast %broadcast_in_dim3A_190 : f32 to vector<16xf32>
      %broadcast_in_dim3A_192 = arith.constant 0.000000e+00 : f32
      %broadcast_in_dim3A_193 = vector.broadcast %broadcast_in_dim3A_192 : f32 to vector<16xf32>
      %broadcast_in_dim3A_194 = arith.constant 0.000000e+00 : f32
      %broadcast_in_dim3A_195 = vector.broadcast %broadcast_in_dim3A_194 : f32 to vector<16xf32>
      %broadcast_in_dim3A_196 = arith.constant 0.000000e+00 : f32
      %broadcast_in_dim3A_197 = vector.broadcast %broadcast_in_dim3A_196 : f32 to vector<16xf32>
      %broadcast_in_dim3A_198 = arith.constant 0.000000e+00 : f32
      %broadcast_in_dim3A_199 = vector.broadcast %broadcast_in_dim3A_198 : f32 to vector<16xf32>
      %broadcast_in_dim3A_200 = arith.constant 0.000000e+00 : f32
      %broadcast_in_dim3A_201 = vector.broadcast %broadcast_in_dim3A_200 : f32 to vector<16xf32>
      %broadcast_in_dim3A_202 = arith.constant 0.000000e+00 : f32
      %broadcast_in_dim3A_203 = vector.broadcast %broadcast_in_dim3A_202 : f32 to vector<16xf32>
      %add3A_204 = arith.constant 0 : i32
      %add3A_205 = arith.addi %add3A_188, %add3A_204 : i32
      %add3A_206 = arith.constant 8 : i32
      %add3A_207 = arith.addi %add3A_205, %add3A_206 : i32
      %sub3A = arith.constant 1 : i32
      %sub3A_208 = arith.subi %add3A_207, %sub3A : i32
      %min3A_209 = arith.constant 511 : i32
      %min3A_210 = arith.minsi %sub3A_208, %min3A_209 : i32
      %dma_start3A_211 = arith.constant 7 : i32
      %dma_start3A_212 = arith.constant 0 : i32
      %dma_start3A_213 = arith.constant 0 : i32
      %dma_start3A_214 = tpu.memref_slice %arg6[%dma_start3A_211, %dma_start3A_212, %dma_start3A_213] : memref<8x50x128xf32, #tpu.memory_space<vmem>> -> memref<1x50x128xf32, #tpu.memory_space<vmem>>
      %dma_start3A_215 = tpu.memref_squeeze %dma_start3A_214 : memref<1x50x128xf32, #tpu.memory_space<vmem>> -> memref<50x128xf32, #tpu.memory_space<vmem>>
      %dma_start3A_216 = arith.constant 0 : i32
      %dma_start3A_217 = tpu.memref_slice %arg5[%min3A_210, %dma_start3A_216] : memref<512x50xi32, #tpu.memory_space<vmem>> -> memref<1x50xi32, #tpu.memory_space<vmem>>
      %dma_start3A_218 = tpu.memref_squeeze %dma_start3A_217 : memref<1x50xi32, #tpu.memory_space<vmem>> -> memref<50xi32, #tpu.memory_space<vmem>>
      %dma_start3A_219 = arith.constant 0 : i32
      %dma_start3A_220 = arith.constant 0 : i32
      %dma_start3A_221 = tpu.memref_slice %arg3[%dma_start3A_219, %dma_start3A_220] : memref<100000x128xf32, #tpu.memory_space<hbm>> -> memref<100000x128xf32, #tpu.memory_space<hbm>>
      tpu.enqueue_indirect_dma source(%dma_start3A_221 : memref<100000x128xf32, #tpu.memory_space<hbm>>) target(%dma_start3A_215 : memref<50x128xf32, #tpu.memory_space<vmem>>) offsets(%dma_start3A_218 : memref<50xi32, #tpu.memory_space<vmem>>) semaphore(%arg15 : memref<!tpu.dma_semaphore, #tpu.memory_space<semaphore_mem>>)
      %dma_wait3A_222 = arith.constant 0 : i32
      %dma_wait3A_223 = arith.constant 0 : i32
      %dma_wait3A_224 = arith.constant 0 : i32
      %dma_wait3A_225 = arith.constant 0 : i32
      %dma_wait3A_226 = tpu.memref_slice %arg6[%dma_wait3A_223, %dma_wait3A_224, %dma_wait3A_225] : memref<8x50x128xf32, #tpu.memory_space<vmem>> -> memref<1x50x128xf32, #tpu.memory_space<vmem>>
      %dma_wait3A_227 = tpu.memref_squeeze %dma_wait3A_226 : memref<1x50x128xf32, #tpu.memory_space<vmem>> -> memref<50x128xf32, #tpu.memory_space<vmem>>
      %dma_wait3A_228 = arith.constant 0 : i32
      %dma_wait3A_229 = tpu.memref_slice %arg5[%dma_wait3A_222, %dma_wait3A_228] : memref<512x50xi32, #tpu.memory_space<vmem>> -> memref<1x50xi32, #tpu.memory_space<vmem>>
      %dma_wait3A_230 = tpu.memref_squeeze %dma_wait3A_229 : memref<1x50xi32, #tpu.memory_space<vmem>> -> memref<50xi32, #tpu.memory_space<vmem>>
      %dma_wait3A_231 = arith.constant 0 : i32
      %dma_wait3A_232 = arith.constant 0 : i32
      %dma_wait3A_233 = tpu.memref_slice %arg3[%dma_wait3A_231, %dma_wait3A_232] : memref<100000x128xf32, #tpu.memory_space<hbm>> -> memref<100000x128xf32, #tpu.memory_space<hbm>>
      tpu.wait_indirect_dma semaphore(%arg8 : memref<!tpu.dma_semaphore, #tpu.memory_space<semaphore_mem>>) src(%dma_wait3A_233 : memref<100000x128xf32, #tpu.memory_space<hbm>>) dst(%dma_wait3A_227 : memref<50x128xf32, #tpu.memory_space<vmem>>)
      %scan3A_234 = arith.constant 0 : i32
      %scan3A_235 = arith.constant 10 : i32
      %scan3A_236 = arith.addi %scan3A_234, %scan3A_235 : i32
      %scan3A_237 = arith.constant 1 : i32
      %scan3A_238:8 = scf.for %scan3A_691 = %scan3A_234 to %scan3A_236 step %scan3A_237 iter_args(%scan3A_692 = %broadcast_in_dim3A_189, %scan3A_693 = %broadcast_in_dim3A_191, %scan3A_694 = %broadcast_in_dim3A_193, %scan3A_695 = %broadcast_in_dim3A_195, %scan3A_696 = %broadcast_in_dim3A_197, %scan3A_697 = %broadcast_in_dim3A_199, %scan3A_698 = %broadcast_in_dim3A_201, %scan3A_699 = %broadcast_in_dim3A_203) -> (vector<16xf32>, vector<16xf32>, vector<16xf32>, vector<16xf32>, vector<16xf32>, vector<16xf32>, vector<16xf32>, vector<16xf32>)  : i32 {
        %mul3A_700 = arith.constant 5 : i32
        %mul3A_701 = arith.muli %scan3A_691, %mul3A_700 : i32
        %add3A_702 = arith.constant 0 : i32
        %add3A_703 = arith.addi %mul3A_701, %add3A_702 : i32
        %get3A = arith.constant 0 : i32
        %get3A_704 = arith.index_cast %get3A : i32 to index
        %get3A_705 = arith.index_cast %add3A_703 : i32 to index
        %get3A_706 = arith.constant 0 : index
        %get3A_707 = tpu.vector_load %arg6[%get3A_704, %get3A_705, %get3A_706] {strides = array<i32>} : memref<8x50x128xf32, #tpu.memory_space<vmem>>, vector<1x1x16xf32>,
        %get3A_708 = vector.shape_cast %get3A_707 : vector<1x1x16xf32> to vector<16xf32>
        %add3A_709 = arith.addf %scan3A_692, %get3A_708 : vector<16xf32>
        %add3A_710 = arith.constant 0 : i32
        %add3A_711 = arith.addi %mul3A_701, %add3A_710 : i32
        %get3A_712 = arith.constant 0 : i32
        %get3A_713 = arith.index_cast %get3A_712 : i32 to index
        %get3A_714 = arith.index_cast %add3A_711 : i32 to index
        %get3A_715 = arith.constant 16 : index
        %get3A_716 = tpu.vector_load %arg6[%get3A_713, %get3A_714, %get3A_715] {strides = array<i32>} : memref<8x50x128xf32, #tpu.memory_space<vmem>>, vector<1x1x16xf32>,
        %get3A_717 = vector.shape_cast %get3A_716 : vector<1x1x16xf32> to vector<16xf32>
        %add3A_718 = arith.addf %scan3A_693, %get3A_717 : vector<16xf32>
        %add3A_719 = arith.constant 0 : i32
        %add3A_720 = arith.addi %mul3A_701, %add3A_719 : i32
        %get3A_721 = arith.constant 0 : i32
        %get3A_722 = arith.index_cast %get3A_721 : i32 to index
        %get3A_723 = arith.index_cast %add3A_720 : i32 to index
        %get3A_724 = arith.constant 32 : index
        %get3A_725 = tpu.vector_load %arg6[%get3A_722, %get3A_723, %get3A_724] {strides = array<i32>} : memref<8x50x128xf32, #tpu.memory_space<vmem>>, vector<1x1x16xf32>,
        %get3A_726 = vector.shape_cast %get3A_725 : vector<1x1x16xf32> to vector<16xf32>
        %add3A_727 = arith.addf %scan3A_694, %get3A_726 : vector<16xf32>
        %add3A_728 = arith.constant 0 : i32
        %add3A_729 = arith.addi %mul3A_701, %add3A_728 : i32
        %get3A_730 = arith.constant 0 : i32
        %get3A_731 = arith.index_cast %get3A_730 : i32 to index
        %get3A_732 = arith.index_cast %add3A_729 : i32 to index
        %get3A_733 = arith.constant 48 : index
        %get3A_734 = tpu.vector_load %arg6[%get3A_731, %get3A_732, %get3A_733] {strides = array<i32>} : memref<8x50x128xf32, #tpu.memory_space<vmem>>, vector<1x1x16xf32>,
        %get3A_735 = vector.shape_cast %get3A_734 : vector<1x1x16xf32> to vector<16xf32>
        %add3A_736 = arith.addf %scan3A_695, %get3A_735 : vector<16xf32>
        %add3A_737 = arith.constant 0 : i32
        %add3A_738 = arith.addi %mul3A_701, %add3A_737 : i32
        %get3A_739 = arith.constant 0 : i32
        %get3A_740 = arith.index_cast %get3A_739 : i32 to index
        %get3A_741 = arith.index_cast %add3A_738 : i32 to index
        %get3A_742 = arith.constant 64 : index
        %get3A_743 = tpu.vector_load %arg6[%get3A_740, %get3A_741, %get3A_742] {strides = array<i32>} : memref<8x50x128xf32, #tpu.memory_space<vmem>>, vector<1x1x16xf32>,
        %get3A_744 = vector.shape_cast %get3A_743 : vector<1x1x16xf32> to vector<16xf32>
        %add3A_745 = arith.addf %scan3A_696, %get3A_744 : vector<16xf32>
        %add3A_746 = arith.constant 0 : i32
        %add3A_747 = arith.addi %mul3A_701, %add3A_746 : i32
        %get3A_748 = arith.constant 0 : i32
        %get3A_749 = arith.index_cast %get3A_748 : i32 to index
        %get3A_750 = arith.index_cast %add3A_747 : i32 to index
        %get3A_751 = arith.constant 80 : index
        %get3A_752 = tpu.vector_load %arg6[%get3A_749, %get3A_750, %get3A_751] {strides = array<i32>} : memref<8x50x128xf32, #tpu.memory_space<vmem>>, vector<1x1x16xf32>,
        %get3A_753 = vector.shape_cast %get3A_752 : vector<1x1x16xf32> to vector<16xf32>
        %add3A_754 = arith.addf %scan3A_697, %get3A_753 : vector<16xf32>
        %add3A_755 = arith.constant 0 : i32
        %add3A_756 = arith.addi %mul3A_701, %add3A_755 : i32
        %get3A_757 = arith.constant 0 : i32
        %get3A_758 = arith.index_cast %get3A_757 : i32 to index
        %get3A_759 = arith.index_cast %add3A_756 : i32 to index
        %get3A_760 = arith.constant 96 : index
        %get3A_761 = tpu.vector_load %arg6[%get3A_758, %get3A_759, %get3A_760] {strides = array<i32>} : memref<8x50x128xf32, #tpu.memory_space<vmem>>, vector<1x1x16xf32>,
        %get3A_762 = vector.shape_cast %get3A_761 : vector<1x1x16xf32> to vector<16xf32>
        %add3A_763 = arith.addf %scan3A_698, %get3A_762 : vector<16xf32>
        %add3A_764 = arith.constant 0 : i32
        %add3A_765 = arith.addi %mul3A_701, %add3A_764 : i32
        %get3A_766 = arith.constant 0 : i32
        %get3A_767 = arith.index_cast %get3A_766 : i32 to index
        %get3A_768 = arith.index_cast %add3A_765 : i32 to index
        %get3A_769 = arith.constant 112 : index
        %get3A_770 = tpu.vector_load %arg6[%get3A_767, %get3A_768, %get3A_769] {strides = array<i32>} : memref<8x50x128xf32, #tpu.memory_space<vmem>>, vector<1x1x16xf32>,
        %get3A_771 = vector.shape_cast %get3A_770 : vector<1x1x16xf32> to vector<16xf32>
        %add3A_772 = arith.addf %scan3A_699, %get3A_771 : vector<16xf32>
        %add3A_773 = arith.constant 1 : i32
        %add3A_774 = arith.addi %mul3A_701, %add3A_773 : i32
        %get3A_775 = arith.constant 0 : i32
        %get3A_776 = arith.index_cast %get3A_775 : i32 to index
        %get3A_777 = arith.index_cast %add3A_774 : i32 to index
        %get3A_778 = arith.constant 0 : index
        %get3A_779 = tpu.vector_load %arg6[%get3A_776, %get3A_777, %get3A_778] {strides = array<i32>} : memref<8x50x128xf32, #tpu.memory_space<vmem>>, vector<1x1x16xf32>,
        %get3A_780 = vector.shape_cast %get3A_779 : vector<1x1x16xf32> to vector<16xf32>
        %add3A_781 = arith.addf %add3A_709, %get3A_780 : vector<16xf32>
        %add3A_782 = arith.constant 1 : i32
        %add3A_783 = arith.addi %mul3A_701, %add3A_782 : i32
        %get3A_784 = arith.constant 0 : i32
        %get3A_785 = arith.index_cast %get3A_784 : i32 to index
        %get3A_786 = arith.index_cast %add3A_783 : i32 to index
        %get3A_787 = arith.constant 16 : index
        %get3A_788 = tpu.vector_load %arg6[%get3A_785, %get3A_786, %get3A_787] {strides = array<i32>} : memref<8x50x128xf32, #tpu.memory_space<vmem>>, vector<1x1x16xf32>,
        %get3A_789 = vector.shape_cast %get3A_788 : vector<1x1x16xf32> to vector<16xf32>
        %add3A_790 = arith.addf %add3A_718, %get3A_789 : vector<16xf32>
        %add3A_791 = arith.constant 1 : i32
        %add3A_792 = arith.addi %mul3A_701, %add3A_791 : i32
        %get3A_793 = arith.constant 0 : i32
        %get3A_794 = arith.index_cast %get3A_793 : i32 to index
        %get3A_795 = arith.index_cast %add3A_792 : i32 to index
        %get3A_796 = arith.constant 32 : index
        %get3A_797 = tpu.vector_load %arg6[%get3A_794, %get3A_795, %get3A_796] {strides = array<i32>} : memref<8x50x128xf32, #tpu.memory_space<vmem>>, vector<1x1x16xf32>,
        %get3A_798 = vector.shape_cast %get3A_797 : vector<1x1x16xf32> to vector<16xf32>
        %add3A_799 = arith.addf %add3A_727, %get3A_798 : vector<16xf32>
        %add3A_800 = arith.constant 1 : i32
        %add3A_801 = arith.addi %mul3A_701, %add3A_800 : i32
        %get3A_802 = arith.constant 0 : i32
        %get3A_803 = arith.index_cast %get3A_802 : i32 to index
        %get3A_804 = arith.index_cast %add3A_801 : i32 to index
        %get3A_805 = arith.constant 48 : index
        %get3A_806 = tpu.vector_load %arg6[%get3A_803, %get3A_804, %get3A_805] {strides = array<i32>} : memref<8x50x128xf32, #tpu.memory_space<vmem>>, vector<1x1x16xf32>,
        %get3A_807 = vector.shape_cast %get3A_806 : vector<1x1x16xf32> to vector<16xf32>
        %add3A_808 = arith.addf %add3A_736, %get3A_807 : vector<16xf32>
        %add3A_809 = arith.constant 1 : i32
        %add3A_810 = arith.addi %mul3A_701, %add3A_809 : i32
        %get3A_811 = arith.constant 0 : i32
        %get3A_812 = arith.index_cast %get3A_811 : i32 to index
        %get3A_813 = arith.index_cast %add3A_810 : i32 to index
        %get3A_814 = arith.constant 64 : index
        %get3A_815 = tpu.vector_load %arg6[%get3A_812, %get3A_813, %get3A_814] {strides = array<i32>} : memref<8x50x128xf32, #tpu.memory_space<vmem>>, vector<1x1x16xf32>,
        %get3A_816 = vector.shape_cast %get3A_815 : vector<1x1x16xf32> to vector<16xf32>
        %add3A_817 = arith.addf %add3A_745, %get3A_816 : vector<16xf32>
        %add3A_818 = arith.constant 1 : i32
        %add3A_819 = arith.addi %mul3A_701, %add3A_818 : i32
        %get3A_820 = arith.constant 0 : i32
        %get3A_821 = arith.index_cast %get3A_820 : i32 to index
        %get3A_822 = arith.index_cast %add3A_819 : i32 to index
        %get3A_823 = arith.constant 80 : index
        %get3A_824 = tpu.vector_load %arg6[%get3A_821, %get3A_822, %get3A_823] {strides = array<i32>} : memref<8x50x128xf32, #tpu.memory_space<vmem>>, vector<1x1x16xf32>,
        %get3A_825 = vector.shape_cast %get3A_824 : vector<1x1x16xf32> to vector<16xf32>
        %add3A_826 = arith.addf %add3A_754, %get3A_825 : vector<16xf32>
        %add3A_827 = arith.constant 1 : i32
        %add3A_828 = arith.addi %mul3A_701, %add3A_827 : i32
        %get3A_829 = arith.constant 0 : i32
        %get3A_830 = arith.index_cast %get3A_829 : i32 to index
        %get3A_831 = arith.index_cast %add3A_828 : i32 to index
        %get3A_832 = arith.constant 96 : index
        %get3A_833 = tpu.vector_load %arg6[%get3A_830, %get3A_831, %get3A_832] {strides = array<i32>} : memref<8x50x128xf32, #tpu.memory_space<vmem>>, vector<1x1x16xf32>,
        %get3A_834 = vector.shape_cast %get3A_833 : vector<1x1x16xf32> to vector<16xf32>
        %add3A_835 = arith.addf %add3A_763, %get3A_834 : vector<16xf32>
        %add3A_836 = arith.constant 1 : i32
        %add3A_837 = arith.addi %mul3A_701, %add3A_836 : i32
        %get3A_838 = arith.constant 0 : i32
        %get3A_839 = arith.index_cast %get3A_838 : i32 to index
        %get3A_840 = arith.index_cast %add3A_837 : i32 to index
        %get3A_841 = arith.constant 112 : index
        %get3A_842 = tpu.vector_load %arg6[%get3A_839, %get3A_840, %get3A_841] {strides = array<i32>} : memref<8x50x128xf32, #tpu.memory_space<vmem>>, vector<1x1x16xf32>,
        %get3A_843 = vector.shape_cast %get3A_842 : vector<1x1x16xf32> to vector<16xf32>
        %add3A_844 = arith.addf %add3A_772, %get3A_843 : vector<16xf32>
        %add3A_845 = arith.constant 2 : i32
        %add3A_846 = arith.addi %mul3A_701, %add3A_845 : i32
        %get3A_847 = arith.constant 0 : i32
        %get3A_848 = arith.index_cast %get3A_847 : i32 to index
        %get3A_849 = arith.index_cast %add3A_846 : i32 to index
        %get3A_850 = arith.constant 0 : index
        %get3A_851 = tpu.vector_load %arg6[%get3A_848, %get3A_849, %get3A_850] {strides = array<i32>} : memref<8x50x128xf32, #tpu.memory_space<vmem>>, vector<1x1x16xf32>,
        %get3A_852 = vector.shape_cast %get3A_851 : vector<1x1x16xf32> to vector<16xf32>
        %add3A_853 = arith.addf %add3A_781, %get3A_852 : vector<16xf32>
        %add3A_854 = arith.constant 2 : i32
        %add3A_855 = arith.addi %mul3A_701, %add3A_854 : i32
        %get3A_856 = arith.constant 0 : i32
        %get3A_857 = arith.index_cast %get3A_856 : i32 to index
        %get3A_858 = arith.index_cast %add3A_855 : i32 to index
        %get3A_859 = arith.constant 16 : index
        %get3A_860 = tpu.vector_load %arg6[%get3A_857, %get3A_858, %get3A_859] {strides = array<i32>} : memref<8x50x128xf32, #tpu.memory_space<vmem>>, vector<1x1x16xf32>,
        %get3A_861 = vector.shape_cast %get3A_860 : vector<1x1x16xf32> to vector<16xf32>
        %add3A_862 = arith.addf %add3A_790, %get3A_861 : vector<16xf32>
        %add3A_863 = arith.constant 2 : i32
        %add3A_864 = arith.addi %mul3A_701, %add3A_863 : i32
        %get3A_865 = arith.constant 0 : i32
        %get3A_866 = arith.index_cast %get3A_865 : i32 to index
        %get3A_867 = arith.index_cast %add3A_864 : i32 to index
        %get3A_868 = arith.constant 32 : index
        %get3A_869 = tpu.vector_load %arg6[%get3A_866, %get3A_867, %get3A_868] {strides = array<i32>} : memref<8x50x128xf32, #tpu.memory_space<vmem>>, vector<1x1x16xf32>,
        %get3A_870 = vector.shape_cast %get3A_869 : vector<1x1x16xf32> to vector<16xf32>
        %add3A_871 = arith.addf %add3A_799, %get3A_870 : vector<16xf32>
        %add3A_872 = arith.constant 2 : i32
        %add3A_873 = arith.addi %mul3A_701, %add3A_872 : i32
        %get3A_874 = arith.constant 0 : i32
        %get3A_875 = arith.index_cast %get3A_874 : i32 to index
        %get3A_876 = arith.index_cast %add3A_873 : i32 to index
        %get3A_877 = arith.constant 48 : index
        %get3A_878 = tpu.vector_load %arg6[%get3A_875, %get3A_876, %get3A_877] {strides = array<i32>} : memref<8x50x128xf32, #tpu.memory_space<vmem>>, vector<1x1x16xf32>,
        %get3A_879 = vector.shape_cast %get3A_878 : vector<1x1x16xf32> to vector<16xf32>
        %add3A_880 = arith.addf %add3A_808, %get3A_879 : vector<16xf32>
        %add3A_881 = arith.constant 2 : i32
        %add3A_882 = arith.addi %mul3A_701, %add3A_881 : i32
        %get3A_883 = arith.constant 0 : i32
        %get3A_884 = arith.index_cast %get3A_883 : i32 to index
        %get3A_885 = arith.index_cast %add3A_882 : i32 to index
        %get3A_886 = arith.constant 64 : index
        %get3A_887 = tpu.vector_load %arg6[%get3A_884, %get3A_885, %get3A_886] {strides = array<i32>} : memref<8x50x128xf32, #tpu.memory_space<vmem>>, vector<1x1x16xf32>,
        %get3A_888 = vector.shape_cast %get3A_887 : vector<1x1x16xf32> to vector<16xf32>
        %add3A_889 = arith.addf %add3A_817, %get3A_888 : vector<16xf32>
        %add3A_890 = arith.constant 2 : i32
        %add3A_891 = arith.addi %mul3A_701, %add3A_890 : i32
        %get3A_892 = arith.constant 0 : i32
        %get3A_893 = arith.index_cast %get3A_892 : i32 to index
        %get3A_894 = arith.index_cast %add3A_891 : i32 to index
        %get3A_895 = arith.constant 80 : index
        %get3A_896 = tpu.vector_load %arg6[%get3A_893, %get3A_894, %get3A_895] {strides = array<i32>} : memref<8x50x128xf32, #tpu.memory_space<vmem>>, vector<1x1x16xf32>,
        %get3A_897 = vector.shape_cast %get3A_896 : vector<1x1x16xf32> to vector<16xf32>
        %add3A_898 = arith.addf %add3A_826, %get3A_897 : vector<16xf32>
        %add3A_899 = arith.constant 2 : i32
        %add3A_900 = arith.addi %mul3A_701, %add3A_899 : i32
        %get3A_901 = arith.constant 0 : i32
        %get3A_902 = arith.index_cast %get3A_901 : i32 to index
        %get3A_903 = arith.index_cast %add3A_900 : i32 to index
        %get3A_904 = arith.constant 96 : index
        %get3A_905 = tpu.vector_load %arg6[%get3A_902, %get3A_903, %get3A_904] {strides = array<i32>} : memref<8x50x128xf32, #tpu.memory_space<vmem>>, vector<1x1x16xf32>,
        %get3A_906 = vector.shape_cast %get3A_905 : vector<1x1x16xf32> to vector<16xf32>
        %add3A_907 = arith.addf %add3A_835, %get3A_906 : vector<16xf32>
        %add3A_908 = arith.constant 2 : i32
        %add3A_909 = arith.addi %mul3A_701, %add3A_908 : i32
        %get3A_910 = arith.constant 0 : i32
        %get3A_911 = arith.index_cast %get3A_910 : i32 to index
        %get3A_912 = arith.index_cast %add3A_909 : i32 to index
        %get3A_913 = arith.constant 112 : index
        %get3A_914 = tpu.vector_load %arg6[%get3A_911, %get3A_912, %get3A_913] {strides = array<i32>} : memref<8x50x128xf32, #tpu.memory_space<vmem>>, vector<1x1x16xf32>,
        %get3A_915 = vector.shape_cast %get3A_914 : vector<1x1x16xf32> to vector<16xf32>
        %add3A_916 = arith.addf %add3A_844, %get3A_915 : vector<16xf32>
        %add3A_917 = arith.constant 3 : i32
        %add3A_918 = arith.addi %mul3A_701, %add3A_917 : i32
        %get3A_919 = arith.constant 0 : i32
        %get3A_920 = arith.index_cast %get3A_919 : i32 to index
        %get3A_921 = arith.index_cast %add3A_918 : i32 to index
        %get3A_922 = arith.constant 0 : index
        %get3A_923 = tpu.vector_load %arg6[%get3A_920, %get3A_921, %get3A_922] {strides = array<i32>} : memref<8x50x128xf32, #tpu.memory_space<vmem>>, vector<1x1x16xf32>,
        %get3A_924 = vector.shape_cast %get3A_923 : vector<1x1x16xf32> to vector<16xf32>
        %add3A_925 = arith.addf %add3A_853, %get3A_924 : vector<16xf32>
        %add3A_926 = arith.constant 3 : i32
        %add3A_927 = arith.addi %mul3A_701, %add3A_926 : i32
        %get3A_928 = arith.constant 0 : i32
        %get3A_929 = arith.index_cast %get3A_928 : i32 to index
        %get3A_930 = arith.index_cast %add3A_927 : i32 to index
        %get3A_931 = arith.constant 16 : index
        %get3A_932 = tpu.vector_load %arg6[%get3A_929, %get3A_930, %get3A_931] {strides = array<i32>} : memref<8x50x128xf32, #tpu.memory_space<vmem>>, vector<1x1x16xf32>,
        %get3A_933 = vector.shape_cast %get3A_932 : vector<1x1x16xf32> to vector<16xf32>
        %add3A_934 = arith.addf %add3A_862, %get3A_933 : vector<16xf32>
        %add3A_935 = arith.constant 3 : i32
        %add3A_936 = arith.addi %mul3A_701, %add3A_935 : i32
        %get3A_937 = arith.constant 0 : i32
        %get3A_938 = arith.index_cast %get3A_937 : i32 to index
        %get3A_939 = arith.index_cast %add3A_936 : i32 to index
        %get3A_940 = arith.constant 32 : index
        %get3A_941 = tpu.vector_load %arg6[%get3A_938, %get3A_939, %get3A_940] {strides = array<i32>} : memref<8x50x128xf32, #tpu.memory_space<vmem>>, vector<1x1x16xf32>,
        %get3A_942 = vector.shape_cast %get3A_941 : vector<1x1x16xf32> to vector<16xf32>
        %add3A_943 = arith.addf %add3A_871, %get3A_942 : vector<16xf32>
        %add3A_944 = arith.constant 3 : i32
        %add3A_945 = arith.addi %mul3A_701, %add3A_944 : i32
        %get3A_946 = arith.constant 0 : i32
        %get3A_947 = arith.index_cast %get3A_946 : i32 to index
        %get3A_948 = arith.index_cast %add3A_945 : i32 to index
        %get3A_949 = arith.constant 48 : index
        %get3A_950 = tpu.vector_load %arg6[%get3A_947, %get3A_948, %get3A_949] {strides = array<i32>} : memref<8x50x128xf32, #tpu.memory_space<vmem>>, vector<1x1x16xf32>,
        %get3A_951 = vector.shape_cast %get3A_950 : vector<1x1x16xf32> to vector<16xf32>
        %add3A_952 = arith.addf %add3A_880, %get3A_951 : vector<16xf32>
        %add3A_953 = arith.constant 3 : i32
        %add3A_954 = arith.addi %mul3A_701, %add3A_953 : i32
        %get3A_955 = arith.constant 0 : i32
        %get3A_956 = arith.index_cast %get3A_955 : i32 to index
        %get3A_957 = arith.index_cast %add3A_954 : i32 to index
        %get3A_958 = arith.constant 64 : index
        %get3A_959 = tpu.vector_load %arg6[%get3A_956, %get3A_957, %get3A_958] {strides = array<i32>} : memref<8x50x128xf32, #tpu.memory_space<vmem>>, vector<1x1x16xf32>,
        %get3A_960 = vector.shape_cast %get3A_959 : vector<1x1x16xf32> to vector<16xf32>
        %add3A_961 = arith.addf %add3A_889, %get3A_960 : vector<16xf32>
        %add3A_962 = arith.constant 3 : i32
        %add3A_963 = arith.addi %mul3A_701, %add3A_962 : i32
        %get3A_964 = arith.constant 0 : i32
        %get3A_965 = arith.index_cast %get3A_964 : i32 to index
        %get3A_966 = arith.index_cast %add3A_963 : i32 to index
        %get3A_967 = arith.constant 80 : index
        %get3A_968 = tpu.vector_load %arg6[%get3A_965, %get3A_966, %get3A_967] {strides = array<i32>} : memref<8x50x128xf32, #tpu.memory_space<vmem>>, vector<1x1x16xf32>,
        %get3A_969 = vector.shape_cast %get3A_968 : vector<1x1x16xf32> to vector<16xf32>
        %add3A_970 = arith.addf %add3A_898, %get3A_969 : vector<16xf32>
        %add3A_971 = arith.constant 3 : i32
        %add3A_972 = arith.addi %mul3A_701, %add3A_971 : i32
        %get3A_973 = arith.constant 0 : i32
        %get3A_974 = arith.index_cast %get3A_973 : i32 to index
        %get3A_975 = arith.index_cast %add3A_972 : i32 to index
        %get3A_976 = arith.constant 96 : index
        %get3A_977 = tpu.vector_load %arg6[%get3A_974, %get3A_975, %get3A_976] {strides = array<i32>} : memref<8x50x128xf32, #tpu.memory_space<vmem>>, vector<1x1x16xf32>,
        %get3A_978 = vector.shape_cast %get3A_977 : vector<1x1x16xf32> to vector<16xf32>
        %add3A_979 = arith.addf %add3A_907, %get3A_978 : vector<16xf32>
        %add3A_980 = arith.constant 3 : i32
        %add3A_981 = arith.addi %mul3A_701, %add3A_980 : i32
        %get3A_982 = arith.constant 0 : i32
        %get3A_983 = arith.index_cast %get3A_982 : i32 to index
        %get3A_984 = arith.index_cast %add3A_981 : i32 to index
        %get3A_985 = arith.constant 112 : index
        %get3A_986 = tpu.vector_load %arg6[%get3A_983, %get3A_984, %get3A_985] {strides = array<i32>} : memref<8x50x128xf32, #tpu.memory_space<vmem>>, vector<1x1x16xf32>,
        %get3A_987 = vector.shape_cast %get3A_986 : vector<1x1x16xf32> to vector<16xf32>
        %add3A_988 = arith.addf %add3A_916, %get3A_987 : vector<16xf32>
        %add3A_989 = arith.constant 4 : i32
        %add3A_990 = arith.addi %mul3A_701, %add3A_989 : i32
        %get3A_991 = arith.constant 0 : i32
        %get3A_992 = arith.index_cast %get3A_991 : i32 to index
        %get3A_993 = arith.index_cast %add3A_990 : i32 to index
        %get3A_994 = arith.constant 0 : index
        %get3A_995 = tpu.vector_load %arg6[%get3A_992, %get3A_993, %get3A_994] {strides = array<i32>} : memref<8x50x128xf32, #tpu.memory_space<vmem>>, vector<1x1x16xf32>,
        %get3A_996 = vector.shape_cast %get3A_995 : vector<1x1x16xf32> to vector<16xf32>
        %add3A_997 = arith.addf %add3A_925, %get3A_996 : vector<16xf32>
        %add3A_998 = arith.constant 4 : i32
        %add3A_999 = arith.addi %mul3A_701, %add3A_998 : i32
        %get3A_1000 = arith.constant 0 : i32
        %get3A_1001 = arith.index_cast %get3A_1000 : i32 to index
        %get3A_1002 = arith.index_cast %add3A_999 : i32 to index
        %get3A_1003 = arith.constant 16 : index
        %get3A_1004 = tpu.vector_load %arg6[%get3A_1001, %get3A_1002, %get3A_1003] {strides = array<i32>} : memref<8x50x128xf32, #tpu.memory_space<vmem>>, vector<1x1x16xf32>,
        %get3A_1005 = vector.shape_cast %get3A_1004 : vector<1x1x16xf32> to vector<16xf32>
        %add3A_1006 = arith.addf %add3A_934, %get3A_1005 : vector<16xf32>
        %add3A_1007 = arith.constant 4 : i32
        %add3A_1008 = arith.addi %mul3A_701, %add3A_1007 : i32
        %get3A_1009 = arith.constant 0 : i32
        %get3A_1010 = arith.index_cast %get3A_1009 : i32 to index
        %get3A_1011 = arith.index_cast %add3A_1008 : i32 to index
        %get3A_1012 = arith.constant 32 : index
        %get3A_1013 = tpu.vector_load %arg6[%get3A_1010, %get3A_1011, %get3A_1012] {strides = array<i32>} : memref<8x50x128xf32, #tpu.memory_space<vmem>>, vector<1x1x16xf32>,
        %get3A_1014 = vector.shape_cast %get3A_1013 : vector<1x1x16xf32> to vector<16xf32>
        %add3A_1015 = arith.addf %add3A_943, %get3A_1014 : vector<16xf32>
        %add3A_1016 = arith.constant 4 : i32
        %add3A_1017 = arith.addi %mul3A_701, %add3A_1016 : i32
        %get3A_1018 = arith.constant 0 : i32
        %get3A_1019 = arith.index_cast %get3A_1018 : i32 to index
        %get3A_1020 = arith.index_cast %add3A_1017 : i32 to index
        %get3A_1021 = arith.constant 48 : index
        %get3A_1022 = tpu.vector_load %arg6[%get3A_1019, %get3A_1020, %get3A_1021] {strides = array<i32>} : memref<8x50x128xf32, #tpu.memory_space<vmem>>, vector<1x1x16xf32>,
        %get3A_1023 = vector.shape_cast %get3A_1022 : vector<1x1x16xf32> to vector<16xf32>
        %add3A_1024 = arith.addf %add3A_952, %get3A_1023 : vector<16xf32>
        %add3A_1025 = arith.constant 4 : i32
        %add3A_1026 = arith.addi %mul3A_701, %add3A_1025 : i32
        %get3A_1027 = arith.constant 0 : i32
        %get3A_1028 = arith.index_cast %get3A_1027 : i32 to index
        %get3A_1029 = arith.index_cast %add3A_1026 : i32 to index
        %get3A_1030 = arith.constant 64 : index
        %get3A_1031 = tpu.vector_load %arg6[%get3A_1028, %get3A_1029, %get3A_1030] {strides = array<i32>} : memref<8x50x128xf32, #tpu.memory_space<vmem>>, vector<1x1x16xf32>,
        %get3A_1032 = vector.shape_cast %get3A_1031 : vector<1x1x16xf32> to vector<16xf32>
        %add3A_1033 = arith.addf %add3A_961, %get3A_1032 : vector<16xf32>
        %add3A_1034 = arith.constant 4 : i32
        %add3A_1035 = arith.addi %mul3A_701, %add3A_1034 : i32
        %get3A_1036 = arith.constant 0 : i32
        %get3A_1037 = arith.index_cast %get3A_1036 : i32 to index
        %get3A_1038 = arith.index_cast %add3A_1035 : i32 to index
        %get3A_1039 = arith.constant 80 : index
        %get3A_1040 = tpu.vector_load %arg6[%get3A_1037, %get3A_1038, %get3A_1039] {strides = array<i32>} : memref<8x50x128xf32, #tpu.memory_space<vmem>>, vector<1x1x16xf32>,
        %get3A_1041 = vector.shape_cast %get3A_1040 : vector<1x1x16xf32> to vector<16xf32>
        %add3A_1042 = arith.addf %add3A_970, %get3A_1041 : vector<16xf32>
        %add3A_1043 = arith.constant 4 : i32
        %add3A_1044 = arith.addi %mul3A_701, %add3A_1043 : i32
        %get3A_1045 = arith.constant 0 : i32
        %get3A_1046 = arith.index_cast %get3A_1045 : i32 to index
        %get3A_1047 = arith.index_cast %add3A_1044 : i32 to index
        %get3A_1048 = arith.constant 96 : index
        %get3A_1049 = tpu.vector_load %arg6[%get3A_1046, %get3A_1047, %get3A_1048] {strides = array<i32>} : memref<8x50x128xf32, #tpu.memory_space<vmem>>, vector<1x1x16xf32>,
        %get3A_1050 = vector.shape_cast %get3A_1049 : vector<1x1x16xf32> to vector<16xf32>
        %add3A_1051 = arith.addf %add3A_979, %get3A_1050 : vector<16xf32>
        %add3A_1052 = arith.constant 4 : i32
        %add3A_1053 = arith.addi %mul3A_701, %add3A_1052 : i32
        %get3A_1054 = arith.constant 0 : i32
        %get3A_1055 = arith.index_cast %get3A_1054 : i32 to index
        %get3A_1056 = arith.index_cast %add3A_1053 : i32 to index
        %get3A_1057 = arith.constant 112 : index
        %get3A_1058 = tpu.vector_load %arg6[%get3A_1055, %get3A_1056, %get3A_1057] {strides = array<i32>} : memref<8x50x128xf32, #tpu.memory_space<vmem>>, vector<1x1x16xf32>,
        %get3A_1059 = vector.shape_cast %get3A_1058 : vector<1x1x16xf32> to vector<16xf32>
        %add3A_1060 = arith.addf %add3A_988, %get3A_1059 : vector<16xf32>
        scf.yield %add3A_997, %add3A_1006, %add3A_1015, %add3A_1024, %add3A_1033, %add3A_1042, %add3A_1051, %add3A_1060 : vector<16xf32>, vector<16xf32>, vector<16xf32>, vector<16xf32>, vector<16xf32>, vector<16xf32>, vector<16xf32>, vector<16xf32>
      }
      %scan3A_239 = arith.constant 10 : i32
      %add3A_240 = arith.constant 1 : i32
      %add3A_241 = arith.addi %add3A_188, %add3A_240 : i32
      %add3A_242 = arith.constant 8 : i32
      %add3A_243 = arith.addi %add3A_241, %add3A_242 : i32
      %sub3A_244 = arith.constant 1 : i32
      %sub3A_245 = arith.subi %add3A_243, %sub3A_244 : i32
      %min3A_246 = arith.constant 511 : i32
      %min3A_247 = arith.minsi %sub3A_245, %min3A_246 : i32
      %dma_start3A_248 = arith.constant 0 : i32
      %dma_start3A_249 = arith.constant 0 : i32
      %dma_start3A_250 = arith.constant 0 : i32
      %dma_start3A_251 = tpu.memref_slice %arg6[%dma_start3A_248, %dma_start3A_249, %dma_start3A_250] : memref<8x50x128xf32, #tpu.memory_space<vmem>> -> memref<1x50x128xf32, #tpu.memory_space<vmem>>
      %dma_start3A_252 = tpu.memref_squeeze %dma_start3A_251 : memref<1x50x128xf32, #tpu.memory_space<vmem>> -> memref<50x128xf32, #tpu.memory_space<vmem>>
      %dma_start3A_253 = arith.constant 0 : i32
      %dma_start3A_254 = tpu.memref_slice %arg5[%min3A_247, %dma_start3A_253] : memref<512x50xi32, #tpu.memory_space<vmem>> -> memref<1x50xi32, #tpu.memory_space<vmem>>
      %dma_start3A_255 = tpu.memref_squeeze %dma_start3A_254 : memref<1x50xi32, #tpu.memory_space<vmem>> -> memref<50xi32, #tpu.memory_space<vmem>>
      %dma_start3A_256 = arith.constant 0 : i32
      %dma_start3A_257 = arith.constant 0 : i32
      %dma_start3A_258 = tpu.memref_slice %arg3[%dma_start3A_256, %dma_start3A_257] : memref<100000x128xf32, #tpu.memory_space<hbm>> -> memref<100000x128xf32, #tpu.memory_space<hbm>>
      tpu.enqueue_indirect_dma source(%dma_start3A_258 : memref<100000x128xf32, #tpu.memory_space<hbm>>) target(%dma_start3A_252 : memref<50x128xf32, #tpu.memory_space<vmem>>) offsets(%dma_start3A_255 : memref<50xi32, #tpu.memory_space<vmem>>) semaphore(%arg8 : memref<!tpu.dma_semaphore, #tpu.memory_space<semaphore_mem>>)
      %dma_wait3A_259 = arith.constant 0 : i32
      %dma_wait3A_260 = arith.constant 1 : i32
      %dma_wait3A_261 = arith.constant 0 : i32
      %dma_wait3A_262 = arith.constant 0 : i32
      %dma_wait3A_263 = tpu.memref_slice %arg6[%dma_wait3A_260, %dma_wait3A_261, %dma_wait3A_262] : memref<8x50x128xf32, #tpu.memory_space<vmem>> -> memref<1x50x128xf32, #tpu.memory_space<vmem>>
      %dma_wait3A_264 = tpu.memref_squeeze %dma_wait3A_263 : memref<1x50x128xf32, #tpu.memory_space<vmem>> -> memref<50x128xf32, #tpu.memory_space<vmem>>
      %dma_wait3A_265 = arith.constant 0 : i32
      %dma_wait3A_266 = tpu.memref_slice %arg5[%dma_wait3A_259, %dma_wait3A_265] : memref<512x50xi32, #tpu.memory_space<vmem>> -> memref<1x50xi32, #tpu.memory_space<vmem>>
      %dma_wait3A_267 = tpu.memref_squeeze %dma_wait3A_266 : memref<1x50xi32, #tpu.memory_space<vmem>> -> memref<50xi32, #tpu.memory_space<vmem>>
      %dma_wait3A_268 = arith.constant 0 : i32
      %dma_wait3A_269 = arith.constant 0 : i32
      %dma_wait3A_270 = tpu.memref_slice %arg3[%dma_wait3A_268, %dma_wait3A_269] : memref<100000x128xf32, #tpu.memory_space<hbm>> -> memref<100000x128xf32, #tpu.memory_space<hbm>>
      tpu.wait_indirect_dma semaphore(%arg9 : memref<!tpu.dma_semaphore, #tpu.memory_space<semaphore_mem>>) src(%dma_wait3A_270 : memref<100000x128xf32, #tpu.memory_space<hbm>>) dst(%dma_wait3A_264 : memref<50x128xf32, #tpu.memory_space<vmem>>)
      %scan3A_271 = arith.constant 0 : i32
      %scan3A_272 = arith.constant 10 : i32
      %scan3A_273 = arith.addi %scan3A_271, %scan3A_272 : i32
      %scan3A_274 = arith.constant 1 : i32
      %scan3A_275:8 = scf.for %scan3A_691 = %scan3A_271 to %scan3A_273 step %scan3A_274 iter_args(%scan3A_692 = %scan3A_238#0, %scan3A_693 = %scan3A_238#1, %scan3A_694 = %scan3A_238#2, %scan3A_695 = %scan3A_238#3, %scan3A_696 = %scan3A_238#4, %scan3A_697 = %scan3A_238#5, %scan3A_698 = %scan3A_238#6, %scan3A_699 = %scan3A_238#7) -> (vector<16xf32>, vector<16xf32>, vector<16xf32>, vector<16xf32>, vector<16xf32>, vector<16xf32>, vector<16xf32>, vector<16xf32>)  : i32 {
        %mul3A_700 = arith.constant 5 : i32
        %mul3A_701 = arith.muli %scan3A_691, %mul3A_700 : i32
        %add3A_702 = arith.constant 0 : i32
        %add3A_703 = arith.addi %mul3A_701, %add3A_702 : i32
        %get3A = arith.constant 1 : i32
        %get3A_704 = arith.index_cast %get3A : i32 to index
        %get3A_705 = arith.index_cast %add3A_703 : i32 to index
        %get3A_706 = arith.constant 0 : index
        %get3A_707 = tpu.vector_load %arg6[%get3A_704, %get3A_705, %get3A_706] {strides = array<i32>} : memref<8x50x128xf32, #tpu.memory_space<vmem>>, vector<1x1x16xf32>,
        %get3A_708 = vector.shape_cast %get3A_707 : vector<1x1x16xf32> to vector<16xf32>
        %add3A_709 = arith.addf %scan3A_692, %get3A_708 : vector<16xf32>
        %add3A_710 = arith.constant 0 : i32
        %add3A_711 = arith.addi %mul3A_701, %add3A_710 : i32
        %get3A_712 = arith.constant 1 : i32
        %get3A_713 = arith.index_cast %get3A_712 : i32 to index
        %get3A_714 = arith.index_cast %add3A_711 : i32 to index
        %get3A_715 = arith.constant 16 : index
        %get3A_716 = tpu.vector_load %arg6[%get3A_713, %get3A_714, %get3A_715] {strides = array<i32>} : memref<8x50x128xf32, #tpu.memory_space<vmem>>, vector<1x1x16xf32>,
        %get3A_717 = vector.shape_cast %get3A_716 : vector<1x1x16xf32> to vector<16xf32>
        %add3A_718 = arith.addf %scan3A_693, %get3A_717 : vector<16xf32>
        %add3A_719 = arith.constant 0 : i32
        %add3A_720 = arith.addi %mul3A_701, %add3A_719 : i32
        %get3A_721 = arith.constant 1 : i32
        %get3A_722 = arith.index_cast %get3A_721 : i32 to index
        %get3A_723 = arith.index_cast %add3A_720 : i32 to index
        %get3A_724 = arith.constant 32 : index
        %get3A_725 = tpu.vector_load %arg6[%get3A_722, %get3A_723, %get3A_724] {strides = array<i32>} : memref<8x50x128xf32, #tpu.memory_space<vmem>>, vector<1x1x16xf32>,
        %get3A_726 = vector.shape_cast %get3A_725 : vector<1x1x16xf32> to vector<16xf32>
        %add3A_727 = arith.addf %scan3A_694, %get3A_726 : vector<16xf32>
        %add3A_728 = arith.constant 0 : i32
        %add3A_729 = arith.addi %mul3A_701, %add3A_728 : i32
        %get3A_730 = arith.constant 1 : i32
        %get3A_731 = arith.index_cast %get3A_730 : i32 to index
        %get3A_732 = arith.index_cast %add3A_729 : i32 to index
        %get3A_733 = arith.constant 48 : index
        %get3A_734 = tpu.vector_load %arg6[%get3A_731, %get3A_732, %get3A_733] {strides = array<i32>} : memref<8x50x128xf32, #tpu.memory_space<vmem>>, vector<1x1x16xf32>,
        %get3A_735 = vector.shape_cast %get3A_734 : vector<1x1x16xf32> to vector<16xf32>
        %add3A_736 = arith.addf %scan3A_695, %get3A_735 : vector<16xf32>
        %add3A_737 = arith.constant 0 : i32
        %add3A_738 = arith.addi %mul3A_701, %add3A_737 : i32
        %get3A_739 = arith.constant 1 : i32
        %get3A_740 = arith.index_cast %get3A_739 : i32 to index
        %get3A_741 = arith.index_cast %add3A_738 : i32 to index
        %get3A_742 = arith.constant 64 : index
        %get3A_743 = tpu.vector_load %arg6[%get3A_740, %get3A_741, %get3A_742] {strides = array<i32>} : memref<8x50x128xf32, #tpu.memory_space<vmem>>, vector<1x1x16xf32>,
        %get3A_744 = vector.shape_cast %get3A_743 : vector<1x1x16xf32> to vector<16xf32>
        %add3A_745 = arith.addf %scan3A_696, %get3A_744 : vector<16xf32>
        %add3A_746 = arith.constant 0 : i32
        %add3A_747 = arith.addi %mul3A_701, %add3A_746 : i32
        %get3A_748 = arith.constant 1 : i32
        %get3A_749 = arith.index_cast %get3A_748 : i32 to index
        %get3A_750 = arith.index_cast %add3A_747 : i32 to index
        %get3A_751 = arith.constant 80 : index
        %get3A_752 = tpu.vector_load %arg6[%get3A_749, %get3A_750, %get3A_751] {strides = array<i32>} : memref<8x50x128xf32, #tpu.memory_space<vmem>>, vector<1x1x16xf32>,
        %get3A_753 = vector.shape_cast %get3A_752 : vector<1x1x16xf32> to vector<16xf32>
        %add3A_754 = arith.addf %scan3A_697, %get3A_753 : vector<16xf32>
        %add3A_755 = arith.constant 0 : i32
        %add3A_756 = arith.addi %mul3A_701, %add3A_755 : i32
        %get3A_757 = arith.constant 1 : i32
        %get3A_758 = arith.index_cast %get3A_757 : i32 to index
        %get3A_759 = arith.index_cast %add3A_756 : i32 to index
        %get3A_760 = arith.constant 96 : index
        %get3A_761 = tpu.vector_load %arg6[%get3A_758, %get3A_759, %get3A_760] {strides = array<i32>} : memref<8x50x128xf32, #tpu.memory_space<vmem>>, vector<1x1x16xf32>,
        %get3A_762 = vector.shape_cast %get3A_761 : vector<1x1x16xf32> to vector<16xf32>
        %add3A_763 = arith.addf %scan3A_698, %get3A_762 : vector<16xf32>
        %add3A_764 = arith.constant 0 : i32
        %add3A_765 = arith.addi %mul3A_701, %add3A_764 : i32
        %get3A_766 = arith.constant 1 : i32
        %get3A_767 = arith.index_cast %get3A_766 : i32 to index
        %get3A_768 = arith.index_cast %add3A_765 : i32 to index
        %get3A_769 = arith.constant 112 : index
        %get3A_770 = tpu.vector_load %arg6[%get3A_767, %get3A_768, %get3A_769] {strides = array<i32>} : memref<8x50x128xf32, #tpu.memory_space<vmem>>, vector<1x1x16xf32>,
        %get3A_771 = vector.shape_cast %get3A_770 : vector<1x1x16xf32> to vector<16xf32>
        %add3A_772 = arith.addf %scan3A_699, %get3A_771 : vector<16xf32>
        %add3A_773 = arith.constant 1 : i32
        %add3A_774 = arith.addi %mul3A_701, %add3A_773 : i32
        %get3A_775 = arith.constant 1 : i32
        %get3A_776 = arith.index_cast %get3A_775 : i32 to index
        %get3A_777 = arith.index_cast %add3A_774 : i32 to index
        %get3A_778 = arith.constant 0 : index
        %get3A_779 = tpu.vector_load %arg6[%get3A_776, %get3A_777, %get3A_778] {strides = array<i32>} : memref<8x50x128xf32, #tpu.memory_space<vmem>>, vector<1x1x16xf32>,
        %get3A_780 = vector.shape_cast %get3A_779 : vector<1x1x16xf32> to vector<16xf32>
        %add3A_781 = arith.addf %add3A_709, %get3A_780 : vector<16xf32>
        %add3A_782 = arith.constant 1 : i32
        %add3A_783 = arith.addi %mul3A_701, %add3A_782 : i32
        %get3A_784 = arith.constant 1 : i32
        %get3A_785 = arith.index_cast %get3A_784 : i32 to index
        %get3A_786 = arith.index_cast %add3A_783 : i32 to index
        %get3A_787 = arith.constant 16 : index
        %get3A_788 = tpu.vector_load %arg6[%get3A_785, %get3A_786, %get3A_787] {strides = array<i32>} : memref<8x50x128xf32, #tpu.memory_space<vmem>>, vector<1x1x16xf32>,
        %get3A_789 = vector.shape_cast %get3A_788 : vector<1x1x16xf32> to vector<16xf32>
        %add3A_790 = arith.addf %add3A_718, %get3A_789 : vector<16xf32>
        %add3A_791 = arith.constant 1 : i32
        %add3A_792 = arith.addi %mul3A_701, %add3A_791 : i32
        %get3A_793 = arith.constant 1 : i32
        %get3A_794 = arith.index_cast %get3A_793 : i32 to index
        %get3A_795 = arith.index_cast %add3A_792 : i32 to index
        %get3A_796 = arith.constant 32 : index
        %get3A_797 = tpu.vector_load %arg6[%get3A_794, %get3A_795, %get3A_796] {strides = array<i32>} : memref<8x50x128xf32, #tpu.memory_space<vmem>>, vector<1x1x16xf32>,
        %get3A_798 = vector.shape_cast %get3A_797 : vector<1x1x16xf32> to vector<16xf32>
        %add3A_799 = arith.addf %add3A_727, %get3A_798 : vector<16xf32>
        %add3A_800 = arith.constant 1 : i32
        %add3A_801 = arith.addi %mul3A_701, %add3A_800 : i32
        %get3A_802 = arith.constant 1 : i32
        %get3A_803 = arith.index_cast %get3A_802 : i32 to index
        %get3A_804 = arith.index_cast %add3A_801 : i32 to index
        %get3A_805 = arith.constant 48 : index
        %get3A_806 = tpu.vector_load %arg6[%get3A_803, %get3A_804, %get3A_805] {strides = array<i32>} : memref<8x50x128xf32, #tpu.memory_space<vmem>>, vector<1x1x16xf32>,
        %get3A_807 = vector.shape_cast %get3A_806 : vector<1x1x16xf32> to vector<16xf32>
        %add3A_808 = arith.addf %add3A_736, %get3A_807 : vector<16xf32>
        %add3A_809 = arith.constant 1 : i32
        %add3A_810 = arith.addi %mul3A_701, %add3A_809 : i32
        %get3A_811 = arith.constant 1 : i32
        %get3A_812 = arith.index_cast %get3A_811 : i32 to index
        %get3A_813 = arith.index_cast %add3A_810 : i32 to index
        %get3A_814 = arith.constant 64 : index
        %get3A_815 = tpu.vector_load %arg6[%get3A_812, %get3A_813, %get3A_814] {strides = array<i32>} : memref<8x50x128xf32, #tpu.memory_space<vmem>>, vector<1x1x16xf32>,
        %get3A_816 = vector.shape_cast %get3A_815 : vector<1x1x16xf32> to vector<16xf32>
        %add3A_817 = arith.addf %add3A_745, %get3A_816 : vector<16xf32>
        %add3A_818 = arith.constant 1 : i32
        %add3A_819 = arith.addi %mul3A_701, %add3A_818 : i32
        %get3A_820 = arith.constant 1 : i32
        %get3A_821 = arith.index_cast %get3A_820 : i32 to index
        %get3A_822 = arith.index_cast %add3A_819 : i32 to index
        %get3A_823 = arith.constant 80 : index
        %get3A_824 = tpu.vector_load %arg6[%get3A_821, %get3A_822, %get3A_823] {strides = array<i32>} : memref<8x50x128xf32, #tpu.memory_space<vmem>>, vector<1x1x16xf32>,
        %get3A_825 = vector.shape_cast %get3A_824 : vector<1x1x16xf32> to vector<16xf32>
        %add3A_826 = arith.addf %add3A_754, %get3A_825 : vector<16xf32>
        %add3A_827 = arith.constant 1 : i32
        %add3A_828 = arith.addi %mul3A_701, %add3A_827 : i32
        %get3A_829 = arith.constant 1 : i32
        %get3A_830 = arith.index_cast %get3A_829 : i32 to index
        %get3A_831 = arith.index_cast %add3A_828 : i32 to index
        %get3A_832 = arith.constant 96 : index
        %get3A_833 = tpu.vector_load %arg6[%get3A_830, %get3A_831, %get3A_832] {strides = array<i32>} : memref<8x50x128xf32, #tpu.memory_space<vmem>>, vector<1x1x16xf32>,
        %get3A_834 = vector.shape_cast %get3A_833 : vector<1x1x16xf32> to vector<16xf32>
        %add3A_835 = arith.addf %add3A_763, %get3A_834 : vector<16xf32>
        %add3A_836 = arith.constant 1 : i32
        %add3A_837 = arith.addi %mul3A_701, %add3A_836 : i32
        %get3A_838 = arith.constant 1 : i32
        %get3A_839 = arith.index_cast %get3A_838 : i32 to index
        %get3A_840 = arith.index_cast %add3A_837 : i32 to index
        %get3A_841 = arith.constant 112 : index
        %get3A_842 = tpu.vector_load %arg6[%get3A_839, %get3A_840, %get3A_841] {strides = array<i32>} : memref<8x50x128xf32, #tpu.memory_space<vmem>>, vector<1x1x16xf32>,
        %get3A_843 = vector.shape_cast %get3A_842 : vector<1x1x16xf32> to vector<16xf32>
        %add3A_844 = arith.addf %add3A_772, %get3A_843 : vector<16xf32>
        %add3A_845 = arith.constant 2 : i32
        %add3A_846 = arith.addi %mul3A_701, %add3A_845 : i32
        %get3A_847 = arith.constant 1 : i32
        %get3A_848 = arith.index_cast %get3A_847 : i32 to index
        %get3A_849 = arith.index_cast %add3A_846 : i32 to index
        %get3A_850 = arith.constant 0 : index
        %get3A_851 = tpu.vector_load %arg6[%get3A_848, %get3A_849, %get3A_850] {strides = array<i32>} : memref<8x50x128xf32, #tpu.memory_space<vmem>>, vector<1x1x16xf32>,
        %get3A_852 = vector.shape_cast %get3A_851 : vector<1x1x16xf32> to vector<16xf32>
        %add3A_853 = arith.addf %add3A_781, %get3A_852 : vector<16xf32>
        %add3A_854 = arith.constant 2 : i32
        %add3A_855 = arith.addi %mul3A_701, %add3A_854 : i32
        %get3A_856 = arith.constant 1 : i32
        %get3A_857 = arith.index_cast %get3A_856 : i32 to index
        %get3A_858 = arith.index_cast %add3A_855 : i32 to index
        %get3A_859 = arith.constant 16 : index
        %get3A_860 = tpu.vector_load %arg6[%get3A_857, %get3A_858, %get3A_859] {strides = array<i32>} : memref<8x50x128xf32, #tpu.memory_space<vmem>>, vector<1x1x16xf32>,
        %get3A_861 = vector.shape_cast %get3A_860 : vector<1x1x16xf32> to vector<16xf32>
        %add3A_862 = arith.addf %add3A_790, %get3A_861 : vector<16xf32>
        %add3A_863 = arith.constant 2 : i32
        %add3A_864 = arith.addi %mul3A_701, %add3A_863 : i32
        %get3A_865 = arith.constant 1 : i32
        %get3A_866 = arith.index_cast %get3A_865 : i32 to index
        %get3A_867 = arith.index_cast %add3A_864 : i32 to index
        %get3A_868 = arith.constant 32 : index
        %get3A_869 = tpu.vector_load %arg6[%get3A_866, %get3A_867, %get3A_868] {strides = array<i32>} : memref<8x50x128xf32, #tpu.memory_space<vmem>>, vector<1x1x16xf32>,
        %get3A_870 = vector.shape_cast %get3A_869 : vector<1x1x16xf32> to vector<16xf32>
        %add3A_871 = arith.addf %add3A_799, %get3A_870 : vector<16xf32>
        %add3A_872 = arith.constant 2 : i32
        %add3A_873 = arith.addi %mul3A_701, %add3A_872 : i32
        %get3A_874 = arith.constant 1 : i32
        %get3A_875 = arith.index_cast %get3A_874 : i32 to index
        %get3A_876 = arith.index_cast %add3A_873 : i32 to index
        %get3A_877 = arith.constant 48 : index
        %get3A_878 = tpu.vector_load %arg6[%get3A_875, %get3A_876, %get3A_877] {strides = array<i32>} : memref<8x50x128xf32, #tpu.memory_space<vmem>>, vector<1x1x16xf32>,
        %get3A_879 = vector.shape_cast %get3A_878 : vector<1x1x16xf32> to vector<16xf32>
        %add3A_880 = arith.addf %add3A_808, %get3A_879 : vector<16xf32>
        %add3A_881 = arith.constant 2 : i32
        %add3A_882 = arith.addi %mul3A_701, %add3A_881 : i32
        %get3A_883 = arith.constant 1 : i32
        %get3A_884 = arith.index_cast %get3A_883 : i32 to index
        %get3A_885 = arith.index_cast %add3A_882 : i32 to index
        %get3A_886 = arith.constant 64 : index
        %get3A_887 = tpu.vector_load %arg6[%get3A_884, %get3A_885, %get3A_886] {strides = array<i32>} : memref<8x50x128xf32, #tpu.memory_space<vmem>>, vector<1x1x16xf32>,
        %get3A_888 = vector.shape_cast %get3A_887 : vector<1x1x16xf32> to vector<16xf32>
        %add3A_889 = arith.addf %add3A_817, %get3A_888 : vector<16xf32>
        %add3A_890 = arith.constant 2 : i32
        %add3A_891 = arith.addi %mul3A_701, %add3A_890 : i32
        %get3A_892 = arith.constant 1 : i32
        %get3A_893 = arith.index_cast %get3A_892 : i32 to index
        %get3A_894 = arith.index_cast %add3A_891 : i32 to index
        %get3A_895 = arith.constant 80 : index
        %get3A_896 = tpu.vector_load %arg6[%get3A_893, %get3A_894, %get3A_895] {strides = array<i32>} : memref<8x50x128xf32, #tpu.memory_space<vmem>>, vector<1x1x16xf32>,
        %get3A_897 = vector.shape_cast %get3A_896 : vector<1x1x16xf32> to vector<16xf32>
        %add3A_898 = arith.addf %add3A_826, %get3A_897 : vector<16xf32>
        %add3A_899 = arith.constant 2 : i32
        %add3A_900 = arith.addi %mul3A_701, %add3A_899 : i32
        %get3A_901 = arith.constant 1 : i32
        %get3A_902 = arith.index_cast %get3A_901 : i32 to index
        %get3A_903 = arith.index_cast %add3A_900 : i32 to index
        %get3A_904 = arith.constant 96 : index
        %get3A_905 = tpu.vector_load %arg6[%get3A_902, %get3A_903, %get3A_904] {strides = array<i32>} : memref<8x50x128xf32, #tpu.memory_space<vmem>>, vector<1x1x16xf32>,
        %get3A_906 = vector.shape_cast %get3A_905 : vector<1x1x16xf32> to vector<16xf32>
        %add3A_907 = arith.addf %add3A_835, %get3A_906 : vector<16xf32>
        %add3A_908 = arith.constant 2 : i32
        %add3A_909 = arith.addi %mul3A_701, %add3A_908 : i32
        %get3A_910 = arith.constant 1 : i32
        %get3A_911 = arith.index_cast %get3A_910 : i32 to index
        %get3A_912 = arith.index_cast %add3A_909 : i32 to index
        %get3A_913 = arith.constant 112 : index
        %get3A_914 = tpu.vector_load %arg6[%get3A_911, %get3A_912, %get3A_913] {strides = array<i32>} : memref<8x50x128xf32, #tpu.memory_space<vmem>>, vector<1x1x16xf32>,
        %get3A_915 = vector.shape_cast %get3A_914 : vector<1x1x16xf32> to vector<16xf32>
        %add3A_916 = arith.addf %add3A_844, %get3A_915 : vector<16xf32>
        %add3A_917 = arith.constant 3 : i32
        %add3A_918 = arith.addi %mul3A_701, %add3A_917 : i32
        %get3A_919 = arith.constant 1 : i32
        %get3A_920 = arith.index_cast %get3A_919 : i32 to index
        %get3A_921 = arith.index_cast %add3A_918 : i32 to index
        %get3A_922 = arith.constant 0 : index
        %get3A_923 = tpu.vector_load %arg6[%get3A_920, %get3A_921, %get3A_922] {strides = array<i32>} : memref<8x50x128xf32, #tpu.memory_space<vmem>>, vector<1x1x16xf32>,
        %get3A_924 = vector.shape_cast %get3A_923 : vector<1x1x16xf32> to vector<16xf32>
        %add3A_925 = arith.addf %add3A_853, %get3A_924 : vector<16xf32>
        %add3A_926 = arith.constant 3 : i32
        %add3A_927 = arith.addi %mul3A_701, %add3A_926 : i32
        %get3A_928 = arith.constant 1 : i32
        %get3A_929 = arith.index_cast %get3A_928 : i32 to index
        %get3A_930 = arith.index_cast %add3A_927 : i32 to index
        %get3A_931 = arith.constant 16 : index
        %get3A_932 = tpu.vector_load %arg6[%get3A_929, %get3A_930, %get3A_931] {strides = array<i32>} : memref<8x50x128xf32, #tpu.memory_space<vmem>>, vector<1x1x16xf32>,
        %get3A_933 = vector.shape_cast %get3A_932 : vector<1x1x16xf32> to vector<16xf32>
        %add3A_934 = arith.addf %add3A_862, %get3A_933 : vector<16xf32>
        %add3A_935 = arith.constant 3 : i32
        %add3A_936 = arith.addi %mul3A_701, %add3A_935 : i32
        %get3A_937 = arith.constant 1 : i32
        %get3A_938 = arith.index_cast %get3A_937 : i32 to index
        %get3A_939 = arith.index_cast %add3A_936 : i32 to index
        %get3A_940 = arith.constant 32 : index
        %get3A_941 = tpu.vector_load %arg6[%get3A_938, %get3A_939, %get3A_940] {strides = array<i32>} : memref<8x50x128xf32, #tpu.memory_space<vmem>>, vector<1x1x16xf32>,
        %get3A_942 = vector.shape_cast %get3A_941 : vector<1x1x16xf32> to vector<16xf32>
        %add3A_943 = arith.addf %add3A_871, %get3A_942 : vector<16xf32>
        %add3A_944 = arith.constant 3 : i32
        %add3A_945 = arith.addi %mul3A_701, %add3A_944 : i32
        %get3A_946 = arith.constant 1 : i32
        %get3A_947 = arith.index_cast %get3A_946 : i32 to index
        %get3A_948 = arith.index_cast %add3A_945 : i32 to index
        %get3A_949 = arith.constant 48 : index
        %get3A_950 = tpu.vector_load %arg6[%get3A_947, %get3A_948, %get3A_949] {strides = array<i32>} : memref<8x50x128xf32, #tpu.memory_space<vmem>>, vector<1x1x16xf32>,
        %get3A_951 = vector.shape_cast %get3A_950 : vector<1x1x16xf32> to vector<16xf32>
        %add3A_952 = arith.addf %add3A_880, %get3A_951 : vector<16xf32>
        %add3A_953 = arith.constant 3 : i32
        %add3A_954 = arith.addi %mul3A_701, %add3A_953 : i32
        %get3A_955 = arith.constant 1 : i32
        %get3A_956 = arith.index_cast %get3A_955 : i32 to index
        %get3A_957 = arith.index_cast %add3A_954 : i32 to index
        %get3A_958 = arith.constant 64 : index
        %get3A_959 = tpu.vector_load %arg6[%get3A_956, %get3A_957, %get3A_958] {strides = array<i32>} : memref<8x50x128xf32, #tpu.memory_space<vmem>>, vector<1x1x16xf32>,
        %get3A_960 = vector.shape_cast %get3A_959 : vector<1x1x16xf32> to vector<16xf32>
        %add3A_961 = arith.addf %add3A_889, %get3A_960 : vector<16xf32>
        %add3A_962 = arith.constant 3 : i32
        %add3A_963 = arith.addi %mul3A_701, %add3A_962 : i32
        %get3A_964 = arith.constant 1 : i32
        %get3A_965 = arith.index_cast %get3A_964 : i32 to index
        %get3A_966 = arith.index_cast %add3A_963 : i32 to index
        %get3A_967 = arith.constant 80 : index
        %get3A_968 = tpu.vector_load %arg6[%get3A_965, %get3A_966, %get3A_967] {strides = array<i32>} : memref<8x50x128xf32, #tpu.memory_space<vmem>>, vector<1x1x16xf32>,
        %get3A_969 = vector.shape_cast %get3A_968 : vector<1x1x16xf32> to vector<16xf32>
        %add3A_970 = arith.addf %add3A_898, %get3A_969 : vector<16xf32>
        %add3A_971 = arith.constant 3 : i32
        %add3A_972 = arith.addi %mul3A_701, %add3A_971 : i32
        %get3A_973 = arith.constant 1 : i32
        %get3A_974 = arith.index_cast %get3A_973 : i32 to index
        %get3A_975 = arith.index_cast %add3A_972 : i32 to index
        %get3A_976 = arith.constant 96 : index
        %get3A_977 = tpu.vector_load %arg6[%get3A_974, %get3A_975, %get3A_976] {strides = array<i32>} : memref<8x50x128xf32, #tpu.memory_space<vmem>>, vector<1x1x16xf32>,
        %get3A_978 = vector.shape_cast %get3A_977 : vector<1x1x16xf32> to vector<16xf32>
        %add3A_979 = arith.addf %add3A_907, %get3A_978 : vector<16xf32>
        %add3A_980 = arith.constant 3 : i32
        %add3A_981 = arith.addi %mul3A_701, %add3A_980 : i32
        %get3A_982 = arith.constant 1 : i32
        %get3A_983 = arith.index_cast %get3A_982 : i32 to index
        %get3A_984 = arith.index_cast %add3A_981 : i32 to index
        %get3A_985 = arith.constant 112 : index
        %get3A_986 = tpu.vector_load %arg6[%get3A_983, %get3A_984, %get3A_985] {strides = array<i32>} : memref<8x50x128xf32, #tpu.memory_space<vmem>>, vector<1x1x16xf32>,
        %get3A_987 = vector.shape_cast %get3A_986 : vector<1x1x16xf32> to vector<16xf32>
        %add3A_988 = arith.addf %add3A_916, %get3A_987 : vector<16xf32>
        %add3A_989 = arith.constant 4 : i32
        %add3A_990 = arith.addi %mul3A_701, %add3A_989 : i32
        %get3A_991 = arith.constant 1 : i32
        %get3A_992 = arith.index_cast %get3A_991 : i32 to index
        %get3A_993 = arith.index_cast %add3A_990 : i32 to index
        %get3A_994 = arith.constant 0 : index
        %get3A_995 = tpu.vector_load %arg6[%get3A_992, %get3A_993, %get3A_994] {strides = array<i32>} : memref<8x50x128xf32, #tpu.memory_space<vmem>>, vector<1x1x16xf32>,
        %get3A_996 = vector.shape_cast %get3A_995 : vector<1x1x16xf32> to vector<16xf32>
        %add3A_997 = arith.addf %add3A_925, %get3A_996 : vector<16xf32>
        %add3A_998 = arith.constant 4 : i32
        %add3A_999 = arith.addi %mul3A_701, %add3A_998 : i32
        %get3A_1000 = arith.constant 1 : i32
        %get3A_1001 = arith.index_cast %get3A_1000 : i32 to index
        %get3A_1002 = arith.index_cast %add3A_999 : i32 to index
        %get3A_1003 = arith.constant 16 : index
        %get3A_1004 = tpu.vector_load %arg6[%get3A_1001, %get3A_1002, %get3A_1003] {strides = array<i32>} : memref<8x50x128xf32, #tpu.memory_space<vmem>>, vector<1x1x16xf32>,
        %get3A_1005 = vector.shape_cast %get3A_1004 : vector<1x1x16xf32> to vector<16xf32>
        %add3A_1006 = arith.addf %add3A_934, %get3A_1005 : vector<16xf32>
        %add3A_1007 = arith.constant 4 : i32
        %add3A_1008 = arith.addi %mul3A_701, %add3A_1007 : i32
        %get3A_1009 = arith.constant 1 : i32
        %get3A_1010 = arith.index_cast %get3A_1009 : i32 to index
        %get3A_1011 = arith.index_cast %add3A_1008 : i32 to index
        %get3A_1012 = arith.constant 32 : index
        %get3A_1013 = tpu.vector_load %arg6[%get3A_1010, %get3A_1011, %get3A_1012] {strides = array<i32>} : memref<8x50x128xf32, #tpu.memory_space<vmem>>, vector<1x1x16xf32>,
        %get3A_1014 = vector.shape_cast %get3A_1013 : vector<1x1x16xf32> to vector<16xf32>
        %add3A_1015 = arith.addf %add3A_943, %get3A_1014 : vector<16xf32>
        %add3A_1016 = arith.constant 4 : i32
        %add3A_1017 = arith.addi %mul3A_701, %add3A_1016 : i32
        %get3A_1018 = arith.constant 1 : i32
        %get3A_1019 = arith.index_cast %get3A_1018 : i32 to index
        %get3A_1020 = arith.index_cast %add3A_1017 : i32 to index
        %get3A_1021 = arith.constant 48 : index
        %get3A_1022 = tpu.vector_load %arg6[%get3A_1019, %get3A_1020, %get3A_1021] {strides = array<i32>} : memref<8x50x128xf32, #tpu.memory_space<vmem>>, vector<1x1x16xf32>,
        %get3A_1023 = vector.shape_cast %get3A_1022 : vector<1x1x16xf32> to vector<16xf32>
        %add3A_1024 = arith.addf %add3A_952, %get3A_1023 : vector<16xf32>
        %add3A_1025 = arith.constant 4 : i32
        %add3A_1026 = arith.addi %mul3A_701, %add3A_1025 : i32
        %get3A_1027 = arith.constant 1 : i32
        %get3A_1028 = arith.index_cast %get3A_1027 : i32 to index
        %get3A_1029 = arith.index_cast %add3A_1026 : i32 to index
        %get3A_1030 = arith.constant 64 : index
        %get3A_1031 = tpu.vector_load %arg6[%get3A_1028, %get3A_1029, %get3A_1030] {strides = array<i32>} : memref<8x50x128xf32, #tpu.memory_space<vmem>>, vector<1x1x16xf32>,
        %get3A_1032 = vector.shape_cast %get3A_1031 : vector<1x1x16xf32> to vector<16xf32>
        %add3A_1033 = arith.addf %add3A_961, %get3A_1032 : vector<16xf32>
        %add3A_1034 = arith.constant 4 : i32
        %add3A_1035 = arith.addi %mul3A_701, %add3A_1034 : i32
        %get3A_1036 = arith.constant 1 : i32
        %get3A_1037 = arith.index_cast %get3A_1036 : i32 to index
        %get3A_1038 = arith.index_cast %add3A_1035 : i32 to index
        %get3A_1039 = arith.constant 80 : index
        %get3A_1040 = tpu.vector_load %arg6[%get3A_1037, %get3A_1038, %get3A_1039] {strides = array<i32>} : memref<8x50x128xf32, #tpu.memory_space<vmem>>, vector<1x1x16xf32>,
        %get3A_1041 = vector.shape_cast %get3A_1040 : vector<1x1x16xf32> to vector<16xf32>
        %add3A_1042 = arith.addf %add3A_970, %get3A_1041 : vector<16xf32>
        %add3A_1043 = arith.constant 4 : i32
        %add3A_1044 = arith.addi %mul3A_701, %add3A_1043 : i32
        %get3A_1045 = arith.constant 1 : i32
        %get3A_1046 = arith.index_cast %get3A_1045 : i32 to index
        %get3A_1047 = arith.index_cast %add3A_1044 : i32 to index
        %get3A_1048 = arith.constant 96 : index
        %get3A_1049 = tpu.vector_load %arg6[%get3A_1046, %get3A_1047, %get3A_1048] {strides = array<i32>} : memref<8x50x128xf32, #tpu.memory_space<vmem>>, vector<1x1x16xf32>,
        %get3A_1050 = vector.shape_cast %get3A_1049 : vector<1x1x16xf32> to vector<16xf32>
        %add3A_1051 = arith.addf %add3A_979, %get3A_1050 : vector<16xf32>
        %add3A_1052 = arith.constant 4 : i32
        %add3A_1053 = arith.addi %mul3A_701, %add3A_1052 : i32
        %get3A_1054 = arith.constant 1 : i32
        %get3A_1055 = arith.index_cast %get3A_1054 : i32 to index
        %get3A_1056 = arith.index_cast %add3A_1053 : i32 to index
        %get3A_1057 = arith.constant 112 : index
        %get3A_1058 = tpu.vector_load %arg6[%get3A_1055, %get3A_1056, %get3A_1057] {strides = array<i32>} : memref<8x50x128xf32, #tpu.memory_space<vmem>>, vector<1x1x16xf32>,
        %get3A_1059 = vector.shape_cast %get3A_1058 : vector<1x1x16xf32> to vector<16xf32>
        %add3A_1060 = arith.addf %add3A_988, %get3A_1059 : vector<16xf32>
        scf.yield %add3A_997, %add3A_1006, %add3A_1015, %add3A_1024, %add3A_1033, %add3A_1042, %add3A_1051, %add3A_1060 : vector<16xf32>, vector<16xf32>, vector<16xf32>, vector<16xf32>, vector<16xf32>, vector<16xf32>, vector<16xf32>, vector<16xf32>
      }
      %scan3A_276 = arith.constant 10 : i32
      %add3A_277 = arith.constant 2 : i32
      %add3A_278 = arith.addi %add3A_188, %add3A_277 : i32
      %add3A_279 = arith.constant 8 : i32
      %add3A_280 = arith.addi %add3A_278, %add3A_279 : i32
      %sub3A_281 = arith.constant 1 : i32
      %sub3A_282 = arith.subi %add3A_280, %sub3A_281 : i32
      %min3A_283 = arith.constant 511 : i32
      %min3A_284 = arith.minsi %sub3A_282, %min3A_283 : i32
      %dma_start3A_285 = arith.constant 1 : i32
      %dma_start3A_286 = arith.constant 0 : i32
      %dma_start3A_287 = arith.constant 0 : i32
      %dma_start3A_288 = tpu.memref_slice %arg6[%dma_start3A_285, %dma_start3A_286, %dma_start3A_287] : memref<8x50x128xf32, #tpu.memory_space<vmem>> -> memref<1x50x128xf32, #tpu.memory_space<vmem>>
      %dma_start3A_289 = tpu.memref_squeeze %dma_start3A_288 : memref<1x50x128xf32, #tpu.memory_space<vmem>> -> memref<50x128xf32, #tpu.memory_space<vmem>>
      %dma_start3A_290 = arith.constant 0 : i32
      %dma_start3A_291 = tpu.memref_slice %arg5[%min3A_284, %dma_start3A_290] : memref<512x50xi32, #tpu.memory_space<vmem>> -> memref<1x50xi32, #tpu.memory_space<vmem>>
      %dma_start3A_292 = tpu.memref_squeeze %dma_start3A_291 : memref<1x50xi32, #tpu.memory_space<vmem>> -> memref<50xi32, #tpu.memory_space<vmem>>
      %dma_start3A_293 = arith.constant 0 : i32
      %dma_start3A_294 = arith.constant 0 : i32
      %dma_start3A_295 = tpu.memref_slice %arg3[%dma_start3A_293, %dma_start3A_294] : memref<100000x128xf32, #tpu.memory_space<hbm>> -> memref<100000x128xf32, #tpu.memory_space<hbm>>
      tpu.enqueue_indirect_dma source(%dma_start3A_295 : memref<100000x128xf32, #tpu.memory_space<hbm>>) target(%dma_start3A_289 : memref<50x128xf32, #tpu.memory_space<vmem>>) offsets(%dma_start3A_292 : memref<50xi32, #tpu.memory_space<vmem>>) semaphore(%arg9 : memref<!tpu.dma_semaphore, #tpu.memory_space<semaphore_mem>>)
      %dma_wait3A_296 = arith.constant 0 : i32
      %dma_wait3A_297 = arith.constant 2 : i32
      %dma_wait3A_298 = arith.constant 0 : i32
      %dma_wait3A_299 = arith.constant 0 : i32
      %dma_wait3A_300 = tpu.memref_slice %arg6[%dma_wait3A_297, %dma_wait3A_298, %dma_wait3A_299] : memref<8x50x128xf32, #tpu.memory_space<vmem>> -> memref<1x50x128xf32, #tpu.memory_space<vmem>>
      %dma_wait3A_301 = tpu.memref_squeeze %dma_wait3A_300 : memref<1x50x128xf32, #tpu.memory_space<vmem>> -> memref<50x128xf32, #tpu.memory_space<vmem>>
      %dma_wait3A_302 = arith.constant 0 : i32
      %dma_wait3A_303 = tpu.memref_slice %arg5[%dma_wait3A_296, %dma_wait3A_302] : memref<512x50xi32, #tpu.memory_space<vmem>> -> memref<1x50xi32, #tpu.memory_space<vmem>>
      %dma_wait3A_304 = tpu.memref_squeeze %dma_wait3A_303 : memref<1x50xi32, #tpu.memory_space<vmem>> -> memref<50xi32, #tpu.memory_space<vmem>>
      %dma_wait3A_305 = arith.constant 0 : i32
      %dma_wait3A_306 = arith.constant 0 : i32
      %dma_wait3A_307 = tpu.memref_slice %arg3[%dma_wait3A_305, %dma_wait3A_306] : memref<100000x128xf32, #tpu.memory_space<hbm>> -> memref<100000x128xf32, #tpu.memory_space<hbm>>
      tpu.wait_indirect_dma semaphore(%arg10 : memref<!tpu.dma_semaphore, #tpu.memory_space<semaphore_mem>>) src(%dma_wait3A_307 : memref<100000x128xf32, #tpu.memory_space<hbm>>) dst(%dma_wait3A_301 : memref<50x128xf32, #tpu.memory_space<vmem>>)
      %scan3A_308 = arith.constant 0 : i32
      %scan3A_309 = arith.constant 10 : i32
      %scan3A_310 = arith.addi %scan3A_308, %scan3A_309 : i32
      %scan3A_311 = arith.constant 1 : i32
      %scan3A_312:8 = scf.for %scan3A_691 = %scan3A_308 to %scan3A_310 step %scan3A_311 iter_args(%scan3A_692 = %scan3A_275#0, %scan3A_693 = %scan3A_275#1, %scan3A_694 = %scan3A_275#2, %scan3A_695 = %scan3A_275#3, %scan3A_696 = %scan3A_275#4, %scan3A_697 = %scan3A_275#5, %scan3A_698 = %scan3A_275#6, %scan3A_699 = %scan3A_275#7) -> (vector<16xf32>, vector<16xf32>, vector<16xf32>, vector<16xf32>, vector<16xf32>, vector<16xf32>, vector<16xf32>, vector<16xf32>)  : i32 {
        %mul3A_700 = arith.constant 5 : i32
        %mul3A_701 = arith.muli %scan3A_691, %mul3A_700 : i32
        %add3A_702 = arith.constant 0 : i32
        %add3A_703 = arith.addi %mul3A_701, %add3A_702 : i32
        %get3A = arith.constant 2 : i32
        %get3A_704 = arith.index_cast %get3A : i32 to index
        %get3A_705 = arith.index_cast %add3A_703 : i32 to index
        %get3A_706 = arith.constant 0 : index
        %get3A_707 = tpu.vector_load %arg6[%get3A_704, %get3A_705, %get3A_706] {strides = array<i32>} : memref<8x50x128xf32, #tpu.memory_space<vmem>>, vector<1x1x16xf32>,
        %get3A_708 = vector.shape_cast %get3A_707 : vector<1x1x16xf32> to vector<16xf32>
        %add3A_709 = arith.addf %scan3A_692, %get3A_708 : vector<16xf32>
        %add3A_710 = arith.constant 0 : i32
        %add3A_711 = arith.addi %mul3A_701, %add3A_710 : i32
        %get3A_712 = arith.constant 2 : i32
        %get3A_713 = arith.index_cast %get3A_712 : i32 to index
        %get3A_714 = arith.index_cast %add3A_711 : i32 to index
        %get3A_715 = arith.constant 16 : index
        %get3A_716 = tpu.vector_load %arg6[%get3A_713, %get3A_714, %get3A_715] {strides = array<i32>} : memref<8x50x128xf32, #tpu.memory_space<vmem>>, vector<1x1x16xf32>,
        %get3A_717 = vector.shape_cast %get3A_716 : vector<1x1x16xf32> to vector<16xf32>
        %add3A_718 = arith.addf %scan3A_693, %get3A_717 : vector<16xf32>
        %add3A_719 = arith.constant 0 : i32
        %add3A_720 = arith.addi %mul3A_701, %add3A_719 : i32
        %get3A_721 = arith.constant 2 : i32
        %get3A_722 = arith.index_cast %get3A_721 : i32 to index
        %get3A_723 = arith.index_cast %add3A_720 : i32 to index
        %get3A_724 = arith.constant 32 : index
        %get3A_725 = tpu.vector_load %arg6[%get3A_722, %get3A_723, %get3A_724] {strides = array<i32>} : memref<8x50x128xf32, #tpu.memory_space<vmem>>, vector<1x1x16xf32>,
        %get3A_726 = vector.shape_cast %get3A_725 : vector<1x1x16xf32> to vector<16xf32>
        %add3A_727 = arith.addf %scan3A_694, %get3A_726 : vector<16xf32>
        %add3A_728 = arith.constant 0 : i32
        %add3A_729 = arith.addi %mul3A_701, %add3A_728 : i32
        %get3A_730 = arith.constant 2 : i32
        %get3A_731 = arith.index_cast %get3A_730 : i32 to index
        %get3A_732 = arith.index_cast %add3A_729 : i32 to index
        %get3A_733 = arith.constant 48 : index
        %get3A_734 = tpu.vector_load %arg6[%get3A_731, %get3A_732, %get3A_733] {strides = array<i32>} : memref<8x50x128xf32, #tpu.memory_space<vmem>>, vector<1x1x16xf32>,
        %get3A_735 = vector.shape_cast %get3A_734 : vector<1x1x16xf32> to vector<16xf32>
        %add3A_736 = arith.addf %scan3A_695, %get3A_735 : vector<16xf32>
        %add3A_737 = arith.constant 0 : i32
        %add3A_738 = arith.addi %mul3A_701, %add3A_737 : i32
        %get3A_739 = arith.constant 2 : i32
        %get3A_740 = arith.index_cast %get3A_739 : i32 to index
        %get3A_741 = arith.index_cast %add3A_738 : i32 to index
        %get3A_742 = arith.constant 64 : index
        %get3A_743 = tpu.vector_load %arg6[%get3A_740, %get3A_741, %get3A_742] {strides = array<i32>} : memref<8x50x128xf32, #tpu.memory_space<vmem>>, vector<1x1x16xf32>,
        %get3A_744 = vector.shape_cast %get3A_743 : vector<1x1x16xf32> to vector<16xf32>
        %add3A_745 = arith.addf %scan3A_696, %get3A_744 : vector<16xf32>
        %add3A_746 = arith.constant 0 : i32
        %add3A_747 = arith.addi %mul3A_701, %add3A_746 : i32
        %get3A_748 = arith.constant 2 : i32
        %get3A_749 = arith.index_cast %get3A_748 : i32 to index
        %get3A_750 = arith.index_cast %add3A_747 : i32 to index
        %get3A_751 = arith.constant 80 : index
        %get3A_752 = tpu.vector_load %arg6[%get3A_749, %get3A_750, %get3A_751] {strides = array<i32>} : memref<8x50x128xf32, #tpu.memory_space<vmem>>, vector<1x1x16xf32>,
        %get3A_753 = vector.shape_cast %get3A_752 : vector<1x1x16xf32> to vector<16xf32>
        %add3A_754 = arith.addf %scan3A_697, %get3A_753 : vector<16xf32>
        %add3A_755 = arith.constant 0 : i32
        %add3A_756 = arith.addi %mul3A_701, %add3A_755 : i32
        %get3A_757 = arith.constant 2 : i32
        %get3A_758 = arith.index_cast %get3A_757 : i32 to index
        %get3A_759 = arith.index_cast %add3A_756 : i32 to index
        %get3A_760 = arith.constant 96 : index
        %get3A_761 = tpu.vector_load %arg6[%get3A_758, %get3A_759, %get3A_760] {strides = array<i32>} : memref<8x50x128xf32, #tpu.memory_space<vmem>>, vector<1x1x16xf32>,
        %get3A_762 = vector.shape_cast %get3A_761 : vector<1x1x16xf32> to vector<16xf32>
        %add3A_763 = arith.addf %scan3A_698, %get3A_762 : vector<16xf32>
        %add3A_764 = arith.constant 0 : i32
        %add3A_765 = arith.addi %mul3A_701, %add3A_764 : i32
        %get3A_766 = arith.constant 2 : i32
        %get3A_767 = arith.index_cast %get3A_766 : i32 to index
        %get3A_768 = arith.index_cast %add3A_765 : i32 to index
        %get3A_769 = arith.constant 112 : index
        %get3A_770 = tpu.vector_load %arg6[%get3A_767, %get3A_768, %get3A_769] {strides = array<i32>} : memref<8x50x128xf32, #tpu.memory_space<vmem>>, vector<1x1x16xf32>,
        %get3A_771 = vector.shape_cast %get3A_770 : vector<1x1x16xf32> to vector<16xf32>
        %add3A_772 = arith.addf %scan3A_699, %get3A_771 : vector<16xf32>
        %add3A_773 = arith.constant 1 : i32
        %add3A_774 = arith.addi %mul3A_701, %add3A_773 : i32
        %get3A_775 = arith.constant 2 : i32
        %get3A_776 = arith.index_cast %get3A_775 : i32 to index
        %get3A_777 = arith.index_cast %add3A_774 : i32 to index
        %get3A_778 = arith.constant 0 : index
        %get3A_779 = tpu.vector_load %arg6[%get3A_776, %get3A_777, %get3A_778] {strides = array<i32>} : memref<8x50x128xf32, #tpu.memory_space<vmem>>, vector<1x1x16xf32>,
        %get3A_780 = vector.shape_cast %get3A_779 : vector<1x1x16xf32> to vector<16xf32>
        %add3A_781 = arith.addf %add3A_709, %get3A_780 : vector<16xf32>
        %add3A_782 = arith.constant 1 : i32
        %add3A_783 = arith.addi %mul3A_701, %add3A_782 : i32
        %get3A_784 = arith.constant 2 : i32
        %get3A_785 = arith.index_cast %get3A_784 : i32 to index
        %get3A_786 = arith.index_cast %add3A_783 : i32 to index
        %get3A_787 = arith.constant 16 : index
        %get3A_788 = tpu.vector_load %arg6[%get3A_785, %get3A_786, %get3A_787] {strides = array<i32>} : memref<8x50x128xf32, #tpu.memory_space<vmem>>, vector<1x1x16xf32>,
        %get3A_789 = vector.shape_cast %get3A_788 : vector<1x1x16xf32> to vector<16xf32>
        %add3A_790 = arith.addf %add3A_718, %get3A_789 : vector<16xf32>
        %add3A_791 = arith.constant 1 : i32
        %add3A_792 = arith.addi %mul3A_701, %add3A_791 : i32
        %get3A_793 = arith.constant 2 : i32
        %get3A_794 = arith.index_cast %get3A_793 : i32 to index
        %get3A_795 = arith.index_cast %add3A_792 : i32 to index
        %get3A_796 = arith.constant 32 : index
        %get3A_797 = tpu.vector_load %arg6[%get3A_794, %get3A_795, %get3A_796] {strides = array<i32>} : memref<8x50x128xf32, #tpu.memory_space<vmem>>, vector<1x1x16xf32>,
        %get3A_798 = vector.shape_cast %get3A_797 : vector<1x1x16xf32> to vector<16xf32>
        %add3A_799 = arith.addf %add3A_727, %get3A_798 : vector<16xf32>
        %add3A_800 = arith.constant 1 : i32
        %add3A_801 = arith.addi %mul3A_701, %add3A_800 : i32
        %get3A_802 = arith.constant 2 : i32
        %get3A_803 = arith.index_cast %get3A_802 : i32 to index
        %get3A_804 = arith.index_cast %add3A_801 : i32 to index
        %get3A_805 = arith.constant 48 : index
        %get3A_806 = tpu.vector_load %arg6[%get3A_803, %get3A_804, %get3A_805] {strides = array<i32>} : memref<8x50x128xf32, #tpu.memory_space<vmem>>, vector<1x1x16xf32>,
        %get3A_807 = vector.shape_cast %get3A_806 : vector<1x1x16xf32> to vector<16xf32>
        %add3A_808 = arith.addf %add3A_736, %get3A_807 : vector<16xf32>
        %add3A_809 = arith.constant 1 : i32
        %add3A_810 = arith.addi %mul3A_701, %add3A_809 : i32
        %get3A_811 = arith.constant 2 : i32
        %get3A_812 = arith.index_cast %get3A_811 : i32 to index
        %get3A_813 = arith.index_cast %add3A_810 : i32 to index
        %get3A_814 = arith.constant 64 : index
        %get3A_815 = tpu.vector_load %arg6[%get3A_812, %get3A_813, %get3A_814] {strides = array<i32>} : memref<8x50x128xf32, #tpu.memory_space<vmem>>, vector<1x1x16xf32>,
        %get3A_816 = vector.shape_cast %get3A_815 : vector<1x1x16xf32> to vector<16xf32>
        %add3A_817 = arith.addf %add3A_745, %get3A_816 : vector<16xf32>
        %add3A_818 = arith.constant 1 : i32
        %add3A_819 = arith.addi %mul3A_701, %add3A_818 : i32
        %get3A_820 = arith.constant 2 : i32
        %get3A_821 = arith.index_cast %get3A_820 : i32 to index
        %get3A_822 = arith.index_cast %add3A_819 : i32 to index
        %get3A_823 = arith.constant 80 : index
        %get3A_824 = tpu.vector_load %arg6[%get3A_821, %get3A_822, %get3A_823] {strides = array<i32>} : memref<8x50x128xf32, #tpu.memory_space<vmem>>, vector<1x1x16xf32>,
        %get3A_825 = vector.shape_cast %get3A_824 : vector<1x1x16xf32> to vector<16xf32>
        %add3A_826 = arith.addf %add3A_754, %get3A_825 : vector<16xf32>
        %add3A_827 = arith.constant 1 : i32
        %add3A_828 = arith.addi %mul3A_701, %add3A_827 : i32
        %get3A_829 = arith.constant 2 : i32
        %get3A_830 = arith.index_cast %get3A_829 : i32 to index
        %get3A_831 = arith.index_cast %add3A_828 : i32 to index
        %get3A_832 = arith.constant 96 : index
        %get3A_833 = tpu.vector_load %arg6[%get3A_830, %get3A_831, %get3A_832] {strides = array<i32>} : memref<8x50x128xf32, #tpu.memory_space<vmem>>, vector<1x1x16xf32>,
        %get3A_834 = vector.shape_cast %get3A_833 : vector<1x1x16xf32> to vector<16xf32>
        %add3A_835 = arith.addf %add3A_763, %get3A_834 : vector<16xf32>
        %add3A_836 = arith.constant 1 : i32
        %add3A_837 = arith.addi %mul3A_701, %add3A_836 : i32
        %get3A_838 = arith.constant 2 : i32
        %get3A_839 = arith.index_cast %get3A_838 : i32 to index
        %get3A_840 = arith.index_cast %add3A_837 : i32 to index
        %get3A_841 = arith.constant 112 : index
        %get3A_842 = tpu.vector_load %arg6[%get3A_839, %get3A_840, %get3A_841] {strides = array<i32>} : memref<8x50x128xf32, #tpu.memory_space<vmem>>, vector<1x1x16xf32>,
        %get3A_843 = vector.shape_cast %get3A_842 : vector<1x1x16xf32> to vector<16xf32>
        %add3A_844 = arith.addf %add3A_772, %get3A_843 : vector<16xf32>
        %add3A_845 = arith.constant 2 : i32
        %add3A_846 = arith.addi %mul3A_701, %add3A_845 : i32
        %get3A_847 = arith.constant 2 : i32
        %get3A_848 = arith.index_cast %get3A_847 : i32 to index
        %get3A_849 = arith.index_cast %add3A_846 : i32 to index
        %get3A_850 = arith.constant 0 : index
        %get3A_851 = tpu.vector_load %arg6[%get3A_848, %get3A_849, %get3A_850] {strides = array<i32>} : memref<8x50x128xf32, #tpu.memory_space<vmem>>, vector<1x1x16xf32>,
        %get3A_852 = vector.shape_cast %get3A_851 : vector<1x1x16xf32> to vector<16xf32>
        %add3A_853 = arith.addf %add3A_781, %get3A_852 : vector<16xf32>
        %add3A_854 = arith.constant 2 : i32
        %add3A_855 = arith.addi %mul3A_701, %add3A_854 : i32
        %get3A_856 = arith.constant 2 : i32
        %get3A_857 = arith.index_cast %get3A_856 : i32 to index
        %get3A_858 = arith.index_cast %add3A_855 : i32 to index
        %get3A_859 = arith.constant 16 : index
        %get3A_860 = tpu.vector_load %arg6[%get3A_857, %get3A_858, %get3A_859] {strides = array<i32>} : memref<8x50x128xf32, #tpu.memory_space<vmem>>, vector<1x1x16xf32>,
        %get3A_861 = vector.shape_cast %get3A_860 : vector<1x1x16xf32> to vector<16xf32>
        %add3A_862 = arith.addf %add3A_790, %get3A_861 : vector<16xf32>
        %add3A_863 = arith.constant 2 : i32
        %add3A_864 = arith.addi %mul3A_701, %add3A_863 : i32
        %get3A_865 = arith.constant 2 : i32
        %get3A_866 = arith.index_cast %get3A_865 : i32 to index
        %get3A_867 = arith.index_cast %add3A_864 : i32 to index
        %get3A_868 = arith.constant 32 : index
        %get3A_869 = tpu.vector_load %arg6[%get3A_866, %get3A_867, %get3A_868] {strides = array<i32>} : memref<8x50x128xf32, #tpu.memory_space<vmem>>, vector<1x1x16xf32>,
        %get3A_870 = vector.shape_cast %get3A_869 : vector<1x1x16xf32> to vector<16xf32>
        %add3A_871 = arith.addf %add3A_799, %get3A_870 : vector<16xf32>
        %add3A_872 = arith.constant 2 : i32
        %add3A_873 = arith.addi %mul3A_701, %add3A_872 : i32
        %get3A_874 = arith.constant 2 : i32
        %get3A_875 = arith.index_cast %get3A_874 : i32 to index
        %get3A_876 = arith.index_cast %add3A_873 : i32 to index
        %get3A_877 = arith.constant 48 : index
        %get3A_878 = tpu.vector_load %arg6[%get3A_875, %get3A_876, %get3A_877] {strides = array<i32>} : memref<8x50x128xf32, #tpu.memory_space<vmem>>, vector<1x1x16xf32>,
        %get3A_879 = vector.shape_cast %get3A_878 : vector<1x1x16xf32> to vector<16xf32>
        %add3A_880 = arith.addf %add3A_808, %get3A_879 : vector<16xf32>
        %add3A_881 = arith.constant 2 : i32
        %add3A_882 = arith.addi %mul3A_701, %add3A_881 : i32
        %get3A_883 = arith.constant 2 : i32
        %get3A_884 = arith.index_cast %get3A_883 : i32 to index
        %get3A_885 = arith.index_cast %add3A_882 : i32 to index
        %get3A_886 = arith.constant 64 : index
        %get3A_887 = tpu.vector_load %arg6[%get3A_884, %get3A_885, %get3A_886] {strides = array<i32>} : memref<8x50x128xf32, #tpu.memory_space<vmem>>, vector<1x1x16xf32>,
        %get3A_888 = vector.shape_cast %get3A_887 : vector<1x1x16xf32> to vector<16xf32>
        %add3A_889 = arith.addf %add3A_817, %get3A_888 : vector<16xf32>
        %add3A_890 = arith.constant 2 : i32
        %add3A_891 = arith.addi %mul3A_701, %add3A_890 : i32
        %get3A_892 = arith.constant 2 : i32
        %get3A_893 = arith.index_cast %get3A_892 : i32 to index
        %get3A_894 = arith.index_cast %add3A_891 : i32 to index
        %get3A_895 = arith.constant 80 : index
        %get3A_896 = tpu.vector_load %arg6[%get3A_893, %get3A_894, %get3A_895] {strides = array<i32>} : memref<8x50x128xf32, #tpu.memory_space<vmem>>, vector<1x1x16xf32>,
        %get3A_897 = vector.shape_cast %get3A_896 : vector<1x1x16xf32> to vector<16xf32>
        %add3A_898 = arith.addf %add3A_826, %get3A_897 : vector<16xf32>
        %add3A_899 = arith.constant 2 : i32
        %add3A_900 = arith.addi %mul3A_701, %add3A_899 : i32
        %get3A_901 = arith.constant 2 : i32
        %get3A_902 = arith.index_cast %get3A_901 : i32 to index
        %get3A_903 = arith.index_cast %add3A_900 : i32 to index
        %get3A_904 = arith.constant 96 : index
        %get3A_905 = tpu.vector_load %arg6[%get3A_902, %get3A_903, %get3A_904] {strides = array<i32>} : memref<8x50x128xf32, #tpu.memory_space<vmem>>, vector<1x1x16xf32>,
        %get3A_906 = vector.shape_cast %get3A_905 : vector<1x1x16xf32> to vector<16xf32>
        %add3A_907 = arith.addf %add3A_835, %get3A_906 : vector<16xf32>
        %add3A_908 = arith.constant 2 : i32
        %add3A_909 = arith.addi %mul3A_701, %add3A_908 : i32
        %get3A_910 = arith.constant 2 : i32
        %get3A_911 = arith.index_cast %get3A_910 : i32 to index
        %get3A_912 = arith.index_cast %add3A_909 : i32 to index
        %get3A_913 = arith.constant 112 : index
        %get3A_914 = tpu.vector_load %arg6[%get3A_911, %get3A_912, %get3A_913] {strides = array<i32>} : memref<8x50x128xf32, #tpu.memory_space<vmem>>, vector<1x1x16xf32>,
        %get3A_915 = vector.shape_cast %get3A_914 : vector<1x1x16xf32> to vector<16xf32>
        %add3A_916 = arith.addf %add3A_844, %get3A_915 : vector<16xf32>
        %add3A_917 = arith.constant 3 : i32
        %add3A_918 = arith.addi %mul3A_701, %add3A_917 : i32
        %get3A_919 = arith.constant 2 : i32
        %get3A_920 = arith.index_cast %get3A_919 : i32 to index
        %get3A_921 = arith.index_cast %add3A_918 : i32 to index
        %get3A_922 = arith.constant 0 : index
        %get3A_923 = tpu.vector_load %arg6[%get3A_920, %get3A_921, %get3A_922] {strides = array<i32>} : memref<8x50x128xf32, #tpu.memory_space<vmem>>, vector<1x1x16xf32>,
        %get3A_924 = vector.shape_cast %get3A_923 : vector<1x1x16xf32> to vector<16xf32>
        %add3A_925 = arith.addf %add3A_853, %get3A_924 : vector<16xf32>
        %add3A_926 = arith.constant 3 : i32
        %add3A_927 = arith.addi %mul3A_701, %add3A_926 : i32
        %get3A_928 = arith.constant 2 : i32
        %get3A_929 = arith.index_cast %get3A_928 : i32 to index
        %get3A_930 = arith.index_cast %add3A_927 : i32 to index
        %get3A_931 = arith.constant 16 : index
        %get3A_932 = tpu.vector_load %arg6[%get3A_929, %get3A_930, %get3A_931] {strides = array<i32>} : memref<8x50x128xf32, #tpu.memory_space<vmem>>, vector<1x1x16xf32>,
        %get3A_933 = vector.shape_cast %get3A_932 : vector<1x1x16xf32> to vector<16xf32>
        %add3A_934 = arith.addf %add3A_862, %get3A_933 : vector<16xf32>
        %add3A_935 = arith.constant 3 : i32
        %add3A_936 = arith.addi %mul3A_701, %add3A_935 : i32
        %get3A_937 = arith.constant 2 : i32
        %get3A_938 = arith.index_cast %get3A_937 : i32 to index
        %get3A_939 = arith.index_cast %add3A_936 : i32 to index
        %get3A_940 = arith.constant 32 : index
        %get3A_941 = tpu.vector_load %arg6[%get3A_938, %get3A_939, %get3A_940] {strides = array<i32>} : memref<8x50x128xf32, #tpu.memory_space<vmem>>, vector<1x1x16xf32>,
        %get3A_942 = vector.shape_cast %get3A_941 : vector<1x1x16xf32> to vector<16xf32>
        %add3A_943 = arith.addf %add3A_871, %get3A_942 : vector<16xf32>
        %add3A_944 = arith.constant 3 : i32
        %add3A_945 = arith.addi %mul3A_701, %add3A_944 : i32
        %get3A_946 = arith.constant 2 : i32
        %get3A_947 = arith.index_cast %get3A_946 : i32 to index
        %get3A_948 = arith.index_cast %add3A_945 : i32 to index
        %get3A_949 = arith.constant 48 : index
        %get3A_950 = tpu.vector_load %arg6[%get3A_947, %get3A_948, %get3A_949] {strides = array<i32>} : memref<8x50x128xf32, #tpu.memory_space<vmem>>, vector<1x1x16xf32>,
        %get3A_951 = vector.shape_cast %get3A_950 : vector<1x1x16xf32> to vector<16xf32>
        %add3A_952 = arith.addf %add3A_880, %get3A_951 : vector<16xf32>
        %add3A_953 = arith.constant 3 : i32
        %add3A_954 = arith.addi %mul3A_701, %add3A_953 : i32
        %get3A_955 = arith.constant 2 : i32
        %get3A_956 = arith.index_cast %get3A_955 : i32 to index
        %get3A_957 = arith.index_cast %add3A_954 : i32 to index
        %get3A_958 = arith.constant 64 : index
        %get3A_959 = tpu.vector_load %arg6[%get3A_956, %get3A_957, %get3A_958] {strides = array<i32>} : memref<8x50x128xf32, #tpu.memory_space<vmem>>, vector<1x1x16xf32>,
        %get3A_960 = vector.shape_cast %get3A_959 : vector<1x1x16xf32> to vector<16xf32>
        %add3A_961 = arith.addf %add3A_889, %get3A_960 : vector<16xf32>
        %add3A_962 = arith.constant 3 : i32
        %add3A_963 = arith.addi %mul3A_701, %add3A_962 : i32
        %get3A_964 = arith.constant 2 : i32
        %get3A_965 = arith.index_cast %get3A_964 : i32 to index
        %get3A_966 = arith.index_cast %add3A_963 : i32 to index
        %get3A_967 = arith.constant 80 : index
        %get3A_968 = tpu.vector_load %arg6[%get3A_965, %get3A_966, %get3A_967] {strides = array<i32>} : memref<8x50x128xf32, #tpu.memory_space<vmem>>, vector<1x1x16xf32>,
        %get3A_969 = vector.shape_cast %get3A_968 : vector<1x1x16xf32> to vector<16xf32>
        %add3A_970 = arith.addf %add3A_898, %get3A_969 : vector<16xf32>
        %add3A_971 = arith.constant 3 : i32
        %add3A_972 = arith.addi %mul3A_701, %add3A_971 : i32
        %get3A_973 = arith.constant 2 : i32
        %get3A_974 = arith.index_cast %get3A_973 : i32 to index
        %get3A_975 = arith.index_cast %add3A_972 : i32 to index
        %get3A_976 = arith.constant 96 : index
        %get3A_977 = tpu.vector_load %arg6[%get3A_974, %get3A_975, %get3A_976] {strides = array<i32>} : memref<8x50x128xf32, #tpu.memory_space<vmem>>, vector<1x1x16xf32>,
        %get3A_978 = vector.shape_cast %get3A_977 : vector<1x1x16xf32> to vector<16xf32>
        %add3A_979 = arith.addf %add3A_907, %get3A_978 : vector<16xf32>
        %add3A_980 = arith.constant 3 : i32
        %add3A_981 = arith.addi %mul3A_701, %add3A_980 : i32
        %get3A_982 = arith.constant 2 : i32
        %get3A_983 = arith.index_cast %get3A_982 : i32 to index
        %get3A_984 = arith.index_cast %add3A_981 : i32 to index
        %get3A_985 = arith.constant 112 : index
        %get3A_986 = tpu.vector_load %arg6[%get3A_983, %get3A_984, %get3A_985] {strides = array<i32>} : memref<8x50x128xf32, #tpu.memory_space<vmem>>, vector<1x1x16xf32>,
        %get3A_987 = vector.shape_cast %get3A_986 : vector<1x1x16xf32> to vector<16xf32>
        %add3A_988 = arith.addf %add3A_916, %get3A_987 : vector<16xf32>
        %add3A_989 = arith.constant 4 : i32
        %add3A_990 = arith.addi %mul3A_701, %add3A_989 : i32
        %get3A_991 = arith.constant 2 : i32
        %get3A_992 = arith.index_cast %get3A_991 : i32 to index
        %get3A_993 = arith.index_cast %add3A_990 : i32 to index
        %get3A_994 = arith.constant 0 : index
        %get3A_995 = tpu.vector_load %arg6[%get3A_992, %get3A_993, %get3A_994] {strides = array<i32>} : memref<8x50x128xf32, #tpu.memory_space<vmem>>, vector<1x1x16xf32>,
        %get3A_996 = vector.shape_cast %get3A_995 : vector<1x1x16xf32> to vector<16xf32>
        %add3A_997 = arith.addf %add3A_925, %get3A_996 : vector<16xf32>
        %add3A_998 = arith.constant 4 : i32
        %add3A_999 = arith.addi %mul3A_701, %add3A_998 : i32
        %get3A_1000 = arith.constant 2 : i32
        %get3A_1001 = arith.index_cast %get3A_1000 : i32 to index
        %get3A_1002 = arith.index_cast %add3A_999 : i32 to index
        %get3A_1003 = arith.constant 16 : index
        %get3A_1004 = tpu.vector_load %arg6[%get3A_1001, %get3A_1002, %get3A_1003] {strides = array<i32>} : memref<8x50x128xf32, #tpu.memory_space<vmem>>, vector<1x1x16xf32>,
        %get3A_1005 = vector.shape_cast %get3A_1004 : vector<1x1x16xf32> to vector<16xf32>
        %add3A_1006 = arith.addf %add3A_934, %get3A_1005 : vector<16xf32>
        %add3A_1007 = arith.constant 4 : i32
        %add3A_1008 = arith.addi %mul3A_701, %add3A_1007 : i32
        %get3A_1009 = arith.constant 2 : i32
        %get3A_1010 = arith.index_cast %get3A_1009 : i32 to index
        %get3A_1011 = arith.index_cast %add3A_1008 : i32 to index
        %get3A_1012 = arith.constant 32 : index
        %get3A_1013 = tpu.vector_load %arg6[%get3A_1010, %get3A_1011, %get3A_1012] {strides = array<i32>} : memref<8x50x128xf32, #tpu.memory_space<vmem>>, vector<1x1x16xf32>,
        %get3A_1014 = vector.shape_cast %get3A_1013 : vector<1x1x16xf32> to vector<16xf32>
        %add3A_1015 = arith.addf %add3A_943, %get3A_1014 : vector<16xf32>
        %add3A_1016 = arith.constant 4 : i32
        %add3A_1017 = arith.addi %mul3A_701, %add3A_1016 : i32
        %get3A_1018 = arith.constant 2 : i32
        %get3A_1019 = arith.index_cast %get3A_1018 : i32 to index
        %get3A_1020 = arith.index_cast %add3A_1017 : i32 to index
        %get3A_1021 = arith.constant 48 : index
        %get3A_1022 = tpu.vector_load %arg6[%get3A_1019, %get3A_1020, %get3A_1021] {strides = array<i32>} : memref<8x50x128xf32, #tpu.memory_space<vmem>>, vector<1x1x16xf32>,
        %get3A_1023 = vector.shape_cast %get3A_1022 : vector<1x1x16xf32> to vector<16xf32>
        %add3A_1024 = arith.addf %add3A_952, %get3A_1023 : vector<16xf32>
        %add3A_1025 = arith.constant 4 : i32
        %add3A_1026 = arith.addi %mul3A_701, %add3A_1025 : i32
        %get3A_1027 = arith.constant 2 : i32
        %get3A_1028 = arith.index_cast %get3A_1027 : i32 to index
        %get3A_1029 = arith.index_cast %add3A_1026 : i32 to index
        %get3A_1030 = arith.constant 64 : index
        %get3A_1031 = tpu.vector_load %arg6[%get3A_1028, %get3A_1029, %get3A_1030] {strides = array<i32>} : memref<8x50x128xf32, #tpu.memory_space<vmem>>, vector<1x1x16xf32>,
        %get3A_1032 = vector.shape_cast %get3A_1031 : vector<1x1x16xf32> to vector<16xf32>
        %add3A_1033 = arith.addf %add3A_961, %get3A_1032 : vector<16xf32>
        %add3A_1034 = arith.constant 4 : i32
        %add3A_1035 = arith.addi %mul3A_701, %add3A_1034 : i32
        %get3A_1036 = arith.constant 2 : i32
        %get3A_1037 = arith.index_cast %get3A_1036 : i32 to index
        %get3A_1038 = arith.index_cast %add3A_1035 : i32 to index
        %get3A_1039 = arith.constant 80 : index
        %get3A_1040 = tpu.vector_load %arg6[%get3A_1037, %get3A_1038, %get3A_1039] {strides = array<i32>} : memref<8x50x128xf32, #tpu.memory_space<vmem>>, vector<1x1x16xf32>,
        %get3A_1041 = vector.shape_cast %get3A_1040 : vector<1x1x16xf32> to vector<16xf32>
        %add3A_1042 = arith.addf %add3A_970, %get3A_1041 : vector<16xf32>
        %add3A_1043 = arith.constant 4 : i32
        %add3A_1044 = arith.addi %mul3A_701, %add3A_1043 : i32
        %get3A_1045 = arith.constant 2 : i32
        %get3A_1046 = arith.index_cast %get3A_1045 : i32 to index
        %get3A_1047 = arith.index_cast %add3A_1044 : i32 to index
        %get3A_1048 = arith.constant 96 : index
        %get3A_1049 = tpu.vector_load %arg6[%get3A_1046, %get3A_1047, %get3A_1048] {strides = array<i32>} : memref<8x50x128xf32, #tpu.memory_space<vmem>>, vector<1x1x16xf32>,
        %get3A_1050 = vector.shape_cast %get3A_1049 : vector<1x1x16xf32> to vector<16xf32>
        %add3A_1051 = arith.addf %add3A_979, %get3A_1050 : vector<16xf32>
        %add3A_1052 = arith.constant 4 : i32
        %add3A_1053 = arith.addi %mul3A_701, %add3A_1052 : i32
        %get3A_1054 = arith.constant 2 : i32
        %get3A_1055 = arith.index_cast %get3A_1054 : i32 to index
        %get3A_1056 = arith.index_cast %add3A_1053 : i32 to index
        %get3A_1057 = arith.constant 112 : index
        %get3A_1058 = tpu.vector_load %arg6[%get3A_1055, %get3A_1056, %get3A_1057] {strides = array<i32>} : memref<8x50x128xf32, #tpu.memory_space<vmem>>, vector<1x1x16xf32>,
        %get3A_1059 = vector.shape_cast %get3A_1058 : vector<1x1x16xf32> to vector<16xf32>
        %add3A_1060 = arith.addf %add3A_988, %get3A_1059 : vector<16xf32>
        scf.yield %add3A_997, %add3A_1006, %add3A_1015, %add3A_1024, %add3A_1033, %add3A_1042, %add3A_1051, %add3A_1060 : vector<16xf32>, vector<16xf32>, vector<16xf32>, vector<16xf32>, vector<16xf32>, vector<16xf32>, vector<16xf32>, vector<16xf32>
      }
      %scan3A_313 = arith.constant 10 : i32
      %add3A_314 = arith.constant 3 : i32
      %add3A_315 = arith.addi %add3A_188, %add3A_314 : i32
      %add3A_316 = arith.constant 8 : i32
      %add3A_317 = arith.addi %add3A_315, %add3A_316 : i32
      %sub3A_318 = arith.constant 1 : i32
      %sub3A_319 = arith.subi %add3A_317, %sub3A_318 : i32
      %min3A_320 = arith.constant 511 : i32
      %min3A_321 = arith.minsi %sub3A_319, %min3A_320 : i32
      %dma_start3A_322 = arith.constant 2 : i32
      %dma_start3A_323 = arith.constant 0 : i32
      %dma_start3A_324 = arith.constant 0 : i32
      %dma_start3A_325 = tpu.memref_slice %arg6[%dma_start3A_322, %dma_start3A_323, %dma_start3A_324] : memref<8x50x128xf32, #tpu.memory_space<vmem>> -> memref<1x50x128xf32, #tpu.memory_space<vmem>>
      %dma_start3A_326 = tpu.memref_squeeze %dma_start3A_325 : memref<1x50x128xf32, #tpu.memory_space<vmem>> -> memref<50x128xf32, #tpu.memory_space<vmem>>
      %dma_start3A_327 = arith.constant 0 : i32
      %dma_start3A_328 = tpu.memref_slice %arg5[%min3A_321, %dma_start3A_327] : memref<512x50xi32, #tpu.memory_space<vmem>> -> memref<1x50xi32, #tpu.memory_space<vmem>>
      %dma_start3A_329 = tpu.memref_squeeze %dma_start3A_328 : memref<1x50xi32, #tpu.memory_space<vmem>> -> memref<50xi32, #tpu.memory_space<vmem>>
      %dma_start3A_330 = arith.constant 0 : i32
      %dma_start3A_331 = arith.constant 0 : i32
      %dma_start3A_332 = tpu.memref_slice %arg3[%dma_start3A_330, %dma_start3A_331] : memref<100000x128xf32, #tpu.memory_space<hbm>> -> memref<100000x128xf32, #tpu.memory_space<hbm>>
      tpu.enqueue_indirect_dma source(%dma_start3A_332 : memref<100000x128xf32, #tpu.memory_space<hbm>>) target(%dma_start3A_326 : memref<50x128xf32, #tpu.memory_space<vmem>>) offsets(%dma_start3A_329 : memref<50xi32, #tpu.memory_space<vmem>>) semaphore(%arg10 : memref<!tpu.dma_semaphore, #tpu.memory_space<semaphore_mem>>)
      %dma_wait3A_333 = arith.constant 0 : i32
      %dma_wait3A_334 = arith.constant 3 : i32
      %dma_wait3A_335 = arith.constant 0 : i32
      %dma_wait3A_336 = arith.constant 0 : i32
      %dma_wait3A_337 = tpu.memref_slice %arg6[%dma_wait3A_334, %dma_wait3A_335, %dma_wait3A_336] : memref<8x50x128xf32, #tpu.memory_space<vmem>> -> memref<1x50x128xf32, #tpu.memory_space<vmem>>
      %dma_wait3A_338 = tpu.memref_squeeze %dma_wait3A_337 : memref<1x50x128xf32, #tpu.memory_space<vmem>> -> memref<50x128xf32, #tpu.memory_space<vmem>>
      %dma_wait3A_339 = arith.constant 0 : i32
      %dma_wait3A_340 = tpu.memref_slice %arg5[%dma_wait3A_333, %dma_wait3A_339] : memref<512x50xi32, #tpu.memory_space<vmem>> -> memref<1x50xi32, #tpu.memory_space<vmem>>
      %dma_wait3A_341 = tpu.memref_squeeze %dma_wait3A_340 : memref<1x50xi32, #tpu.memory_space<vmem>> -> memref<50xi32, #tpu.memory_space<vmem>>
      %dma_wait3A_342 = arith.constant 0 : i32
      %dma_wait3A_343 = arith.constant 0 : i32
      %dma_wait3A_344 = tpu.memref_slice %arg3[%dma_wait3A_342, %dma_wait3A_343] : memref<100000x128xf32, #tpu.memory_space<hbm>> -> memref<100000x128xf32, #tpu.memory_space<hbm>>
      tpu.wait_indirect_dma semaphore(%arg11 : memref<!tpu.dma_semaphore, #tpu.memory_space<semaphore_mem>>) src(%dma_wait3A_344 : memref<100000x128xf32, #tpu.memory_space<hbm>>) dst(%dma_wait3A_338 : memref<50x128xf32, #tpu.memory_space<vmem>>)
      %scan3A_345 = arith.constant 0 : i32
      %scan3A_346 = arith.constant 10 : i32
      %scan3A_347 = arith.addi %scan3A_345, %scan3A_346 : i32
      %scan3A_348 = arith.constant 1 : i32
      %scan3A_349:8 = scf.for %scan3A_691 = %scan3A_345 to %scan3A_347 step %scan3A_348 iter_args(%scan3A_692 = %scan3A_312#0, %scan3A_693 = %scan3A_312#1, %scan3A_694 = %scan3A_312#2, %scan3A_695 = %scan3A_312#3, %scan3A_696 = %scan3A_312#4, %scan3A_697 = %scan3A_312#5, %scan3A_698 = %scan3A_312#6, %scan3A_699 = %scan3A_312#7) -> (vector<16xf32>, vector<16xf32>, vector<16xf32>, vector<16xf32>, vector<16xf32>, vector<16xf32>, vector<16xf32>, vector<16xf32>)  : i32 {
        %mul3A_700 = arith.constant 5 : i32
        %mul3A_701 = arith.muli %scan3A_691, %mul3A_700 : i32
        %add3A_702 = arith.constant 0 : i32
        %add3A_703 = arith.addi %mul3A_701, %add3A_702 : i32
        %get3A = arith.constant 3 : i32
        %get3A_704 = arith.index_cast %get3A : i32 to index
        %get3A_705 = arith.index_cast %add3A_703 : i32 to index
        %get3A_706 = arith.constant 0 : index
        %get3A_707 = tpu.vector_load %arg6[%get3A_704, %get3A_705, %get3A_706] {strides = array<i32>} : memref<8x50x128xf32, #tpu.memory_space<vmem>>, vector<1x1x16xf32>,
        %get3A_708 = vector.shape_cast %get3A_707 : vector<1x1x16xf32> to vector<16xf32>
        %add3A_709 = arith.addf %scan3A_692, %get3A_708 : vector<16xf32>
        %add3A_710 = arith.constant 0 : i32
        %add3A_711 = arith.addi %mul3A_701, %add3A_710 : i32
        %get3A_712 = arith.constant 3 : i32
        %get3A_713 = arith.index_cast %get3A_712 : i32 to index
        %get3A_714 = arith.index_cast %add3A_711 : i32 to index
        %get3A_715 = arith.constant 16 : index
        %get3A_716 = tpu.vector_load %arg6[%get3A_713, %get3A_714, %get3A_715] {strides = array<i32>} : memref<8x50x128xf32, #tpu.memory_space<vmem>>, vector<1x1x16xf32>,
        %get3A_717 = vector.shape_cast %get3A_716 : vector<1x1x16xf32> to vector<16xf32>
        %add3A_718 = arith.addf %scan3A_693, %get3A_717 : vector<16xf32>
        %add3A_719 = arith.constant 0 : i32
        %add3A_720 = arith.addi %mul3A_701, %add3A_719 : i32
        %get3A_721 = arith.constant 3 : i32
        %get3A_722 = arith.index_cast %get3A_721 : i32 to index
        %get3A_723 = arith.index_cast %add3A_720 : i32 to index
        %get3A_724 = arith.constant 32 : index
        %get3A_725 = tpu.vector_load %arg6[%get3A_722, %get3A_723, %get3A_724] {strides = array<i32>} : memref<8x50x128xf32, #tpu.memory_space<vmem>>, vector<1x1x16xf32>,
        %get3A_726 = vector.shape_cast %get3A_725 : vector<1x1x16xf32> to vector<16xf32>
        %add3A_727 = arith.addf %scan3A_694, %get3A_726 : vector<16xf32>
        %add3A_728 = arith.constant 0 : i32
        %add3A_729 = arith.addi %mul3A_701, %add3A_728 : i32
        %get3A_730 = arith.constant 3 : i32
        %get3A_731 = arith.index_cast %get3A_730 : i32 to index
        %get3A_732 = arith.index_cast %add3A_729 : i32 to index
        %get3A_733 = arith.constant 48 : index
        %get3A_734 = tpu.vector_load %arg6[%get3A_731, %get3A_732, %get3A_733] {strides = array<i32>} : memref<8x50x128xf32, #tpu.memory_space<vmem>>, vector<1x1x16xf32>,
        %get3A_735 = vector.shape_cast %get3A_734 : vector<1x1x16xf32> to vector<16xf32>
        %add3A_736 = arith.addf %scan3A_695, %get3A_735 : vector<16xf32>
        %add3A_737 = arith.constant 0 : i32
        %add3A_738 = arith.addi %mul3A_701, %add3A_737 : i32
        %get3A_739 = arith.constant 3 : i32
        %get3A_740 = arith.index_cast %get3A_739 : i32 to index
        %get3A_741 = arith.index_cast %add3A_738 : i32 to index
        %get3A_742 = arith.constant 64 : index
        %get3A_743 = tpu.vector_load %arg6[%get3A_740, %get3A_741, %get3A_742] {strides = array<i32>} : memref<8x50x128xf32, #tpu.memory_space<vmem>>, vector<1x1x16xf32>,
        %get3A_744 = vector.shape_cast %get3A_743 : vector<1x1x16xf32> to vector<16xf32>
        %add3A_745 = arith.addf %scan3A_696, %get3A_744 : vector<16xf32>
        %add3A_746 = arith.constant 0 : i32
        %add3A_747 = arith.addi %mul3A_701, %add3A_746 : i32
        %get3A_748 = arith.constant 3 : i32
        %get3A_749 = arith.index_cast %get3A_748 : i32 to index
        %get3A_750 = arith.index_cast %add3A_747 : i32 to index
        %get3A_751 = arith.constant 80 : index
        %get3A_752 = tpu.vector_load %arg6[%get3A_749, %get3A_750, %get3A_751] {strides = array<i32>} : memref<8x50x128xf32, #tpu.memory_space<vmem>>, vector<1x1x16xf32>,
        %get3A_753 = vector.shape_cast %get3A_752 : vector<1x1x16xf32> to vector<16xf32>
        %add3A_754 = arith.addf %scan3A_697, %get3A_753 : vector<16xf32>
        %add3A_755 = arith.constant 0 : i32
        %add3A_756 = arith.addi %mul3A_701, %add3A_755 : i32
        %get3A_757 = arith.constant 3 : i32
        %get3A_758 = arith.index_cast %get3A_757 : i32 to index
        %get3A_759 = arith.index_cast %add3A_756 : i32 to index
        %get3A_760 = arith.constant 96 : index
        %get3A_761 = tpu.vector_load %arg6[%get3A_758, %get3A_759, %get3A_760] {strides = array<i32>} : memref<8x50x128xf32, #tpu.memory_space<vmem>>, vector<1x1x16xf32>,
        %get3A_762 = vector.shape_cast %get3A_761 : vector<1x1x16xf32> to vector<16xf32>
        %add3A_763 = arith.addf %scan3A_698, %get3A_762 : vector<16xf32>
        %add3A_764 = arith.constant 0 : i32
        %add3A_765 = arith.addi %mul3A_701, %add3A_764 : i32
        %get3A_766 = arith.constant 3 : i32
        %get3A_767 = arith.index_cast %get3A_766 : i32 to index
        %get3A_768 = arith.index_cast %add3A_765 : i32 to index
        %get3A_769 = arith.constant 112 : index
        %get3A_770 = tpu.vector_load %arg6[%get3A_767, %get3A_768, %get3A_769] {strides = array<i32>} : memref<8x50x128xf32, #tpu.memory_space<vmem>>, vector<1x1x16xf32>,
        %get3A_771 = vector.shape_cast %get3A_770 : vector<1x1x16xf32> to vector<16xf32>
        %add3A_772 = arith.addf %scan3A_699, %get3A_771 : vector<16xf32>
        %add3A_773 = arith.constant 1 : i32
        %add3A_774 = arith.addi %mul3A_701, %add3A_773 : i32
        %get3A_775 = arith.constant 3 : i32
        %get3A_776 = arith.index_cast %get3A_775 : i32 to index
        %get3A_777 = arith.index_cast %add3A_774 : i32 to index
        %get3A_778 = arith.constant 0 : index
        %get3A_779 = tpu.vector_load %arg6[%get3A_776, %get3A_777, %get3A_778] {strides = array<i32>} : memref<8x50x128xf32, #tpu.memory_space<vmem>>, vector<1x1x16xf32>,
        %get3A_780 = vector.shape_cast %get3A_779 : vector<1x1x16xf32> to vector<16xf32>
        %add3A_781 = arith.addf %add3A_709, %get3A_780 : vector<16xf32>
        %add3A_782 = arith.constant 1 : i32
        %add3A_783 = arith.addi %mul3A_701, %add3A_782 : i32
        %get3A_784 = arith.constant 3 : i32
        %get3A_785 = arith.index_cast %get3A_784 : i32 to index
        %get3A_786 = arith.index_cast %add3A_783 : i32 to index
        %get3A_787 = arith.constant 16 : index
        %get3A_788 = tpu.vector_load %arg6[%get3A_785, %get3A_786, %get3A_787] {strides = array<i32>} : memref<8x50x128xf32, #tpu.memory_space<vmem>>, vector<1x1x16xf32>,
        %get3A_789 = vector.shape_cast %get3A_788 : vector<1x1x16xf32> to vector<16xf32>
        %add3A_790 = arith.addf %add3A_718, %get3A_789 : vector<16xf32>
        %add3A_791 = arith.constant 1 : i32
        %add3A_792 = arith.addi %mul3A_701, %add3A_791 : i32
        %get3A_793 = arith.constant 3 : i32
        %get3A_794 = arith.index_cast %get3A_793 : i32 to index
        %get3A_795 = arith.index_cast %add3A_792 : i32 to index
        %get3A_796 = arith.constant 32 : index
        %get3A_797 = tpu.vector_load %arg6[%get3A_794, %get3A_795, %get3A_796] {strides = array<i32>} : memref<8x50x128xf32, #tpu.memory_space<vmem>>, vector<1x1x16xf32>,
        %get3A_798 = vector.shape_cast %get3A_797 : vector<1x1x16xf32> to vector<16xf32>
        %add3A_799 = arith.addf %add3A_727, %get3A_798 : vector<16xf32>
        %add3A_800 = arith.constant 1 : i32
        %add3A_801 = arith.addi %mul3A_701, %add3A_800 : i32
        %get3A_802 = arith.constant 3 : i32
        %get3A_803 = arith.index_cast %get3A_802 : i32 to index
        %get3A_804 = arith.index_cast %add3A_801 : i32 to index
        %get3A_805 = arith.constant 48 : index
        %get3A_806 = tpu.vector_load %arg6[%get3A_803, %get3A_804, %get3A_805] {strides = array<i32>} : memref<8x50x128xf32, #tpu.memory_space<vmem>>, vector<1x1x16xf32>,
        %get3A_807 = vector.shape_cast %get3A_806 : vector<1x1x16xf32> to vector<16xf32>
        %add3A_808 = arith.addf %add3A_736, %get3A_807 : vector<16xf32>
        %add3A_809 = arith.constant 1 : i32
        %add3A_810 = arith.addi %mul3A_701, %add3A_809 : i32
        %get3A_811 = arith.constant 3 : i32
        %get3A_812 = arith.index_cast %get3A_811 : i32 to index
        %get3A_813 = arith.index_cast %add3A_810 : i32 to index
        %get3A_814 = arith.constant 64 : index
        %get3A_815 = tpu.vector_load %arg6[%get3A_812, %get3A_813, %get3A_814] {strides = array<i32>} : memref<8x50x128xf32, #tpu.memory_space<vmem>>, vector<1x1x16xf32>,
        %get3A_816 = vector.shape_cast %get3A_815 : vector<1x1x16xf32> to vector<16xf32>
        %add3A_817 = arith.addf %add3A_745, %get3A_816 : vector<16xf32>
        %add3A_818 = arith.constant 1 : i32
        %add3A_819 = arith.addi %mul3A_701, %add3A_818 : i32
        %get3A_820 = arith.constant 3 : i32
        %get3A_821 = arith.index_cast %get3A_820 : i32 to index
        %get3A_822 = arith.index_cast %add3A_819 : i32 to index
        %get3A_823 = arith.constant 80 : index
        %get3A_824 = tpu.vector_load %arg6[%get3A_821, %get3A_822, %get3A_823] {strides = array<i32>} : memref<8x50x128xf32, #tpu.memory_space<vmem>>, vector<1x1x16xf32>,
        %get3A_825 = vector.shape_cast %get3A_824 : vector<1x1x16xf32> to vector<16xf32>
        %add3A_826 = arith.addf %add3A_754, %get3A_825 : vector<16xf32>
        %add3A_827 = arith.constant 1 : i32
        %add3A_828 = arith.addi %mul3A_701, %add3A_827 : i32
        %get3A_829 = arith.constant 3 : i32
        %get3A_830 = arith.index_cast %get3A_829 : i32 to index
        %get3A_831 = arith.index_cast %add3A_828 : i32 to index
        %get3A_832 = arith.constant 96 : index
        %get3A_833 = tpu.vector_load %arg6[%get3A_830, %get3A_831, %get3A_832] {strides = array<i32>} : memref<8x50x128xf32, #tpu.memory_space<vmem>>, vector<1x1x16xf32>,
        %get3A_834 = vector.shape_cast %get3A_833 : vector<1x1x16xf32> to vector<16xf32>
        %add3A_835 = arith.addf %add3A_763, %get3A_834 : vector<16xf32>
        %add3A_836 = arith.constant 1 : i32
        %add3A_837 = arith.addi %mul3A_701, %add3A_836 : i32
        %get3A_838 = arith.constant 3 : i32
        %get3A_839 = arith.index_cast %get3A_838 : i32 to index
        %get3A_840 = arith.index_cast %add3A_837 : i32 to index
        %get3A_841 = arith.constant 112 : index
        %get3A_842 = tpu.vector_load %arg6[%get3A_839, %get3A_840, %get3A_841] {strides = array<i32>} : memref<8x50x128xf32, #tpu.memory_space<vmem>>, vector<1x1x16xf32>,
        %get3A_843 = vector.shape_cast %get3A_842 : vector<1x1x16xf32> to vector<16xf32>
        %add3A_844 = arith.addf %add3A_772, %get3A_843 : vector<16xf32>
        %add3A_845 = arith.constant 2 : i32
        %add3A_846 = arith.addi %mul3A_701, %add3A_845 : i32
        %get3A_847 = arith.constant 3 : i32
        %get3A_848 = arith.index_cast %get3A_847 : i32 to index
        %get3A_849 = arith.index_cast %add3A_846 : i32 to index
        %get3A_850 = arith.constant 0 : index
        %get3A_851 = tpu.vector_load %arg6[%get3A_848, %get3A_849, %get3A_850] {strides = array<i32>} : memref<8x50x128xf32, #tpu.memory_space<vmem>>, vector<1x1x16xf32>,
        %get3A_852 = vector.shape_cast %get3A_851 : vector<1x1x16xf32> to vector<16xf32>
        %add3A_853 = arith.addf %add3A_781, %get3A_852 : vector<16xf32>
        %add3A_854 = arith.constant 2 : i32
        %add3A_855 = arith.addi %mul3A_701, %add3A_854 : i32
        %get3A_856 = arith.constant 3 : i32
        %get3A_857 = arith.index_cast %get3A_856 : i32 to index
        %get3A_858 = arith.index_cast %add3A_855 : i32 to index
        %get3A_859 = arith.constant 16 : index
        %get3A_860 = tpu.vector_load %arg6[%get3A_857, %get3A_858, %get3A_859] {strides = array<i32>} : memref<8x50x128xf32, #tpu.memory_space<vmem>>, vector<1x1x16xf32>,
        %get3A_861 = vector.shape_cast %get3A_860 : vector<1x1x16xf32> to vector<16xf32>
        %add3A_862 = arith.addf %add3A_790, %get3A_861 : vector<16xf32>
        %add3A_863 = arith.constant 2 : i32
        %add3A_864 = arith.addi %mul3A_701, %add3A_863 : i32
        %get3A_865 = arith.constant 3 : i32
        %get3A_866 = arith.index_cast %get3A_865 : i32 to index
        %get3A_867 = arith.index_cast %add3A_864 : i32 to index
        %get3A_868 = arith.constant 32 : index
        %get3A_869 = tpu.vector_load %arg6[%get3A_866, %get3A_867, %get3A_868] {strides = array<i32>} : memref<8x50x128xf32, #tpu.memory_space<vmem>>, vector<1x1x16xf32>,
        %get3A_870 = vector.shape_cast %get3A_869 : vector<1x1x16xf32> to vector<16xf32>
        %add3A_871 = arith.addf %add3A_799, %get3A_870 : vector<16xf32>
        %add3A_872 = arith.constant 2 : i32
        %add3A_873 = arith.addi %mul3A_701, %add3A_872 : i32
        %get3A_874 = arith.constant 3 : i32
        %get3A_875 = arith.index_cast %get3A_874 : i32 to index
        %get3A_876 = arith.index_cast %add3A_873 : i32 to index
        %get3A_877 = arith.constant 48 : index
        %get3A_878 = tpu.vector_load %arg6[%get3A_875, %get3A_876, %get3A_877] {strides = array<i32>} : memref<8x50x128xf32, #tpu.memory_space<vmem>>, vector<1x1x16xf32>,
        %get3A_879 = vector.shape_cast %get3A_878 : vector<1x1x16xf32> to vector<16xf32>
        %add3A_880 = arith.addf %add3A_808, %get3A_879 : vector<16xf32>
        %add3A_881 = arith.constant 2 : i32
        %add3A_882 = arith.addi %mul3A_701, %add3A_881 : i32
        %get3A_883 = arith.constant 3 : i32
        %get3A_884 = arith.index_cast %get3A_883 : i32 to index
        %get3A_885 = arith.index_cast %add3A_882 : i32 to index
        %get3A_886 = arith.constant 64 : index
        %get3A_887 = tpu.vector_load %arg6[%get3A_884, %get3A_885, %get3A_886] {strides = array<i32>} : memref<8x50x128xf32, #tpu.memory_space<vmem>>, vector<1x1x16xf32>,
        %get3A_888 = vector.shape_cast %get3A_887 : vector<1x1x16xf32> to vector<16xf32>
        %add3A_889 = arith.addf %add3A_817, %get3A_888 : vector<16xf32>
        %add3A_890 = arith.constant 2 : i32
        %add3A_891 = arith.addi %mul3A_701, %add3A_890 : i32
        %get3A_892 = arith.constant 3 : i32
        %get3A_893 = arith.index_cast %get3A_892 : i32 to index
        %get3A_894 = arith.index_cast %add3A_891 : i32 to index
        %get3A_895 = arith.constant 80 : index
        %get3A_896 = tpu.vector_load %arg6[%get3A_893, %get3A_894, %get3A_895] {strides = array<i32>} : memref<8x50x128xf32, #tpu.memory_space<vmem>>, vector<1x1x16xf32>,
        %get3A_897 = vector.shape_cast %get3A_896 : vector<1x1x16xf32> to vector<16xf32>
        %add3A_898 = arith.addf %add3A_826, %get3A_897 : vector<16xf32>
        %add3A_899 = arith.constant 2 : i32
        %add3A_900 = arith.addi %mul3A_701, %add3A_899 : i32
        %get3A_901 = arith.constant 3 : i32
        %get3A_902 = arith.index_cast %get3A_901 : i32 to index
        %get3A_903 = arith.index_cast %add3A_900 : i32 to index
        %get3A_904 = arith.constant 96 : index
        %get3A_905 = tpu.vector_load %arg6[%get3A_902, %get3A_903, %get3A_904] {strides = array<i32>} : memref<8x50x128xf32, #tpu.memory_space<vmem>>, vector<1x1x16xf32>,
        %get3A_906 = vector.shape_cast %get3A_905 : vector<1x1x16xf32> to vector<16xf32>
        %add3A_907 = arith.addf %add3A_835, %get3A_906 : vector<16xf32>
        %add3A_908 = arith.constant 2 : i32
        %add3A_909 = arith.addi %mul3A_701, %add3A_908 : i32
        %get3A_910 = arith.constant 3 : i32
        %get3A_911 = arith.index_cast %get3A_910 : i32 to index
        %get3A_912 = arith.index_cast %add3A_909 : i32 to index
        %get3A_913 = arith.constant 112 : index
        %get3A_914 = tpu.vector_load %arg6[%get3A_911, %get3A_912, %get3A_913] {strides = array<i32>} : memref<8x50x128xf32, #tpu.memory_space<vmem>>, vector<1x1x16xf32>,
        %get3A_915 = vector.shape_cast %get3A_914 : vector<1x1x16xf32> to vector<16xf32>
        %add3A_916 = arith.addf %add3A_844, %get3A_915 : vector<16xf32>
        %add3A_917 = arith.constant 3 : i32
        %add3A_918 = arith.addi %mul3A_701, %add3A_917 : i32
        %get3A_919 = arith.constant 3 : i32
        %get3A_920 = arith.index_cast %get3A_919 : i32 to index
        %get3A_921 = arith.index_cast %add3A_918 : i32 to index
        %get3A_922 = arith.constant 0 : index
        %get3A_923 = tpu.vector_load %arg6[%get3A_920, %get3A_921, %get3A_922] {strides = array<i32>} : memref<8x50x128xf32, #tpu.memory_space<vmem>>, vector<1x1x16xf32>,
        %get3A_924 = vector.shape_cast %get3A_923 : vector<1x1x16xf32> to vector<16xf32>
        %add3A_925 = arith.addf %add3A_853, %get3A_924 : vector<16xf32>
        %add3A_926 = arith.constant 3 : i32
        %add3A_927 = arith.addi %mul3A_701, %add3A_926 : i32
        %get3A_928 = arith.constant 3 : i32
        %get3A_929 = arith.index_cast %get3A_928 : i32 to index
        %get3A_930 = arith.index_cast %add3A_927 : i32 to index
        %get3A_931 = arith.constant 16 : index
        %get3A_932 = tpu.vector_load %arg6[%get3A_929, %get3A_930, %get3A_931] {strides = array<i32>} : memref<8x50x128xf32, #tpu.memory_space<vmem>>, vector<1x1x16xf32>,
        %get3A_933 = vector.shape_cast %get3A_932 : vector<1x1x16xf32> to vector<16xf32>
        %add3A_934 = arith.addf %add3A_862, %get3A_933 : vector<16xf32>
        %add3A_935 = arith.constant 3 : i32
        %add3A_936 = arith.addi %mul3A_701, %add3A_935 : i32
        %get3A_937 = arith.constant 3 : i32
        %get3A_938 = arith.index_cast %get3A_937 : i32 to index
        %get3A_939 = arith.index_cast %add3A_936 : i32 to index
        %get3A_940 = arith.constant 32 : index
        %get3A_941 = tpu.vector_load %arg6[%get3A_938, %get3A_939, %get3A_940] {strides = array<i32>} : memref<8x50x128xf32, #tpu.memory_space<vmem>>, vector<1x1x16xf32>,
        %get3A_942 = vector.shape_cast %get3A_941 : vector<1x1x16xf32> to vector<16xf32>
        %add3A_943 = arith.addf %add3A_871, %get3A_942 : vector<16xf32>
        %add3A_944 = arith.constant 3 : i32
        %add3A_945 = arith.addi %mul3A_701, %add3A_944 : i32
        %get3A_946 = arith.constant 3 : i32
        %get3A_947 = arith.index_cast %get3A_946 : i32 to index
        %get3A_948 = arith.index_cast %add3A_945 : i32 to index
        %get3A_949 = arith.constant 48 : index
        %get3A_950 = tpu.vector_load %arg6[%get3A_947, %get3A_948, %get3A_949] {strides = array<i32>} : memref<8x50x128xf32, #tpu.memory_space<vmem>>, vector<1x1x16xf32>,
        %get3A_951 = vector.shape_cast %get3A_950 : vector<1x1x16xf32> to vector<16xf32>
        %add3A_952 = arith.addf %add3A_880, %get3A_951 : vector<16xf32>
        %add3A_953 = arith.constant 3 : i32
        %add3A_954 = arith.addi %mul3A_701, %add3A_953 : i32
        %get3A_955 = arith.constant 3 : i32
        %get3A_956 = arith.index_cast %get3A_955 : i32 to index
        %get3A_957 = arith.index_cast %add3A_954 : i32 to index
        %get3A_958 = arith.constant 64 : index
        %get3A_959 = tpu.vector_load %arg6[%get3A_956, %get3A_957, %get3A_958] {strides = array<i32>} : memref<8x50x128xf32, #tpu.memory_space<vmem>>, vector<1x1x16xf32>,
        %get3A_960 = vector.shape_cast %get3A_959 : vector<1x1x16xf32> to vector<16xf32>
        %add3A_961 = arith.addf %add3A_889, %get3A_960 : vector<16xf32>
        %add3A_962 = arith.constant 3 : i32
        %add3A_963 = arith.addi %mul3A_701, %add3A_962 : i32
        %get3A_964 = arith.constant 3 : i32
        %get3A_965 = arith.index_cast %get3A_964 : i32 to index
        %get3A_966 = arith.index_cast %add3A_963 : i32 to index
        %get3A_967 = arith.constant 80 : index
        %get3A_968 = tpu.vector_load %arg6[%get3A_965, %get3A_966, %get3A_967] {strides = array<i32>} : memref<8x50x128xf32, #tpu.memory_space<vmem>>, vector<1x1x16xf32>,
        %get3A_969 = vector.shape_cast %get3A_968 : vector<1x1x16xf32> to vector<16xf32>
        %add3A_970 = arith.addf %add3A_898, %get3A_969 : vector<16xf32>
        %add3A_971 = arith.constant 3 : i32
        %add3A_972 = arith.addi %mul3A_701, %add3A_971 : i32
        %get3A_973 = arith.constant 3 : i32
        %get3A_974 = arith.index_cast %get3A_973 : i32 to index
        %get3A_975 = arith.index_cast %add3A_972 : i32 to index
        %get3A_976 = arith.constant 96 : index
        %get3A_977 = tpu.vector_load %arg6[%get3A_974, %get3A_975, %get3A_976] {strides = array<i32>} : memref<8x50x128xf32, #tpu.memory_space<vmem>>, vector<1x1x16xf32>,
        %get3A_978 = vector.shape_cast %get3A_977 : vector<1x1x16xf32> to vector<16xf32>
        %add3A_979 = arith.addf %add3A_907, %get3A_978 : vector<16xf32>
        %add3A_980 = arith.constant 3 : i32
        %add3A_981 = arith.addi %mul3A_701, %add3A_980 : i32
        %get3A_982 = arith.constant 3 : i32
        %get3A_983 = arith.index_cast %get3A_982 : i32 to index
        %get3A_984 = arith.index_cast %add3A_981 : i32 to index
        %get3A_985 = arith.constant 112 : index
        %get3A_986 = tpu.vector_load %arg6[%get3A_983, %get3A_984, %get3A_985] {strides = array<i32>} : memref<8x50x128xf32, #tpu.memory_space<vmem>>, vector<1x1x16xf32>,
        %get3A_987 = vector.shape_cast %get3A_986 : vector<1x1x16xf32> to vector<16xf32>
        %add3A_988 = arith.addf %add3A_916, %get3A_987 : vector<16xf32>
        %add3A_989 = arith.constant 4 : i32
        %add3A_990 = arith.addi %mul3A_701, %add3A_989 : i32
        %get3A_991 = arith.constant 3 : i32
        %get3A_992 = arith.index_cast %get3A_991 : i32 to index
        %get3A_993 = arith.index_cast %add3A_990 : i32 to index
        %get3A_994 = arith.constant 0 : index
        %get3A_995 = tpu.vector_load %arg6[%get3A_992, %get3A_993, %get3A_994] {strides = array<i32>} : memref<8x50x128xf32, #tpu.memory_space<vmem>>, vector<1x1x16xf32>,
        %get3A_996 = vector.shape_cast %get3A_995 : vector<1x1x16xf32> to vector<16xf32>
        %add3A_997 = arith.addf %add3A_925, %get3A_996 : vector<16xf32>
        %add3A_998 = arith.constant 4 : i32
        %add3A_999 = arith.addi %mul3A_701, %add3A_998 : i32
        %get3A_1000 = arith.constant 3 : i32
        %get3A_1001 = arith.index_cast %get3A_1000 : i32 to index
        %get3A_1002 = arith.index_cast %add3A_999 : i32 to index
        %get3A_1003 = arith.constant 16 : index
        %get3A_1004 = tpu.vector_load %arg6[%get3A_1001, %get3A_1002, %get3A_1003] {strides = array<i32>} : memref<8x50x128xf32, #tpu.memory_space<vmem>>, vector<1x1x16xf32>,
        %get3A_1005 = vector.shape_cast %get3A_1004 : vector<1x1x16xf32> to vector<16xf32>
        %add3A_1006 = arith.addf %add3A_934, %get3A_1005 : vector<16xf32>
        %add3A_1007 = arith.constant 4 : i32
        %add3A_1008 = arith.addi %mul3A_701, %add3A_1007 : i32
        %get3A_1009 = arith.constant 3 : i32
        %get3A_1010 = arith.index_cast %get3A_1009 : i32 to index
        %get3A_1011 = arith.index_cast %add3A_1008 : i32 to index
        %get3A_1012 = arith.constant 32 : index
        %get3A_1013 = tpu.vector_load %arg6[%get3A_1010, %get3A_1011, %get3A_1012] {strides = array<i32>} : memref<8x50x128xf32, #tpu.memory_space<vmem>>, vector<1x1x16xf32>,
        %get3A_1014 = vector.shape_cast %get3A_1013 : vector<1x1x16xf32> to vector<16xf32>
        %add3A_1015 = arith.addf %add3A_943, %get3A_1014 : vector<16xf32>
        %add3A_1016 = arith.constant 4 : i32
        %add3A_1017 = arith.addi %mul3A_701, %add3A_1016 : i32
        %get3A_1018 = arith.constant 3 : i32
        %get3A_1019 = arith.index_cast %get3A_1018 : i32 to index
        %get3A_1020 = arith.index_cast %add3A_1017 : i32 to index
        %get3A_1021 = arith.constant 48 : index
        %get3A_1022 = tpu.vector_load %arg6[%get3A_1019, %get3A_1020, %get3A_1021] {strides = array<i32>} : memref<8x50x128xf32, #tpu.memory_space<vmem>>, vector<1x1x16xf32>,
        %get3A_1023 = vector.shape_cast %get3A_1022 : vector<1x1x16xf32> to vector<16xf32>
        %add3A_1024 = arith.addf %add3A_952, %get3A_1023 : vector<16xf32>
        %add3A_1025 = arith.constant 4 : i32
        %add3A_1026 = arith.addi %mul3A_701, %add3A_1025 : i32
        %get3A_1027 = arith.constant 3 : i32
        %get3A_1028 = arith.index_cast %get3A_1027 : i32 to index
        %get3A_1029 = arith.index_cast %add3A_1026 : i32 to index
        %get3A_1030 = arith.constant 64 : index
        %get3A_1031 = tpu.vector_load %arg6[%get3A_1028, %get3A_1029, %get3A_1030] {strides = array<i32>} : memref<8x50x128xf32, #tpu.memory_space<vmem>>, vector<1x1x16xf32>,
        %get3A_1032 = vector.shape_cast %get3A_1031 : vector<1x1x16xf32> to vector<16xf32>
        %add3A_1033 = arith.addf %add3A_961, %get3A_1032 : vector<16xf32>
        %add3A_1034 = arith.constant 4 : i32
        %add3A_1035 = arith.addi %mul3A_701, %add3A_1034 : i32
        %get3A_1036 = arith.constant 3 : i32
        %get3A_1037 = arith.index_cast %get3A_1036 : i32 to index
        %get3A_1038 = arith.index_cast %add3A_1035 : i32 to index
        %get3A_1039 = arith.constant 80 : index
        %get3A_1040 = tpu.vector_load %arg6[%get3A_1037, %get3A_1038, %get3A_1039] {strides = array<i32>} : memref<8x50x128xf32, #tpu.memory_space<vmem>>, vector<1x1x16xf32>,
        %get3A_1041 = vector.shape_cast %get3A_1040 : vector<1x1x16xf32> to vector<16xf32>
        %add3A_1042 = arith.addf %add3A_970, %get3A_1041 : vector<16xf32>
        %add3A_1043 = arith.constant 4 : i32
        %add3A_1044 = arith.addi %mul3A_701, %add3A_1043 : i32
        %get3A_1045 = arith.constant 3 : i32
        %get3A_1046 = arith.index_cast %get3A_1045 : i32 to index
        %get3A_1047 = arith.index_cast %add3A_1044 : i32 to index
        %get3A_1048 = arith.constant 96 : index
        %get3A_1049 = tpu.vector_load %arg6[%get3A_1046, %get3A_1047, %get3A_1048] {strides = array<i32>} : memref<8x50x128xf32, #tpu.memory_space<vmem>>, vector<1x1x16xf32>,
        %get3A_1050 = vector.shape_cast %get3A_1049 : vector<1x1x16xf32> to vector<16xf32>
        %add3A_1051 = arith.addf %add3A_979, %get3A_1050 : vector<16xf32>
        %add3A_1052 = arith.constant 4 : i32
        %add3A_1053 = arith.addi %mul3A_701, %add3A_1052 : i32
        %get3A_1054 = arith.constant 3 : i32
        %get3A_1055 = arith.index_cast %get3A_1054 : i32 to index
        %get3A_1056 = arith.index_cast %add3A_1053 : i32 to index
        %get3A_1057 = arith.constant 112 : index
        %get3A_1058 = tpu.vector_load %arg6[%get3A_1055, %get3A_1056, %get3A_1057] {strides = array<i32>} : memref<8x50x128xf32, #tpu.memory_space<vmem>>, vector<1x1x16xf32>,
        %get3A_1059 = vector.shape_cast %get3A_1058 : vector<1x1x16xf32> to vector<16xf32>
        %add3A_1060 = arith.addf %add3A_988, %get3A_1059 : vector<16xf32>
        scf.yield %add3A_997, %add3A_1006, %add3A_1015, %add3A_1024, %add3A_1033, %add3A_1042, %add3A_1051, %add3A_1060 : vector<16xf32>, vector<16xf32>, vector<16xf32>, vector<16xf32>, vector<16xf32>, vector<16xf32>, vector<16xf32>, vector<16xf32>
      }
      %scan3A_350 = arith.constant 10 : i32
      %jit3A = arith.constant 4 : i32
      %div3A = arith.divsi %add3A_188, %jit3A : i32
      %sign3A = arith.constant 0 : i32
      %sign3A_351 = arith.cmpi sgt, %add3A_188, %sign3A : i32
      %sign3A_352 = arith.extui %sign3A_351 : i1 to i32
      %sign3A_353 = arith.constant 0 : i32
      %sign3A_354 = arith.cmpi slt, %add3A_188, %sign3A_353 : i32
      %sign3A_355 = arith.extui %sign3A_354 : i1 to i32
      %sign3A_356 = arith.subi %sign3A_352, %sign3A_355 : i32
      %sign3A_357 = arith.constant 0 : i32
      %sign3A_358 = arith.cmpi sgt, %jit3A, %sign3A_357 : i32
      %sign3A_359 = arith.extui %sign3A_358 : i1 to i32
      %sign3A_360 = arith.constant 0 : i32
      %sign3A_361 = arith.cmpi slt, %jit3A, %sign3A_360 : i32
      %sign3A_362 = arith.extui %sign3A_361 : i1 to i32
      %sign3A_363 = arith.subi %sign3A_359, %sign3A_362 : i32
      %ne3A = arith.cmpi ne, %sign3A_356, %sign3A_363 : i32
      %rem3A = arith.remsi %add3A_188, %jit3A : i32
      %ne3A_364 = arith.constant 0 : i32
      %ne3A_365 = arith.cmpi ne, %rem3A, %ne3A_364 : i32
      %and3A = arith.andi %ne3A, %ne3A_365 : i1
      %sub3A_366 = arith.constant 1 : i32
      %sub3A_367 = arith.subi %div3A, %sub3A_366 : i32
      %select_n3A = arith.select %and3A, %sub3A_367, %div3A : i32
      %add3A_368 = arith.constant 0 : i32
      %add3A_369 = arith.addi %select_n3A, %add3A_368 : i32
      %and3A_370 = arith.constant 31 : i32
      %and3A_371 = arith.andi %add3A_369, %and3A_370 : i32
      %swap3A = arith.index_cast %and3A_371 : i32 to index
      %swap3A_372 = arith.constant 0 : index
      %swap3A_373 = tpu.vector_load %arg7[%swap3A, %swap3A_372] {strides = array<i32>} : memref<32x128xf32, #tpu.memory_space<vmem>>, vector<1x16xf32>,
      %swap3A_374 = vector.shape_cast %swap3A_373 : vector<1x16xf32> to vector<16xf32>
      %swap3A_375 = vector.shape_cast %scan3A_349#0 : vector<16xf32> to vector<1x16xf32>
      tpu.vector_store %arg7[%swap3A, %swap3A_372], %swap3A_375 {strides = array<i32>} : memref<32x128xf32, #tpu.memory_space<vmem>>, vector<1x16xf32>,
      %and3A_376 = arith.constant 31 : i32
      %and3A_377 = arith.andi %add3A_369, %and3A_376 : i32
      %swap3A_378 = arith.index_cast %and3A_377 : i32 to index
      %swap3A_379 = arith.constant 16 : index
      %swap3A_380 = tpu.vector_load %arg7[%swap3A_378, %swap3A_379] {strides = array<i32>} : memref<32x128xf32, #tpu.memory_space<vmem>>, vector<1x16xf32>,
      %swap3A_381 = vector.shape_cast %swap3A_380 : vector<1x16xf32> to vector<16xf32>
      %swap3A_382 = vector.shape_cast %scan3A_349#1 : vector<16xf32> to vector<1x16xf32>
      tpu.vector_store %arg7[%swap3A_378, %swap3A_379], %swap3A_382 {strides = array<i32>} : memref<32x128xf32, #tpu.memory_space<vmem>>, vector<1x16xf32>,
      %and3A_383 = arith.constant 31 : i32
      %and3A_384 = arith.andi %add3A_369, %and3A_383 : i32
      %swap3A_385 = arith.index_cast %and3A_384 : i32 to index
      %swap3A_386 = arith.constant 32 : index
      %swap3A_387 = tpu.vector_load %arg7[%swap3A_385, %swap3A_386] {strides = array<i32>} : memref<32x128xf32, #tpu.memory_space<vmem>>, vector<1x16xf32>,
      %swap3A_388 = vector.shape_cast %swap3A_387 : vector<1x16xf32> to vector<16xf32>
      %swap3A_389 = vector.shape_cast %scan3A_349#2 : vector<16xf32> to vector<1x16xf32>
      tpu.vector_store %arg7[%swap3A_385, %swap3A_386], %swap3A_389 {strides = array<i32>} : memref<32x128xf32, #tpu.memory_space<vmem>>, vector<1x16xf32>,
      %and3A_390 = arith.constant 31 : i32
      %and3A_391 = arith.andi %add3A_369, %and3A_390 : i32
      %swap3A_392 = arith.index_cast %and3A_391 : i32 to index
      %swap3A_393 = arith.constant 48 : index
      %swap3A_394 = tpu.vector_load %arg7[%swap3A_392, %swap3A_393] {strides = array<i32>} : memref<32x128xf32, #tpu.memory_space<vmem>>, vector<1x16xf32>,
      %swap3A_395 = vector.shape_cast %swap3A_394 : vector<1x16xf32> to vector<16xf32>
      %swap3A_396 = vector.shape_cast %scan3A_349#3 : vector<16xf32> to vector<1x16xf32>
      tpu.vector_store %arg7[%swap3A_392, %swap3A_393], %swap3A_396 {strides = array<i32>} : memref<32x128xf32, #tpu.memory_space<vmem>>, vector<1x16xf32>,
      %and3A_397 = arith.constant 31 : i32
      %and3A_398 = arith.andi %add3A_369, %and3A_397 : i32
      %swap3A_399 = arith.index_cast %and3A_398 : i32 to index
      %swap3A_400 = arith.constant 64 : index
      %swap3A_401 = tpu.vector_load %arg7[%swap3A_399, %swap3A_400] {strides = array<i32>} : memref<32x128xf32, #tpu.memory_space<vmem>>, vector<1x16xf32>,
      %swap3A_402 = vector.shape_cast %swap3A_401 : vector<1x16xf32> to vector<16xf32>
      %swap3A_403 = vector.shape_cast %scan3A_349#4 : vector<16xf32> to vector<1x16xf32>
      tpu.vector_store %arg7[%swap3A_399, %swap3A_400], %swap3A_403 {strides = array<i32>} : memref<32x128xf32, #tpu.memory_space<vmem>>, vector<1x16xf32>,
      %and3A_404 = arith.constant 31 : i32
      %and3A_405 = arith.andi %add3A_369, %and3A_404 : i32
      %swap3A_406 = arith.index_cast %and3A_405 : i32 to index
      %swap3A_407 = arith.constant 80 : index
      %swap3A_408 = tpu.vector_load %arg7[%swap3A_406, %swap3A_407] {strides = array<i32>} : memref<32x128xf32, #tpu.memory_space<vmem>>, vector<1x16xf32>,
      %swap3A_409 = vector.shape_cast %swap3A_408 : vector<1x16xf32> to vector<16xf32>
      %swap3A_410 = vector.shape_cast %scan3A_349#5 : vector<16xf32> to vector<1x16xf32>
      tpu.vector_store %arg7[%swap3A_406, %swap3A_407], %swap3A_410 {strides = array<i32>} : memref<32x128xf32, #tpu.memory_space<vmem>>, vector<1x16xf32>,
      %and3A_411 = arith.constant 31 : i32
      %and3A_412 = arith.andi %add3A_369, %and3A_411 : i32
      %swap3A_413 = arith.index_cast %and3A_412 : i32 to index
      %swap3A_414 = arith.constant 96 : index
      %swap3A_415 = tpu.vector_load %arg7[%swap3A_413, %swap3A_414] {strides = array<i32>} : memref<32x128xf32, #tpu.memory_space<vmem>>, vector<1x16xf32>,
      %swap3A_416 = vector.shape_cast %swap3A_415 : vector<1x16xf32> to vector<16xf32>
      %swap3A_417 = vector.shape_cast %scan3A_349#6 : vector<16xf32> to vector<1x16xf32>
      tpu.vector_store %arg7[%swap3A_413, %swap3A_414], %swap3A_417 {strides = array<i32>} : memref<32x128xf32, #tpu.memory_space<vmem>>, vector<1x16xf32>,
      %and3A_418 = arith.constant 31 : i32
      %and3A_419 = arith.andi %add3A_369, %and3A_418 : i32
      %swap3A_420 = arith.index_cast %and3A_419 : i32 to index
      %swap3A_421 = arith.constant 112 : index
      %swap3A_422 = tpu.vector_load %arg7[%swap3A_420, %swap3A_421] {strides = array<i32>} : memref<32x128xf32, #tpu.memory_space<vmem>>, vector<1x16xf32>,
      %swap3A_423 = vector.shape_cast %swap3A_422 : vector<1x16xf32> to vector<16xf32>
      %swap3A_424 = vector.shape_cast %scan3A_349#7 : vector<16xf32> to vector<1x16xf32>
      tpu.vector_store %arg7[%swap3A_420, %swap3A_421], %swap3A_424 {strides = array<i32>} : memref<32x128xf32, #tpu.memory_space<vmem>>, vector<1x16xf32>,
      %broadcast_in_dim3A_425 = arith.constant 0.000000e+00 : f32
      %broadcast_in_dim3A_426 = vector.broadcast %broadcast_in_dim3A_425 : f32 to vector<16xf32>
      %broadcast_in_dim3A_427 = arith.constant 0.000000e+00 : f32
      %broadcast_in_dim3A_428 = vector.broadcast %broadcast_in_dim3A_427 : f32 to vector<16xf32>
      %broadcast_in_dim3A_429 = arith.constant 0.000000e+00 : f32
      %broadcast_in_dim3A_430 = vector.broadcast %broadcast_in_dim3A_429 : f32 to vector<16xf32>
      %broadcast_in_dim3A_431 = arith.constant 0.000000e+00 : f32
      %broadcast_in_dim3A_432 = vector.broadcast %broadcast_in_dim3A_431 : f32 to vector<16xf32>
      %broadcast_in_dim3A_433 = arith.constant 0.000000e+00 : f32
      %broadcast_in_dim3A_434 = vector.broadcast %broadcast_in_dim3A_433 : f32 to vector<16xf32>
      %broadcast_in_dim3A_435 = arith.constant 0.000000e+00 : f32
      %broadcast_in_dim3A_436 = vector.broadcast %broadcast_in_dim3A_435 : f32 to vector<16xf32>
      %broadcast_in_dim3A_437 = arith.constant 0.000000e+00 : f32
      %broadcast_in_dim3A_438 = vector.broadcast %broadcast_in_dim3A_437 : f32 to vector<16xf32>
      %broadcast_in_dim3A_439 = arith.constant 0.000000e+00 : f32
      %broadcast_in_dim3A_440 = vector.broadcast %broadcast_in_dim3A_439 : f32 to vector<16xf32>
      %add3A_441 = arith.constant 4 : i32
      %add3A_442 = arith.addi %add3A_188, %add3A_441 : i32
      %add3A_443 = arith.constant 8 : i32
      %add3A_444 = arith.addi %add3A_442, %add3A_443 : i32
      %sub3A_445 = arith.constant 1 : i32
      %sub3A_446 = arith.subi %add3A_444, %sub3A_445 : i32
      %min3A_447 = arith.constant 511 : i32
      %min3A_448 = arith.minsi %sub3A_446, %min3A_447 : i32
      %dma_start3A_449 = arith.constant 3 : i32
      %dma_start3A_450 = arith.constant 0 : i32
      %dma_start3A_451 = arith.constant 0 : i32
      %dma_start3A_452 = tpu.memref_slice %arg6[%dma_start3A_449, %dma_start3A_450, %dma_start3A_451] : memref<8x50x128xf32, #tpu.memory_space<vmem>> -> memref<1x50x128xf32, #tpu.memory_space<vmem>>
      %dma_start3A_453 = tpu.memref_squeeze %dma_start3A_452 : memref<1x50x128xf32, #tpu.memory_space<vmem>> -> memref<50x128xf32, #tpu.memory_space<vmem>>
      %dma_start3A_454 = arith.constant 0 : i32
      %dma_start3A_455 = tpu.memref_slice %arg5[%min3A_448, %dma_start3A_454] : memref<512x50xi32, #tpu.memory_space<vmem>> -> memref<1x50xi32, #tpu.memory_space<vmem>>
      %dma_start3A_456 = tpu.memref_squeeze %dma_start3A_455 : memref<1x50xi32, #tpu.memory_space<vmem>> -> memref<50xi32, #tpu.memory_space<vmem>>
      %dma_start3A_457 = arith.constant 0 : i32
      %dma_start3A_458 = arith.constant 0 : i32
      %dma_start3A_459 = tpu.memref_slice %arg3[%dma_start3A_457, %dma_start3A_458] : memref<100000x128xf32, #tpu.memory_space<hbm>> -> memref<100000x128xf32, #tpu.memory_space<hbm>>
      tpu.enqueue_indirect_dma source(%dma_start3A_459 : memref<100000x128xf32, #tpu.memory_space<hbm>>) target(%dma_start3A_453 : memref<50x128xf32, #tpu.memory_space<vmem>>) offsets(%dma_start3A_456 : memref<50xi32, #tpu.memory_space<vmem>>) semaphore(%arg11 : memref<!tpu.dma_semaphore, #tpu.memory_space<semaphore_mem>>)
      %dma_wait3A_460 = arith.constant 0 : i32
      %dma_wait3A_461 = arith.constant 4 : i32
      %dma_wait3A_462 = arith.constant 0 : i32
      %dma_wait3A_463 = arith.constant 0 : i32
      %dma_wait3A_464 = tpu.memref_slice %arg6[%dma_wait3A_461, %dma_wait3A_462, %dma_wait3A_463] : memref<8x50x128xf32, #tpu.memory_space<vmem>> -> memref<1x50x128xf32, #tpu.memory_space<vmem>>
      %dma_wait3A_465 = tpu.memref_squeeze %dma_wait3A_464 : memref<1x50x128xf32, #tpu.memory_space<vmem>> -> memref<50x128xf32, #tpu.memory_space<vmem>>
      %dma_wait3A_466 = arith.constant 0 : i32
      %dma_wait3A_467 = tpu.memref_slice %arg5[%dma_wait3A_460, %dma_wait3A_466] : memref<512x50xi32, #tpu.memory_space<vmem>> -> memref<1x50xi32, #tpu.memory_space<vmem>>
      %dma_wait3A_468 = tpu.memref_squeeze %dma_wait3A_467 : memref<1x50xi32, #tpu.memory_space<vmem>> -> memref<50xi32, #tpu.memory_space<vmem>>
      %dma_wait3A_469 = arith.constant 0 : i32
      %dma_wait3A_470 = arith.constant 0 : i32
      %dma_wait3A_471 = tpu.memref_slice %arg3[%dma_wait3A_469, %dma_wait3A_470] : memref<100000x128xf32, #tpu.memory_space<hbm>> -> memref<100000x128xf32, #tpu.memory_space<hbm>>
      tpu.wait_indirect_dma semaphore(%arg12 : memref<!tpu.dma_semaphore, #tpu.memory_space<semaphore_mem>>) src(%dma_wait3A_471 : memref<100000x128xf32, #tpu.memory_space<hbm>>) dst(%dma_wait3A_465 : memref<50x128xf32, #tpu.memory_space<vmem>>)
      %scan3A_472 = arith.constant 0 : i32
      %scan3A_473 = arith.constant 10 : i32
      %scan3A_474 = arith.addi %scan3A_472, %scan3A_473 : i32
      %scan3A_475 = arith.constant 1 : i32
      %scan3A_476:8 = scf.for %scan3A_691 = %scan3A_472 to %scan3A_474 step %scan3A_475 iter_args(%scan3A_692 = %broadcast_in_dim3A_426, %scan3A_693 = %broadcast_in_dim3A_428, %scan3A_694 = %broadcast_in_dim3A_430, %scan3A_695 = %broadcast_in_dim3A_432, %scan3A_696 = %broadcast_in_dim3A_434, %scan3A_697 = %broadcast_in_dim3A_436, %scan3A_698 = %broadcast_in_dim3A_438, %scan3A_699 = %broadcast_in_dim3A_440) -> (vector<16xf32>, vector<16xf32>, vector<16xf32>, vector<16xf32>, vector<16xf32>, vector<16xf32>, vector<16xf32>, vector<16xf32>)  : i32 {
        %mul3A_700 = arith.constant 5 : i32
        %mul3A_701 = arith.muli %scan3A_691, %mul3A_700 : i32
        %add3A_702 = arith.constant 0 : i32
        %add3A_703 = arith.addi %mul3A_701, %add3A_702 : i32
        %get3A = arith.constant 4 : i32
        %get3A_704 = arith.index_cast %get3A : i32 to index
        %get3A_705 = arith.index_cast %add3A_703 : i32 to index
        %get3A_706 = arith.constant 0 : index
        %get3A_707 = tpu.vector_load %arg6[%get3A_704, %get3A_705, %get3A_706] {strides = array<i32>} : memref<8x50x128xf32, #tpu.memory_space<vmem>>, vector<1x1x16xf32>,
        %get3A_708 = vector.shape_cast %get3A_707 : vector<1x1x16xf32> to vector<16xf32>
        %add3A_709 = arith.addf %scan3A_692, %get3A_708 : vector<16xf32>
        %add3A_710 = arith.constant 0 : i32
        %add3A_711 = arith.addi %mul3A_701, %add3A_710 : i32
        %get3A_712 = arith.constant 4 : i32
        %get3A_713 = arith.index_cast %get3A_712 : i32 to index
        %get3A_714 = arith.index_cast %add3A_711 : i32 to index
        %get3A_715 = arith.constant 16 : index
        %get3A_716 = tpu.vector_load %arg6[%get3A_713, %get3A_714, %get3A_715] {strides = array<i32>} : memref<8x50x128xf32, #tpu.memory_space<vmem>>, vector<1x1x16xf32>,
        %get3A_717 = vector.shape_cast %get3A_716 : vector<1x1x16xf32> to vector<16xf32>
        %add3A_718 = arith.addf %scan3A_693, %get3A_717 : vector<16xf32>
        %add3A_719 = arith.constant 0 : i32
        %add3A_720 = arith.addi %mul3A_701, %add3A_719 : i32
        %get3A_721 = arith.constant 4 : i32
        %get3A_722 = arith.index_cast %get3A_721 : i32 to index
        %get3A_723 = arith.index_cast %add3A_720 : i32 to index
        %get3A_724 = arith.constant 32 : index
        %get3A_725 = tpu.vector_load %arg6[%get3A_722, %get3A_723, %get3A_724] {strides = array<i32>} : memref<8x50x128xf32, #tpu.memory_space<vmem>>, vector<1x1x16xf32>,
        %get3A_726 = vector.shape_cast %get3A_725 : vector<1x1x16xf32> to vector<16xf32>
        %add3A_727 = arith.addf %scan3A_694, %get3A_726 : vector<16xf32>
        %add3A_728 = arith.constant 0 : i32
        %add3A_729 = arith.addi %mul3A_701, %add3A_728 : i32
        %get3A_730 = arith.constant 4 : i32
        %get3A_731 = arith.index_cast %get3A_730 : i32 to index
        %get3A_732 = arith.index_cast %add3A_729 : i32 to index
        %get3A_733 = arith.constant 48 : index
        %get3A_734 = tpu.vector_load %arg6[%get3A_731, %get3A_732, %get3A_733] {strides = array<i32>} : memref<8x50x128xf32, #tpu.memory_space<vmem>>, vector<1x1x16xf32>,
        %get3A_735 = vector.shape_cast %get3A_734 : vector<1x1x16xf32> to vector<16xf32>
        %add3A_736 = arith.addf %scan3A_695, %get3A_735 : vector<16xf32>
        %add3A_737 = arith.constant 0 : i32
        %add3A_738 = arith.addi %mul3A_701, %add3A_737 : i32
        %get3A_739 = arith.constant 4 : i32
        %get3A_740 = arith.index_cast %get3A_739 : i32 to index
        %get3A_741 = arith.index_cast %add3A_738 : i32 to index
        %get3A_742 = arith.constant 64 : index
        %get3A_743 = tpu.vector_load %arg6[%get3A_740, %get3A_741, %get3A_742] {strides = array<i32>} : memref<8x50x128xf32, #tpu.memory_space<vmem>>, vector<1x1x16xf32>,
        %get3A_744 = vector.shape_cast %get3A_743 : vector<1x1x16xf32> to vector<16xf32>
        %add3A_745 = arith.addf %scan3A_696, %get3A_744 : vector<16xf32>
        %add3A_746 = arith.constant 0 : i32
        %add3A_747 = arith.addi %mul3A_701, %add3A_746 : i32
        %get3A_748 = arith.constant 4 : i32
        %get3A_749 = arith.index_cast %get3A_748 : i32 to index
        %get3A_750 = arith.index_cast %add3A_747 : i32 to index
        %get3A_751 = arith.constant 80 : index
        %get3A_752 = tpu.vector_load %arg6[%get3A_749, %get3A_750, %get3A_751] {strides = array<i32>} : memref<8x50x128xf32, #tpu.memory_space<vmem>>, vector<1x1x16xf32>,
        %get3A_753 = vector.shape_cast %get3A_752 : vector<1x1x16xf32> to vector<16xf32>
        %add3A_754 = arith.addf %scan3A_697, %get3A_753 : vector<16xf32>
        %add3A_755 = arith.constant 0 : i32
        %add3A_756 = arith.addi %mul3A_701, %add3A_755 : i32
        %get3A_757 = arith.constant 4 : i32
        %get3A_758 = arith.index_cast %get3A_757 : i32 to index
        %get3A_759 = arith.index_cast %add3A_756 : i32 to index
        %get3A_760 = arith.constant 96 : index
        %get3A_761 = tpu.vector_load %arg6[%get3A_758, %get3A_759, %get3A_760] {strides = array<i32>} : memref<8x50x128xf32, #tpu.memory_space<vmem>>, vector<1x1x16xf32>,
        %get3A_762 = vector.shape_cast %get3A_761 : vector<1x1x16xf32> to vector<16xf32>
        %add3A_763 = arith.addf %scan3A_698, %get3A_762 : vector<16xf32>
        %add3A_764 = arith.constant 0 : i32
        %add3A_765 = arith.addi %mul3A_701, %add3A_764 : i32
        %get3A_766 = arith.constant 4 : i32
        %get3A_767 = arith.index_cast %get3A_766 : i32 to index
        %get3A_768 = arith.index_cast %add3A_765 : i32 to index
        %get3A_769 = arith.constant 112 : index
        %get3A_770 = tpu.vector_load %arg6[%get3A_767, %get3A_768, %get3A_769] {strides = array<i32>} : memref<8x50x128xf32, #tpu.memory_space<vmem>>, vector<1x1x16xf32>,
        %get3A_771 = vector.shape_cast %get3A_770 : vector<1x1x16xf32> to vector<16xf32>
        %add3A_772 = arith.addf %scan3A_699, %get3A_771 : vector<16xf32>
        %add3A_773 = arith.constant 1 : i32
        %add3A_774 = arith.addi %mul3A_701, %add3A_773 : i32
        %get3A_775 = arith.constant 4 : i32
        %get3A_776 = arith.index_cast %get3A_775 : i32 to index
        %get3A_777 = arith.index_cast %add3A_774 : i32 to index
        %get3A_778 = arith.constant 0 : index
        %get3A_779 = tpu.vector_load %arg6[%get3A_776, %get3A_777, %get3A_778] {strides = array<i32>} : memref<8x50x128xf32, #tpu.memory_space<vmem>>, vector<1x1x16xf32>,
        %get3A_780 = vector.shape_cast %get3A_779 : vector<1x1x16xf32> to vector<16xf32>
        %add3A_781 = arith.addf %add3A_709, %get3A_780 : vector<16xf32>
        %add3A_782 = arith.constant 1 : i32
        %add3A_783 = arith.addi %mul3A_701, %add3A_782 : i32
        %get3A_784 = arith.constant 4 : i32
        %get3A_785 = arith.index_cast %get3A_784 : i32 to index
        %get3A_786 = arith.index_cast %add3A_783 : i32 to index
        %get3A_787 = arith.constant 16 : index
        %get3A_788 = tpu.vector_load %arg6[%get3A_785, %get3A_786, %get3A_787] {strides = array<i32>} : memref<8x50x128xf32, #tpu.memory_space<vmem>>, vector<1x1x16xf32>,
        %get3A_789 = vector.shape_cast %get3A_788 : vector<1x1x16xf32> to vector<16xf32>
        %add3A_790 = arith.addf %add3A_718, %get3A_789 : vector<16xf32>
        %add3A_791 = arith.constant 1 : i32
        %add3A_792 = arith.addi %mul3A_701, %add3A_791 : i32
        %get3A_793 = arith.constant 4 : i32
        %get3A_794 = arith.index_cast %get3A_793 : i32 to index
        %get3A_795 = arith.index_cast %add3A_792 : i32 to index
        %get3A_796 = arith.constant 32 : index
        %get3A_797 = tpu.vector_load %arg6[%get3A_794, %get3A_795, %get3A_796] {strides = array<i32>} : memref<8x50x128xf32, #tpu.memory_space<vmem>>, vector<1x1x16xf32>,
        %get3A_798 = vector.shape_cast %get3A_797 : vector<1x1x16xf32> to vector<16xf32>
        %add3A_799 = arith.addf %add3A_727, %get3A_798 : vector<16xf32>
        %add3A_800 = arith.constant 1 : i32
        %add3A_801 = arith.addi %mul3A_701, %add3A_800 : i32
        %get3A_802 = arith.constant 4 : i32
        %get3A_803 = arith.index_cast %get3A_802 : i32 to index
        %get3A_804 = arith.index_cast %add3A_801 : i32 to index
        %get3A_805 = arith.constant 48 : index
        %get3A_806 = tpu.vector_load %arg6[%get3A_803, %get3A_804, %get3A_805] {strides = array<i32>} : memref<8x50x128xf32, #tpu.memory_space<vmem>>, vector<1x1x16xf32>,
        %get3A_807 = vector.shape_cast %get3A_806 : vector<1x1x16xf32> to vector<16xf32>
        %add3A_808 = arith.addf %add3A_736, %get3A_807 : vector<16xf32>
        %add3A_809 = arith.constant 1 : i32
        %add3A_810 = arith.addi %mul3A_701, %add3A_809 : i32
        %get3A_811 = arith.constant 4 : i32
        %get3A_812 = arith.index_cast %get3A_811 : i32 to index
        %get3A_813 = arith.index_cast %add3A_810 : i32 to index
        %get3A_814 = arith.constant 64 : index
        %get3A_815 = tpu.vector_load %arg6[%get3A_812, %get3A_813, %get3A_814] {strides = array<i32>} : memref<8x50x128xf32, #tpu.memory_space<vmem>>, vector<1x1x16xf32>,
        %get3A_816 = vector.shape_cast %get3A_815 : vector<1x1x16xf32> to vector<16xf32>
        %add3A_817 = arith.addf %add3A_745, %get3A_816 : vector<16xf32>
        %add3A_818 = arith.constant 1 : i32
        %add3A_819 = arith.addi %mul3A_701, %add3A_818 : i32
        %get3A_820 = arith.constant 4 : i32
        %get3A_821 = arith.index_cast %get3A_820 : i32 to index
        %get3A_822 = arith.index_cast %add3A_819 : i32 to index
        %get3A_823 = arith.constant 80 : index
        %get3A_824 = tpu.vector_load %arg6[%get3A_821, %get3A_822, %get3A_823] {strides = array<i32>} : memref<8x50x128xf32, #tpu.memory_space<vmem>>, vector<1x1x16xf32>,
        %get3A_825 = vector.shape_cast %get3A_824 : vector<1x1x16xf32> to vector<16xf32>
        %add3A_826 = arith.addf %add3A_754, %get3A_825 : vector<16xf32>
        %add3A_827 = arith.constant 1 : i32
        %add3A_828 = arith.addi %mul3A_701, %add3A_827 : i32
        %get3A_829 = arith.constant 4 : i32
        %get3A_830 = arith.index_cast %get3A_829 : i32 to index
        %get3A_831 = arith.index_cast %add3A_828 : i32 to index
        %get3A_832 = arith.constant 96 : index
        %get3A_833 = tpu.vector_load %arg6[%get3A_830, %get3A_831, %get3A_832] {strides = array<i32>} : memref<8x50x128xf32, #tpu.memory_space<vmem>>, vector<1x1x16xf32>,
        %get3A_834 = vector.shape_cast %get3A_833 : vector<1x1x16xf32> to vector<16xf32>
        %add3A_835 = arith.addf %add3A_763, %get3A_834 : vector<16xf32>
        %add3A_836 = arith.constant 1 : i32
        %add3A_837 = arith.addi %mul3A_701, %add3A_836 : i32
        %get3A_838 = arith.constant 4 : i32
        %get3A_839 = arith.index_cast %get3A_838 : i32 to index
        %get3A_840 = arith.index_cast %add3A_837 : i32 to index
        %get3A_841 = arith.constant 112 : index
        %get3A_842 = tpu.vector_load %arg6[%get3A_839, %get3A_840, %get3A_841] {strides = array<i32>} : memref<8x50x128xf32, #tpu.memory_space<vmem>>, vector<1x1x16xf32>,
        %get3A_843 = vector.shape_cast %get3A_842 : vector<1x1x16xf32> to vector<16xf32>
        %add3A_844 = arith.addf %add3A_772, %get3A_843 : vector<16xf32>
        %add3A_845 = arith.constant 2 : i32
        %add3A_846 = arith.addi %mul3A_701, %add3A_845 : i32
        %get3A_847 = arith.constant 4 : i32
        %get3A_848 = arith.index_cast %get3A_847 : i32 to index
        %get3A_849 = arith.index_cast %add3A_846 : i32 to index
        %get3A_850 = arith.constant 0 : index
        %get3A_851 = tpu.vector_load %arg6[%get3A_848, %get3A_849, %get3A_850] {strides = array<i32>} : memref<8x50x128xf32, #tpu.memory_space<vmem>>, vector<1x1x16xf32>,
        %get3A_852 = vector.shape_cast %get3A_851 : vector<1x1x16xf32> to vector<16xf32>
        %add3A_853 = arith.addf %add3A_781, %get3A_852 : vector<16xf32>
        %add3A_854 = arith.constant 2 : i32
        %add3A_855 = arith.addi %mul3A_701, %add3A_854 : i32
        %get3A_856 = arith.constant 4 : i32
        %get3A_857 = arith.index_cast %get3A_856 : i32 to index
        %get3A_858 = arith.index_cast %add3A_855 : i32 to index
        %get3A_859 = arith.constant 16 : index
        %get3A_860 = tpu.vector_load %arg6[%get3A_857, %get3A_858, %get3A_859] {strides = array<i32>} : memref<8x50x128xf32, #tpu.memory_space<vmem>>, vector<1x1x16xf32>,
        %get3A_861 = vector.shape_cast %get3A_860 : vector<1x1x16xf32> to vector<16xf32>
        %add3A_862 = arith.addf %add3A_790, %get3A_861 : vector<16xf32>
        %add3A_863 = arith.constant 2 : i32
        %add3A_864 = arith.addi %mul3A_701, %add3A_863 : i32
        %get3A_865 = arith.constant 4 : i32
        %get3A_866 = arith.index_cast %get3A_865 : i32 to index
        %get3A_867 = arith.index_cast %add3A_864 : i32 to index
        %get3A_868 = arith.constant 32 : index
        %get3A_869 = tpu.vector_load %arg6[%get3A_866, %get3A_867, %get3A_868] {strides = array<i32>} : memref<8x50x128xf32, #tpu.memory_space<vmem>>, vector<1x1x16xf32>,
        %get3A_870 = vector.shape_cast %get3A_869 : vector<1x1x16xf32> to vector<16xf32>
        %add3A_871 = arith.addf %add3A_799, %get3A_870 : vector<16xf32>
        %add3A_872 = arith.constant 2 : i32
        %add3A_873 = arith.addi %mul3A_701, %add3A_872 : i32
        %get3A_874 = arith.constant 4 : i32
        %get3A_875 = arith.index_cast %get3A_874 : i32 to index
        %get3A_876 = arith.index_cast %add3A_873 : i32 to index
        %get3A_877 = arith.constant 48 : index
        %get3A_878 = tpu.vector_load %arg6[%get3A_875, %get3A_876, %get3A_877] {strides = array<i32>} : memref<8x50x128xf32, #tpu.memory_space<vmem>>, vector<1x1x16xf32>,
        %get3A_879 = vector.shape_cast %get3A_878 : vector<1x1x16xf32> to vector<16xf32>
        %add3A_880 = arith.addf %add3A_808, %get3A_879 : vector<16xf32>
        %add3A_881 = arith.constant 2 : i32
        %add3A_882 = arith.addi %mul3A_701, %add3A_881 : i32
        %get3A_883 = arith.constant 4 : i32
        %get3A_884 = arith.index_cast %get3A_883 : i32 to index
        %get3A_885 = arith.index_cast %add3A_882 : i32 to index
        %get3A_886 = arith.constant 64 : index
        %get3A_887 = tpu.vector_load %arg6[%get3A_884, %get3A_885, %get3A_886] {strides = array<i32>} : memref<8x50x128xf32, #tpu.memory_space<vmem>>, vector<1x1x16xf32>,
        %get3A_888 = vector.shape_cast %get3A_887 : vector<1x1x16xf32> to vector<16xf32>
        %add3A_889 = arith.addf %add3A_817, %get3A_888 : vector<16xf32>
        %add3A_890 = arith.constant 2 : i32
        %add3A_891 = arith.addi %mul3A_701, %add3A_890 : i32
        %get3A_892 = arith.constant 4 : i32
        %get3A_893 = arith.index_cast %get3A_892 : i32 to index
        %get3A_894 = arith.index_cast %add3A_891 : i32 to index
        %get3A_895 = arith.constant 80 : index
        %get3A_896 = tpu.vector_load %arg6[%get3A_893, %get3A_894, %get3A_895] {strides = array<i32>} : memref<8x50x128xf32, #tpu.memory_space<vmem>>, vector<1x1x16xf32>,
        %get3A_897 = vector.shape_cast %get3A_896 : vector<1x1x16xf32> to vector<16xf32>
        %add3A_898 = arith.addf %add3A_826, %get3A_897 : vector<16xf32>
        %add3A_899 = arith.constant 2 : i32
        %add3A_900 = arith.addi %mul3A_701, %add3A_899 : i32
        %get3A_901 = arith.constant 4 : i32
        %get3A_902 = arith.index_cast %get3A_901 : i32 to index
        %get3A_903 = arith.index_cast %add3A_900 : i32 to index
        %get3A_904 = arith.constant 96 : index
        %get3A_905 = tpu.vector_load %arg6[%get3A_902, %get3A_903, %get3A_904] {strides = array<i32>} : memref<8x50x128xf32, #tpu.memory_space<vmem>>, vector<1x1x16xf32>,
        %get3A_906 = vector.shape_cast %get3A_905 : vector<1x1x16xf32> to vector<16xf32>
        %add3A_907 = arith.addf %add3A_835, %get3A_906 : vector<16xf32>
        %add3A_908 = arith.constant 2 : i32
        %add3A_909 = arith.addi %mul3A_701, %add3A_908 : i32
        %get3A_910 = arith.constant 4 : i32
        %get3A_911 = arith.index_cast %get3A_910 : i32 to index
        %get3A_912 = arith.index_cast %add3A_909 : i32 to index
        %get3A_913 = arith.constant 112 : index
        %get3A_914 = tpu.vector_load %arg6[%get3A_911, %get3A_912, %get3A_913] {strides = array<i32>} : memref<8x50x128xf32, #tpu.memory_space<vmem>>, vector<1x1x16xf32>,
        %get3A_915 = vector.shape_cast %get3A_914 : vector<1x1x16xf32> to vector<16xf32>
        %add3A_916 = arith.addf %add3A_844, %get3A_915 : vector<16xf32>
        %add3A_917 = arith.constant 3 : i32
        %add3A_918 = arith.addi %mul3A_701, %add3A_917 : i32
        %get3A_919 = arith.constant 4 : i32
        %get3A_920 = arith.index_cast %get3A_919 : i32 to index
        %get3A_921 = arith.index_cast %add3A_918 : i32 to index
        %get3A_922 = arith.constant 0 : index
        %get3A_923 = tpu.vector_load %arg6[%get3A_920, %get3A_921, %get3A_922] {strides = array<i32>} : memref<8x50x128xf32, #tpu.memory_space<vmem>>, vector<1x1x16xf32>,
        %get3A_924 = vector.shape_cast %get3A_923 : vector<1x1x16xf32> to vector<16xf32>
        %add3A_925 = arith.addf %add3A_853, %get3A_924 : vector<16xf32>
        %add3A_926 = arith.constant 3 : i32
        %add3A_927 = arith.addi %mul3A_701, %add3A_926 : i32
        %get3A_928 = arith.constant 4 : i32
        %get3A_929 = arith.index_cast %get3A_928 : i32 to index
        %get3A_930 = arith.index_cast %add3A_927 : i32 to index
        %get3A_931 = arith.constant 16 : index
        %get3A_932 = tpu.vector_load %arg6[%get3A_929, %get3A_930, %get3A_931] {strides = array<i32>} : memref<8x50x128xf32, #tpu.memory_space<vmem>>, vector<1x1x16xf32>,
        %get3A_933 = vector.shape_cast %get3A_932 : vector<1x1x16xf32> to vector<16xf32>
        %add3A_934 = arith.addf %add3A_862, %get3A_933 : vector<16xf32>
        %add3A_935 = arith.constant 3 : i32
        %add3A_936 = arith.addi %mul3A_701, %add3A_935 : i32
        %get3A_937 = arith.constant 4 : i32
        %get3A_938 = arith.index_cast %get3A_937 : i32 to index
        %get3A_939 = arith.index_cast %add3A_936 : i32 to index
        %get3A_940 = arith.constant 32 : index
        %get3A_941 = tpu.vector_load %arg6[%get3A_938, %get3A_939, %get3A_940] {strides = array<i32>} : memref<8x50x128xf32, #tpu.memory_space<vmem>>, vector<1x1x16xf32>,
        %get3A_942 = vector.shape_cast %get3A_941 : vector<1x1x16xf32> to vector<16xf32>
        %add3A_943 = arith.addf %add3A_871, %get3A_942 : vector<16xf32>
        %add3A_944 = arith.constant 3 : i32
        %add3A_945 = arith.addi %mul3A_701, %add3A_944 : i32
        %get3A_946 = arith.constant 4 : i32
        %get3A_947 = arith.index_cast %get3A_946 : i32 to index
        %get3A_948 = arith.index_cast %add3A_945 : i32 to index
        %get3A_949 = arith.constant 48 : index
        %get3A_950 = tpu.vector_load %arg6[%get3A_947, %get3A_948, %get3A_949] {strides = array<i32>} : memref<8x50x128xf32, #tpu.memory_space<vmem>>, vector<1x1x16xf32>,
        %get3A_951 = vector.shape_cast %get3A_950 : vector<1x1x16xf32> to vector<16xf32>
        %add3A_952 = arith.addf %add3A_880, %get3A_951 : vector<16xf32>
        %add3A_953 = arith.constant 3 : i32
        %add3A_954 = arith.addi %mul3A_701, %add3A_953 : i32
        %get3A_955 = arith.constant 4 : i32
        %get3A_956 = arith.index_cast %get3A_955 : i32 to index
        %get3A_957 = arith.index_cast %add3A_954 : i32 to index
        %get3A_958 = arith.constant 64 : index
        %get3A_959 = tpu.vector_load %arg6[%get3A_956, %get3A_957, %get3A_958] {strides = array<i32>} : memref<8x50x128xf32, #tpu.memory_space<vmem>>, vector<1x1x16xf32>,
        %get3A_960 = vector.shape_cast %get3A_959 : vector<1x1x16xf32> to vector<16xf32>
        %add3A_961 = arith.addf %add3A_889, %get3A_960 : vector<16xf32>
        %add3A_962 = arith.constant 3 : i32
        %add3A_963 = arith.addi %mul3A_701, %add3A_962 : i32
        %get3A_964 = arith.constant 4 : i32
        %get3A_965 = arith.index_cast %get3A_964 : i32 to index
        %get3A_966 = arith.index_cast %add3A_963 : i32 to index
        %get3A_967 = arith.constant 80 : index
        %get3A_968 = tpu.vector_load %arg6[%get3A_965, %get3A_966, %get3A_967] {strides = array<i32>} : memref<8x50x128xf32, #tpu.memory_space<vmem>>, vector<1x1x16xf32>,
        %get3A_969 = vector.shape_cast %get3A_968 : vector<1x1x16xf32> to vector<16xf32>
        %add3A_970 = arith.addf %add3A_898, %get3A_969 : vector<16xf32>
        %add3A_971 = arith.constant 3 : i32
        %add3A_972 = arith.addi %mul3A_701, %add3A_971 : i32
        %get3A_973 = arith.constant 4 : i32
        %get3A_974 = arith.index_cast %get3A_973 : i32 to index
        %get3A_975 = arith.index_cast %add3A_972 : i32 to index
        %get3A_976 = arith.constant 96 : index
        %get3A_977 = tpu.vector_load %arg6[%get3A_974, %get3A_975, %get3A_976] {strides = array<i32>} : memref<8x50x128xf32, #tpu.memory_space<vmem>>, vector<1x1x16xf32>,
        %get3A_978 = vector.shape_cast %get3A_977 : vector<1x1x16xf32> to vector<16xf32>
        %add3A_979 = arith.addf %add3A_907, %get3A_978 : vector<16xf32>
        %add3A_980 = arith.constant 3 : i32
        %add3A_981 = arith.addi %mul3A_701, %add3A_980 : i32
        %get3A_982 = arith.constant 4 : i32
        %get3A_983 = arith.index_cast %get3A_982 : i32 to index
        %get3A_984 = arith.index_cast %add3A_981 : i32 to index
        %get3A_985 = arith.constant 112 : index
        %get3A_986 = tpu.vector_load %arg6[%get3A_983, %get3A_984, %get3A_985] {strides = array<i32>} : memref<8x50x128xf32, #tpu.memory_space<vmem>>, vector<1x1x16xf32>,
        %get3A_987 = vector.shape_cast %get3A_986 : vector<1x1x16xf32> to vector<16xf32>
        %add3A_988 = arith.addf %add3A_916, %get3A_987 : vector<16xf32>
        %add3A_989 = arith.constant 4 : i32
        %add3A_990 = arith.addi %mul3A_701, %add3A_989 : i32
        %get3A_991 = arith.constant 4 : i32
        %get3A_992 = arith.index_cast %get3A_991 : i32 to index
        %get3A_993 = arith.index_cast %add3A_990 : i32 to index
        %get3A_994 = arith.constant 0 : index
        %get3A_995 = tpu.vector_load %arg6[%get3A_992, %get3A_993, %get3A_994] {strides = array<i32>} : memref<8x50x128xf32, #tpu.memory_space<vmem>>, vector<1x1x16xf32>,
        %get3A_996 = vector.shape_cast %get3A_995 : vector<1x1x16xf32> to vector<16xf32>
        %add3A_997 = arith.addf %add3A_925, %get3A_996 : vector<16xf32>
        %add3A_998 = arith.constant 4 : i32
        %add3A_999 = arith.addi %mul3A_701, %add3A_998 : i32
        %get3A_1000 = arith.constant 4 : i32
        %get3A_1001 = arith.index_cast %get3A_1000 : i32 to index
        %get3A_1002 = arith.index_cast %add3A_999 : i32 to index
        %get3A_1003 = arith.constant 16 : index
        %get3A_1004 = tpu.vector_load %arg6[%get3A_1001, %get3A_1002, %get3A_1003] {strides = array<i32>} : memref<8x50x128xf32, #tpu.memory_space<vmem>>, vector<1x1x16xf32>,
        %get3A_1005 = vector.shape_cast %get3A_1004 : vector<1x1x16xf32> to vector<16xf32>
        %add3A_1006 = arith.addf %add3A_934, %get3A_1005 : vector<16xf32>
        %add3A_1007 = arith.constant 4 : i32
        %add3A_1008 = arith.addi %mul3A_701, %add3A_1007 : i32
        %get3A_1009 = arith.constant 4 : i32
        %get3A_1010 = arith.index_cast %get3A_1009 : i32 to index
        %get3A_1011 = arith.index_cast %add3A_1008 : i32 to index
        %get3A_1012 = arith.constant 32 : index
        %get3A_1013 = tpu.vector_load %arg6[%get3A_1010, %get3A_1011, %get3A_1012] {strides = array<i32>} : memref<8x50x128xf32, #tpu.memory_space<vmem>>, vector<1x1x16xf32>,
        %get3A_1014 = vector.shape_cast %get3A_1013 : vector<1x1x16xf32> to vector<16xf32>
        %add3A_1015 = arith.addf %add3A_943, %get3A_1014 : vector<16xf32>
        %add3A_1016 = arith.constant 4 : i32
        %add3A_1017 = arith.addi %mul3A_701, %add3A_1016 : i32
        %get3A_1018 = arith.constant 4 : i32
        %get3A_1019 = arith.index_cast %get3A_1018 : i32 to index
        %get3A_1020 = arith.index_cast %add3A_1017 : i32 to index
        %get3A_1021 = arith.constant 48 : index
        %get3A_1022 = tpu.vector_load %arg6[%get3A_1019, %get3A_1020, %get3A_1021] {strides = array<i32>} : memref<8x50x128xf32, #tpu.memory_space<vmem>>, vector<1x1x16xf32>,
        %get3A_1023 = vector.shape_cast %get3A_1022 : vector<1x1x16xf32> to vector<16xf32>
        %add3A_1024 = arith.addf %add3A_952, %get3A_1023 : vector<16xf32>
        %add3A_1025 = arith.constant 4 : i32
        %add3A_1026 = arith.addi %mul3A_701, %add3A_1025 : i32
        %get3A_1027 = arith.constant 4 : i32
        %get3A_1028 = arith.index_cast %get3A_1027 : i32 to index
        %get3A_1029 = arith.index_cast %add3A_1026 : i32 to index
        %get3A_1030 = arith.constant 64 : index
        %get3A_1031 = tpu.vector_load %arg6[%get3A_1028, %get3A_1029, %get3A_1030] {strides = array<i32>} : memref<8x50x128xf32, #tpu.memory_space<vmem>>, vector<1x1x16xf32>,
        %get3A_1032 = vector.shape_cast %get3A_1031 : vector<1x1x16xf32> to vector<16xf32>
        %add3A_1033 = arith.addf %add3A_961, %get3A_1032 : vector<16xf32>
        %add3A_1034 = arith.constant 4 : i32
        %add3A_1035 = arith.addi %mul3A_701, %add3A_1034 : i32
        %get3A_1036 = arith.constant 4 : i32
        %get3A_1037 = arith.index_cast %get3A_1036 : i32 to index
        %get3A_1038 = arith.index_cast %add3A_1035 : i32 to index
        %get3A_1039 = arith.constant 80 : index
        %get3A_1040 = tpu.vector_load %arg6[%get3A_1037, %get3A_1038, %get3A_1039] {strides = array<i32>} : memref<8x50x128xf32, #tpu.memory_space<vmem>>, vector<1x1x16xf32>,
        %get3A_1041 = vector.shape_cast %get3A_1040 : vector<1x1x16xf32> to vector<16xf32>
        %add3A_1042 = arith.addf %add3A_970, %get3A_1041 : vector<16xf32>
        %add3A_1043 = arith.constant 4 : i32
        %add3A_1044 = arith.addi %mul3A_701, %add3A_1043 : i32
        %get3A_1045 = arith.constant 4 : i32
        %get3A_1046 = arith.index_cast %get3A_1045 : i32 to index
        %get3A_1047 = arith.index_cast %add3A_1044 : i32 to index
        %get3A_1048 = arith.constant 96 : index
        %get3A_1049 = tpu.vector_load %arg6[%get3A_1046, %get3A_1047, %get3A_1048] {strides = array<i32>} : memref<8x50x128xf32, #tpu.memory_space<vmem>>, vector<1x1x16xf32>,
        %get3A_1050 = vector.shape_cast %get3A_1049 : vector<1x1x16xf32> to vector<16xf32>
        %add3A_1051 = arith.addf %add3A_979, %get3A_1050 : vector<16xf32>
        %add3A_1052 = arith.constant 4 : i32
        %add3A_1053 = arith.addi %mul3A_701, %add3A_1052 : i32
        %get3A_1054 = arith.constant 4 : i32
        %get3A_1055 = arith.index_cast %get3A_1054 : i32 to index
        %get3A_1056 = arith.index_cast %add3A_1053 : i32 to index
        %get3A_1057 = arith.constant 112 : index
        %get3A_1058 = tpu.vector_load %arg6[%get3A_1055, %get3A_1056, %get3A_1057] {strides = array<i32>} : memref<8x50x128xf32, #tpu.memory_space<vmem>>, vector<1x1x16xf32>,
        %get3A_1059 = vector.shape_cast %get3A_1058 : vector<1x1x16xf32> to vector<16xf32>
        %add3A_1060 = arith.addf %add3A_988, %get3A_1059 : vector<16xf32>
        scf.yield %add3A_997, %add3A_1006, %add3A_1015, %add3A_1024, %add3A_1033, %add3A_1042, %add3A_1051, %add3A_1060 : vector<16xf32>, vector<16xf32>, vector<16xf32>, vector<16xf32>, vector<16xf32>, vector<16xf32>, vector<16xf32>, vector<16xf32>
      }
      %scan3A_477 = arith.constant 10 : i32
      %add3A_478 = arith.constant 5 : i32
      %add3A_479 = arith.addi %add3A_188, %add3A_478 : i32
      %add3A_480 = arith.constant 8 : i32
      %add3A_481 = arith.addi %add3A_479, %add3A_480 : i32
      %sub3A_482 = arith.constant 1 : i32
      %sub3A_483 = arith.subi %add3A_481, %sub3A_482 : i32
      %min3A_484 = arith.constant 511 : i32
      %min3A_485 = arith.minsi %sub3A_483, %min3A_484 : i32
      %dma_start3A_486 = arith.constant 4 : i32
      %dma_start3A_487 = arith.constant 0 : i32
      %dma_start3A_488 = arith.constant 0 : i32
      %dma_start3A_489 = tpu.memref_slice %arg6[%dma_start3A_486, %dma_start3A_487, %dma_start3A_488] : memref<8x50x128xf32, #tpu.memory_space<vmem>> -> memref<1x50x128xf32, #tpu.memory_space<vmem>>
      %dma_start3A_490 = tpu.memref_squeeze %dma_start3A_489 : memref<1x50x128xf32, #tpu.memory_space<vmem>> -> memref<50x128xf32, #tpu.memory_space<vmem>>
      %dma_start3A_491 = arith.constant 0 : i32
      %dma_start3A_492 = tpu.memref_slice %arg5[%min3A_485, %dma_start3A_491] : memref<512x50xi32, #tpu.memory_space<vmem>> -> memref<1x50xi32, #tpu.memory_space<vmem>>
      %dma_start3A_493 = tpu.memref_squeeze %dma_start3A_492 : memref<1x50xi32, #tpu.memory_space<vmem>> -> memref<50xi32, #tpu.memory_space<vmem>>
      %dma_start3A_494 = arith.constant 0 : i32
      %dma_start3A_495 = arith.constant 0 : i32
      %dma_start3A_496 = tpu.memref_slice %arg3[%dma_start3A_494, %dma_start3A_495] : memref<100000x128xf32, #tpu.memory_space<hbm>> -> memref<100000x128xf32, #tpu.memory_space<hbm>>
      tpu.enqueue_indirect_dma source(%dma_start3A_496 : memref<100000x128xf32, #tpu.memory_space<hbm>>) target(%dma_start3A_490 : memref<50x128xf32, #tpu.memory_space<vmem>>) offsets(%dma_start3A_493 : memref<50xi32, #tpu.memory_space<vmem>>) semaphore(%arg12 : memref<!tpu.dma_semaphore, #tpu.memory_space<semaphore_mem>>)
      %dma_wait3A_497 = arith.constant 0 : i32
      %dma_wait3A_498 = arith.constant 5 : i32
      %dma_wait3A_499 = arith.constant 0 : i32
      %dma_wait3A_500 = arith.constant 0 : i32
      %dma_wait3A_501 = tpu.memref_slice %arg6[%dma_wait3A_498, %dma_wait3A_499, %dma_wait3A_500] : memref<8x50x128xf32, #tpu.memory_space<vmem>> -> memref<1x50x128xf32, #tpu.memory_space<vmem>>
      %dma_wait3A_502 = tpu.memref_squeeze %dma_wait3A_501 : memref<1x50x128xf32, #tpu.memory_space<vmem>> -> memref<50x128xf32, #tpu.memory_space<vmem>>
      %dma_wait3A_503 = arith.constant 0 : i32
      %dma_wait3A_504 = tpu.memref_slice %arg5[%dma_wait3A_497, %dma_wait3A_503] : memref<512x50xi32, #tpu.memory_space<vmem>> -> memref<1x50xi32, #tpu.memory_space<vmem>>
      %dma_wait3A_505 = tpu.memref_squeeze %dma_wait3A_504 : memref<1x50xi32, #tpu.memory_space<vmem>> -> memref<50xi32, #tpu.memory_space<vmem>>
      %dma_wait3A_506 = arith.constant 0 : i32
      %dma_wait3A_507 = arith.constant 0 : i32
      %dma_wait3A_508 = tpu.memref_slice %arg3[%dma_wait3A_506, %dma_wait3A_507] : memref<100000x128xf32, #tpu.memory_space<hbm>> -> memref<100000x128xf32, #tpu.memory_space<hbm>>
      tpu.wait_indirect_dma semaphore(%arg13 : memref<!tpu.dma_semaphore, #tpu.memory_space<semaphore_mem>>) src(%dma_wait3A_508 : memref<100000x128xf32, #tpu.memory_space<hbm>>) dst(%dma_wait3A_502 : memref<50x128xf32, #tpu.memory_space<vmem>>)
      %scan3A_509 = arith.constant 0 : i32
      %scan3A_510 = arith.constant 10 : i32
      %scan3A_511 = arith.addi %scan3A_509, %scan3A_510 : i32
      %scan3A_512 = arith.constant 1 : i32
      %scan3A_513:8 = scf.for %scan3A_691 = %scan3A_509 to %scan3A_511 step %scan3A_512 iter_args(%scan3A_692 = %scan3A_476#0, %scan3A_693 = %scan3A_476#1, %scan3A_694 = %scan3A_476#2, %scan3A_695 = %scan3A_476#3, %scan3A_696 = %scan3A_476#4, %scan3A_697 = %scan3A_476#5, %scan3A_698 = %scan3A_476#6, %scan3A_699 = %scan3A_476#7) -> (vector<16xf32>, vector<16xf32>, vector<16xf32>, vector<16xf32>, vector<16xf32>, vector<16xf32>, vector<16xf32>, vector<16xf32>)  : i32 {
        %mul3A_700 = arith.constant 5 : i32
        %mul3A_701 = arith.muli %scan3A_691, %mul3A_700 : i32
        %add3A_702 = arith.constant 0 : i32
        %add3A_703 = arith.addi %mul3A_701, %add3A_702 : i32
        %get3A = arith.constant 5 : i32
        %get3A_704 = arith.index_cast %get3A : i32 to index
        %get3A_705 = arith.index_cast %add3A_703 : i32 to index
        %get3A_706 = arith.constant 0 : index
        %get3A_707 = tpu.vector_load %arg6[%get3A_704, %get3A_705, %get3A_706] {strides = array<i32>} : memref<8x50x128xf32, #tpu.memory_space<vmem>>, vector<1x1x16xf32>,
        %get3A_708 = vector.shape_cast %get3A_707 : vector<1x1x16xf32> to vector<16xf32>
        %add3A_709 = arith.addf %scan3A_692, %get3A_708 : vector<16xf32>
        %add3A_710 = arith.constant 0 : i32
        %add3A_711 = arith.addi %mul3A_701, %add3A_710 : i32
        %get3A_712 = arith.constant 5 : i32
        %get3A_713 = arith.index_cast %get3A_712 : i32 to index
        %get3A_714 = arith.index_cast %add3A_711 : i32 to index
        %get3A_715 = arith.constant 16 : index
        %get3A_716 = tpu.vector_load %arg6[%get3A_713, %get3A_714, %get3A_715] {strides = array<i32>} : memref<8x50x128xf32, #tpu.memory_space<vmem>>, vector<1x1x16xf32>,
        %get3A_717 = vector.shape_cast %get3A_716 : vector<1x1x16xf32> to vector<16xf32>
        %add3A_718 = arith.addf %scan3A_693, %get3A_717 : vector<16xf32>
        %add3A_719 = arith.constant 0 : i32
        %add3A_720 = arith.addi %mul3A_701, %add3A_719 : i32
        %get3A_721 = arith.constant 5 : i32
        %get3A_722 = arith.index_cast %get3A_721 : i32 to index
        %get3A_723 = arith.index_cast %add3A_720 : i32 to index
        %get3A_724 = arith.constant 32 : index
        %get3A_725 = tpu.vector_load %arg6[%get3A_722, %get3A_723, %get3A_724] {strides = array<i32>} : memref<8x50x128xf32, #tpu.memory_space<vmem>>, vector<1x1x16xf32>,
        %get3A_726 = vector.shape_cast %get3A_725 : vector<1x1x16xf32> to vector<16xf32>
        %add3A_727 = arith.addf %scan3A_694, %get3A_726 : vector<16xf32>
        %add3A_728 = arith.constant 0 : i32
        %add3A_729 = arith.addi %mul3A_701, %add3A_728 : i32
        %get3A_730 = arith.constant 5 : i32
        %get3A_731 = arith.index_cast %get3A_730 : i32 to index
        %get3A_732 = arith.index_cast %add3A_729 : i32 to index
        %get3A_733 = arith.constant 48 : index
        %get3A_734 = tpu.vector_load %arg6[%get3A_731, %get3A_732, %get3A_733] {strides = array<i32>} : memref<8x50x128xf32, #tpu.memory_space<vmem>>, vector<1x1x16xf32>,
        %get3A_735 = vector.shape_cast %get3A_734 : vector<1x1x16xf32> to vector<16xf32>
        %add3A_736 = arith.addf %scan3A_695, %get3A_735 : vector<16xf32>
        %add3A_737 = arith.constant 0 : i32
        %add3A_738 = arith.addi %mul3A_701, %add3A_737 : i32
        %get3A_739 = arith.constant 5 : i32
        %get3A_740 = arith.index_cast %get3A_739 : i32 to index
        %get3A_741 = arith.index_cast %add3A_738 : i32 to index
        %get3A_742 = arith.constant 64 : index
        %get3A_743 = tpu.vector_load %arg6[%get3A_740, %get3A_741, %get3A_742] {strides = array<i32>} : memref<8x50x128xf32, #tpu.memory_space<vmem>>, vector<1x1x16xf32>,
        %get3A_744 = vector.shape_cast %get3A_743 : vector<1x1x16xf32> to vector<16xf32>
        %add3A_745 = arith.addf %scan3A_696, %get3A_744 : vector<16xf32>
        %add3A_746 = arith.constant 0 : i32
        %add3A_747 = arith.addi %mul3A_701, %add3A_746 : i32
        %get3A_748 = arith.constant 5 : i32
        %get3A_749 = arith.index_cast %get3A_748 : i32 to index
        %get3A_750 = arith.index_cast %add3A_747 : i32 to index
        %get3A_751 = arith.constant 80 : index
        %get3A_752 = tpu.vector_load %arg6[%get3A_749, %get3A_750, %get3A_751] {strides = array<i32>} : memref<8x50x128xf32, #tpu.memory_space<vmem>>, vector<1x1x16xf32>,
        %get3A_753 = vector.shape_cast %get3A_752 : vector<1x1x16xf32> to vector<16xf32>
        %add3A_754 = arith.addf %scan3A_697, %get3A_753 : vector<16xf32>
        %add3A_755 = arith.constant 0 : i32
        %add3A_756 = arith.addi %mul3A_701, %add3A_755 : i32
        %get3A_757 = arith.constant 5 : i32
        %get3A_758 = arith.index_cast %get3A_757 : i32 to index
        %get3A_759 = arith.index_cast %add3A_756 : i32 to index
        %get3A_760 = arith.constant 96 : index
        %get3A_761 = tpu.vector_load %arg6[%get3A_758, %get3A_759, %get3A_760] {strides = array<i32>} : memref<8x50x128xf32, #tpu.memory_space<vmem>>, vector<1x1x16xf32>,
        %get3A_762 = vector.shape_cast %get3A_761 : vector<1x1x16xf32> to vector<16xf32>
        %add3A_763 = arith.addf %scan3A_698, %get3A_762 : vector<16xf32>
        %add3A_764 = arith.constant 0 : i32
        %add3A_765 = arith.addi %mul3A_701, %add3A_764 : i32
        %get3A_766 = arith.constant 5 : i32
        %get3A_767 = arith.index_cast %get3A_766 : i32 to index
        %get3A_768 = arith.index_cast %add3A_765 : i32 to index
        %get3A_769 = arith.constant 112 : index
        %get3A_770 = tpu.vector_load %arg6[%get3A_767, %get3A_768, %get3A_769] {strides = array<i32>} : memref<8x50x128xf32, #tpu.memory_space<vmem>>, vector<1x1x16xf32>,
        %get3A_771 = vector.shape_cast %get3A_770 : vector<1x1x16xf32> to vector<16xf32>
        %add3A_772 = arith.addf %scan3A_699, %get3A_771 : vector<16xf32>
        %add3A_773 = arith.constant 1 : i32
        %add3A_774 = arith.addi %mul3A_701, %add3A_773 : i32
        %get3A_775 = arith.constant 5 : i32
        %get3A_776 = arith.index_cast %get3A_775 : i32 to index
        %get3A_777 = arith.index_cast %add3A_774 : i32 to index
        %get3A_778 = arith.constant 0 : index
        %get3A_779 = tpu.vector_load %arg6[%get3A_776, %get3A_777, %get3A_778] {strides = array<i32>} : memref<8x50x128xf32, #tpu.memory_space<vmem>>, vector<1x1x16xf32>,
        %get3A_780 = vector.shape_cast %get3A_779 : vector<1x1x16xf32> to vector<16xf32>
        %add3A_781 = arith.addf %add3A_709, %get3A_780 : vector<16xf32>
        %add3A_782 = arith.constant 1 : i32
        %add3A_783 = arith.addi %mul3A_701, %add3A_782 : i32
        %get3A_784 = arith.constant 5 : i32
        %get3A_785 = arith.index_cast %get3A_784 : i32 to index
        %get3A_786 = arith.index_cast %add3A_783 : i32 to index
        %get3A_787 = arith.constant 16 : index
        %get3A_788 = tpu.vector_load %arg6[%get3A_785, %get3A_786, %get3A_787] {strides = array<i32>} : memref<8x50x128xf32, #tpu.memory_space<vmem>>, vector<1x1x16xf32>,
        %get3A_789 = vector.shape_cast %get3A_788 : vector<1x1x16xf32> to vector<16xf32>
        %add3A_790 = arith.addf %add3A_718, %get3A_789 : vector<16xf32>
        %add3A_791 = arith.constant 1 : i32
        %add3A_792 = arith.addi %mul3A_701, %add3A_791 : i32
        %get3A_793 = arith.constant 5 : i32
        %get3A_794 = arith.index_cast %get3A_793 : i32 to index
        %get3A_795 = arith.index_cast %add3A_792 : i32 to index
        %get3A_796 = arith.constant 32 : index
        %get3A_797 = tpu.vector_load %arg6[%get3A_794, %get3A_795, %get3A_796] {strides = array<i32>} : memref<8x50x128xf32, #tpu.memory_space<vmem>>, vector<1x1x16xf32>,
        %get3A_798 = vector.shape_cast %get3A_797 : vector<1x1x16xf32> to vector<16xf32>
        %add3A_799 = arith.addf %add3A_727, %get3A_798 : vector<16xf32>
        %add3A_800 = arith.constant 1 : i32
        %add3A_801 = arith.addi %mul3A_701, %add3A_800 : i32
        %get3A_802 = arith.constant 5 : i32
        %get3A_803 = arith.index_cast %get3A_802 : i32 to index
        %get3A_804 = arith.index_cast %add3A_801 : i32 to index
        %get3A_805 = arith.constant 48 : index
        %get3A_806 = tpu.vector_load %arg6[%get3A_803, %get3A_804, %get3A_805] {strides = array<i32>} : memref<8x50x128xf32, #tpu.memory_space<vmem>>, vector<1x1x16xf32>,
        %get3A_807 = vector.shape_cast %get3A_806 : vector<1x1x16xf32> to vector<16xf32>
        %add3A_808 = arith.addf %add3A_736, %get3A_807 : vector<16xf32>
        %add3A_809 = arith.constant 1 : i32
        %add3A_810 = arith.addi %mul3A_701, %add3A_809 : i32
        %get3A_811 = arith.constant 5 : i32
        %get3A_812 = arith.index_cast %get3A_811 : i32 to index
        %get3A_813 = arith.index_cast %add3A_810 : i32 to index
        %get3A_814 = arith.constant 64 : index
        %get3A_815 = tpu.vector_load %arg6[%get3A_812, %get3A_813, %get3A_814] {strides = array<i32>} : memref<8x50x128xf32, #tpu.memory_space<vmem>>, vector<1x1x16xf32>,
        %get3A_816 = vector.shape_cast %get3A_815 : vector<1x1x16xf32> to vector<16xf32>
        %add3A_817 = arith.addf %add3A_745, %get3A_816 : vector<16xf32>
        %add3A_818 = arith.constant 1 : i32
        %add3A_819 = arith.addi %mul3A_701, %add3A_818 : i32
        %get3A_820 = arith.constant 5 : i32
        %get3A_821 = arith.index_cast %get3A_820 : i32 to index
        %get3A_822 = arith.index_cast %add3A_819 : i32 to index
        %get3A_823 = arith.constant 80 : index
        %get3A_824 = tpu.vector_load %arg6[%get3A_821, %get3A_822, %get3A_823] {strides = array<i32>} : memref<8x50x128xf32, #tpu.memory_space<vmem>>, vector<1x1x16xf32>,
        %get3A_825 = vector.shape_cast %get3A_824 : vector<1x1x16xf32> to vector<16xf32>
        %add3A_826 = arith.addf %add3A_754, %get3A_825 : vector<16xf32>
        %add3A_827 = arith.constant 1 : i32
        %add3A_828 = arith.addi %mul3A_701, %add3A_827 : i32
        %get3A_829 = arith.constant 5 : i32
        %get3A_830 = arith.index_cast %get3A_829 : i32 to index
        %get3A_831 = arith.index_cast %add3A_828 : i32 to index
        %get3A_832 = arith.constant 96 : index
        %get3A_833 = tpu.vector_load %arg6[%get3A_830, %get3A_831, %get3A_832] {strides = array<i32>} : memref<8x50x128xf32, #tpu.memory_space<vmem>>, vector<1x1x16xf32>,
        %get3A_834 = vector.shape_cast %get3A_833 : vector<1x1x16xf32> to vector<16xf32>
        %add3A_835 = arith.addf %add3A_763, %get3A_834 : vector<16xf32>
        %add3A_836 = arith.constant 1 : i32
        %add3A_837 = arith.addi %mul3A_701, %add3A_836 : i32
        %get3A_838 = arith.constant 5 : i32
        %get3A_839 = arith.index_cast %get3A_838 : i32 to index
        %get3A_840 = arith.index_cast %add3A_837 : i32 to index
        %get3A_841 = arith.constant 112 : index
        %get3A_842 = tpu.vector_load %arg6[%get3A_839, %get3A_840, %get3A_841] {strides = array<i32>} : memref<8x50x128xf32, #tpu.memory_space<vmem>>, vector<1x1x16xf32>,
        %get3A_843 = vector.shape_cast %get3A_842 : vector<1x1x16xf32> to vector<16xf32>
        %add3A_844 = arith.addf %add3A_772, %get3A_843 : vector<16xf32>
        %add3A_845 = arith.constant 2 : i32
        %add3A_846 = arith.addi %mul3A_701, %add3A_845 : i32
        %get3A_847 = arith.constant 5 : i32
        %get3A_848 = arith.index_cast %get3A_847 : i32 to index
        %get3A_849 = arith.index_cast %add3A_846 : i32 to index
        %get3A_850 = arith.constant 0 : index
        %get3A_851 = tpu.vector_load %arg6[%get3A_848, %get3A_849, %get3A_850] {strides = array<i32>} : memref<8x50x128xf32, #tpu.memory_space<vmem>>, vector<1x1x16xf32>,
        %get3A_852 = vector.shape_cast %get3A_851 : vector<1x1x16xf32> to vector<16xf32>
        %add3A_853 = arith.addf %add3A_781, %get3A_852 : vector<16xf32>
        %add3A_854 = arith.constant 2 : i32
        %add3A_855 = arith.addi %mul3A_701, %add3A_854 : i32
        %get3A_856 = arith.constant 5 : i32
        %get3A_857 = arith.index_cast %get3A_856 : i32 to index
        %get3A_858 = arith.index_cast %add3A_855 : i32 to index
        %get3A_859 = arith.constant 16 : index
        %get3A_860 = tpu.vector_load %arg6[%get3A_857, %get3A_858, %get3A_859] {strides = array<i32>} : memref<8x50x128xf32, #tpu.memory_space<vmem>>, vector<1x1x16xf32>,
        %get3A_861 = vector.shape_cast %get3A_860 : vector<1x1x16xf32> to vector<16xf32>
        %add3A_862 = arith.addf %add3A_790, %get3A_861 : vector<16xf32>
        %add3A_863 = arith.constant 2 : i32
        %add3A_864 = arith.addi %mul3A_701, %add3A_863 : i32
        %get3A_865 = arith.constant 5 : i32
        %get3A_866 = arith.index_cast %get3A_865 : i32 to index
        %get3A_867 = arith.index_cast %add3A_864 : i32 to index
        %get3A_868 = arith.constant 32 : index
        %get3A_869 = tpu.vector_load %arg6[%get3A_866, %get3A_867, %get3A_868] {strides = array<i32>} : memref<8x50x128xf32, #tpu.memory_space<vmem>>, vector<1x1x16xf32>,
        %get3A_870 = vector.shape_cast %get3A_869 : vector<1x1x16xf32> to vector<16xf32>
        %add3A_871 = arith.addf %add3A_799, %get3A_870 : vector<16xf32>
        %add3A_872 = arith.constant 2 : i32
        %add3A_873 = arith.addi %mul3A_701, %add3A_872 : i32
        %get3A_874 = arith.constant 5 : i32
        %get3A_875 = arith.index_cast %get3A_874 : i32 to index
        %get3A_876 = arith.index_cast %add3A_873 : i32 to index
        %get3A_877 = arith.constant 48 : index
        %get3A_878 = tpu.vector_load %arg6[%get3A_875, %get3A_876, %get3A_877] {strides = array<i32>} : memref<8x50x128xf32, #tpu.memory_space<vmem>>, vector<1x1x16xf32>,
        %get3A_879 = vector.shape_cast %get3A_878 : vector<1x1x16xf32> to vector<16xf32>
        %add3A_880 = arith.addf %add3A_808, %get3A_879 : vector<16xf32>
        %add3A_881 = arith.constant 2 : i32
        %add3A_882 = arith.addi %mul3A_701, %add3A_881 : i32
        %get3A_883 = arith.constant 5 : i32
        %get3A_884 = arith.index_cast %get3A_883 : i32 to index
        %get3A_885 = arith.index_cast %add3A_882 : i32 to index
        %get3A_886 = arith.constant 64 : index
        %get3A_887 = tpu.vector_load %arg6[%get3A_884, %get3A_885, %get3A_886] {strides = array<i32>} : memref<8x50x128xf32, #tpu.memory_space<vmem>>, vector<1x1x16xf32>,
        %get3A_888 = vector.shape_cast %get3A_887 : vector<1x1x16xf32> to vector<16xf32>
        %add3A_889 = arith.addf %add3A_817, %get3A_888 : vector<16xf32>
        %add3A_890 = arith.constant 2 : i32
        %add3A_891 = arith.addi %mul3A_701, %add3A_890 : i32
        %get3A_892 = arith.constant 5 : i32
        %get3A_893 = arith.index_cast %get3A_892 : i32 to index
        %get3A_894 = arith.index_cast %add3A_891 : i32 to index
        %get3A_895 = arith.constant 80 : index
        %get3A_896 = tpu.vector_load %arg6[%get3A_893, %get3A_894, %get3A_895] {strides = array<i32>} : memref<8x50x128xf32, #tpu.memory_space<vmem>>, vector<1x1x16xf32>,
        %get3A_897 = vector.shape_cast %get3A_896 : vector<1x1x16xf32> to vector<16xf32>
        %add3A_898 = arith.addf %add3A_826, %get3A_897 : vector<16xf32>
        %add3A_899 = arith.constant 2 : i32
        %add3A_900 = arith.addi %mul3A_701, %add3A_899 : i32
        %get3A_901 = arith.constant 5 : i32
        %get3A_902 = arith.index_cast %get3A_901 : i32 to index
        %get3A_903 = arith.index_cast %add3A_900 : i32 to index
        %get3A_904 = arith.constant 96 : index
        %get3A_905 = tpu.vector_load %arg6[%get3A_902, %get3A_903, %get3A_904] {strides = array<i32>} : memref<8x50x128xf32, #tpu.memory_space<vmem>>, vector<1x1x16xf32>,
        %get3A_906 = vector.shape_cast %get3A_905 : vector<1x1x16xf32> to vector<16xf32>
        %add3A_907 = arith.addf %add3A_835, %get3A_906 : vector<16xf32>
        %add3A_908 = arith.constant 2 : i32
        %add3A_909 = arith.addi %mul3A_701, %add3A_908 : i32
        %get3A_910 = arith.constant 5 : i32
        %get3A_911 = arith.index_cast %get3A_910 : i32 to index
        %get3A_912 = arith.index_cast %add3A_909 : i32 to index
        %get3A_913 = arith.constant 112 : index
        %get3A_914 = tpu.vector_load %arg6[%get3A_911, %get3A_912, %get3A_913] {strides = array<i32>} : memref<8x50x128xf32, #tpu.memory_space<vmem>>, vector<1x1x16xf32>,
        %get3A_915 = vector.shape_cast %get3A_914 : vector<1x1x16xf32> to vector<16xf32>
        %add3A_916 = arith.addf %add3A_844, %get3A_915 : vector<16xf32>
        %add3A_917 = arith.constant 3 : i32
        %add3A_918 = arith.addi %mul3A_701, %add3A_917 : i32
        %get3A_919 = arith.constant 5 : i32
        %get3A_920 = arith.index_cast %get3A_919 : i32 to index
        %get3A_921 = arith.index_cast %add3A_918 : i32 to index
        %get3A_922 = arith.constant 0 : index
        %get3A_923 = tpu.vector_load %arg6[%get3A_920, %get3A_921, %get3A_922] {strides = array<i32>} : memref<8x50x128xf32, #tpu.memory_space<vmem>>, vector<1x1x16xf32>,
        %get3A_924 = vector.shape_cast %get3A_923 : vector<1x1x16xf32> to vector<16xf32>
        %add3A_925 = arith.addf %add3A_853, %get3A_924 : vector<16xf32>
        %add3A_926 = arith.constant 3 : i32
        %add3A_927 = arith.addi %mul3A_701, %add3A_926 : i32
        %get3A_928 = arith.constant 5 : i32
        %get3A_929 = arith.index_cast %get3A_928 : i32 to index
        %get3A_930 = arith.index_cast %add3A_927 : i32 to index
        %get3A_931 = arith.constant 16 : index
        %get3A_932 = tpu.vector_load %arg6[%get3A_929, %get3A_930, %get3A_931] {strides = array<i32>} : memref<8x50x128xf32, #tpu.memory_space<vmem>>, vector<1x1x16xf32>,
        %get3A_933 = vector.shape_cast %get3A_932 : vector<1x1x16xf32> to vector<16xf32>
        %add3A_934 = arith.addf %add3A_862, %get3A_933 : vector<16xf32>
        %add3A_935 = arith.constant 3 : i32
        %add3A_936 = arith.addi %mul3A_701, %add3A_935 : i32
        %get3A_937 = arith.constant 5 : i32
        %get3A_938 = arith.index_cast %get3A_937 : i32 to index
        %get3A_939 = arith.index_cast %add3A_936 : i32 to index
        %get3A_940 = arith.constant 32 : index
        %get3A_941 = tpu.vector_load %arg6[%get3A_938, %get3A_939, %get3A_940] {strides = array<i32>} : memref<8x50x128xf32, #tpu.memory_space<vmem>>, vector<1x1x16xf32>,
        %get3A_942 = vector.shape_cast %get3A_941 : vector<1x1x16xf32> to vector<16xf32>
        %add3A_943 = arith.addf %add3A_871, %get3A_942 : vector<16xf32>
        %add3A_944 = arith.constant 3 : i32
        %add3A_945 = arith.addi %mul3A_701, %add3A_944 : i32
        %get3A_946 = arith.constant 5 : i32
        %get3A_947 = arith.index_cast %get3A_946 : i32 to index
        %get3A_948 = arith.index_cast %add3A_945 : i32 to index
        %get3A_949 = arith.constant 48 : index
        %get3A_950 = tpu.vector_load %arg6[%get3A_947, %get3A_948, %get3A_949] {strides = array<i32>} : memref<8x50x128xf32, #tpu.memory_space<vmem>>, vector<1x1x16xf32>,
        %get3A_951 = vector.shape_cast %get3A_950 : vector<1x1x16xf32> to vector<16xf32>
        %add3A_952 = arith.addf %add3A_880, %get3A_951 : vector<16xf32>
        %add3A_953 = arith.constant 3 : i32
        %add3A_954 = arith.addi %mul3A_701, %add3A_953 : i32
        %get3A_955 = arith.constant 5 : i32
        %get3A_956 = arith.index_cast %get3A_955 : i32 to index
        %get3A_957 = arith.index_cast %add3A_954 : i32 to index
        %get3A_958 = arith.constant 64 : index
        %get3A_959 = tpu.vector_load %arg6[%get3A_956, %get3A_957, %get3A_958] {strides = array<i32>} : memref<8x50x128xf32, #tpu.memory_space<vmem>>, vector<1x1x16xf32>,
        %get3A_960 = vector.shape_cast %get3A_959 : vector<1x1x16xf32> to vector<16xf32>
        %add3A_961 = arith.addf %add3A_889, %get3A_960 : vector<16xf32>
        %add3A_962 = arith.constant 3 : i32
        %add3A_963 = arith.addi %mul3A_701, %add3A_962 : i32
        %get3A_964 = arith.constant 5 : i32
        %get3A_965 = arith.index_cast %get3A_964 : i32 to index
        %get3A_966 = arith.index_cast %add3A_963 : i32 to index
        %get3A_967 = arith.constant 80 : index
        %get3A_968 = tpu.vector_load %arg6[%get3A_965, %get3A_966, %get3A_967] {strides = array<i32>} : memref<8x50x128xf32, #tpu.memory_space<vmem>>, vector<1x1x16xf32>,
        %get3A_969 = vector.shape_cast %get3A_968 : vector<1x1x16xf32> to vector<16xf32>
        %add3A_970 = arith.addf %add3A_898, %get3A_969 : vector<16xf32>
        %add3A_971 = arith.constant 3 : i32
        %add3A_972 = arith.addi %mul3A_701, %add3A_971 : i32
        %get3A_973 = arith.constant 5 : i32
        %get3A_974 = arith.index_cast %get3A_973 : i32 to index
        %get3A_975 = arith.index_cast %add3A_972 : i32 to index
        %get3A_976 = arith.constant 96 : index
        %get3A_977 = tpu.vector_load %arg6[%get3A_974, %get3A_975, %get3A_976] {strides = array<i32>} : memref<8x50x128xf32, #tpu.memory_space<vmem>>, vector<1x1x16xf32>,
        %get3A_978 = vector.shape_cast %get3A_977 : vector<1x1x16xf32> to vector<16xf32>
        %add3A_979 = arith.addf %add3A_907, %get3A_978 : vector<16xf32>
        %add3A_980 = arith.constant 3 : i32
        %add3A_981 = arith.addi %mul3A_701, %add3A_980 : i32
        %get3A_982 = arith.constant 5 : i32
        %get3A_983 = arith.index_cast %get3A_982 : i32 to index
        %get3A_984 = arith.index_cast %add3A_981 : i32 to index
        %get3A_985 = arith.constant 112 : index
        %get3A_986 = tpu.vector_load %arg6[%get3A_983, %get3A_984, %get3A_985] {strides = array<i32>} : memref<8x50x128xf32, #tpu.memory_space<vmem>>, vector<1x1x16xf32>,
        %get3A_987 = vector.shape_cast %get3A_986 : vector<1x1x16xf32> to vector<16xf32>
        %add3A_988 = arith.addf %add3A_916, %get3A_987 : vector<16xf32>
        %add3A_989 = arith.constant 4 : i32
        %add3A_990 = arith.addi %mul3A_701, %add3A_989 : i32
        %get3A_991 = arith.constant 5 : i32
        %get3A_992 = arith.index_cast %get3A_991 : i32 to index
        %get3A_993 = arith.index_cast %add3A_990 : i32 to index
        %get3A_994 = arith.constant 0 : index
        %get3A_995 = tpu.vector_load %arg6[%get3A_992, %get3A_993, %get3A_994] {strides = array<i32>} : memref<8x50x128xf32, #tpu.memory_space<vmem>>, vector<1x1x16xf32>,
        %get3A_996 = vector.shape_cast %get3A_995 : vector<1x1x16xf32> to vector<16xf32>
        %add3A_997 = arith.addf %add3A_925, %get3A_996 : vector<16xf32>
        %add3A_998 = arith.constant 4 : i32
        %add3A_999 = arith.addi %mul3A_701, %add3A_998 : i32
        %get3A_1000 = arith.constant 5 : i32
        %get3A_1001 = arith.index_cast %get3A_1000 : i32 to index
        %get3A_1002 = arith.index_cast %add3A_999 : i32 to index
        %get3A_1003 = arith.constant 16 : index
        %get3A_1004 = tpu.vector_load %arg6[%get3A_1001, %get3A_1002, %get3A_1003] {strides = array<i32>} : memref<8x50x128xf32, #tpu.memory_space<vmem>>, vector<1x1x16xf32>,
        %get3A_1005 = vector.shape_cast %get3A_1004 : vector<1x1x16xf32> to vector<16xf32>
        %add3A_1006 = arith.addf %add3A_934, %get3A_1005 : vector<16xf32>
        %add3A_1007 = arith.constant 4 : i32
        %add3A_1008 = arith.addi %mul3A_701, %add3A_1007 : i32
        %get3A_1009 = arith.constant 5 : i32
        %get3A_1010 = arith.index_cast %get3A_1009 : i32 to index
        %get3A_1011 = arith.index_cast %add3A_1008 : i32 to index
        %get3A_1012 = arith.constant 32 : index
        %get3A_1013 = tpu.vector_load %arg6[%get3A_1010, %get3A_1011, %get3A_1012] {strides = array<i32>} : memref<8x50x128xf32, #tpu.memory_space<vmem>>, vector<1x1x16xf32>,
        %get3A_1014 = vector.shape_cast %get3A_1013 : vector<1x1x16xf32> to vector<16xf32>
        %add3A_1015 = arith.addf %add3A_943, %get3A_1014 : vector<16xf32>
        %add3A_1016 = arith.constant 4 : i32
        %add3A_1017 = arith.addi %mul3A_701, %add3A_1016 : i32
        %get3A_1018 = arith.constant 5 : i32
        %get3A_1019 = arith.index_cast %get3A_1018 : i32 to index
        %get3A_1020 = arith.index_cast %add3A_1017 : i32 to index
        %get3A_1021 = arith.constant 48 : index
        %get3A_1022 = tpu.vector_load %arg6[%get3A_1019, %get3A_1020, %get3A_1021] {strides = array<i32>} : memref<8x50x128xf32, #tpu.memory_space<vmem>>, vector<1x1x16xf32>,
        %get3A_1023 = vector.shape_cast %get3A_1022 : vector<1x1x16xf32> to vector<16xf32>
        %add3A_1024 = arith.addf %add3A_952, %get3A_1023 : vector<16xf32>
        %add3A_1025 = arith.constant 4 : i32
        %add3A_1026 = arith.addi %mul3A_701, %add3A_1025 : i32
        %get3A_1027 = arith.constant 5 : i32
        %get3A_1028 = arith.index_cast %get3A_1027 : i32 to index
        %get3A_1029 = arith.index_cast %add3A_1026 : i32 to index
        %get3A_1030 = arith.constant 64 : index
        %get3A_1031 = tpu.vector_load %arg6[%get3A_1028, %get3A_1029, %get3A_1030] {strides = array<i32>} : memref<8x50x128xf32, #tpu.memory_space<vmem>>, vector<1x1x16xf32>,
        %get3A_1032 = vector.shape_cast %get3A_1031 : vector<1x1x16xf32> to vector<16xf32>
        %add3A_1033 = arith.addf %add3A_961, %get3A_1032 : vector<16xf32>
        %add3A_1034 = arith.constant 4 : i32
        %add3A_1035 = arith.addi %mul3A_701, %add3A_1034 : i32
        %get3A_1036 = arith.constant 5 : i32
        %get3A_1037 = arith.index_cast %get3A_1036 : i32 to index
        %get3A_1038 = arith.index_cast %add3A_1035 : i32 to index
        %get3A_1039 = arith.constant 80 : index
        %get3A_1040 = tpu.vector_load %arg6[%get3A_1037, %get3A_1038, %get3A_1039] {strides = array<i32>} : memref<8x50x128xf32, #tpu.memory_space<vmem>>, vector<1x1x16xf32>,
        %get3A_1041 = vector.shape_cast %get3A_1040 : vector<1x1x16xf32> to vector<16xf32>
        %add3A_1042 = arith.addf %add3A_970, %get3A_1041 : vector<16xf32>
        %add3A_1043 = arith.constant 4 : i32
        %add3A_1044 = arith.addi %mul3A_701, %add3A_1043 : i32
        %get3A_1045 = arith.constant 5 : i32
        %get3A_1046 = arith.index_cast %get3A_1045 : i32 to index
        %get3A_1047 = arith.index_cast %add3A_1044 : i32 to index
        %get3A_1048 = arith.constant 96 : index
        %get3A_1049 = tpu.vector_load %arg6[%get3A_1046, %get3A_1047, %get3A_1048] {strides = array<i32>} : memref<8x50x128xf32, #tpu.memory_space<vmem>>, vector<1x1x16xf32>,
        %get3A_1050 = vector.shape_cast %get3A_1049 : vector<1x1x16xf32> to vector<16xf32>
        %add3A_1051 = arith.addf %add3A_979, %get3A_1050 : vector<16xf32>
        %add3A_1052 = arith.constant 4 : i32
        %add3A_1053 = arith.addi %mul3A_701, %add3A_1052 : i32
        %get3A_1054 = arith.constant 5 : i32
        %get3A_1055 = arith.index_cast %get3A_1054 : i32 to index
        %get3A_1056 = arith.index_cast %add3A_1053 : i32 to index
        %get3A_1057 = arith.constant 112 : index
        %get3A_1058 = tpu.vector_load %arg6[%get3A_1055, %get3A_1056, %get3A_1057] {strides = array<i32>} : memref<8x50x128xf32, #tpu.memory_space<vmem>>, vector<1x1x16xf32>,
        %get3A_1059 = vector.shape_cast %get3A_1058 : vector<1x1x16xf32> to vector<16xf32>
        %add3A_1060 = arith.addf %add3A_988, %get3A_1059 : vector<16xf32>
        scf.yield %add3A_997, %add3A_1006, %add3A_1015, %add3A_1024, %add3A_1033, %add3A_1042, %add3A_1051, %add3A_1060 : vector<16xf32>, vector<16xf32>, vector<16xf32>, vector<16xf32>, vector<16xf32>, vector<16xf32>, vector<16xf32>, vector<16xf32>
      }
      %scan3A_514 = arith.constant 10 : i32
      %add3A_515 = arith.constant 6 : i32
      %add3A_516 = arith.addi %add3A_188, %add3A_515 : i32
      %add3A_517 = arith.constant 8 : i32
      %add3A_518 = arith.addi %add3A_516, %add3A_517 : i32
      %sub3A_519 = arith.constant 1 : i32
      %sub3A_520 = arith.subi %add3A_518, %sub3A_519 : i32
      %min3A_521 = arith.constant 511 : i32
      %min3A_522 = arith.minsi %sub3A_520, %min3A_521 : i32
      %dma_start3A_523 = arith.constant 5 : i32
      %dma_start3A_524 = arith.constant 0 : i32
      %dma_start3A_525 = arith.constant 0 : i32
      %dma_start3A_526 = tpu.memref_slice %arg6[%dma_start3A_523, %dma_start3A_524, %dma_start3A_525] : memref<8x50x128xf32, #tpu.memory_space<vmem>> -> memref<1x50x128xf32, #tpu.memory_space<vmem>>
      %dma_start3A_527 = tpu.memref_squeeze %dma_start3A_526 : memref<1x50x128xf32, #tpu.memory_space<vmem>> -> memref<50x128xf32, #tpu.memory_space<vmem>>
      %dma_start3A_528 = arith.constant 0 : i32
      %dma_start3A_529 = tpu.memref_slice %arg5[%min3A_522, %dma_start3A_528] : memref<512x50xi32, #tpu.memory_space<vmem>> -> memref<1x50xi32, #tpu.memory_space<vmem>>
      %dma_start3A_530 = tpu.memref_squeeze %dma_start3A_529 : memref<1x50xi32, #tpu.memory_space<vmem>> -> memref<50xi32, #tpu.memory_space<vmem>>
      %dma_start3A_531 = arith.constant 0 : i32
      %dma_start3A_532 = arith.constant 0 : i32
      %dma_start3A_533 = tpu.memref_slice %arg3[%dma_start3A_531, %dma_start3A_532] : memref<100000x128xf32, #tpu.memory_space<hbm>> -> memref<100000x128xf32, #tpu.memory_space<hbm>>
      tpu.enqueue_indirect_dma source(%dma_start3A_533 : memref<100000x128xf32, #tpu.memory_space<hbm>>) target(%dma_start3A_527 : memref<50x128xf32, #tpu.memory_space<vmem>>) offsets(%dma_start3A_530 : memref<50xi32, #tpu.memory_space<vmem>>) semaphore(%arg13 : memref<!tpu.dma_semaphore, #tpu.memory_space<semaphore_mem>>)
      %dma_wait3A_534 = arith.constant 0 : i32
      %dma_wait3A_535 = arith.constant 6 : i32
      %dma_wait3A_536 = arith.constant 0 : i32
      %dma_wait3A_537 = arith.constant 0 : i32
      %dma_wait3A_538 = tpu.memref_slice %arg6[%dma_wait3A_535, %dma_wait3A_536, %dma_wait3A_537] : memref<8x50x128xf32, #tpu.memory_space<vmem>> -> memref<1x50x128xf32, #tpu.memory_space<vmem>>
      %dma_wait3A_539 = tpu.memref_squeeze %dma_wait3A_538 : memref<1x50x128xf32, #tpu.memory_space<vmem>> -> memref<50x128xf32, #tpu.memory_space<vmem>>
      %dma_wait3A_540 = arith.constant 0 : i32
      %dma_wait3A_541 = tpu.memref_slice %arg5[%dma_wait3A_534, %dma_wait3A_540] : memref<512x50xi32, #tpu.memory_space<vmem>> -> memref<1x50xi32, #tpu.memory_space<vmem>>
      %dma_wait3A_542 = tpu.memref_squeeze %dma_wait3A_541 : memref<1x50xi32, #tpu.memory_space<vmem>> -> memref<50xi32, #tpu.memory_space<vmem>>
      %dma_wait3A_543 = arith.constant 0 : i32
      %dma_wait3A_544 = arith.constant 0 : i32
      %dma_wait3A_545 = tpu.memref_slice %arg3[%dma_wait3A_543, %dma_wait3A_544] : memref<100000x128xf32, #tpu.memory_space<hbm>> -> memref<100000x128xf32, #tpu.memory_space<hbm>>
      tpu.wait_indirect_dma semaphore(%arg14 : memref<!tpu.dma_semaphore, #tpu.memory_space<semaphore_mem>>) src(%dma_wait3A_545 : memref<100000x128xf32, #tpu.memory_space<hbm>>) dst(%dma_wait3A_539 : memref<50x128xf32, #tpu.memory_space<vmem>>)
      %scan3A_546 = arith.constant 0 : i32
      %scan3A_547 = arith.constant 10 : i32
      %scan3A_548 = arith.addi %scan3A_546, %scan3A_547 : i32
      %scan3A_549 = arith.constant 1 : i32
      %scan3A_550:8 = scf.for %scan3A_691 = %scan3A_546 to %scan3A_548 step %scan3A_549 iter_args(%scan3A_692 = %scan3A_513#0, %scan3A_693 = %scan3A_513#1, %scan3A_694 = %scan3A_513#2, %scan3A_695 = %scan3A_513#3, %scan3A_696 = %scan3A_513#4, %scan3A_697 = %scan3A_513#5, %scan3A_698 = %scan3A_513#6, %scan3A_699 = %scan3A_513#7) -> (vector<16xf32>, vector<16xf32>, vector<16xf32>, vector<16xf32>, vector<16xf32>, vector<16xf32>, vector<16xf32>, vector<16xf32>)  : i32 {
        %mul3A_700 = arith.constant 5 : i32
        %mul3A_701 = arith.muli %scan3A_691, %mul3A_700 : i32
        %add3A_702 = arith.constant 0 : i32
        %add3A_703 = arith.addi %mul3A_701, %add3A_702 : i32
        %get3A = arith.constant 6 : i32
        %get3A_704 = arith.index_cast %get3A : i32 to index
        %get3A_705 = arith.index_cast %add3A_703 : i32 to index
        %get3A_706 = arith.constant 0 : index
        %get3A_707 = tpu.vector_load %arg6[%get3A_704, %get3A_705, %get3A_706] {strides = array<i32>} : memref<8x50x128xf32, #tpu.memory_space<vmem>>, vector<1x1x16xf32>,
        %get3A_708 = vector.shape_cast %get3A_707 : vector<1x1x16xf32> to vector<16xf32>
        %add3A_709 = arith.addf %scan3A_692, %get3A_708 : vector<16xf32>
        %add3A_710 = arith.constant 0 : i32
        %add3A_711 = arith.addi %mul3A_701, %add3A_710 : i32
        %get3A_712 = arith.constant 6 : i32
        %get3A_713 = arith.index_cast %get3A_712 : i32 to index
        %get3A_714 = arith.index_cast %add3A_711 : i32 to index
        %get3A_715 = arith.constant 16 : index
        %get3A_716 = tpu.vector_load %arg6[%get3A_713, %get3A_714, %get3A_715] {strides = array<i32>} : memref<8x50x128xf32, #tpu.memory_space<vmem>>, vector<1x1x16xf32>,
        %get3A_717 = vector.shape_cast %get3A_716 : vector<1x1x16xf32> to vector<16xf32>
        %add3A_718 = arith.addf %scan3A_693, %get3A_717 : vector<16xf32>
        %add3A_719 = arith.constant 0 : i32
        %add3A_720 = arith.addi %mul3A_701, %add3A_719 : i32
        %get3A_721 = arith.constant 6 : i32
        %get3A_722 = arith.index_cast %get3A_721 : i32 to index
        %get3A_723 = arith.index_cast %add3A_720 : i32 to index
        %get3A_724 = arith.constant 32 : index
        %get3A_725 = tpu.vector_load %arg6[%get3A_722, %get3A_723, %get3A_724] {strides = array<i32>} : memref<8x50x128xf32, #tpu.memory_space<vmem>>, vector<1x1x16xf32>,
        %get3A_726 = vector.shape_cast %get3A_725 : vector<1x1x16xf32> to vector<16xf32>
        %add3A_727 = arith.addf %scan3A_694, %get3A_726 : vector<16xf32>
        %add3A_728 = arith.constant 0 : i32
        %add3A_729 = arith.addi %mul3A_701, %add3A_728 : i32
        %get3A_730 = arith.constant 6 : i32
        %get3A_731 = arith.index_cast %get3A_730 : i32 to index
        %get3A_732 = arith.index_cast %add3A_729 : i32 to index
        %get3A_733 = arith.constant 48 : index
        %get3A_734 = tpu.vector_load %arg6[%get3A_731, %get3A_732, %get3A_733] {strides = array<i32>} : memref<8x50x128xf32, #tpu.memory_space<vmem>>, vector<1x1x16xf32>,
        %get3A_735 = vector.shape_cast %get3A_734 : vector<1x1x16xf32> to vector<16xf32>
        %add3A_736 = arith.addf %scan3A_695, %get3A_735 : vector<16xf32>
        %add3A_737 = arith.constant 0 : i32
        %add3A_738 = arith.addi %mul3A_701, %add3A_737 : i32
        %get3A_739 = arith.constant 6 : i32
        %get3A_740 = arith.index_cast %get3A_739 : i32 to index
        %get3A_741 = arith.index_cast %add3A_738 : i32 to index
        %get3A_742 = arith.constant 64 : index
        %get3A_743 = tpu.vector_load %arg6[%get3A_740, %get3A_741, %get3A_742] {strides = array<i32>} : memref<8x50x128xf32, #tpu.memory_space<vmem>>, vector<1x1x16xf32>,
        %get3A_744 = vector.shape_cast %get3A_743 : vector<1x1x16xf32> to vector<16xf32>
        %add3A_745 = arith.addf %scan3A_696, %get3A_744 : vector<16xf32>
        %add3A_746 = arith.constant 0 : i32
        %add3A_747 = arith.addi %mul3A_701, %add3A_746 : i32
        %get3A_748 = arith.constant 6 : i32
        %get3A_749 = arith.index_cast %get3A_748 : i32 to index
        %get3A_750 = arith.index_cast %add3A_747 : i32 to index
        %get3A_751 = arith.constant 80 : index
        %get3A_752 = tpu.vector_load %arg6[%get3A_749, %get3A_750, %get3A_751] {strides = array<i32>} : memref<8x50x128xf32, #tpu.memory_space<vmem>>, vector<1x1x16xf32>,
        %get3A_753 = vector.shape_cast %get3A_752 : vector<1x1x16xf32> to vector<16xf32>
        %add3A_754 = arith.addf %scan3A_697, %get3A_753 : vector<16xf32>
        %add3A_755 = arith.constant 0 : i32
        %add3A_756 = arith.addi %mul3A_701, %add3A_755 : i32
        %get3A_757 = arith.constant 6 : i32
        %get3A_758 = arith.index_cast %get3A_757 : i32 to index
        %get3A_759 = arith.index_cast %add3A_756 : i32 to index
        %get3A_760 = arith.constant 96 : index
        %get3A_761 = tpu.vector_load %arg6[%get3A_758, %get3A_759, %get3A_760] {strides = array<i32>} : memref<8x50x128xf32, #tpu.memory_space<vmem>>, vector<1x1x16xf32>,
        %get3A_762 = vector.shape_cast %get3A_761 : vector<1x1x16xf32> to vector<16xf32>
        %add3A_763 = arith.addf %scan3A_698, %get3A_762 : vector<16xf32>
        %add3A_764 = arith.constant 0 : i32
        %add3A_765 = arith.addi %mul3A_701, %add3A_764 : i32
        %get3A_766 = arith.constant 6 : i32
        %get3A_767 = arith.index_cast %get3A_766 : i32 to index
        %get3A_768 = arith.index_cast %add3A_765 : i32 to index
        %get3A_769 = arith.constant 112 : index
        %get3A_770 = tpu.vector_load %arg6[%get3A_767, %get3A_768, %get3A_769] {strides = array<i32>} : memref<8x50x128xf32, #tpu.memory_space<vmem>>, vector<1x1x16xf32>,
        %get3A_771 = vector.shape_cast %get3A_770 : vector<1x1x16xf32> to vector<16xf32>
        %add3A_772 = arith.addf %scan3A_699, %get3A_771 : vector<16xf32>
        %add3A_773 = arith.constant 1 : i32
        %add3A_774 = arith.addi %mul3A_701, %add3A_773 : i32
        %get3A_775 = arith.constant 6 : i32
        %get3A_776 = arith.index_cast %get3A_775 : i32 to index
        %get3A_777 = arith.index_cast %add3A_774 : i32 to index
        %get3A_778 = arith.constant 0 : index
        %get3A_779 = tpu.vector_load %arg6[%get3A_776, %get3A_777, %get3A_778] {strides = array<i32>} : memref<8x50x128xf32, #tpu.memory_space<vmem>>, vector<1x1x16xf32>,
        %get3A_780 = vector.shape_cast %get3A_779 : vector<1x1x16xf32> to vector<16xf32>
        %add3A_781 = arith.addf %add3A_709, %get3A_780 : vector<16xf32>
        %add3A_782 = arith.constant 1 : i32
        %add3A_783 = arith.addi %mul3A_701, %add3A_782 : i32
        %get3A_784 = arith.constant 6 : i32
        %get3A_785 = arith.index_cast %get3A_784 : i32 to index
        %get3A_786 = arith.index_cast %add3A_783 : i32 to index
        %get3A_787 = arith.constant 16 : index
        %get3A_788 = tpu.vector_load %arg6[%get3A_785, %get3A_786, %get3A_787] {strides = array<i32>} : memref<8x50x128xf32, #tpu.memory_space<vmem>>, vector<1x1x16xf32>,
        %get3A_789 = vector.shape_cast %get3A_788 : vector<1x1x16xf32> to vector<16xf32>
        %add3A_790 = arith.addf %add3A_718, %get3A_789 : vector<16xf32>
        %add3A_791 = arith.constant 1 : i32
        %add3A_792 = arith.addi %mul3A_701, %add3A_791 : i32
        %get3A_793 = arith.constant 6 : i32
        %get3A_794 = arith.index_cast %get3A_793 : i32 to index
        %get3A_795 = arith.index_cast %add3A_792 : i32 to index
        %get3A_796 = arith.constant 32 : index
        %get3A_797 = tpu.vector_load %arg6[%get3A_794, %get3A_795, %get3A_796] {strides = array<i32>} : memref<8x50x128xf32, #tpu.memory_space<vmem>>, vector<1x1x16xf32>,
        %get3A_798 = vector.shape_cast %get3A_797 : vector<1x1x16xf32> to vector<16xf32>
        %add3A_799 = arith.addf %add3A_727, %get3A_798 : vector<16xf32>
        %add3A_800 = arith.constant 1 : i32
        %add3A_801 = arith.addi %mul3A_701, %add3A_800 : i32
        %get3A_802 = arith.constant 6 : i32
        %get3A_803 = arith.index_cast %get3A_802 : i32 to index
        %get3A_804 = arith.index_cast %add3A_801 : i32 to index
        %get3A_805 = arith.constant 48 : index
        %get3A_806 = tpu.vector_load %arg6[%get3A_803, %get3A_804, %get3A_805] {strides = array<i32>} : memref<8x50x128xf32, #tpu.memory_space<vmem>>, vector<1x1x16xf32>,
        %get3A_807 = vector.shape_cast %get3A_806 : vector<1x1x16xf32> to vector<16xf32>
        %add3A_808 = arith.addf %add3A_736, %get3A_807 : vector<16xf32>
        %add3A_809 = arith.constant 1 : i32
        %add3A_810 = arith.addi %mul3A_701, %add3A_809 : i32
        %get3A_811 = arith.constant 6 : i32
        %get3A_812 = arith.index_cast %get3A_811 : i32 to index
        %get3A_813 = arith.index_cast %add3A_810 : i32 to index
        %get3A_814 = arith.constant 64 : index
        %get3A_815 = tpu.vector_load %arg6[%get3A_812, %get3A_813, %get3A_814] {strides = array<i32>} : memref<8x50x128xf32, #tpu.memory_space<vmem>>, vector<1x1x16xf32>,
        %get3A_816 = vector.shape_cast %get3A_815 : vector<1x1x16xf32> to vector<16xf32>
        %add3A_817 = arith.addf %add3A_745, %get3A_816 : vector<16xf32>
        %add3A_818 = arith.constant 1 : i32
        %add3A_819 = arith.addi %mul3A_701, %add3A_818 : i32
        %get3A_820 = arith.constant 6 : i32
        %get3A_821 = arith.index_cast %get3A_820 : i32 to index
        %get3A_822 = arith.index_cast %add3A_819 : i32 to index
        %get3A_823 = arith.constant 80 : index
        %get3A_824 = tpu.vector_load %arg6[%get3A_821, %get3A_822, %get3A_823] {strides = array<i32>} : memref<8x50x128xf32, #tpu.memory_space<vmem>>, vector<1x1x16xf32>,
        %get3A_825 = vector.shape_cast %get3A_824 : vector<1x1x16xf32> to vector<16xf32>
        %add3A_826 = arith.addf %add3A_754, %get3A_825 : vector<16xf32>
        %add3A_827 = arith.constant 1 : i32
        %add3A_828 = arith.addi %mul3A_701, %add3A_827 : i32
        %get3A_829 = arith.constant 6 : i32
        %get3A_830 = arith.index_cast %get3A_829 : i32 to index
        %get3A_831 = arith.index_cast %add3A_828 : i32 to index
        %get3A_832 = arith.constant 96 : index
        %get3A_833 = tpu.vector_load %arg6[%get3A_830, %get3A_831, %get3A_832] {strides = array<i32>} : memref<8x50x128xf32, #tpu.memory_space<vmem>>, vector<1x1x16xf32>,
        %get3A_834 = vector.shape_cast %get3A_833 : vector<1x1x16xf32> to vector<16xf32>
        %add3A_835 = arith.addf %add3A_763, %get3A_834 : vector<16xf32>
        %add3A_836 = arith.constant 1 : i32
        %add3A_837 = arith.addi %mul3A_701, %add3A_836 : i32
        %get3A_838 = arith.constant 6 : i32
        %get3A_839 = arith.index_cast %get3A_838 : i32 to index
        %get3A_840 = arith.index_cast %add3A_837 : i32 to index
        %get3A_841 = arith.constant 112 : index
        %get3A_842 = tpu.vector_load %arg6[%get3A_839, %get3A_840, %get3A_841] {strides = array<i32>} : memref<8x50x128xf32, #tpu.memory_space<vmem>>, vector<1x1x16xf32>,
        %get3A_843 = vector.shape_cast %get3A_842 : vector<1x1x16xf32> to vector<16xf32>
        %add3A_844 = arith.addf %add3A_772, %get3A_843 : vector<16xf32>
        %add3A_845 = arith.constant 2 : i32
        %add3A_846 = arith.addi %mul3A_701, %add3A_845 : i32
        %get3A_847 = arith.constant 6 : i32
        %get3A_848 = arith.index_cast %get3A_847 : i32 to index
        %get3A_849 = arith.index_cast %add3A_846 : i32 to index
        %get3A_850 = arith.constant 0 : index
        %get3A_851 = tpu.vector_load %arg6[%get3A_848, %get3A_849, %get3A_850] {strides = array<i32>} : memref<8x50x128xf32, #tpu.memory_space<vmem>>, vector<1x1x16xf32>,
        %get3A_852 = vector.shape_cast %get3A_851 : vector<1x1x16xf32> to vector<16xf32>
        %add3A_853 = arith.addf %add3A_781, %get3A_852 : vector<16xf32>
        %add3A_854 = arith.constant 2 : i32
        %add3A_855 = arith.addi %mul3A_701, %add3A_854 : i32
        %get3A_856 = arith.constant 6 : i32
        %get3A_857 = arith.index_cast %get3A_856 : i32 to index
        %get3A_858 = arith.index_cast %add3A_855 : i32 to index
        %get3A_859 = arith.constant 16 : index
        %get3A_860 = tpu.vector_load %arg6[%get3A_857, %get3A_858, %get3A_859] {strides = array<i32>} : memref<8x50x128xf32, #tpu.memory_space<vmem>>, vector<1x1x16xf32>,
        %get3A_861 = vector.shape_cast %get3A_860 : vector<1x1x16xf32> to vector<16xf32>
        %add3A_862 = arith.addf %add3A_790, %get3A_861 : vector<16xf32>
        %add3A_863 = arith.constant 2 : i32
        %add3A_864 = arith.addi %mul3A_701, %add3A_863 : i32
        %get3A_865 = arith.constant 6 : i32
        %get3A_866 = arith.index_cast %get3A_865 : i32 to index
        %get3A_867 = arith.index_cast %add3A_864 : i32 to index
        %get3A_868 = arith.constant 32 : index
        %get3A_869 = tpu.vector_load %arg6[%get3A_866, %get3A_867, %get3A_868] {strides = array<i32>} : memref<8x50x128xf32, #tpu.memory_space<vmem>>, vector<1x1x16xf32>,
        %get3A_870 = vector.shape_cast %get3A_869 : vector<1x1x16xf32> to vector<16xf32>
        %add3A_871 = arith.addf %add3A_799, %get3A_870 : vector<16xf32>
        %add3A_872 = arith.constant 2 : i32
        %add3A_873 = arith.addi %mul3A_701, %add3A_872 : i32
        %get3A_874 = arith.constant 6 : i32
        %get3A_875 = arith.index_cast %get3A_874 : i32 to index
        %get3A_876 = arith.index_cast %add3A_873 : i32 to index
        %get3A_877 = arith.constant 48 : index
        %get3A_878 = tpu.vector_load %arg6[%get3A_875, %get3A_876, %get3A_877] {strides = array<i32>} : memref<8x50x128xf32, #tpu.memory_space<vmem>>, vector<1x1x16xf32>,
        %get3A_879 = vector.shape_cast %get3A_878 : vector<1x1x16xf32> to vector<16xf32>
        %add3A_880 = arith.addf %add3A_808, %get3A_879 : vector<16xf32>
        %add3A_881 = arith.constant 2 : i32
        %add3A_882 = arith.addi %mul3A_701, %add3A_881 : i32
        %get3A_883 = arith.constant 6 : i32
        %get3A_884 = arith.index_cast %get3A_883 : i32 to index
        %get3A_885 = arith.index_cast %add3A_882 : i32 to index
        %get3A_886 = arith.constant 64 : index
        %get3A_887 = tpu.vector_load %arg6[%get3A_884, %get3A_885, %get3A_886] {strides = array<i32>} : memref<8x50x128xf32, #tpu.memory_space<vmem>>, vector<1x1x16xf32>,
        %get3A_888 = vector.shape_cast %get3A_887 : vector<1x1x16xf32> to vector<16xf32>
        %add3A_889 = arith.addf %add3A_817, %get3A_888 : vector<16xf32>
        %add3A_890 = arith.constant 2 : i32
        %add3A_891 = arith.addi %mul3A_701, %add3A_890 : i32
        %get3A_892 = arith.constant 6 : i32
        %get3A_893 = arith.index_cast %get3A_892 : i32 to index
        %get3A_894 = arith.index_cast %add3A_891 : i32 to index
        %get3A_895 = arith.constant 80 : index
        %get3A_896 = tpu.vector_load %arg6[%get3A_893, %get3A_894, %get3A_895] {strides = array<i32>} : memref<8x50x128xf32, #tpu.memory_space<vmem>>, vector<1x1x16xf32>,
        %get3A_897 = vector.shape_cast %get3A_896 : vector<1x1x16xf32> to vector<16xf32>
        %add3A_898 = arith.addf %add3A_826, %get3A_897 : vector<16xf32>
        %add3A_899 = arith.constant 2 : i32
        %add3A_900 = arith.addi %mul3A_701, %add3A_899 : i32
        %get3A_901 = arith.constant 6 : i32
        %get3A_902 = arith.index_cast %get3A_901 : i32 to index
        %get3A_903 = arith.index_cast %add3A_900 : i32 to index
        %get3A_904 = arith.constant 96 : index
        %get3A_905 = tpu.vector_load %arg6[%get3A_902, %get3A_903, %get3A_904] {strides = array<i32>} : memref<8x50x128xf32, #tpu.memory_space<vmem>>, vector<1x1x16xf32>,
        %get3A_906 = vector.shape_cast %get3A_905 : vector<1x1x16xf32> to vector<16xf32>
        %add3A_907 = arith.addf %add3A_835, %get3A_906 : vector<16xf32>
        %add3A_908 = arith.constant 2 : i32
        %add3A_909 = arith.addi %mul3A_701, %add3A_908 : i32
        %get3A_910 = arith.constant 6 : i32
        %get3A_911 = arith.index_cast %get3A_910 : i32 to index
        %get3A_912 = arith.index_cast %add3A_909 : i32 to index
        %get3A_913 = arith.constant 112 : index
        %get3A_914 = tpu.vector_load %arg6[%get3A_911, %get3A_912, %get3A_913] {strides = array<i32>} : memref<8x50x128xf32, #tpu.memory_space<vmem>>, vector<1x1x16xf32>,
        %get3A_915 = vector.shape_cast %get3A_914 : vector<1x1x16xf32> to vector<16xf32>
        %add3A_916 = arith.addf %add3A_844, %get3A_915 : vector<16xf32>
        %add3A_917 = arith.constant 3 : i32
        %add3A_918 = arith.addi %mul3A_701, %add3A_917 : i32
        %get3A_919 = arith.constant 6 : i32
        %get3A_920 = arith.index_cast %get3A_919 : i32 to index
        %get3A_921 = arith.index_cast %add3A_918 : i32 to index
        %get3A_922 = arith.constant 0 : index
        %get3A_923 = tpu.vector_load %arg6[%get3A_920, %get3A_921, %get3A_922] {strides = array<i32>} : memref<8x50x128xf32, #tpu.memory_space<vmem>>, vector<1x1x16xf32>,
        %get3A_924 = vector.shape_cast %get3A_923 : vector<1x1x16xf32> to vector<16xf32>
        %add3A_925 = arith.addf %add3A_853, %get3A_924 : vector<16xf32>
        %add3A_926 = arith.constant 3 : i32
        %add3A_927 = arith.addi %mul3A_701, %add3A_926 : i32
        %get3A_928 = arith.constant 6 : i32
        %get3A_929 = arith.index_cast %get3A_928 : i32 to index
        %get3A_930 = arith.index_cast %add3A_927 : i32 to index
        %get3A_931 = arith.constant 16 : index
        %get3A_932 = tpu.vector_load %arg6[%get3A_929, %get3A_930, %get3A_931] {strides = array<i32>} : memref<8x50x128xf32, #tpu.memory_space<vmem>>, vector<1x1x16xf32>,
        %get3A_933 = vector.shape_cast %get3A_932 : vector<1x1x16xf32> to vector<16xf32>
        %add3A_934 = arith.addf %add3A_862, %get3A_933 : vector<16xf32>
        %add3A_935 = arith.constant 3 : i32
        %add3A_936 = arith.addi %mul3A_701, %add3A_935 : i32
        %get3A_937 = arith.constant 6 : i32
        %get3A_938 = arith.index_cast %get3A_937 : i32 to index
        %get3A_939 = arith.index_cast %add3A_936 : i32 to index
        %get3A_940 = arith.constant 32 : index
        %get3A_941 = tpu.vector_load %arg6[%get3A_938, %get3A_939, %get3A_940] {strides = array<i32>} : memref<8x50x128xf32, #tpu.memory_space<vmem>>, vector<1x1x16xf32>,
        %get3A_942 = vector.shape_cast %get3A_941 : vector<1x1x16xf32> to vector<16xf32>
        %add3A_943 = arith.addf %add3A_871, %get3A_942 : vector<16xf32>
        %add3A_944 = arith.constant 3 : i32
        %add3A_945 = arith.addi %mul3A_701, %add3A_944 : i32
        %get3A_946 = arith.constant 6 : i32
        %get3A_947 = arith.index_cast %get3A_946 : i32 to index
        %get3A_948 = arith.index_cast %add3A_945 : i32 to index
        %get3A_949 = arith.constant 48 : index
        %get3A_950 = tpu.vector_load %arg6[%get3A_947, %get3A_948, %get3A_949] {strides = array<i32>} : memref<8x50x128xf32, #tpu.memory_space<vmem>>, vector<1x1x16xf32>,
        %get3A_951 = vector.shape_cast %get3A_950 : vector<1x1x16xf32> to vector<16xf32>
        %add3A_952 = arith.addf %add3A_880, %get3A_951 : vector<16xf32>
        %add3A_953 = arith.constant 3 : i32
        %add3A_954 = arith.addi %mul3A_701, %add3A_953 : i32
        %get3A_955 = arith.constant 6 : i32
        %get3A_956 = arith.index_cast %get3A_955 : i32 to index
        %get3A_957 = arith.index_cast %add3A_954 : i32 to index
        %get3A_958 = arith.constant 64 : index
        %get3A_959 = tpu.vector_load %arg6[%get3A_956, %get3A_957, %get3A_958] {strides = array<i32>} : memref<8x50x128xf32, #tpu.memory_space<vmem>>, vector<1x1x16xf32>,
        %get3A_960 = vector.shape_cast %get3A_959 : vector<1x1x16xf32> to vector<16xf32>
        %add3A_961 = arith.addf %add3A_889, %get3A_960 : vector<16xf32>
        %add3A_962 = arith.constant 3 : i32
        %add3A_963 = arith.addi %mul3A_701, %add3A_962 : i32
        %get3A_964 = arith.constant 6 : i32
        %get3A_965 = arith.index_cast %get3A_964 : i32 to index
        %get3A_966 = arith.index_cast %add3A_963 : i32 to index
        %get3A_967 = arith.constant 80 : index
        %get3A_968 = tpu.vector_load %arg6[%get3A_965, %get3A_966, %get3A_967] {strides = array<i32>} : memref<8x50x128xf32, #tpu.memory_space<vmem>>, vector<1x1x16xf32>,
        %get3A_969 = vector.shape_cast %get3A_968 : vector<1x1x16xf32> to vector<16xf32>
        %add3A_970 = arith.addf %add3A_898, %get3A_969 : vector<16xf32>
        %add3A_971 = arith.constant 3 : i32
        %add3A_972 = arith.addi %mul3A_701, %add3A_971 : i32
        %get3A_973 = arith.constant 6 : i32
        %get3A_974 = arith.index_cast %get3A_973 : i32 to index
        %get3A_975 = arith.index_cast %add3A_972 : i32 to index
        %get3A_976 = arith.constant 96 : index
        %get3A_977 = tpu.vector_load %arg6[%get3A_974, %get3A_975, %get3A_976] {strides = array<i32>} : memref<8x50x128xf32, #tpu.memory_space<vmem>>, vector<1x1x16xf32>,
        %get3A_978 = vector.shape_cast %get3A_977 : vector<1x1x16xf32> to vector<16xf32>
        %add3A_979 = arith.addf %add3A_907, %get3A_978 : vector<16xf32>
        %add3A_980 = arith.constant 3 : i32
        %add3A_981 = arith.addi %mul3A_701, %add3A_980 : i32
        %get3A_982 = arith.constant 6 : i32
        %get3A_983 = arith.index_cast %get3A_982 : i32 to index
        %get3A_984 = arith.index_cast %add3A_981 : i32 to index
        %get3A_985 = arith.constant 112 : index
        %get3A_986 = tpu.vector_load %arg6[%get3A_983, %get3A_984, %get3A_985] {strides = array<i32>} : memref<8x50x128xf32, #tpu.memory_space<vmem>>, vector<1x1x16xf32>,
        %get3A_987 = vector.shape_cast %get3A_986 : vector<1x1x16xf32> to vector<16xf32>
        %add3A_988 = arith.addf %add3A_916, %get3A_987 : vector<16xf32>
        %add3A_989 = arith.constant 4 : i32
        %add3A_990 = arith.addi %mul3A_701, %add3A_989 : i32
        %get3A_991 = arith.constant 6 : i32
        %get3A_992 = arith.index_cast %get3A_991 : i32 to index
        %get3A_993 = arith.index_cast %add3A_990 : i32 to index
        %get3A_994 = arith.constant 0 : index
        %get3A_995 = tpu.vector_load %arg6[%get3A_992, %get3A_993, %get3A_994] {strides = array<i32>} : memref<8x50x128xf32, #tpu.memory_space<vmem>>, vector<1x1x16xf32>,
        %get3A_996 = vector.shape_cast %get3A_995 : vector<1x1x16xf32> to vector<16xf32>
        %add3A_997 = arith.addf %add3A_925, %get3A_996 : vector<16xf32>
        %add3A_998 = arith.constant 4 : i32
        %add3A_999 = arith.addi %mul3A_701, %add3A_998 : i32
        %get3A_1000 = arith.constant 6 : i32
        %get3A_1001 = arith.index_cast %get3A_1000 : i32 to index
        %get3A_1002 = arith.index_cast %add3A_999 : i32 to index
        %get3A_1003 = arith.constant 16 : index
        %get3A_1004 = tpu.vector_load %arg6[%get3A_1001, %get3A_1002, %get3A_1003] {strides = array<i32>} : memref<8x50x128xf32, #tpu.memory_space<vmem>>, vector<1x1x16xf32>,
        %get3A_1005 = vector.shape_cast %get3A_1004 : vector<1x1x16xf32> to vector<16xf32>
        %add3A_1006 = arith.addf %add3A_934, %get3A_1005 : vector<16xf32>
        %add3A_1007 = arith.constant 4 : i32
        %add3A_1008 = arith.addi %mul3A_701, %add3A_1007 : i32
        %get3A_1009 = arith.constant 6 : i32
        %get3A_1010 = arith.index_cast %get3A_1009 : i32 to index
        %get3A_1011 = arith.index_cast %add3A_1008 : i32 to index
        %get3A_1012 = arith.constant 32 : index
        %get3A_1013 = tpu.vector_load %arg6[%get3A_1010, %get3A_1011, %get3A_1012] {strides = array<i32>} : memref<8x50x128xf32, #tpu.memory_space<vmem>>, vector<1x1x16xf32>,
        %get3A_1014 = vector.shape_cast %get3A_1013 : vector<1x1x16xf32> to vector<16xf32>
        %add3A_1015 = arith.addf %add3A_943, %get3A_1014 : vector<16xf32>
        %add3A_1016 = arith.constant 4 : i32
        %add3A_1017 = arith.addi %mul3A_701, %add3A_1016 : i32
        %get3A_1018 = arith.constant 6 : i32
        %get3A_1019 = arith.index_cast %get3A_1018 : i32 to index
        %get3A_1020 = arith.index_cast %add3A_1017 : i32 to index
        %get3A_1021 = arith.constant 48 : index
        %get3A_1022 = tpu.vector_load %arg6[%get3A_1019, %get3A_1020, %get3A_1021] {strides = array<i32>} : memref<8x50x128xf32, #tpu.memory_space<vmem>>, vector<1x1x16xf32>,
        %get3A_1023 = vector.shape_cast %get3A_1022 : vector<1x1x16xf32> to vector<16xf32>
        %add3A_1024 = arith.addf %add3A_952, %get3A_1023 : vector<16xf32>
        %add3A_1025 = arith.constant 4 : i32
        %add3A_1026 = arith.addi %mul3A_701, %add3A_1025 : i32
        %get3A_1027 = arith.constant 6 : i32
        %get3A_1028 = arith.index_cast %get3A_1027 : i32 to index
        %get3A_1029 = arith.index_cast %add3A_1026 : i32 to index
        %get3A_1030 = arith.constant 64 : index
        %get3A_1031 = tpu.vector_load %arg6[%get3A_1028, %get3A_1029, %get3A_1030] {strides = array<i32>} : memref<8x50x128xf32, #tpu.memory_space<vmem>>, vector<1x1x16xf32>,
        %get3A_1032 = vector.shape_cast %get3A_1031 : vector<1x1x16xf32> to vector<16xf32>
        %add3A_1033 = arith.addf %add3A_961, %get3A_1032 : vector<16xf32>
        %add3A_1034 = arith.constant 4 : i32
        %add3A_1035 = arith.addi %mul3A_701, %add3A_1034 : i32
        %get3A_1036 = arith.constant 6 : i32
        %get3A_1037 = arith.index_cast %get3A_1036 : i32 to index
        %get3A_1038 = arith.index_cast %add3A_1035 : i32 to index
        %get3A_1039 = arith.constant 80 : index
        %get3A_1040 = tpu.vector_load %arg6[%get3A_1037, %get3A_1038, %get3A_1039] {strides = array<i32>} : memref<8x50x128xf32, #tpu.memory_space<vmem>>, vector<1x1x16xf32>,
        %get3A_1041 = vector.shape_cast %get3A_1040 : vector<1x1x16xf32> to vector<16xf32>
        %add3A_1042 = arith.addf %add3A_970, %get3A_1041 : vector<16xf32>
        %add3A_1043 = arith.constant 4 : i32
        %add3A_1044 = arith.addi %mul3A_701, %add3A_1043 : i32
        %get3A_1045 = arith.constant 6 : i32
        %get3A_1046 = arith.index_cast %get3A_1045 : i32 to index
        %get3A_1047 = arith.index_cast %add3A_1044 : i32 to index
        %get3A_1048 = arith.constant 96 : index
        %get3A_1049 = tpu.vector_load %arg6[%get3A_1046, %get3A_1047, %get3A_1048] {strides = array<i32>} : memref<8x50x128xf32, #tpu.memory_space<vmem>>, vector<1x1x16xf32>,
        %get3A_1050 = vector.shape_cast %get3A_1049 : vector<1x1x16xf32> to vector<16xf32>
        %add3A_1051 = arith.addf %add3A_979, %get3A_1050 : vector<16xf32>
        %add3A_1052 = arith.constant 4 : i32
        %add3A_1053 = arith.addi %mul3A_701, %add3A_1052 : i32
        %get3A_1054 = arith.constant 6 : i32
        %get3A_1055 = arith.index_cast %get3A_1054 : i32 to index
        %get3A_1056 = arith.index_cast %add3A_1053 : i32 to index
        %get3A_1057 = arith.constant 112 : index
        %get3A_1058 = tpu.vector_load %arg6[%get3A_1055, %get3A_1056, %get3A_1057] {strides = array<i32>} : memref<8x50x128xf32, #tpu.memory_space<vmem>>, vector<1x1x16xf32>,
        %get3A_1059 = vector.shape_cast %get3A_1058 : vector<1x1x16xf32> to vector<16xf32>
        %add3A_1060 = arith.addf %add3A_988, %get3A_1059 : vector<16xf32>
        scf.yield %add3A_997, %add3A_1006, %add3A_1015, %add3A_1024, %add3A_1033, %add3A_1042, %add3A_1051, %add3A_1060 : vector<16xf32>, vector<16xf32>, vector<16xf32>, vector<16xf32>, vector<16xf32>, vector<16xf32>, vector<16xf32>, vector<16xf32>
      }
      %scan3A_551 = arith.constant 10 : i32
      %add3A_552 = arith.constant 7 : i32
      %add3A_553 = arith.addi %add3A_188, %add3A_552 : i32
      %add3A_554 = arith.constant 8 : i32
      %add3A_555 = arith.addi %add3A_553, %add3A_554 : i32
      %sub3A_556 = arith.constant 1 : i32
      %sub3A_557 = arith.subi %add3A_555, %sub3A_556 : i32
      %min3A_558 = arith.constant 511 : i32
      %min3A_559 = arith.minsi %sub3A_557, %min3A_558 : i32
      %dma_start3A_560 = arith.constant 6 : i32
      %dma_start3A_561 = arith.constant 0 : i32
      %dma_start3A_562 = arith.constant 0 : i32
      %dma_start3A_563 = tpu.memref_slice %arg6[%dma_start3A_560, %dma_start3A_561, %dma_start3A_562] : memref<8x50x128xf32, #tpu.memory_space<vmem>> -> memref<1x50x128xf32, #tpu.memory_space<vmem>>
      %dma_start3A_564 = tpu.memref_squeeze %dma_start3A_563 : memref<1x50x128xf32, #tpu.memory_space<vmem>> -> memref<50x128xf32, #tpu.memory_space<vmem>>
      %dma_start3A_565 = arith.constant 0 : i32
      %dma_start3A_566 = tpu.memref_slice %arg5[%min3A_559, %dma_start3A_565] : memref<512x50xi32, #tpu.memory_space<vmem>> -> memref<1x50xi32, #tpu.memory_space<vmem>>
      %dma_start3A_567 = tpu.memref_squeeze %dma_start3A_566 : memref<1x50xi32, #tpu.memory_space<vmem>> -> memref<50xi32, #tpu.memory_space<vmem>>
      %dma_start3A_568 = arith.constant 0 : i32
      %dma_start3A_569 = arith.constant 0 : i32
      %dma_start3A_570 = tpu.memref_slice %arg3[%dma_start3A_568, %dma_start3A_569] : memref<100000x128xf32, #tpu.memory_space<hbm>> -> memref<100000x128xf32, #tpu.memory_space<hbm>>
      tpu.enqueue_indirect_dma source(%dma_start3A_570 : memref<100000x128xf32, #tpu.memory_space<hbm>>) target(%dma_start3A_564 : memref<50x128xf32, #tpu.memory_space<vmem>>) offsets(%dma_start3A_567 : memref<50xi32, #tpu.memory_space<vmem>>) semaphore(%arg14 : memref<!tpu.dma_semaphore, #tpu.memory_space<semaphore_mem>>)
      %dma_wait3A_571 = arith.constant 0 : i32
      %dma_wait3A_572 = arith.constant 7 : i32
      %dma_wait3A_573 = arith.constant 0 : i32
      %dma_wait3A_574 = arith.constant 0 : i32
      %dma_wait3A_575 = tpu.memref_slice %arg6[%dma_wait3A_572, %dma_wait3A_573, %dma_wait3A_574] : memref<8x50x128xf32, #tpu.memory_space<vmem>> -> memref<1x50x128xf32, #tpu.memory_space<vmem>>
      %dma_wait3A_576 = tpu.memref_squeeze %dma_wait3A_575 : memref<1x50x128xf32, #tpu.memory_space<vmem>> -> memref<50x128xf32, #tpu.memory_space<vmem>>
      %dma_wait3A_577 = arith.constant 0 : i32
      %dma_wait3A_578 = tpu.memref_slice %arg5[%dma_wait3A_571, %dma_wait3A_577] : memref<512x50xi32, #tpu.memory_space<vmem>> -> memref<1x50xi32, #tpu.memory_space<vmem>>
      %dma_wait3A_579 = tpu.memref_squeeze %dma_wait3A_578 : memref<1x50xi32, #tpu.memory_space<vmem>> -> memref<50xi32, #tpu.memory_space<vmem>>
      %dma_wait3A_580 = arith.constant 0 : i32
      %dma_wait3A_581 = arith.constant 0 : i32
      %dma_wait3A_582 = tpu.memref_slice %arg3[%dma_wait3A_580, %dma_wait3A_581] : memref<100000x128xf32, #tpu.memory_space<hbm>> -> memref<100000x128xf32, #tpu.memory_space<hbm>>
      tpu.wait_indirect_dma semaphore(%arg15 : memref<!tpu.dma_semaphore, #tpu.memory_space<semaphore_mem>>) src(%dma_wait3A_582 : memref<100000x128xf32, #tpu.memory_space<hbm>>) dst(%dma_wait3A_576 : memref<50x128xf32, #tpu.memory_space<vmem>>)
      %scan3A_583 = arith.constant 0 : i32
      %scan3A_584 = arith.constant 10 : i32
      %scan3A_585 = arith.addi %scan3A_583, %scan3A_584 : i32
      %scan3A_586 = arith.constant 1 : i32
      %scan3A_587:8 = scf.for %scan3A_691 = %scan3A_583 to %scan3A_585 step %scan3A_586 iter_args(%scan3A_692 = %scan3A_550#0, %scan3A_693 = %scan3A_550#1, %scan3A_694 = %scan3A_550#2, %scan3A_695 = %scan3A_550#3, %scan3A_696 = %scan3A_550#4, %scan3A_697 = %scan3A_550#5, %scan3A_698 = %scan3A_550#6, %scan3A_699 = %scan3A_550#7) -> (vector<16xf32>, vector<16xf32>, vector<16xf32>, vector<16xf32>, vector<16xf32>, vector<16xf32>, vector<16xf32>, vector<16xf32>)  : i32 {
        %mul3A_700 = arith.constant 5 : i32
        %mul3A_701 = arith.muli %scan3A_691, %mul3A_700 : i32
        %add3A_702 = arith.constant 0 : i32
        %add3A_703 = arith.addi %mul3A_701, %add3A_702 : i32
        %get3A = arith.constant 7 : i32
        %get3A_704 = arith.index_cast %get3A : i32 to index
        %get3A_705 = arith.index_cast %add3A_703 : i32 to index
        %get3A_706 = arith.constant 0 : index
        %get3A_707 = tpu.vector_load %arg6[%get3A_704, %get3A_705, %get3A_706] {strides = array<i32>} : memref<8x50x128xf32, #tpu.memory_space<vmem>>, vector<1x1x16xf32>,
        %get3A_708 = vector.shape_cast %get3A_707 : vector<1x1x16xf32> to vector<16xf32>
        %add3A_709 = arith.addf %scan3A_692, %get3A_708 : vector<16xf32>
        %add3A_710 = arith.constant 0 : i32
        %add3A_711 = arith.addi %mul3A_701, %add3A_710 : i32
        %get3A_712 = arith.constant 7 : i32
        %get3A_713 = arith.index_cast %get3A_712 : i32 to index
        %get3A_714 = arith.index_cast %add3A_711 : i32 to index
        %get3A_715 = arith.constant 16 : index
        %get3A_716 = tpu.vector_load %arg6[%get3A_713, %get3A_714, %get3A_715] {strides = array<i32>} : memref<8x50x128xf32, #tpu.memory_space<vmem>>, vector<1x1x16xf32>,
        %get3A_717 = vector.shape_cast %get3A_716 : vector<1x1x16xf32> to vector<16xf32>
        %add3A_718 = arith.addf %scan3A_693, %get3A_717 : vector<16xf32>
        %add3A_719 = arith.constant 0 : i32
        %add3A_720 = arith.addi %mul3A_701, %add3A_719 : i32
        %get3A_721 = arith.constant 7 : i32
        %get3A_722 = arith.index_cast %get3A_721 : i32 to index
        %get3A_723 = arith.index_cast %add3A_720 : i32 to index
        %get3A_724 = arith.constant 32 : index
        %get3A_725 = tpu.vector_load %arg6[%get3A_722, %get3A_723, %get3A_724] {strides = array<i32>} : memref<8x50x128xf32, #tpu.memory_space<vmem>>, vector<1x1x16xf32>,
        %get3A_726 = vector.shape_cast %get3A_725 : vector<1x1x16xf32> to vector<16xf32>
        %add3A_727 = arith.addf %scan3A_694, %get3A_726 : vector<16xf32>
        %add3A_728 = arith.constant 0 : i32
        %add3A_729 = arith.addi %mul3A_701, %add3A_728 : i32
        %get3A_730 = arith.constant 7 : i32
        %get3A_731 = arith.index_cast %get3A_730 : i32 to index
        %get3A_732 = arith.index_cast %add3A_729 : i32 to index
        %get3A_733 = arith.constant 48 : index
        %get3A_734 = tpu.vector_load %arg6[%get3A_731, %get3A_732, %get3A_733] {strides = array<i32>} : memref<8x50x128xf32, #tpu.memory_space<vmem>>, vector<1x1x16xf32>,
        %get3A_735 = vector.shape_cast %get3A_734 : vector<1x1x16xf32> to vector<16xf32>
        %add3A_736 = arith.addf %scan3A_695, %get3A_735 : vector<16xf32>
        %add3A_737 = arith.constant 0 : i32
        %add3A_738 = arith.addi %mul3A_701, %add3A_737 : i32
        %get3A_739 = arith.constant 7 : i32
        %get3A_740 = arith.index_cast %get3A_739 : i32 to index
        %get3A_741 = arith.index_cast %add3A_738 : i32 to index
        %get3A_742 = arith.constant 64 : index
        %get3A_743 = tpu.vector_load %arg6[%get3A_740, %get3A_741, %get3A_742] {strides = array<i32>} : memref<8x50x128xf32, #tpu.memory_space<vmem>>, vector<1x1x16xf32>,
        %get3A_744 = vector.shape_cast %get3A_743 : vector<1x1x16xf32> to vector<16xf32>
        %add3A_745 = arith.addf %scan3A_696, %get3A_744 : vector<16xf32>
        %add3A_746 = arith.constant 0 : i32
        %add3A_747 = arith.addi %mul3A_701, %add3A_746 : i32
        %get3A_748 = arith.constant 7 : i32
        %get3A_749 = arith.index_cast %get3A_748 : i32 to index
        %get3A_750 = arith.index_cast %add3A_747 : i32 to index
        %get3A_751 = arith.constant 80 : index
        %get3A_752 = tpu.vector_load %arg6[%get3A_749, %get3A_750, %get3A_751] {strides = array<i32>} : memref<8x50x128xf32, #tpu.memory_space<vmem>>, vector<1x1x16xf32>,
        %get3A_753 = vector.shape_cast %get3A_752 : vector<1x1x16xf32> to vector<16xf32>
        %add3A_754 = arith.addf %scan3A_697, %get3A_753 : vector<16xf32>
        %add3A_755 = arith.constant 0 : i32
        %add3A_756 = arith.addi %mul3A_701, %add3A_755 : i32
        %get3A_757 = arith.constant 7 : i32
        %get3A_758 = arith.index_cast %get3A_757 : i32 to index
        %get3A_759 = arith.index_cast %add3A_756 : i32 to index
        %get3A_760 = arith.constant 96 : index
        %get3A_761 = tpu.vector_load %arg6[%get3A_758, %get3A_759, %get3A_760] {strides = array<i32>} : memref<8x50x128xf32, #tpu.memory_space<vmem>>, vector<1x1x16xf32>,
        %get3A_762 = vector.shape_cast %get3A_761 : vector<1x1x16xf32> to vector<16xf32>
        %add3A_763 = arith.addf %scan3A_698, %get3A_762 : vector<16xf32>
        %add3A_764 = arith.constant 0 : i32
        %add3A_765 = arith.addi %mul3A_701, %add3A_764 : i32
        %get3A_766 = arith.constant 7 : i32
        %get3A_767 = arith.index_cast %get3A_766 : i32 to index
        %get3A_768 = arith.index_cast %add3A_765 : i32 to index
        %get3A_769 = arith.constant 112 : index
        %get3A_770 = tpu.vector_load %arg6[%get3A_767, %get3A_768, %get3A_769] {strides = array<i32>} : memref<8x50x128xf32, #tpu.memory_space<vmem>>, vector<1x1x16xf32>,
        %get3A_771 = vector.shape_cast %get3A_770 : vector<1x1x16xf32> to vector<16xf32>
        %add3A_772 = arith.addf %scan3A_699, %get3A_771 : vector<16xf32>
        %add3A_773 = arith.constant 1 : i32
        %add3A_774 = arith.addi %mul3A_701, %add3A_773 : i32
        %get3A_775 = arith.constant 7 : i32
        %get3A_776 = arith.index_cast %get3A_775 : i32 to index
        %get3A_777 = arith.index_cast %add3A_774 : i32 to index
        %get3A_778 = arith.constant 0 : index
        %get3A_779 = tpu.vector_load %arg6[%get3A_776, %get3A_777, %get3A_778] {strides = array<i32>} : memref<8x50x128xf32, #tpu.memory_space<vmem>>, vector<1x1x16xf32>,
        %get3A_780 = vector.shape_cast %get3A_779 : vector<1x1x16xf32> to vector<16xf32>
        %add3A_781 = arith.addf %add3A_709, %get3A_780 : vector<16xf32>
        %add3A_782 = arith.constant 1 : i32
        %add3A_783 = arith.addi %mul3A_701, %add3A_782 : i32
        %get3A_784 = arith.constant 7 : i32
        %get3A_785 = arith.index_cast %get3A_784 : i32 to index
        %get3A_786 = arith.index_cast %add3A_783 : i32 to index
        %get3A_787 = arith.constant 16 : index
        %get3A_788 = tpu.vector_load %arg6[%get3A_785, %get3A_786, %get3A_787] {strides = array<i32>} : memref<8x50x128xf32, #tpu.memory_space<vmem>>, vector<1x1x16xf32>,
        %get3A_789 = vector.shape_cast %get3A_788 : vector<1x1x16xf32> to vector<16xf32>
        %add3A_790 = arith.addf %add3A_718, %get3A_789 : vector<16xf32>
        %add3A_791 = arith.constant 1 : i32
        %add3A_792 = arith.addi %mul3A_701, %add3A_791 : i32
        %get3A_793 = arith.constant 7 : i32
        %get3A_794 = arith.index_cast %get3A_793 : i32 to index
        %get3A_795 = arith.index_cast %add3A_792 : i32 to index
        %get3A_796 = arith.constant 32 : index
        %get3A_797 = tpu.vector_load %arg6[%get3A_794, %get3A_795, %get3A_796] {strides = array<i32>} : memref<8x50x128xf32, #tpu.memory_space<vmem>>, vector<1x1x16xf32>,
        %get3A_798 = vector.shape_cast %get3A_797 : vector<1x1x16xf32> to vector<16xf32>
        %add3A_799 = arith.addf %add3A_727, %get3A_798 : vector<16xf32>
        %add3A_800 = arith.constant 1 : i32
        %add3A_801 = arith.addi %mul3A_701, %add3A_800 : i32
        %get3A_802 = arith.constant 7 : i32
        %get3A_803 = arith.index_cast %get3A_802 : i32 to index
        %get3A_804 = arith.index_cast %add3A_801 : i32 to index
        %get3A_805 = arith.constant 48 : index
        %get3A_806 = tpu.vector_load %arg6[%get3A_803, %get3A_804, %get3A_805] {strides = array<i32>} : memref<8x50x128xf32, #tpu.memory_space<vmem>>, vector<1x1x16xf32>,
        %get3A_807 = vector.shape_cast %get3A_806 : vector<1x1x16xf32> to vector<16xf32>
        %add3A_808 = arith.addf %add3A_736, %get3A_807 : vector<16xf32>
        %add3A_809 = arith.constant 1 : i32
        %add3A_810 = arith.addi %mul3A_701, %add3A_809 : i32
        %get3A_811 = arith.constant 7 : i32
        %get3A_812 = arith.index_cast %get3A_811 : i32 to index
        %get3A_813 = arith.index_cast %add3A_810 : i32 to index
        %get3A_814 = arith.constant 64 : index
        %get3A_815 = tpu.vector_load %arg6[%get3A_812, %get3A_813, %get3A_814] {strides = array<i32>} : memref<8x50x128xf32, #tpu.memory_space<vmem>>, vector<1x1x16xf32>,
        %get3A_816 = vector.shape_cast %get3A_815 : vector<1x1x16xf32> to vector<16xf32>
        %add3A_817 = arith.addf %add3A_745, %get3A_816 : vector<16xf32>
        %add3A_818 = arith.constant 1 : i32
        %add3A_819 = arith.addi %mul3A_701, %add3A_818 : i32
        %get3A_820 = arith.constant 7 : i32
        %get3A_821 = arith.index_cast %get3A_820 : i32 to index
        %get3A_822 = arith.index_cast %add3A_819 : i32 to index
        %get3A_823 = arith.constant 80 : index
        %get3A_824 = tpu.vector_load %arg6[%get3A_821, %get3A_822, %get3A_823] {strides = array<i32>} : memref<8x50x128xf32, #tpu.memory_space<vmem>>, vector<1x1x16xf32>,
        %get3A_825 = vector.shape_cast %get3A_824 : vector<1x1x16xf32> to vector<16xf32>
        %add3A_826 = arith.addf %add3A_754, %get3A_825 : vector<16xf32>
        %add3A_827 = arith.constant 1 : i32
        %add3A_828 = arith.addi %mul3A_701, %add3A_827 : i32
        %get3A_829 = arith.constant 7 : i32
        %get3A_830 = arith.index_cast %get3A_829 : i32 to index
        %get3A_831 = arith.index_cast %add3A_828 : i32 to index
        %get3A_832 = arith.constant 96 : index
        %get3A_833 = tpu.vector_load %arg6[%get3A_830, %get3A_831, %get3A_832] {strides = array<i32>} : memref<8x50x128xf32, #tpu.memory_space<vmem>>, vector<1x1x16xf32>,
        %get3A_834 = vector.shape_cast %get3A_833 : vector<1x1x16xf32> to vector<16xf32>
        %add3A_835 = arith.addf %add3A_763, %get3A_834 : vector<16xf32>
        %add3A_836 = arith.constant 1 : i32
        %add3A_837 = arith.addi %mul3A_701, %add3A_836 : i32
        %get3A_838 = arith.constant 7 : i32
        %get3A_839 = arith.index_cast %get3A_838 : i32 to index
        %get3A_840 = arith.index_cast %add3A_837 : i32 to index
        %get3A_841 = arith.constant 112 : index
        %get3A_842 = tpu.vector_load %arg6[%get3A_839, %get3A_840, %get3A_841] {strides = array<i32>} : memref<8x50x128xf32, #tpu.memory_space<vmem>>, vector<1x1x16xf32>,
        %get3A_843 = vector.shape_cast %get3A_842 : vector<1x1x16xf32> to vector<16xf32>
        %add3A_844 = arith.addf %add3A_772, %get3A_843 : vector<16xf32>
        %add3A_845 = arith.constant 2 : i32
        %add3A_846 = arith.addi %mul3A_701, %add3A_845 : i32
        %get3A_847 = arith.constant 7 : i32
        %get3A_848 = arith.index_cast %get3A_847 : i32 to index
        %get3A_849 = arith.index_cast %add3A_846 : i32 to index
        %get3A_850 = arith.constant 0 : index
        %get3A_851 = tpu.vector_load %arg6[%get3A_848, %get3A_849, %get3A_850] {strides = array<i32>} : memref<8x50x128xf32, #tpu.memory_space<vmem>>, vector<1x1x16xf32>,
        %get3A_852 = vector.shape_cast %get3A_851 : vector<1x1x16xf32> to vector<16xf32>
        %add3A_853 = arith.addf %add3A_781, %get3A_852 : vector<16xf32>
        %add3A_854 = arith.constant 2 : i32
        %add3A_855 = arith.addi %mul3A_701, %add3A_854 : i32
        %get3A_856 = arith.constant 7 : i32
        %get3A_857 = arith.index_cast %get3A_856 : i32 to index
        %get3A_858 = arith.index_cast %add3A_855 : i32 to index
        %get3A_859 = arith.constant 16 : index
        %get3A_860 = tpu.vector_load %arg6[%get3A_857, %get3A_858, %get3A_859] {strides = array<i32>} : memref<8x50x128xf32, #tpu.memory_space<vmem>>, vector<1x1x16xf32>,
        %get3A_861 = vector.shape_cast %get3A_860 : vector<1x1x16xf32> to vector<16xf32>
        %add3A_862 = arith.addf %add3A_790, %get3A_861 : vector<16xf32>
        %add3A_863 = arith.constant 2 : i32
        %add3A_864 = arith.addi %mul3A_701, %add3A_863 : i32
        %get3A_865 = arith.constant 7 : i32
        %get3A_866 = arith.index_cast %get3A_865 : i32 to index
        %get3A_867 = arith.index_cast %add3A_864 : i32 to index
        %get3A_868 = arith.constant 32 : index
        %get3A_869 = tpu.vector_load %arg6[%get3A_866, %get3A_867, %get3A_868] {strides = array<i32>} : memref<8x50x128xf32, #tpu.memory_space<vmem>>, vector<1x1x16xf32>,
        %get3A_870 = vector.shape_cast %get3A_869 : vector<1x1x16xf32> to vector<16xf32>
        %add3A_871 = arith.addf %add3A_799, %get3A_870 : vector<16xf32>
        %add3A_872 = arith.constant 2 : i32
        %add3A_873 = arith.addi %mul3A_701, %add3A_872 : i32
        %get3A_874 = arith.constant 7 : i32
        %get3A_875 = arith.index_cast %get3A_874 : i32 to index
        %get3A_876 = arith.index_cast %add3A_873 : i32 to index
        %get3A_877 = arith.constant 48 : index
        %get3A_878 = tpu.vector_load %arg6[%get3A_875, %get3A_876, %get3A_877] {strides = array<i32>} : memref<8x50x128xf32, #tpu.memory_space<vmem>>, vector<1x1x16xf32>,
        %get3A_879 = vector.shape_cast %get3A_878 : vector<1x1x16xf32> to vector<16xf32>
        %add3A_880 = arith.addf %add3A_808, %get3A_879 : vector<16xf32>
        %add3A_881 = arith.constant 2 : i32
        %add3A_882 = arith.addi %mul3A_701, %add3A_881 : i32
        %get3A_883 = arith.constant 7 : i32
        %get3A_884 = arith.index_cast %get3A_883 : i32 to index
        %get3A_885 = arith.index_cast %add3A_882 : i32 to index
        %get3A_886 = arith.constant 64 : index
        %get3A_887 = tpu.vector_load %arg6[%get3A_884, %get3A_885, %get3A_886] {strides = array<i32>} : memref<8x50x128xf32, #tpu.memory_space<vmem>>, vector<1x1x16xf32>,
        %get3A_888 = vector.shape_cast %get3A_887 : vector<1x1x16xf32> to vector<16xf32>
        %add3A_889 = arith.addf %add3A_817, %get3A_888 : vector<16xf32>
        %add3A_890 = arith.constant 2 : i32
        %add3A_891 = arith.addi %mul3A_701, %add3A_890 : i32
        %get3A_892 = arith.constant 7 : i32
        %get3A_893 = arith.index_cast %get3A_892 : i32 to index
        %get3A_894 = arith.index_cast %add3A_891 : i32 to index
        %get3A_895 = arith.constant 80 : index
        %get3A_896 = tpu.vector_load %arg6[%get3A_893, %get3A_894, %get3A_895] {strides = array<i32>} : memref<8x50x128xf32, #tpu.memory_space<vmem>>, vector<1x1x16xf32>,
        %get3A_897 = vector.shape_cast %get3A_896 : vector<1x1x16xf32> to vector<16xf32>
        %add3A_898 = arith.addf %add3A_826, %get3A_897 : vector<16xf32>
        %add3A_899 = arith.constant 2 : i32
        %add3A_900 = arith.addi %mul3A_701, %add3A_899 : i32
        %get3A_901 = arith.constant 7 : i32
        %get3A_902 = arith.index_cast %get3A_901 : i32 to index
        %get3A_903 = arith.index_cast %add3A_900 : i32 to index
        %get3A_904 = arith.constant 96 : index
        %get3A_905 = tpu.vector_load %arg6[%get3A_902, %get3A_903, %get3A_904] {strides = array<i32>} : memref<8x50x128xf32, #tpu.memory_space<vmem>>, vector<1x1x16xf32>,
        %get3A_906 = vector.shape_cast %get3A_905 : vector<1x1x16xf32> to vector<16xf32>
        %add3A_907 = arith.addf %add3A_835, %get3A_906 : vector<16xf32>
        %add3A_908 = arith.constant 2 : i32
        %add3A_909 = arith.addi %mul3A_701, %add3A_908 : i32
        %get3A_910 = arith.constant 7 : i32
        %get3A_911 = arith.index_cast %get3A_910 : i32 to index
        %get3A_912 = arith.index_cast %add3A_909 : i32 to index
        %get3A_913 = arith.constant 112 : index
        %get3A_914 = tpu.vector_load %arg6[%get3A_911, %get3A_912, %get3A_913] {strides = array<i32>} : memref<8x50x128xf32, #tpu.memory_space<vmem>>, vector<1x1x16xf32>,
        %get3A_915 = vector.shape_cast %get3A_914 : vector<1x1x16xf32> to vector<16xf32>
        %add3A_916 = arith.addf %add3A_844, %get3A_915 : vector<16xf32>
        %add3A_917 = arith.constant 3 : i32
        %add3A_918 = arith.addi %mul3A_701, %add3A_917 : i32
        %get3A_919 = arith.constant 7 : i32
        %get3A_920 = arith.index_cast %get3A_919 : i32 to index
        %get3A_921 = arith.index_cast %add3A_918 : i32 to index
        %get3A_922 = arith.constant 0 : index
        %get3A_923 = tpu.vector_load %arg6[%get3A_920, %get3A_921, %get3A_922] {strides = array<i32>} : memref<8x50x128xf32, #tpu.memory_space<vmem>>, vector<1x1x16xf32>,
        %get3A_924 = vector.shape_cast %get3A_923 : vector<1x1x16xf32> to vector<16xf32>
        %add3A_925 = arith.addf %add3A_853, %get3A_924 : vector<16xf32>
        %add3A_926 = arith.constant 3 : i32
        %add3A_927 = arith.addi %mul3A_701, %add3A_926 : i32
        %get3A_928 = arith.constant 7 : i32
        %get3A_929 = arith.index_cast %get3A_928 : i32 to index
        %get3A_930 = arith.index_cast %add3A_927 : i32 to index
        %get3A_931 = arith.constant 16 : index
        %get3A_932 = tpu.vector_load %arg6[%get3A_929, %get3A_930, %get3A_931] {strides = array<i32>} : memref<8x50x128xf32, #tpu.memory_space<vmem>>, vector<1x1x16xf32>,
        %get3A_933 = vector.shape_cast %get3A_932 : vector<1x1x16xf32> to vector<16xf32>
        %add3A_934 = arith.addf %add3A_862, %get3A_933 : vector<16xf32>
        %add3A_935 = arith.constant 3 : i32
        %add3A_936 = arith.addi %mul3A_701, %add3A_935 : i32
        %get3A_937 = arith.constant 7 : i32
        %get3A_938 = arith.index_cast %get3A_937 : i32 to index
        %get3A_939 = arith.index_cast %add3A_936 : i32 to index
        %get3A_940 = arith.constant 32 : index
        %get3A_941 = tpu.vector_load %arg6[%get3A_938, %get3A_939, %get3A_940] {strides = array<i32>} : memref<8x50x128xf32, #tpu.memory_space<vmem>>, vector<1x1x16xf32>,
        %get3A_942 = vector.shape_cast %get3A_941 : vector<1x1x16xf32> to vector<16xf32>
        %add3A_943 = arith.addf %add3A_871, %get3A_942 : vector<16xf32>
        %add3A_944 = arith.constant 3 : i32
        %add3A_945 = arith.addi %mul3A_701, %add3A_944 : i32
        %get3A_946 = arith.constant 7 : i32
        %get3A_947 = arith.index_cast %get3A_946 : i32 to index
        %get3A_948 = arith.index_cast %add3A_945 : i32 to index
        %get3A_949 = arith.constant 48 : index
        %get3A_950 = tpu.vector_load %arg6[%get3A_947, %get3A_948, %get3A_949] {strides = array<i32>} : memref<8x50x128xf32, #tpu.memory_space<vmem>>, vector<1x1x16xf32>,
        %get3A_951 = vector.shape_cast %get3A_950 : vector<1x1x16xf32> to vector<16xf32>
        %add3A_952 = arith.addf %add3A_880, %get3A_951 : vector<16xf32>
        %add3A_953 = arith.constant 3 : i32
        %add3A_954 = arith.addi %mul3A_701, %add3A_953 : i32
        %get3A_955 = arith.constant 7 : i32
        %get3A_956 = arith.index_cast %get3A_955 : i32 to index
        %get3A_957 = arith.index_cast %add3A_954 : i32 to index
        %get3A_958 = arith.constant 64 : index
        %get3A_959 = tpu.vector_load %arg6[%get3A_956, %get3A_957, %get3A_958] {strides = array<i32>} : memref<8x50x128xf32, #tpu.memory_space<vmem>>, vector<1x1x16xf32>,
        %get3A_960 = vector.shape_cast %get3A_959 : vector<1x1x16xf32> to vector<16xf32>
        %add3A_961 = arith.addf %add3A_889, %get3A_960 : vector<16xf32>
        %add3A_962 = arith.constant 3 : i32
        %add3A_963 = arith.addi %mul3A_701, %add3A_962 : i32
        %get3A_964 = arith.constant 7 : i32
        %get3A_965 = arith.index_cast %get3A_964 : i32 to index
        %get3A_966 = arith.index_cast %add3A_963 : i32 to index
        %get3A_967 = arith.constant 80 : index
        %get3A_968 = tpu.vector_load %arg6[%get3A_965, %get3A_966, %get3A_967] {strides = array<i32>} : memref<8x50x128xf32, #tpu.memory_space<vmem>>, vector<1x1x16xf32>,
        %get3A_969 = vector.shape_cast %get3A_968 : vector<1x1x16xf32> to vector<16xf32>
        %add3A_970 = arith.addf %add3A_898, %get3A_969 : vector<16xf32>
        %add3A_971 = arith.constant 3 : i32
        %add3A_972 = arith.addi %mul3A_701, %add3A_971 : i32
        %get3A_973 = arith.constant 7 : i32
        %get3A_974 = arith.index_cast %get3A_973 : i32 to index
        %get3A_975 = arith.index_cast %add3A_972 : i32 to index
        %get3A_976 = arith.constant 96 : index
        %get3A_977 = tpu.vector_load %arg6[%get3A_974, %get3A_975, %get3A_976] {strides = array<i32>} : memref<8x50x128xf32, #tpu.memory_space<vmem>>, vector<1x1x16xf32>,
        %get3A_978 = vector.shape_cast %get3A_977 : vector<1x1x16xf32> to vector<16xf32>
        %add3A_979 = arith.addf %add3A_907, %get3A_978 : vector<16xf32>
        %add3A_980 = arith.constant 3 : i32
        %add3A_981 = arith.addi %mul3A_701, %add3A_980 : i32
        %get3A_982 = arith.constant 7 : i32
        %get3A_983 = arith.index_cast %get3A_982 : i32 to index
        %get3A_984 = arith.index_cast %add3A_981 : i32 to index
        %get3A_985 = arith.constant 112 : index
        %get3A_986 = tpu.vector_load %arg6[%get3A_983, %get3A_984, %get3A_985] {strides = array<i32>} : memref<8x50x128xf32, #tpu.memory_space<vmem>>, vector<1x1x16xf32>,
        %get3A_987 = vector.shape_cast %get3A_986 : vector<1x1x16xf32> to vector<16xf32>
        %add3A_988 = arith.addf %add3A_916, %get3A_987 : vector<16xf32>
        %add3A_989 = arith.constant 4 : i32
        %add3A_990 = arith.addi %mul3A_701, %add3A_989 : i32
        %get3A_991 = arith.constant 7 : i32
        %get3A_992 = arith.index_cast %get3A_991 : i32 to index
        %get3A_993 = arith.index_cast %add3A_990 : i32 to index
        %get3A_994 = arith.constant 0 : index
        %get3A_995 = tpu.vector_load %arg6[%get3A_992, %get3A_993, %get3A_994] {strides = array<i32>} : memref<8x50x128xf32, #tpu.memory_space<vmem>>, vector<1x1x16xf32>,
        %get3A_996 = vector.shape_cast %get3A_995 : vector<1x1x16xf32> to vector<16xf32>
        %add3A_997 = arith.addf %add3A_925, %get3A_996 : vector<16xf32>
        %add3A_998 = arith.constant 4 : i32
        %add3A_999 = arith.addi %mul3A_701, %add3A_998 : i32
        %get3A_1000 = arith.constant 7 : i32
        %get3A_1001 = arith.index_cast %get3A_1000 : i32 to index
        %get3A_1002 = arith.index_cast %add3A_999 : i32 to index
        %get3A_1003 = arith.constant 16 : index
        %get3A_1004 = tpu.vector_load %arg6[%get3A_1001, %get3A_1002, %get3A_1003] {strides = array<i32>} : memref<8x50x128xf32, #tpu.memory_space<vmem>>, vector<1x1x16xf32>,
        %get3A_1005 = vector.shape_cast %get3A_1004 : vector<1x1x16xf32> to vector<16xf32>
        %add3A_1006 = arith.addf %add3A_934, %get3A_1005 : vector<16xf32>
        %add3A_1007 = arith.constant 4 : i32
        %add3A_1008 = arith.addi %mul3A_701, %add3A_1007 : i32
        %get3A_1009 = arith.constant 7 : i32
        %get3A_1010 = arith.index_cast %get3A_1009 : i32 to index
        %get3A_1011 = arith.index_cast %add3A_1008 : i32 to index
        %get3A_1012 = arith.constant 32 : index
        %get3A_1013 = tpu.vector_load %arg6[%get3A_1010, %get3A_1011, %get3A_1012] {strides = array<i32>} : memref<8x50x128xf32, #tpu.memory_space<vmem>>, vector<1x1x16xf32>,
        %get3A_1014 = vector.shape_cast %get3A_1013 : vector<1x1x16xf32> to vector<16xf32>
        %add3A_1015 = arith.addf %add3A_943, %get3A_1014 : vector<16xf32>
        %add3A_1016 = arith.constant 4 : i32
        %add3A_1017 = arith.addi %mul3A_701, %add3A_1016 : i32
        %get3A_1018 = arith.constant 7 : i32
        %get3A_1019 = arith.index_cast %get3A_1018 : i32 to index
        %get3A_1020 = arith.index_cast %add3A_1017 : i32 to index
        %get3A_1021 = arith.constant 48 : index
        %get3A_1022 = tpu.vector_load %arg6[%get3A_1019, %get3A_1020, %get3A_1021] {strides = array<i32>} : memref<8x50x128xf32, #tpu.memory_space<vmem>>, vector<1x1x16xf32>,
        %get3A_1023 = vector.shape_cast %get3A_1022 : vector<1x1x16xf32> to vector<16xf32>
        %add3A_1024 = arith.addf %add3A_952, %get3A_1023 : vector<16xf32>
        %add3A_1025 = arith.constant 4 : i32
        %add3A_1026 = arith.addi %mul3A_701, %add3A_1025 : i32
        %get3A_1027 = arith.constant 7 : i32
        %get3A_1028 = arith.index_cast %get3A_1027 : i32 to index
        %get3A_1029 = arith.index_cast %add3A_1026 : i32 to index
        %get3A_1030 = arith.constant 64 : index
        %get3A_1031 = tpu.vector_load %arg6[%get3A_1028, %get3A_1029, %get3A_1030] {strides = array<i32>} : memref<8x50x128xf32, #tpu.memory_space<vmem>>, vector<1x1x16xf32>,
        %get3A_1032 = vector.shape_cast %get3A_1031 : vector<1x1x16xf32> to vector<16xf32>
        %add3A_1033 = arith.addf %add3A_961, %get3A_1032 : vector<16xf32>
        %add3A_1034 = arith.constant 4 : i32
        %add3A_1035 = arith.addi %mul3A_701, %add3A_1034 : i32
        %get3A_1036 = arith.constant 7 : i32
        %get3A_1037 = arith.index_cast %get3A_1036 : i32 to index
        %get3A_1038 = arith.index_cast %add3A_1035 : i32 to index
        %get3A_1039 = arith.constant 80 : index
        %get3A_1040 = tpu.vector_load %arg6[%get3A_1037, %get3A_1038, %get3A_1039] {strides = array<i32>} : memref<8x50x128xf32, #tpu.memory_space<vmem>>, vector<1x1x16xf32>,
        %get3A_1041 = vector.shape_cast %get3A_1040 : vector<1x1x16xf32> to vector<16xf32>
        %add3A_1042 = arith.addf %add3A_970, %get3A_1041 : vector<16xf32>
        %add3A_1043 = arith.constant 4 : i32
        %add3A_1044 = arith.addi %mul3A_701, %add3A_1043 : i32
        %get3A_1045 = arith.constant 7 : i32
        %get3A_1046 = arith.index_cast %get3A_1045 : i32 to index
        %get3A_1047 = arith.index_cast %add3A_1044 : i32 to index
        %get3A_1048 = arith.constant 96 : index
        %get3A_1049 = tpu.vector_load %arg6[%get3A_1046, %get3A_1047, %get3A_1048] {strides = array<i32>} : memref<8x50x128xf32, #tpu.memory_space<vmem>>, vector<1x1x16xf32>,
        %get3A_1050 = vector.shape_cast %get3A_1049 : vector<1x1x16xf32> to vector<16xf32>
        %add3A_1051 = arith.addf %add3A_979, %get3A_1050 : vector<16xf32>
        %add3A_1052 = arith.constant 4 : i32
        %add3A_1053 = arith.addi %mul3A_701, %add3A_1052 : i32
        %get3A_1054 = arith.constant 7 : i32
        %get3A_1055 = arith.index_cast %get3A_1054 : i32 to index
        %get3A_1056 = arith.index_cast %add3A_1053 : i32 to index
        %get3A_1057 = arith.constant 112 : index
        %get3A_1058 = tpu.vector_load %arg6[%get3A_1055, %get3A_1056, %get3A_1057] {strides = array<i32>} : memref<8x50x128xf32, #tpu.memory_space<vmem>>, vector<1x1x16xf32>,
        %get3A_1059 = vector.shape_cast %get3A_1058 : vector<1x1x16xf32> to vector<16xf32>
        %add3A_1060 = arith.addf %add3A_988, %get3A_1059 : vector<16xf32>
        scf.yield %add3A_997, %add3A_1006, %add3A_1015, %add3A_1024, %add3A_1033, %add3A_1042, %add3A_1051, %add3A_1060 : vector<16xf32>, vector<16xf32>, vector<16xf32>, vector<16xf32>, vector<16xf32>, vector<16xf32>, vector<16xf32>, vector<16xf32>
      }
      %scan3A_588 = arith.constant 10 : i32
      %jit3A_589 = arith.constant 4 : i32
      %div3A_590 = arith.divsi %add3A_188, %jit3A_589 : i32
      %sign3A_591 = arith.constant 0 : i32
      %sign3A_592 = arith.cmpi sgt, %add3A_188, %sign3A_591 : i32
      %sign3A_593 = arith.extui %sign3A_592 : i1 to i32
      %sign3A_594 = arith.constant 0 : i32
      %sign3A_595 = arith.cmpi slt, %add3A_188, %sign3A_594 : i32
      %sign3A_596 = arith.extui %sign3A_595 : i1 to i32
      %sign3A_597 = arith.subi %sign3A_593, %sign3A_596 : i32
      %sign3A_598 = arith.constant 0 : i32
      %sign3A_599 = arith.cmpi sgt, %jit3A_589, %sign3A_598 : i32
      %sign3A_600 = arith.extui %sign3A_599 : i1 to i32
      %sign3A_601 = arith.constant 0 : i32
      %sign3A_602 = arith.cmpi slt, %jit3A_589, %sign3A_601 : i32
      %sign3A_603 = arith.extui %sign3A_602 : i1 to i32
      %sign3A_604 = arith.subi %sign3A_600, %sign3A_603 : i32
      %ne3A_605 = arith.cmpi ne, %sign3A_597, %sign3A_604 : i32
      %rem3A_606 = arith.remsi %add3A_188, %jit3A_589 : i32
      %ne3A_607 = arith.constant 0 : i32
      %ne3A_608 = arith.cmpi ne, %rem3A_606, %ne3A_607 : i32
      %and3A_609 = arith.andi %ne3A_605, %ne3A_608 : i1
      %sub3A_610 = arith.constant 1 : i32
      %sub3A_611 = arith.subi %div3A_590, %sub3A_610 : i32
      %select_n3A_612 = arith.select %and3A_609, %sub3A_611, %div3A_590 : i32
      %add3A_613 = arith.constant 1 : i32
      %add3A_614 = arith.addi %select_n3A_612, %add3A_613 : i32
      %and3A_615 = arith.constant 31 : i32
      %and3A_616 = arith.andi %add3A_614, %and3A_615 : i32
      %swap3A_617 = arith.index_cast %and3A_616 : i32 to index
      %swap3A_618 = arith.constant 0 : index
      %swap3A_619 = tpu.vector_load %arg7[%swap3A_617, %swap3A_618] {strides = array<i32>} : memref<32x128xf32, #tpu.memory_space<vmem>>, vector<1x16xf32>,
      %swap3A_620 = vector.shape_cast %swap3A_619 : vector<1x16xf32> to vector<16xf32>
      %swap3A_621 = vector.shape_cast %scan3A_587#0 : vector<16xf32> to vector<1x16xf32>
      tpu.vector_store %arg7[%swap3A_617, %swap3A_618], %swap3A_621 {strides = array<i32>} : memref<32x128xf32, #tpu.memory_space<vmem>>, vector<1x16xf32>,
      %and3A_622 = arith.constant 31 : i32
      %and3A_623 = arith.andi %add3A_614, %and3A_622 : i32
      %swap3A_624 = arith.index_cast %and3A_623 : i32 to index
      %swap3A_625 = arith.constant 16 : index
      %swap3A_626 = tpu.vector_load %arg7[%swap3A_624, %swap3A_625] {strides = array<i32>} : memref<32x128xf32, #tpu.memory_space<vmem>>, vector<1x16xf32>,
      %swap3A_627 = vector.shape_cast %swap3A_626 : vector<1x16xf32> to vector<16xf32>
      %swap3A_628 = vector.shape_cast %scan3A_587#1 : vector<16xf32> to vector<1x16xf32>
      tpu.vector_store %arg7[%swap3A_624, %swap3A_625], %swap3A_628 {strides = array<i32>} : memref<32x128xf32, #tpu.memory_space<vmem>>, vector<1x16xf32>,
      %and3A_629 = arith.constant 31 : i32
      %and3A_630 = arith.andi %add3A_614, %and3A_629 : i32
      %swap3A_631 = arith.index_cast %and3A_630 : i32 to index
      %swap3A_632 = arith.constant 32 : index
      %swap3A_633 = tpu.vector_load %arg7[%swap3A_631, %swap3A_632] {strides = array<i32>} : memref<32x128xf32, #tpu.memory_space<vmem>>, vector<1x16xf32>,
      %swap3A_634 = vector.shape_cast %swap3A_633 : vector<1x16xf32> to vector<16xf32>
      %swap3A_635 = vector.shape_cast %scan3A_587#2 : vector<16xf32> to vector<1x16xf32>
      tpu.vector_store %arg7[%swap3A_631, %swap3A_632], %swap3A_635 {strides = array<i32>} : memref<32x128xf32, #tpu.memory_space<vmem>>, vector<1x16xf32>,
      %and3A_636 = arith.constant 31 : i32
      %and3A_637 = arith.andi %add3A_614, %and3A_636 : i32
      %swap3A_638 = arith.index_cast %and3A_637 : i32 to index
      %swap3A_639 = arith.constant 48 : index
      %swap3A_640 = tpu.vector_load %arg7[%swap3A_638, %swap3A_639] {strides = array<i32>} : memref<32x128xf32, #tpu.memory_space<vmem>>, vector<1x16xf32>,
      %swap3A_641 = vector.shape_cast %swap3A_640 : vector<1x16xf32> to vector<16xf32>
      %swap3A_642 = vector.shape_cast %scan3A_587#3 : vector<16xf32> to vector<1x16xf32>
      tpu.vector_store %arg7[%swap3A_638, %swap3A_639], %swap3A_642 {strides = array<i32>} : memref<32x128xf32, #tpu.memory_space<vmem>>, vector<1x16xf32>,
      %and3A_643 = arith.constant 31 : i32
      %and3A_644 = arith.andi %add3A_614, %and3A_643 : i32
      %swap3A_645 = arith.index_cast %and3A_644 : i32 to index
      %swap3A_646 = arith.constant 64 : index
      %swap3A_647 = tpu.vector_load %arg7[%swap3A_645, %swap3A_646] {strides = array<i32>} : memref<32x128xf32, #tpu.memory_space<vmem>>, vector<1x16xf32>,
      %swap3A_648 = vector.shape_cast %swap3A_647 : vector<1x16xf32> to vector<16xf32>
      %swap3A_649 = vector.shape_cast %scan3A_587#4 : vector<16xf32> to vector<1x16xf32>
      tpu.vector_store %arg7[%swap3A_645, %swap3A_646], %swap3A_649 {strides = array<i32>} : memref<32x128xf32, #tpu.memory_space<vmem>>, vector<1x16xf32>,
      %and3A_650 = arith.constant 31 : i32
      %and3A_651 = arith.andi %add3A_614, %and3A_650 : i32
      %swap3A_652 = arith.index_cast %and3A_651 : i32 to index
      %swap3A_653 = arith.constant 80 : index
      %swap3A_654 = tpu.vector_load %arg7[%swap3A_652, %swap3A_653] {strides = array<i32>} : memref<32x128xf32, #tpu.memory_space<vmem>>, vector<1x16xf32>,
      %swap3A_655 = vector.shape_cast %swap3A_654 : vector<1x16xf32> to vector<16xf32>
      %swap3A_656 = vector.shape_cast %scan3A_587#5 : vector<16xf32> to vector<1x16xf32>
      tpu.vector_store %arg7[%swap3A_652, %swap3A_653], %swap3A_656 {strides = array<i32>} : memref<32x128xf32, #tpu.memory_space<vmem>>, vector<1x16xf32>,
      %and3A_657 = arith.constant 31 : i32
      %and3A_658 = arith.andi %add3A_614, %and3A_657 : i32
      %swap3A_659 = arith.index_cast %and3A_658 : i32 to index
      %swap3A_660 = arith.constant 96 : index
      %swap3A_661 = tpu.vector_load %arg7[%swap3A_659, %swap3A_660] {strides = array<i32>} : memref<32x128xf32, #tpu.memory_space<vmem>>, vector<1x16xf32>,
      %swap3A_662 = vector.shape_cast %swap3A_661 : vector<1x16xf32> to vector<16xf32>
      %swap3A_663 = vector.shape_cast %scan3A_587#6 : vector<16xf32> to vector<1x16xf32>
      tpu.vector_store %arg7[%swap3A_659, %swap3A_660], %swap3A_663 {strides = array<i32>} : memref<32x128xf32, #tpu.memory_space<vmem>>, vector<1x16xf32>,
      %and3A_664 = arith.constant 31 : i32
      %and3A_665 = arith.andi %add3A_614, %and3A_664 : i32
      %swap3A_666 = arith.index_cast %and3A_665 : i32 to index
      %swap3A_667 = arith.constant 112 : index
      %swap3A_668 = tpu.vector_load %arg7[%swap3A_666, %swap3A_667] {strides = array<i32>} : memref<32x128xf32, #tpu.memory_space<vmem>>, vector<1x16xf32>,
      %swap3A_669 = vector.shape_cast %swap3A_668 : vector<1x16xf32> to vector<16xf32>
      %swap3A_670 = vector.shape_cast %scan3A_587#7 : vector<16xf32> to vector<1x16xf32>
      tpu.vector_store %arg7[%swap3A_666, %swap3A_667], %swap3A_670 {strides = array<i32>} : memref<32x128xf32, #tpu.memory_space<vmem>>, vector<1x16xf32>,
      %broadcast_in_dim3A_671 = arith.constant 0.000000e+00 : f32
      %broadcast_in_dim3A_672 = vector.broadcast %broadcast_in_dim3A_671 : f32 to vector<16xf32>
      %broadcast_in_dim3A_673 = arith.constant 0.000000e+00 : f32
      %broadcast_in_dim3A_674 = vector.broadcast %broadcast_in_dim3A_673 : f32 to vector<16xf32>
      %broadcast_in_dim3A_675 = arith.constant 0.000000e+00 : f32
      %broadcast_in_dim3A_676 = vector.broadcast %broadcast_in_dim3A_675 : f32 to vector<16xf32>
      %broadcast_in_dim3A_677 = arith.constant 0.000000e+00 : f32
      %broadcast_in_dim3A_678 = vector.broadcast %broadcast_in_dim3A_677 : f32 to vector<16xf32>
      %broadcast_in_dim3A_679 = arith.constant 0.000000e+00 : f32
      %broadcast_in_dim3A_680 = vector.broadcast %broadcast_in_dim3A_679 : f32 to vector<16xf32>
      %broadcast_in_dim3A_681 = arith.constant 0.000000e+00 : f32
      %broadcast_in_dim3A_682 = vector.broadcast %broadcast_in_dim3A_681 : f32 to vector<16xf32>
      %broadcast_in_dim3A_683 = arith.constant 0.000000e+00 : f32
      %broadcast_in_dim3A_684 = vector.broadcast %broadcast_in_dim3A_683 : f32 to vector<16xf32>
      %broadcast_in_dim3A_685 = arith.constant 0.000000e+00 : f32
      %broadcast_in_dim3A_686 = vector.broadcast %broadcast_in_dim3A_685 : f32 to vector<16xf32>
      %and3A_687 = arith.constant 127 : i32
      %and3A_688 = arith.andi %add3A_188, %and3A_687 : i32
      %eq3A = arith.constant 120 : i32
      %eq3A_689 = arith.cmpi eq, %and3A_688, %eq3A : i32
      %convert_element_type3A = arith.extui %eq3A_689 : i1 to i32
      %cond3A = arith.constant 0 : i32
      %cond3A_690 = arith.cmpi ne, %convert_element_type3A, %cond3A : i32
      scf.if %cond3A_690 {
        %jit3A_691 = arith.constant 128 : i32
        %div3A_692 = arith.divsi %add3A_188, %jit3A_691 : i32
        %sign3A_693 = arith.constant 0 : i32
        %sign3A_694 = arith.cmpi sgt, %add3A_188, %sign3A_693 : i32
        %sign3A_695 = arith.extui %sign3A_694 : i1 to i32
        %sign3A_696 = arith.constant 0 : i32
        %sign3A_697 = arith.cmpi slt, %add3A_188, %sign3A_696 : i32
        %sign3A_698 = arith.extui %sign3A_697 : i1 to i32
        %sign3A_699 = arith.subi %sign3A_695, %sign3A_698 : i32
        %sign3A_700 = arith.constant 0 : i32
        %sign3A_701 = arith.cmpi sgt, %jit3A_691, %sign3A_700 : i32
        %sign3A_702 = arith.extui %sign3A_701 : i1 to i32
        %sign3A_703 = arith.constant 0 : i32
        %sign3A_704 = arith.cmpi slt, %jit3A_691, %sign3A_703 : i32
        %sign3A_705 = arith.extui %sign3A_704 : i1 to i32
        %sign3A_706 = arith.subi %sign3A_702, %sign3A_705 : i32
        %ne3A_707 = arith.cmpi ne, %sign3A_699, %sign3A_706 : i32
        %rem3A_708 = arith.remsi %add3A_188, %jit3A_691 : i32
        %ne3A_709 = arith.constant 0 : i32
        %ne3A_710 = arith.cmpi ne, %rem3A_708, %ne3A_709 : i32
        %and3A_711 = arith.andi %ne3A_707, %ne3A_710 : i1
        %sub3A_712 = arith.constant 1 : i32
        %sub3A_713 = arith.subi %div3A_692, %sub3A_712 : i32
        %select_n3A_714 = arith.select %and3A_711, %sub3A_713, %div3A_692 : i32
        %mul3A_715 = arith.constant 128 : i32
        %mul3A_716 = arith.muli %add3A, %mul3A_715 : i32
        %mul3A_717 = arith.constant 32 : i32
        %mul3A_718 = arith.muli %select_n3A_714, %mul3A_717 : i32
        %add3A_719 = arith.addi %mul3A_716, %mul3A_718 : i32
        "tpu.region"() ({
          %run_scoped3A = tpu.sem_alloc : memref<!tpu.dma_semaphore, #tpu.memory_space<semaphore_mem>>
          %dma_start3A_720 = arith.constant 0 : i32
          %dma_start3A_721 = tpu.memref_slice %arg4[%add3A_719, %dma_start3A_720] : memref<4096x128xf32, #tpu.memory_space<hbm>> -> memref<32x128xf32, #tpu.memory_space<hbm>>
          %dma_start3A_722 = arith.constant 0 : i32
          %dma_start3A_723 = tpu.memref_slice %arg4[%add3A_719, %dma_start3A_722] : memref<4096x128xf32, #tpu.memory_space<hbm>> -> memref<32x128xf32, #tpu.memory_space<hbm>>
          tpu.enqueue_dma source(%arg7 : memref<32x128xf32, #tpu.memory_space<vmem>>) target(%dma_start3A_723 : memref<32x128xf32, #tpu.memory_space<hbm>>) target_semaphore(%run_scoped3A : memref<!tpu.dma_semaphore, #tpu.memory_space<semaphore_mem>>)
          %dma_wait3A_724 = arith.constant 0 : i32
          %dma_wait3A_725 = tpu.memref_slice %arg4[%add3A_719, %dma_wait3A_724] : memref<4096x128xf32, #tpu.memory_space<hbm>> -> memref<32x128xf32, #tpu.memory_space<hbm>>
          %dma_wait3A_726 = arith.constant 0 : i32
          %dma_wait3A_727 = tpu.memref_slice %arg4[%add3A_719, %dma_wait3A_726] : memref<4096x128xf32, #tpu.memory_space<hbm>> -> memref<32x128xf32, #tpu.memory_space<hbm>>
          tpu.wait_dma2 semaphore(%run_scoped3A : memref<!tpu.dma_semaphore, #tpu.memory_space<semaphore_mem>>) src(%arg7 : memref<32x128xf32, #tpu.memory_space<vmem>>) dst(%dma_wait3A_727 : memref<32x128xf32, #tpu.memory_space<hbm>>)
          tpu.yield
        }) : () -> ()
      } else {
      }
    }
    %scan3A_100 = arith.constant 64 : i32
    %dma_wait3A = arith.constant 0 : i32
    %dma_wait3A_101 = arith.constant 0 : i32
    %dma_wait3A_102 = arith.constant 0 : i32
    %dma_wait3A_103 = arith.constant 0 : i32
    %dma_wait3A_104 = tpu.memref_slice %arg6[%dma_wait3A_101, %dma_wait3A_102, %dma_wait3A_103] : memref<8x50x128xf32, #tpu.memory_space<vmem>> -> memref<1x50x128xf32, #tpu.memory_space<vmem>>
    %dma_wait3A_105 = tpu.memref_squeeze %dma_wait3A_104 : memref<1x50x128xf32, #tpu.memory_space<vmem>> -> memref<50x128xf32, #tpu.memory_space<vmem>>
    %dma_wait3A_106 = arith.constant 0 : i32
    %dma_wait3A_107 = tpu.memref_slice %arg5[%dma_wait3A, %dma_wait3A_106] : memref<512x50xi32, #tpu.memory_space<vmem>> -> memref<1x50xi32, #tpu.memory_space<vmem>>
    %dma_wait3A_108 = tpu.memref_squeeze %dma_wait3A_107 : memref<1x50xi32, #tpu.memory_space<vmem>> -> memref<50xi32, #tpu.memory_space<vmem>>
    %dma_wait3A_109 = arith.constant 0 : i32
    %dma_wait3A_110 = arith.constant 0 : i32
    %dma_wait3A_111 = tpu.memref_slice %arg3[%dma_wait3A_109, %dma_wait3A_110] : memref<100000x128xf32, #tpu.memory_space<hbm>> -> memref<100000x128xf32, #tpu.memory_space<hbm>>
    tpu.wait_indirect_dma semaphore(%arg8 : memref<!tpu.dma_semaphore, #tpu.memory_space<semaphore_mem>>) src(%dma_wait3A_111 : memref<100000x128xf32, #tpu.memory_space<hbm>>) dst(%dma_wait3A_105 : memref<50x128xf32, #tpu.memory_space<vmem>>)
    %dma_wait3A_112 = arith.constant 0 : i32
    %dma_wait3A_113 = arith.constant 1 : i32
    %dma_wait3A_114 = arith.constant 0 : i32
    %dma_wait3A_115 = arith.constant 0 : i32
    %dma_wait3A_116 = tpu.memref_slice %arg6[%dma_wait3A_113, %dma_wait3A_114, %dma_wait3A_115] : memref<8x50x128xf32, #tpu.memory_space<vmem>> -> memref<1x50x128xf32, #tpu.memory_space<vmem>>
    %dma_wait3A_117 = tpu.memref_squeeze %dma_wait3A_116 : memref<1x50x128xf32, #tpu.memory_space<vmem>> -> memref<50x128xf32, #tpu.memory_space<vmem>>
    %dma_wait3A_118 = arith.constant 0 : i32
    %dma_wait3A_119 = tpu.memref_slice %arg5[%dma_wait3A_112, %dma_wait3A_118] : memref<512x50xi32, #tpu.memory_space<vmem>> -> memref<1x50xi32, #tpu.memory_space<vmem>>
    %dma_wait3A_120 = tpu.memref_squeeze %dma_wait3A_119 : memref<1x50xi32, #tpu.memory_space<vmem>> -> memref<50xi32, #tpu.memory_space<vmem>>
    %dma_wait3A_121 = arith.constant 0 : i32
    %dma_wait3A_122 = arith.constant 0 : i32
    %dma_wait3A_123 = tpu.memref_slice %arg3[%dma_wait3A_121, %dma_wait3A_122] : memref<100000x128xf32, #tpu.memory_space<hbm>> -> memref<100000x128xf32, #tpu.memory_space<hbm>>
    tpu.wait_indirect_dma semaphore(%arg9 : memref<!tpu.dma_semaphore, #tpu.memory_space<semaphore_mem>>) src(%dma_wait3A_123 : memref<100000x128xf32, #tpu.memory_space<hbm>>) dst(%dma_wait3A_117 : memref<50x128xf32, #tpu.memory_space<vmem>>)
    %dma_wait3A_124 = arith.constant 0 : i32
    %dma_wait3A_125 = arith.constant 2 : i32
    %dma_wait3A_126 = arith.constant 0 : i32
    %dma_wait3A_127 = arith.constant 0 : i32
    %dma_wait3A_128 = tpu.memref_slice %arg6[%dma_wait3A_125, %dma_wait3A_126, %dma_wait3A_127] : memref<8x50x128xf32, #tpu.memory_space<vmem>> -> memref<1x50x128xf32, #tpu.memory_space<vmem>>
    %dma_wait3A_129 = tpu.memref_squeeze %dma_wait3A_128 : memref<1x50x128xf32, #tpu.memory_space<vmem>> -> memref<50x128xf32, #tpu.memory_space<vmem>>
    %dma_wait3A_130 = arith.constant 0 : i32
    %dma_wait3A_131 = tpu.memref_slice %arg5[%dma_wait3A_124, %dma_wait3A_130] : memref<512x50xi32, #tpu.memory_space<vmem>> -> memref<1x50xi32, #tpu.memory_space<vmem>>
    %dma_wait3A_132 = tpu.memref_squeeze %dma_wait3A_131 : memref<1x50xi32, #tpu.memory_space<vmem>> -> memref<50xi32, #tpu.memory_space<vmem>>
    %dma_wait3A_133 = arith.constant 0 : i32
    %dma_wait3A_134 = arith.constant 0 : i32
    %dma_wait3A_135 = tpu.memref_slice %arg3[%dma_wait3A_133, %dma_wait3A_134] : memref<100000x128xf32, #tpu.memory_space<hbm>> -> memref<100000x128xf32, #tpu.memory_space<hbm>>
    tpu.wait_indirect_dma semaphore(%arg10 : memref<!tpu.dma_semaphore, #tpu.memory_space<semaphore_mem>>) src(%dma_wait3A_135 : memref<100000x128xf32, #tpu.memory_space<hbm>>) dst(%dma_wait3A_129 : memref<50x128xf32, #tpu.memory_space<vmem>>)
    %dma_wait3A_136 = arith.constant 0 : i32
    %dma_wait3A_137 = arith.constant 3 : i32
    %dma_wait3A_138 = arith.constant 0 : i32
    %dma_wait3A_139 = arith.constant 0 : i32
    %dma_wait3A_140 = tpu.memref_slice %arg6[%dma_wait3A_137, %dma_wait3A_138, %dma_wait3A_139] : memref<8x50x128xf32, #tpu.memory_space<vmem>> -> memref<1x50x128xf32, #tpu.memory_space<vmem>>
    %dma_wait3A_141 = tpu.memref_squeeze %dma_wait3A_140 : memref<1x50x128xf32, #tpu.memory_space<vmem>> -> memref<50x128xf32, #tpu.memory_space<vmem>>
    %dma_wait3A_142 = arith.constant 0 : i32
    %dma_wait3A_143 = tpu.memref_slice %arg5[%dma_wait3A_136, %dma_wait3A_142] : memref<512x50xi32, #tpu.memory_space<vmem>> -> memref<1x50xi32, #tpu.memory_space<vmem>>
    %dma_wait3A_144 = tpu.memref_squeeze %dma_wait3A_143 : memref<1x50xi32, #tpu.memory_space<vmem>> -> memref<50xi32, #tpu.memory_space<vmem>>
    %dma_wait3A_145 = arith.constant 0 : i32
    %dma_wait3A_146 = arith.constant 0 : i32
    %dma_wait3A_147 = tpu.memref_slice %arg3[%dma_wait3A_145, %dma_wait3A_146] : memref<100000x128xf32, #tpu.memory_space<hbm>> -> memref<100000x128xf32, #tpu.memory_space<hbm>>
    tpu.wait_indirect_dma semaphore(%arg11 : memref<!tpu.dma_semaphore, #tpu.memory_space<semaphore_mem>>) src(%dma_wait3A_147 : memref<100000x128xf32, #tpu.memory_space<hbm>>) dst(%dma_wait3A_141 : memref<50x128xf32, #tpu.memory_space<vmem>>)
    %dma_wait3A_148 = arith.constant 0 : i32
    %dma_wait3A_149 = arith.constant 4 : i32
    %dma_wait3A_150 = arith.constant 0 : i32
    %dma_wait3A_151 = arith.constant 0 : i32
    %dma_wait3A_152 = tpu.memref_slice %arg6[%dma_wait3A_149, %dma_wait3A_150, %dma_wait3A_151] : memref<8x50x128xf32, #tpu.memory_space<vmem>> -> memref<1x50x128xf32, #tpu.memory_space<vmem>>
    %dma_wait3A_153 = tpu.memref_squeeze %dma_wait3A_152 : memref<1x50x128xf32, #tpu.memory_space<vmem>> -> memref<50x128xf32, #tpu.memory_space<vmem>>
    %dma_wait3A_154 = arith.constant 0 : i32
    %dma_wait3A_155 = tpu.memref_slice %arg5[%dma_wait3A_148, %dma_wait3A_154] : memref<512x50xi32, #tpu.memory_space<vmem>> -> memref<1x50xi32, #tpu.memory_space<vmem>>
    %dma_wait3A_156 = tpu.memref_squeeze %dma_wait3A_155 : memref<1x50xi32, #tpu.memory_space<vmem>> -> memref<50xi32, #tpu.memory_space<vmem>>
    %dma_wait3A_157 = arith.constant 0 : i32
    %dma_wait3A_158 = arith.constant 0 : i32
    %dma_wait3A_159 = tpu.memref_slice %arg3[%dma_wait3A_157, %dma_wait3A_158] : memref<100000x128xf32, #tpu.memory_space<hbm>> -> memref<100000x128xf32, #tpu.memory_space<hbm>>
    tpu.wait_indirect_dma semaphore(%arg12 : memref<!tpu.dma_semaphore, #tpu.memory_space<semaphore_mem>>) src(%dma_wait3A_159 : memref<100000x128xf32, #tpu.memory_space<hbm>>) dst(%dma_wait3A_153 : memref<50x128xf32, #tpu.memory_space<vmem>>)
    %dma_wait3A_160 = arith.constant 0 : i32
    %dma_wait3A_161 = arith.constant 5 : i32
    %dma_wait3A_162 = arith.constant 0 : i32
    %dma_wait3A_163 = arith.constant 0 : i32
    %dma_wait3A_164 = tpu.memref_slice %arg6[%dma_wait3A_161, %dma_wait3A_162, %dma_wait3A_163] : memref<8x50x128xf32, #tpu.memory_space<vmem>> -> memref<1x50x128xf32, #tpu.memory_space<vmem>>
    %dma_wait3A_165 = tpu.memref_squeeze %dma_wait3A_164 : memref<1x50x128xf32, #tpu.memory_space<vmem>> -> memref<50x128xf32, #tpu.memory_space<vmem>>
    %dma_wait3A_166 = arith.constant 0 : i32
    %dma_wait3A_167 = tpu.memref_slice %arg5[%dma_wait3A_160, %dma_wait3A_166] : memref<512x50xi32, #tpu.memory_space<vmem>> -> memref<1x50xi32, #tpu.memory_space<vmem>>
    %dma_wait3A_168 = tpu.memref_squeeze %dma_wait3A_167 : memref<1x50xi32, #tpu.memory_space<vmem>> -> memref<50xi32, #tpu.memory_space<vmem>>
    %dma_wait3A_169 = arith.constant 0 : i32
    %dma_wait3A_170 = arith.constant 0 : i32
    %dma_wait3A_171 = tpu.memref_slice %arg3[%dma_wait3A_169, %dma_wait3A_170] : memref<100000x128xf32, #tpu.memory_space<hbm>> -> memref<100000x128xf32, #tpu.memory_space<hbm>>
    tpu.wait_indirect_dma semaphore(%arg13 : memref<!tpu.dma_semaphore, #tpu.memory_space<semaphore_mem>>) src(%dma_wait3A_171 : memref<100000x128xf32, #tpu.memory_space<hbm>>) dst(%dma_wait3A_165 : memref<50x128xf32, #tpu.memory_space<vmem>>)
    %dma_wait3A_172 = arith.constant 0 : i32
    %dma_wait3A_173 = arith.constant 6 : i32
    %dma_wait3A_174 = arith.constant 0 : i32
    %dma_wait3A_175 = arith.constant 0 : i32
    %dma_wait3A_176 = tpu.memref_slice %arg6[%dma_wait3A_173, %dma_wait3A_174, %dma_wait3A_175] : memref<8x50x128xf32, #tpu.memory_space<vmem>> -> memref<1x50x128xf32, #tpu.memory_space<vmem>>
    %dma_wait3A_177 = tpu.memref_squeeze %dma_wait3A_176 : memref<1x50x128xf32, #tpu.memory_space<vmem>> -> memref<50x128xf32, #tpu.memory_space<vmem>>
    %dma_wait3A_178 = arith.constant 0 : i32
    %dma_wait3A_179 = tpu.memref_slice %arg5[%dma_wait3A_172, %dma_wait3A_178] : memref<512x50xi32, #tpu.memory_space<vmem>> -> memref<1x50xi32, #tpu.memory_space<vmem>>
    %dma_wait3A_180 = tpu.memref_squeeze %dma_wait3A_179 : memref<1x50xi32, #tpu.memory_space<vmem>> -> memref<50xi32, #tpu.memory_space<vmem>>
    %dma_wait3A_181 = arith.constant 0 : i32
    %dma_wait3A_182 = arith.constant 0 : i32
    %dma_wait3A_183 = tpu.memref_slice %arg3[%dma_wait3A_181, %dma_wait3A_182] : memref<100000x128xf32, #tpu.memory_space<hbm>> -> memref<100000x128xf32, #tpu.memory_space<hbm>>
    tpu.wait_indirect_dma semaphore(%arg14 : memref<!tpu.dma_semaphore, #tpu.memory_space<semaphore_mem>>) src(%dma_wait3A_183 : memref<100000x128xf32, #tpu.memory_space<hbm>>) dst(%dma_wait3A_177 : memref<50x128xf32, #tpu.memory_space<vmem>>)
    return
  }
}

</mosaic_0001>

<sc_bundles>
// kernel: kernel.3.cloned.1.call-start
scs
__scs_entry_jumppad:
0x0: {  	(pc) =	sbr.rel $0x88, $3  }
0x1: {  	(tag) =	ssettag $0x0;
	lr =	simm.s32 $0x1  }
0x2: {  	[smem:$0x3F9F] =	sst lr;
	_ =	strace $0xD0000000  }
0x3: {  	_ = 	snop  }
0x4: {  	_ = 	snop  }
0x5: {  	_ = 	snop  }
0x6: {  	_ = 	snop  }
0x7: {  	_ = 	snop  }
__scs_overlays_trampoline_lowered:
0x8: {  	[smem:$0x3FAE] =	sst s0  }
0x9: {  	[smem:$0x3FAF] =	sst s1  }
0xa: {  	[smem:$0x3FB0] =	sst s2  }
0xb: {  	[smem:$0x3FB1] =	sst s3  }
0xc: {  	[smem:$0x3FB2] =	sst s4  }
0xd: {  	[smem:$0x3FB3] =	sst s5  }
0xe: {  	[smem:$0x3FB4] =	sst s6  }
0xf: {  	[smem:$0x3FB5] =	sst s7  }
0x10: {  	[smem:$0x3FB6] =	sst s8  }
0x11: {  	[smem:$0x3FB7] =	sst s9;
	s0 =	simm.s32 @!p0 $0x0  }
0x12: {  	s1 =	sld [smem:$0x3F9D];
	s0 =	simm.s32 @p0 $0x1  }
0x13: {  	[smem:$0x3FB8] =	sst s0;
	s0 =	simm.s32 @!p1 $0x0  }
0x14: {  	s2 =	sld [smem:$0x3F9C];
	s0 =	simm.s32 @p1 $0x1  }
0x15: {  	[smem:$0x3FB9] =	sst s0;
	s0 =	simm.s32 @!p2 $0x0  }
0x16: {  	s3 =	sld [smem:$0x3FDB];
	s0 =	simm.s32 @p2 $0x1  }
0x17: {  	s4 =	simm.s32 $0x1BF5;
	[smem:$0x3FBB] =	sst s0  }
0x18: {  	s0 =	sld [smem:$0x3F9E];
	_ =	swait.ge [sflag:s4], $0x0  }
0x19: {  	s7 =	sld [smem:$0x3F9F]  }
0x1a: {  	s8 =	sadd.s32 $0xFFFFE003, lr  }
0x1b: {  	s9 =	sadd.s32 $0xFFFFFEF7, lr;
	s5 =	simm.s32 $0xFFFFFFFF;
	p2 =	slt.u32 s8, $0xFFFFF086  }
0x1c: {  	p1 =	slt.u32 s9, $0xF7A;
	s5 =	simm.s32 @!p2 $0x0  }
0x1d: {  	s5 =	simm.s32 @p1 $0x1;
	p0 =	seq.s32 s7, s2  }
0x1e: {  	s7 =	smul.u32 @!p0 $0xF7A, s2;
	p2 =	seq.s32 @!p0 s5, $0x0  }
0x1f: {  	s9 =	smul.u32 $0xF7A, s1;
	s8 =	simm.s32 @!p0 $0x1BF5;
	p2 =	por !p2, p0  }
0x20: {  	[sflag:s8] =	ssyncset.s32 @!p0 $0xFFFFF086;
	s6 =	sadd.s32 @!p0 s3, s7;
	s7 =	simm.s32 @!p0 $0x108  }
0x21: {  	s3 =	sadd.s32 s3, s9;
	s6 =	sadd.s32 @!p0 $0x88, s6;
	s7 =	simm.s32 @p2 $0x1082  }
0x22: {  	[simem:s7], [sflag:s8] =	dma.local @!p0 [hbm:s6], $0xF7A  }
0x23: {  	s9 =	sor.u32 $0xD0000000, s2;
	s6 =	simm.s32 $0x108;
	_ =	swait.ge @!p0 [sflag:s8], $0x0  }
0x24: {  	s3 =	sadd.s32 $0x88, s3;
	s6 =	simm.s32 @!p1 $0x1082;
	[sflag:s4] =	ssyncset.s32 $0xFFFFF086  }
0x25: {  	[simem:s6], [sflag:s4] =	dma.local [hbm:s3], $0xF7A  }
0x26: {  	[smem:$0x3F9F] =	sst s1;
	(tag) =	ssettag s2;
	_ =	strace s9  }
0x27: {  	s1 =	sld [smem:$0x3FAF]  }
0x28: {  	s2 =	sld [smem:$0x3FB0]  }
0x29: {  	s4 =	sld [smem:$0x3FB2]  }
0x2a: {  	p0 =	seq.s32 s5, $0x0;
	s5 =	sld [smem:$0x3FB3]  }
0x2b: {  	s6 =	sld [smem:$0x3FB4]  }
0x2c: {  	s7 =	sld [smem:$0x3FB5]  }
0x2d: {  	s3 =	simm.s32 $0x108;
	s8 =	sld [smem:$0x3FB6]  }
0x2e: {  	s3 =	simm.s32 @!p0 $0x1082;
	s9 =	sld [smem:$0x3FB7]  }
0x2f: {  	lr =	sadd.s32 s0, s3;
	s0 =	sld [smem:$0x3FAE]  }
0x30: {  	s3 =	sld [smem:$0x3FB1]  }
0x31: {  	[smem:$0x3FBA] =	sst s10  }
0x32: {  	s10 =	sld [smem:$0x3FB8];
	_ =	sdelay $0x3  }
0x33: {  	p0 =	seq.s32 s10, $0x1;
	s10 =	sld [smem:$0x3FBA];
	_ =	sdelay $0x3  }
0x34: {  	[smem:$0x3FBA] =	sst s10  }
0x35: {  	s10 =	sld [smem:$0x3FB9];
	_ =	sdelay $0x3  }
0x36: {  	p1 =	seq.s32 s10, $0x1;
	s10 =	sld [smem:$0x3FBA];
	_ =	sdelay $0x3  }
0x37: {  	[smem:$0x3FBA] =	sst s10  }
0x38: {  	s10 =	sld [smem:$0x3FBB]  }
0x39: {  	_ = 	snop;
	(pc) =	sbr.ind lr, $3  }
0x3a: {  	_ = 	snop  }
0x3b: {  	_ = 	snop  }
0x3c: {  	p2 =	seq.s32 s10, $0x1;
	s10 =	sld [smem:$0x3FBA]  }
0x3d: {  	_ =	shalt  }
0x3e: {  	_ =	shalt  }
0x3f: {  	_ =	shalt  }
0x40: {  	_ =	shalt  }
0x41: {  	_ =	shalt  }
0x42: {  	_ =	shalt  }
0x43: {  	_ =	shalt  }
0x44: {  	_ =	shalt  }
0x45: {  	_ =	shalt  }
0x46: {  	_ =	shalt  }
0x47: {  	_ =	shalt  }
0x48: {  	_ =	shalt  }
0x49: {  	_ =	shalt  }
0x4a: {  	_ =	shalt  }
0x4b: {  	_ =	shalt  }
0x4c: {  	_ =	shalt  }
0x4d: {  	_ =	shalt  }
0x4e: {  	_ =	shalt  }
0x4f: {  	_ =	shalt  }
0x50: {  	_ =	shalt  }
0x51: {  	_ =	shalt  }
0x52: {  	_ =	shalt  }
0x53: {  	_ =	shalt  }
0x54: {  	_ =	shalt  }
0x55: {  	_ =	shalt  }
0x56: {  	_ =	shalt  }
0x57: {  	_ =	shalt  }
0x58: {  	_ =	shalt  }
0x59: {  	_ =	shalt  }
0x5a: {  	_ =	shalt  }
0x5b: {  	_ =	shalt  }
0x5c: {  	_ =	shalt  }
0x5d: {  	_ =	shalt  }
0x5e: {  	_ =	shalt  }
0x5f: {  	_ =	shalt  }
0x60: {  	_ =	shalt  }
0x61: {  	_ =	shalt  }
0x62: {  	_ =	shalt  }
0x63: {  	_ =	shalt  }
0x64: {  	_ =	shalt  }
0x65: {  	_ =	shalt  }
0x66: {  	_ =	shalt  }
0x67: {  	_ =	shalt  }
0x68: {  	_ =	shalt  }
0x69: {  	_ =	shalt  }
0x6a: {  	_ =	shalt  }
0x6b: {  	_ =	shalt  }
0x6c: {  	_ =	shalt  }
0x6d: {  	_ =	shalt  }
0x6e: {  	_ =	shalt  }
0x6f: {  	_ =	shalt  }
0x70: {  	_ =	shalt  }
0x71: {  	_ =	shalt  }
0x72: {  	_ =	shalt  }
0x73: {  	_ =	shalt  }
0x74: {  	_ =	shalt  }
0x75: {  	_ =	shalt  }
0x76: {  	_ =	shalt  }
0x77: {  	_ =	shalt  }
0x78: {  	_ =	shalt  }
0x79: {  	_ =	shalt  }
0x7a: {  	_ =	shalt  }
0x7b: {  	_ =	shalt  }
0x7c: {  	_ =	shalt  }
0x7d: {  	_ =	shalt  }
0x7e: {  	_ =	shalt  }
0x7f: {  	_ =	shalt  }
0x80: {  	_ =	shalt  }
0x81: {  	_ =	shalt  }
0x82: {  	_ =	shalt  }
0x83: {  	_ =	shalt  }
0x84: {  	_ =	shalt  }
0x85: {  	_ =	shalt  }
0x86: {  	_ =	shalt  }
0x87: {  	_ =	shalt  }
.Lfunc_end0:
.L_simem_size_0:
called_computation_lowered:
.L_overlay_start_0:
0x88: {  	s2 =	sld [smem:$0x3FD9]  }
0x89: {  	s3 =	sld [smem:$0x3FFE];
	_ =	sdelay $0x1  }
0x8a: {  	s1 =	srdreg.scid  }
0x8b: {  	s0 =	sand.u32 $0x1, s1  }
0x8c: {  	s17 =	sshll.u32 s0, $0xA;
	s2 =	sadd.s32 s3, s2  }
0x8d: {  	s2 =	sadd.s32 s2, s17  }
0x8e: {  	[smem:$0x3FC6] =	sst s2  }
0x8f: {  	_ = 	snop  }
0x90: {  	s2 =	sld [smem:$0x3FC8]  }
0x91: {  	s18 =	sld [smem:$0x3FD0];
	(tm) =	ssettm $0x1  }
0x92: {  	s4 =	sld [smem:$0x3FFB];
	_ =	sdelay $0x3  }
0x93: {  	_ =	strace s4  }
0x94: {  	s4 =	sld [smem:$0x3FFC];
	_ =	sdelay $0x3  }
0x95: {  	_ =	strace s4  }
0x96: {  	s4 =	sld [smem:$0x3FFD];
	_ =	sdelay $0x3  }
0x97: {  	_ =	strace s4  }
0x98: {  	_ =	strace $0x8FFFFFFF  }
0x99: {  	s19 =	sld [smem:$0x3FDB];
	_ =	sdelay $0x1  }
0x9a: {  	s5 =	simm.s32 $_scs_section_size  }
0x9b: {  	s6 =	simm.s32 $_size__tile_overlayer_lowered;
	s7 =	simm.s32 $_tile_overlayer_lowered  }
0x9c: {  	s22 =	simm.s32 $0x1BFF;
	s21 =	sshll.u32 s7, $0x1;
	s4 =	sadd.s32 s5, s19  }
0x9d: {  	s8 =	simm.s32 $0x0;
	s20 =	sshll.u32 s6, $0x1;
	s6 =	sadd.s32 s21, s4  }
0x9e: {  	[timem:s8], [sflag:s22] =	dma.local [hbm:s6], s20  }
0x9f: {  	_ =	swait.ge [sflag:s22], s20  }
0xa0: {  	s5 =	ssub.s32 $0x0, s20;
	[sflag:s22] =	ssyncset.done $0x0  }
0xa1: {  	[sflag:s22] =	ssyncadd.s32 s5;
	_ =	sdelay $0x1  }
0xa2: {  	s23 =	simm.s32 $0x1B8B  }
0xa3: {  	_ =	swait.ge [sflag:s23], $0x1  }
0xa4: {  	[sflag:s23] =	ssyncset.done $0x0  }
0xa5: {  	s25 =	simm.s32 $0x1B8E;
	s24 =	sld [smem:$0x3FFE];
	[sflag:s23] =	ssyncadd.s32 $0xFFFFFFFF  }
0xa6: {  	s26 =	simm.s32 $execute0_lowered;
	[smem:$0x3FD2] =	sst s25  }
0xa7: {  	s6 =	sshll.u32 s26, $0x1;
	_ =	strace $0x80000046;
	[dreg:$0x1] =	wrdreg $0xFFFFFFFF  }
0xa8: {  	s28 =	simm.s32 $_size_execute0_lowered;
	s4 =	sadd.s32 s4, s6;
	[dreg:$0x0] =	wrdreg $0x0  }
0xa9: {  	s6 =	sshll.u32 s28, $0x1;
	[dreg:$0x2] =	wrdreg s4  }
0xaa: {  	[dreg:$0x3] =	wrdreg s6  }
0xab: {  	[dreg:$0x4] =	wrdreg $0xC0  }
0xac: {  	_ =	task [dreg:s8], $0x5FFFF  }
0xad: {  	[dreg:$0x1] =	wrdreg $0xFFFFFFFF  }
0xae: {  	[dreg:$0x0] =	wrdreg $0x60  }
0xaf: {  	[dreg:$0x2] =	wrdreg s24  }
0xb0: {  	[dreg:$0x3] =	wrdreg s2  }
0xb1: {  	[dreg:$0x4] =	wrdreg s18  }
0xb2: {  	[dreg:$0x5] =	wrdreg $0x9  }
0xb3: {  	_ =	task.clear_ibuf [dreg:s8], $0x6FFFF;
	_ =	strace $0x90000046  }
0xb4: {  	s29 =	simm.s32 $0x9;
	_ =	strace $0x80000048  }
0xb5: {  	_ =	swait.ge [sflag:s29], $0x1  }
0xb6: {  	[sflag:s29] =	ssyncadd.s32 $0xFFFFFFFF  }
0xb7: {  	_ =	strace $0x90000048  }
0xb8: {  	_ =	sfence  }
0xb9: {  	s30 =	sld [smem:$0x0];
	_ =	sdelay $0x2  }
0xba: {  	s31 =	sshll.u32 s1, $0xD;
	s1 =	sshrl.u32 s1, $0x2  }
0xbb: {  	s3 =	sand.u32 $0x4000, s31;
	s1 =	sadd.s32 s1, s30  }
0xbc: {  	s0 =	sor.u32 s3, s0;
	s1 =	sshll.u32 s1, $0x11  }
0xbd: {  	s0 =	sor.u32 s1, s0  }
0xbe: {  	s0 =	sadd.s32 $0x8F2B, s0  }
0xbf: {  	[sflag:s0] =	ssyncadd.remote.s32 $0x1  }
0xc0: {  	_ =	sfence.sel $0xFFFF  }
0xc1: {  	[dreg:$0x0] =	wrdreg $0xFFFFFFFF;
	(pc) =	sbr.abs _section_cstart, $3  }
0xc2: {  	[dreg:$0x1] =	wrdreg $0xFFFFFFFF  }
0xc3: {  	_ =	task.clear_ibuf [dreg:s8], $0x2FFFF;
	_ =	strace $0x9FFFFFFF  }
0xc4: {  	(tm) =	ssettm $0x7FFFFFFF  }
0xc5: {  	_ =	shalt  }
tec
execute0_lowered:
.L_overlay_start_1:
0x0: {  	(tag) =	ssettag $0x1  }
0x1: {  	s0 =	rddreg [dreg:$0x0]  }
0x2: {  	s2 =	rddreg [dreg:$0x1];
	s1 =	srdreg.scid  }
0x3: {  	s4 =	stileid.u32;
	s3 =	rddreg [dreg:$0x2]  }
0x4: {  	s8 =	simm.s32 $0x9;
	s9 =	simm.s32 $0x32;
	s10 =	simm.s32 $0x10000  }
0x5: {  	s12 =	simm.s32 $0x11C00;
	s14 =	simm.s32 $0x13800;
	s16 =	simm.s32 $0x15400  }
0x6: {  	s18 =	simm.s32 $0x17000;
	s20 =	simm.s32 $0x18C00;
	s22 =	simm.s32 $0x1A800  }
0x7: {  	s23 =	simm.s32 $0x1C400;
	s24 =	simm.s32 $0x1;
	s25 =	simm.s32 $0x2  }
0x8: {  	s28 =	simm.s32 $0x4;
	s29 =	simm.s32 $0x5;
	s30 =	simm.s32 $0x6  }
0x9: {  	s31 =	simm.s32 $0x7;
	s1 =	sand.u32 $0x1, s1;
	s4 =	sshll.u32 s4, $0x1  }
0xa: {  	s6 =	sor.u32 s1, s4;
	s4 =	simm.s32 $0x0;
	s1 =	ssub.s32 $0x2, s1  }
0xb: {  	s5 =	sshll.u32 s6, $0xD;
	[smem:$0x7FF] =	sst s4;
	s26 =	sshrl.u32 s1, $0x1  }
0xc: {  	s6 =	sshll.u32 s6, $0xE;
	s0 =	sadd.s32 s5, s0;
	_ =	strace $0x80000047  }
0xd: {  	s1 =	ssub.s32 s1, s26;
	s26 =	simm.s32 $0x3;
	s5 =	sadd.s32 $0x400, s0  }
0xe: {  	s7 =	smax.u32 s1, $0x1;
	s1 =	simm.s32 $0x8;
	s0 =	simm.s32 $0x0  }
.LBB2_1:
0xf: {  	[tilespmem:s4], [sflag:$0x9] =	stream.linear.gather [hbm4b:s5+s4], $0x10000, $0x38;
	[tilespmem:$0x1F000] =	vst v63  }
0x10: {  	_ =	swait.ge [sflag:s8], $0x10000  }
0x11: {  	[sflag:s8] =	ssyncset.done $0x0  }
0x12: {  	[sflag:s8] =	ssyncadd.s32 $0xFFFF0000  }
0x13: {  	[tilespmem:s10], [sflag:$0x1] =	stream.indirect.gather [hbm4b:s2+s9], $0x80, s4, s9, $0xb8;
	[tilespmem:$0x1F000] =	vst v63  }
0x14: {  	s11 =	simm.s32 $0x80  }
0x15: {  	[tilespmem:s12], [sflag:$0x2] =	stream.indirect.gather [hbm4b:s2+s9], $0x80, s11, s9, $0xb8;
	[tilespmem:$0x1F000] =	vst v63  }
0x16: {  	s13 =	simm.s32 $0x100  }
0x17: {  	[tilespmem:s14], [sflag:$0x3] =	stream.indirect.gather [hbm4b:s2+s9], $0x80, s13, s9, $0xb8;
	[tilespmem:$0x1F000] =	vst v63  }
0x18: {  	s15 =	simm.s32 $0x180  }
0x19: {  	[tilespmem:s16], [sflag:$0x4] =	stream.indirect.gather [hbm4b:s2+s9], $0x80, s15, s9, $0xb8;
	[tilespmem:$0x1F000] =	vst v63  }
0x1a: {  	s17 =	simm.s32 $0x200  }
0x1b: {  	[tilespmem:s18], [sflag:$0x5] =	stream.indirect.gather [hbm4b:s2+s9], $0x80, s17, s9, $0xb8;
	[tilespmem:$0x1F000] =	vst v63  }
0x1c: {  	s19 =	simm.s32 $0x280  }
0x1d: {  	[tilespmem:s20], [sflag:$0x6] =	stream.indirect.gather [hbm4b:s2+s9], $0x80, s19, s9, $0xb8;
	[tilespmem:$0x1F000] =	vst v63  }
0x1e: {  	s21 =	simm.s32 $0x300;
	s11 =	simm.s32 $0x0  }
0x1f: {  	[tilespmem:s22], [sflag:$0x7] =	stream.indirect.gather [hbm4b:s2+s9], $0x80, s21, s9, $0xb8;
	[tilespmem:$0x1F000] =	vst v63  }
.LBB2_2:
0x20: {  	s13 =	sshll.u32 s11, $0xA  }
0x21: {  	s13 =	sand.u32 $0x3FFFFC00, s13  }
0x22: {  	s13 =	sor.u32 $0x380, s13  }
0x23: {  	[tilespmem:s23], [sflag:$0x8] =	stream.indirect.gather [hbm4b:s2+s9], $0x80, s13, s9, $0xb8;
	[tilespmem:$0x1F000] =	vst v63  }
0x24: {  	_ =	swait.ge [sflag:s24], $0x1900  }
0x25: {  	[sflag:s24] =	ssyncset.done $0x0  }
0x26: {  	s15 =	simm.s32 $0x0;
	[sflag:s24] =	ssyncadd.s32 $0xFFFFE700  }
0x27: {  	v9 =	vld [tilespmem:s15+$0x10200]  }
0x28: {  	v12 =	vld [tilespmem:s15+$0x10210]  }
0x29: {  	v13 =	vld [tilespmem:s15+$0x10220]  }
0x2a: {  	v15 =	vld [tilespmem:s15+$0x10230]  }
0x2b: {  	v1 =	vld [tilespmem:s15+$0x10240]  }
0x2c: {  	v3 =	vld [tilespmem:s15+$0x10250]  }
0x2d: {  	v6 =	vld [tilespmem:s15+$0x10180]  }
0x2e: {  	v24 =	vld [tilespmem:s15+$0x10190]  }
0x2f: {  	v20 =	vld [tilespmem:s15+$0x101A0]  }
0x30: {  	v21 =	vld [tilespmem:s15+$0x101B0]  }
0x31: {  	v5 =	vld [tilespmem:s15+$0x101C0]  }
0x32: {  	v7 =	vld [tilespmem:s15+$0x101D0]  }
0x33: {  	v0 =	vld [tilespmem:s15+$0x10100]  }
0x34: {  	v2 =	vld [tilespmem:s15+$0x10110]  }
0x35: {  	v4 =	vld [tilespmem:s15+$0x10120]  }
0x36: {  	v8 =	vld [tilespmem:s15+$0x10080]  }
0x37: {  	v10 =	vld [tilespmem:s15+$0x10090]  }
0x38: {  	v11 =	vld [tilespmem:s15+$0x10000]  }
0x39: {  	v14 =	vld [tilespmem:s15+$0x10010]  }
0x3a: {  	v16 =	vld [tilespmem:s15+$0x10020]  }
0x3b: {  	v18 =	vld [tilespmem:s15+$0x10030]  }
0x3c: {  	v19 =	vld [tilespmem:s15+$0x100A0]  }
0x3d: {  	v22 =	vld [tilespmem:s15+$0x100B0]  }
0x3e: {  	v25 =	vld [tilespmem:s15+$0x10130]  }
0x3f: {  	v17 =	vimm.f32 $0.0e+00;
	v23 =	vld [tilespmem:s15+$0x10140]  }
0x40: {  	v28 =	vld [tilespmem:s15+$0x10150];
	v11 =	vadd.f32 v11, v17;
	v14 =	vadd.f32 v14, v17  }
0x41: {  	v29 =	vld [tilespmem:s15+$0x100C0];
	v16 =	vadd.f32 v16, v17;
	v18 =	vadd.f32 v18, v17  }
0x42: {  	v30 =	vld [tilespmem:s15+$0x100D0];
	v8 =	vadd.f32 v8, v11;
	v10 =	vadd.f32 v10, v14  }
0x43: {  	v27 =	vimm.f32 $0.0e+00;
	v31 =	vld [tilespmem:s15+$0x10040];
	v11 =	vadd.f32 v19, v16;
	v14 =	vadd.f32 v22, v18  }
0x44: {  	v26 =	vimm.f32 $0.0e+00;
	v32 =	vld [tilespmem:s15+$0x10050];
	v34 =	vadd.f32 v0, v8;
	v35 =	vadd.f32 v2, v10  }
0x45: {  	s13 =	simm.s32 $0xA00;
	v33 =	vld [tilespmem:s15+$0x10060];
	v36 =	vadd.f32 v4, v11;
	v37 =	vadd.f32 v25, v14;
	v25 =	vimm.f32 $0.0e+00  }
.LBB2_3:
0x46: {  	p0 =	sne.s32 s13, $0x5A00;
	v0 =	vld [tilespmem:s15+$0x10070];
	v2 =	vadd.f32 v6, v34;
	v4 =	vadd.f32 v24, v35  }
0x47: {  	v6 =	vld [tilespmem:s15+$0x100E0];
	v8 =	vadd.f32 v20, v36;
	v10 =	vadd.f32 v21, v37  }
0x48: {  	v11 =	vld [tilespmem:s15+$0x100F0];
	v2 =	vadd.f32 v9, v2;
	v4 =	vadd.f32 v12, v4  }
0x49: {  	v12 =	vld [tilespmem:s15+$0x10160];
	v8 =	vadd.f32 v13, v8;
	v10 =	vadd.f32 v15, v10  }
0x4a: {  	v9 =	vadd.f32 v31, v17;
	v13 =	vadd.f32 v32, v27;
	v14 =	vld [tilespmem:s15+$0x10170]  }
0x4b: {  	v15 =	vadd.f32 v33, v25;
	v0 =	vadd.f32 v0, v26;
	v16 =	vld [tilespmem:s15+$0x101E0]  }
0x4c: {  	v9 =	vadd.f32 v29, v9;
	v13 =	vadd.f32 v30, v13;
	v17 =	vld [tilespmem:s15+$0x101F0]  }
0x4d: {  	v6 =	vadd.f32 v6, v15;
	v0 =	vadd.f32 v11, v0;
	v11 =	vld [tilespmem:s15+$0x10260]  }
0x4e: {  	v15 =	vadd.f32 v23, v9;
	v13 =	vadd.f32 v28, v13;
	v18 =	vld [tilespmem:s15+$0x10270];
	s15 =	sshra.s32 s13, $0x2  }
0x4f: {  	v6 =	vadd.f32 v12, v6;
	v9 =	vld [tilespmem:s15+$0x10200];
	v0 =	vadd.f32 v14, v0  }
0x50: {  	v5 =	vadd.f32 v5, v15;
	v7 =	vadd.f32 v7, v13;
	v12 =	vld [tilespmem:s15+$0x10210]  }
0x51: {  	v6 =	vadd.f32 v16, v6;
	v13 =	vld [tilespmem:s15+$0x10220];
	v0 =	vadd.f32 v17, v0  }
0x52: {  	v17 =	vadd.f32 v1, v5;
	v27 =	vadd.f32 v3, v7;
	v15 =	vld [tilespmem:s15+$0x10230]  }
0x53: {  	v25 =	vadd.f32 v11, v6;
	v1 =	vld [tilespmem:s15+$0x10240];
	v26 =	vadd.f32 v18, v0  }
0x54: {  	v3 =	vld [tilespmem:s15+$0x10250]  }
0x55: {  	v6 =	vld [tilespmem:s15+$0x10180]  }
0x56: {  	v24 =	vld [tilespmem:s15+$0x10190]  }
0x57: {  	v20 =	vld [tilespmem:s15+$0x101A0]  }
0x58: {  	v21 =	vld [tilespmem:s15+$0x101B0]  }
0x59: {  	v5 =	vld [tilespmem:s15+$0x101C0]  }
0x5a: {  	v7 =	vld [tilespmem:s15+$0x101D0]  }
0x5b: {  	v0 =	vld [tilespmem:s15+$0x10100]  }
0x5c: {  	v11 =	vld [tilespmem:s15+$0x10110]  }
0x5d: {  	v14 =	vld [tilespmem:s15+$0x10120]  }
0x5e: {  	v16 =	vld [tilespmem:s15+$0x10130]  }
0x5f: {  	v18 =	vld [tilespmem:s15+$0x10080]  }
0x60: {  	v19 =	vld [tilespmem:s15+$0x10090]  }
0x61: {  	v22 =	vld [tilespmem:s15+$0x10000]  }
0x62: {  	v28 =	vld [tilespmem:s15+$0x10010]  }
0x63: {  	v29 =	vld [tilespmem:s15+$0x10020]  }
0x64: {  	v30 =	vld [tilespmem:s15+$0x10030]  }
0x65: {  	v32 =	vld [tilespmem:s15+$0x100A0]  }
0x66: {  	v33 =	vld [tilespmem:s15+$0x100B0]  }
0x67: {  	v23 =	vld [tilespmem:s15+$0x10140]  }
0x68: {  	v2 =	vadd.f32 v22, v2;
	v4 =	vadd.f32 v28, v4;
	v28 =	vld [tilespmem:s15+$0x10150]  }
.Ltmp0:
0x69: {  	v8 =	vadd.f32 v29, v8;
	v10 =	vadd.f32 v30, v10;
	v29 =	vld [tilespmem:s15+$0x100C0];
	(pc) =	sbr.rel @p0 .LBB2_3-.Ltmp0, $4  }
0x6a: {  	v2 =	vadd.f32 v18, v2;
	v4 =	vadd.f32 v19, v4;
	v30 =	vld [tilespmem:s15+$0x100D0]  }
0x6b: {  	v8 =	vadd.f32 v32, v8;
	v31 =	vld [tilespmem:s15+$0x10040];
	v10 =	vadd.f32 v33, v10  }
0x6c: {  	v34 =	vadd.f32 v0, v2;
	v35 =	vadd.f32 v11, v4;
	v32 =	vld [tilespmem:s15+$0x10050]  }
0x6d: {  	s13 =	sadd.s32 $0xA00, s13;
	v36 =	vadd.f32 v14, v8;
	v33 =	vld [tilespmem:s15+$0x10060];
	v37 =	vadd.f32 v16, v10  }
0x6e: {  	v38 =	vld [tilespmem:s15+$0x10070]  }
0x6f: {  	v39 =	vld [tilespmem:s15+$0x100E0]  }
0x70: {  	v40 =	vld [tilespmem:s15+$0x100F0]  }
0x71: {  	v41 =	vld [tilespmem:s15+$0x10160]  }
0x72: {  	v42 =	vld [tilespmem:s15+$0x10170];
	s13 =	sshll.u32 s11, $0x3  }
0x73: {  	v43 =	vld [tilespmem:s15+$0x101E0];
	s17 =	smin.u32 s13, $0x1F7  }
0x74: {  	v44 =	vld [tilespmem:s15+$0x101F0];
	s17 =	sshll.u32 s17, $0x7  }
0x75: {  	v45 =	vld [tilespmem:s15+$0x10260];
	s21 =	sadd.s32 $0x400, s17  }
0x76: {  	v46 =	vld [tilespmem:s15+$0x10270];
	[tilespmem:s10], [sflag:$0x1] =	stream.indirect.gather [hbm4b:s2+s9], $0x80, s21, s9, $0xb8  }
0x77: {  	_ =	swait.ge [sflag:s25], $0x1900  }
0x78: {  	[sflag:s25] =	ssyncset.done $0x0  }
0x79: {  	s15 =	simm.s32 $0x0;
	[sflag:s25] =	ssyncadd.s32 $0xFFFFE700  }
0x7a: {  	v8 =	vld [tilespmem:s15+$0x11E00]  }
0x7b: {  	v10 =	vld [tilespmem:s15+$0x11E10]  }
0x7c: {  	v11 =	vld [tilespmem:s15+$0x11E20]  }
0x7d: {  	v14 =	vld [tilespmem:s15+$0x11E30]  }
0x7e: {  	v0 =	vld [tilespmem:s15+$0x11E40]  }
0x7f: {  	v2 =	vld [tilespmem:s15+$0x11E50]  }
0x80: {  	v18 =	vld [tilespmem:s15+$0x11D80]  }
0x81: {  	v22 =	vld [tilespmem:s15+$0x11D90]  }
0x82: {  	v16 =	vld [tilespmem:s15+$0x11DA0]  }
0x83: {  	v19 =	vld [tilespmem:s15+$0x11DB0]  }
0x84: {  	v4 =	vld [tilespmem:s15+$0x11DC0]  }
0x85: {  	v34 =	vadd.f32 v6, v34;
	v24 =	vadd.f32 v24, v35;
	v6 =	vld [tilespmem:s15+$0x11DD0]  }
0x86: {  	v20 =	vadd.f32 v20, v36;
	v21 =	vadd.f32 v21, v37;
	v59 =	vld [tilespmem:s15+$0x11D00]  }
0x87: {  	v9 =	vadd.f32 v9, v34;
	v12 =	vadd.f32 v12, v24;
	v60 =	vld [tilespmem:s15+$0x11D10]  }
0x88: {  	v17 =	vadd.f32 v31, v17;
	v13 =	vadd.f32 v13, v20;
	v20 =	vld [tilespmem:s15+$0x11D20]  }
0x89: {  	v15 =	vadd.f32 v15, v21;
	v21 =	vadd.f32 v32, v27;
	v61 =	vld [tilespmem:s15+$0x11D30]  }
0x8a: {  	v24 =	vadd.f32 v33, v25;
	v25 =	vadd.f32 v38, v26;
	v31 =	vld [tilespmem:s15+$0x11C80]  }
0x8b: {  	v17 =	vadd.f32 v29, v17;
	v21 =	vadd.f32 v30, v21;
	v62 =	vld [tilespmem:s15+$0x11C90]  }
0x8c: {  	v24 =	vadd.f32 v39, v24;
	v25 =	vadd.f32 v40, v25;
	v29 =	vld [tilespmem:s15+$0x11C00]  }
0x8d: {  	v17 =	vadd.f32 v23, v17;
	v21 =	vadd.f32 v28, v21;
	v23 =	vld [tilespmem:s15+$0x11C10]  }
0x8e: {  	v24 =	vadd.f32 v41, v24;
	v30 =	vld [tilespmem:s15+$0x11C20];
	v25 =	vadd.f32 v42, v25  }
0x8f: {  	v5 =	vadd.f32 v5, v17;
	v17 =	vld [tilespmem:s15+$0x11C30];
	v7 =	vadd.f32 v7, v21  }
0x90: {  	v63 =	vld [tilespmem:s15+$0x11CA0];
	v21 =	vadd.f32 v43, v24;
	v27 =	vadd.f32 v44, v25  }
0x91: {  	v24 =	vadd.f32 v1, v5;
	v1 =	vld [tilespmem:s15+$0x11CB0];
	v25 =	vadd.f32 v3, v7  }
0x92: {  	v28 =	vld [tilespmem:s15+$0x11D40];
	v26 =	vadd.f32 v45, v21;
	v27 =	vadd.f32 v46, v27  }
0x93: {  	v32 =	vld [tilespmem:s15+$0x11C40];
	v3 =	vadd.f32 v29, v9;
	v5 =	vadd.f32 v23, v12  }
0x94: {  	v33 =	vld [tilespmem:s15+$0x11C50];
	v7 =	vadd.f32 v30, v13;
	v9 =	vadd.f32 v17, v15  }
0x95: {  	v34 =	vld [tilespmem:s15+$0x11C60];
	v3 =	vadd.f32 v31, v3;
	v5 =	vadd.f32 v62, v5  }
0x96: {  	v29 =	vld [tilespmem:s15+$0x11D50];
	v12 =	vadd.f32 v63, v7;
	v1 =	vadd.f32 v1, v9  }
0x97: {  	v30 =	vld [tilespmem:s15+$0x11CC0];
	v7 =	vadd.f32 v59, v3;
	v35 =	vadd.f32 v60, v5  }
0x98: {  	s17 =	simm.s32 $0xA00;
	v31 =	vld [tilespmem:s15+$0x11CD0];
	v36 =	vadd.f32 v20, v12;
	v37 =	vadd.f32 v61, v1  }
.LBB2_5:
0x99: {  	p0 =	sne.s32 s17, $0x5A00;
	v1 =	vld [tilespmem:s15+$0x11C70];
	v3 =	vadd.f32 v18, v7;
	v5 =	vadd.f32 v22, v35  }
0x9a: {  	v7 =	vld [tilespmem:s15+$0x11CE0];
	v9 =	vadd.f32 v16, v36;
	v12 =	vadd.f32 v19, v37  }
0x9b: {  	v13 =	vld [tilespmem:s15+$0x11CF0];
	v3 =	vadd.f32 v8, v3;
	v5 =	vadd.f32 v10, v5  }
0x9c: {  	v10 =	vld [tilespmem:s15+$0x11D60];
	v9 =	vadd.f32 v11, v9;
	v12 =	vadd.f32 v14, v12  }
0x9d: {  	v8 =	vadd.f32 v32, v24;
	v11 =	vadd.f32 v33, v25;
	v14 =	vld [tilespmem:s15+$0x11D70]  }
0x9e: {  	v15 =	vadd.f32 v34, v26;
	v1 =	vadd.f32 v1, v27;
	v16 =	vld [tilespmem:s15+$0x11DE0]  }
0x9f: {  	v8 =	vadd.f32 v30, v8;
	v11 =	vadd.f32 v31, v11;
	v17 =	vld [tilespmem:s15+$0x11DF0]  }
0xa0: {  	v7 =	vadd.f32 v7, v15;
	v1 =	vadd.f32 v13, v1;
	v13 =	vld [tilespmem:s15+$0x11E60]  }
0xa1: {  	v15 =	vadd.f32 v28, v8;
	v11 =	vadd.f32 v29, v11;
	v18 =	vld [tilespmem:s15+$0x11E70];
	s15 =	sshra.s32 s17, $0x2  }
0xa2: {  	v7 =	vadd.f32 v10, v7;
	v8 =	vld [tilespmem:s15+$0x11E00];
	v1 =	vadd.f32 v14, v1  }
0xa3: {  	v4 =	vadd.f32 v4, v15;
	v6 =	vadd.f32 v6, v11;
	v10 =	vld [tilespmem:s15+$0x11E10]  }
0xa4: {  	v7 =	vadd.f32 v16, v7;
	v11 =	vld [tilespmem:s15+$0x11E20];
	v1 =	vadd.f32 v17, v1  }
0xa5: {  	v24 =	vadd.f32 v0, v4;
	v25 =	vadd.f32 v2, v6;
	v14 =	vld [tilespmem:s15+$0x11E30]  }
0xa6: {  	v26 =	vadd.f32 v13, v7;
	v0 =	vld [tilespmem:s15+$0x11E40];
	v27 =	vadd.f32 v18, v1  }
0xa7: {  	v2 =	vld [tilespmem:s15+$0x11E50]  }
0xa8: {  	v18 =	vld [tilespmem:s15+$0x11D80]  }
0xa9: {  	v22 =	vld [tilespmem:s15+$0x11D90]  }
0xaa: {  	v16 =	vld [tilespmem:s15+$0x11DA0]  }
0xab: {  	v19 =	vld [tilespmem:s15+$0x11DB0]  }
0xac: {  	v4 =	vld [tilespmem:s15+$0x11DC0]  }
0xad: {  	v6 =	vld [tilespmem:s15+$0x11DD0]  }
0xae: {  	v1 =	vld [tilespmem:s15+$0x11D00]  }
0xaf: {  	v13 =	vld [tilespmem:s15+$0x11D10]  }
0xb0: {  	v15 =	vld [tilespmem:s15+$0x11D20]  }
0xb1: {  	v17 =	vld [tilespmem:s15+$0x11D30]  }
0xb2: {  	v7 =	vld [tilespmem:s15+$0x11C80]  }
0xb3: {  	v20 =	vld [tilespmem:s15+$0x11C90]  }
0xb4: {  	v21 =	vld [tilespmem:s15+$0x11C00]  }
0xb5: {  	v23 =	vld [tilespmem:s15+$0x11C10]  }
0xb6: {  	v30 =	vld [tilespmem:s15+$0x11C20]  }
0xb7: {  	v31 =	vld [tilespmem:s15+$0x11C30]  }
0xb8: {  	v33 =	vld [tilespmem:s15+$0x11CA0]  }
0xb9: {  	v34 =	vld [tilespmem:s15+$0x11CB0]  }
0xba: {  	v28 =	vld [tilespmem:s15+$0x11D40]  }
0xbb: {  	v3 =	vadd.f32 v21, v3;
	v5 =	vadd.f32 v23, v5;
	v29 =	vld [tilespmem:s15+$0x11D50]  }
.Ltmp1:
0xbc: {  	v9 =	vadd.f32 v30, v9;
	v12 =	vadd.f32 v31, v12;
	v30 =	vld [tilespmem:s15+$0x11CC0];
	(pc) =	sbr.rel @p0 .LBB2_5-.Ltmp1, $4  }
0xbd: {  	v3 =	vadd.f32 v7, v3;
	v5 =	vadd.f32 v20, v5;
	v31 =	vld [tilespmem:s15+$0x11CD0]  }
0xbe: {  	v9 =	vadd.f32 v33, v9;
	v32 =	vld [tilespmem:s15+$0x11C40];
	v12 =	vadd.f32 v34, v12  }
0xbf: {  	v7 =	vadd.f32 v1, v3;
	v35 =	vadd.f32 v13, v5;
	v33 =	vld [tilespmem:s15+$0x11C50]  }
0xc0: {  	s17 =	sadd.s32 $0xA00, s17;
	v36 =	vadd.f32 v15, v9;
	v34 =	vld [tilespmem:s15+$0x11C60];
	v37 =	vadd.f32 v17, v12  }
0xc1: {  	v38 =	vld [tilespmem:s15+$0x11C70]  }
0xc2: {  	v39 =	vld [tilespmem:s15+$0x11CE0]  }
0xc3: {  	v40 =	vld [tilespmem:s15+$0x11CF0]  }
0xc4: {  	v41 =	vld [tilespmem:s15+$0x11D60]  }
0xc5: {  	v42 =	vld [tilespmem:s15+$0x11D70]  }
0xc6: {  	v43 =	vld [tilespmem:s15+$0x11DE0];
	s17 =	smin.u32 s13, $0x1F6  }
0xc7: {  	v44 =	vld [tilespmem:s15+$0x11DF0];
	s17 =	sshll.u32 s17, $0x7  }
0xc8: {  	v45 =	vld [tilespmem:s15+$0x11E60];
	s21 =	sadd.s32 $0x480, s17  }
0xc9: {  	v46 =	vld [tilespmem:s15+$0x11E70];
	[tilespmem:s12], [sflag:$0x2] =	stream.indirect.gather [hbm4b:s2+s9], $0x80, s21, s9, $0xb8  }
0xca: {  	_ =	swait.ge [sflag:s26], $0x1900  }
0xcb: {  	[sflag:s26] =	ssyncset.done $0x0  }
0xcc: {  	s15 =	simm.s32 $0x0;
	[sflag:s26] =	ssyncadd.s32 $0xFFFFE700  }
0xcd: {  	v9 =	vld [tilespmem:s15+$0x13A00]  }
0xce: {  	v12 =	vld [tilespmem:s15+$0x13A10]  }
0xcf: {  	v13 =	vld [tilespmem:s15+$0x13A20]  }
0xd0: {  	v15 =	vld [tilespmem:s15+$0x13A30]  }
0xd1: {  	v1 =	vld [tilespmem:s15+$0x13A40]  }
0xd2: {  	v3 =	vld [tilespmem:s15+$0x13A50]  }
0xd3: {  	v20 =	vld [tilespmem:s15+$0x13980]  }
0xd4: {  	v23 =	vld [tilespmem:s15+$0x13990]  }
0xd5: {  	v17 =	vld [tilespmem:s15+$0x139A0]  }
0xd6: {  	v21 =	vld [tilespmem:s15+$0x139B0]  }
0xd7: {  	v5 =	vld [tilespmem:s15+$0x139C0]  }
0xd8: {  	v18 =	vadd.f32 v18, v7;
	v22 =	vadd.f32 v22, v35;
	v7 =	vld [tilespmem:s15+$0x139D0]  }
0xd9: {  	v16 =	vadd.f32 v16, v36;
	v19 =	vadd.f32 v19, v37;
	v59 =	vld [tilespmem:s15+$0x13900]  }
0xda: {  	v8 =	vadd.f32 v8, v18;
	v10 =	vadd.f32 v10, v22;
	v60 =	vld [tilespmem:s15+$0x13910]  }
0xdb: {  	v11 =	vadd.f32 v11, v16;
	v14 =	vadd.f32 v14, v19;
	v61 =	vld [tilespmem:s15+$0x13920]  }
0xdc: {  	v16 =	vadd.f32 v32, v24;
	v18 =	vadd.f32 v33, v25;
	v24 =	vld [tilespmem:s15+$0x13930]  }
0xdd: {  	v19 =	vadd.f32 v34, v26;
	v22 =	vadd.f32 v38, v27;
	v26 =	vld [tilespmem:s15+$0x13880]  }
0xde: {  	v16 =	vadd.f32 v30, v16;
	v18 =	vadd.f32 v31, v18;
	v27 =	vld [tilespmem:s15+$0x13890]  }
0xdf: {  	v19 =	vadd.f32 v39, v19;
	v22 =	vadd.f32 v40, v22;
	v30 =	vld [tilespmem:s15+$0x13800]  }
0xe0: {  	v16 =	vadd.f32 v28, v16;
	v18 =	vadd.f32 v29, v18;
	v28 =	vld [tilespmem:s15+$0x13810]  }
0xe1: {  	v31 =	vld [tilespmem:s15+$0x13820];
	v19 =	vadd.f32 v41, v19;
	v22 =	vadd.f32 v42, v22  }
0xe2: {  	v62 =	vld [tilespmem:s15+$0x13830];
	v4 =	vadd.f32 v4, v16;
	v6 =	vadd.f32 v6, v18  }
0xe3: {  	v63 =	vld [tilespmem:s15+$0x138A0];
	v19 =	vadd.f32 v43, v19;
	v22 =	vadd.f32 v44, v22  }
0xe4: {  	v16 =	vadd.f32 v0, v4;
	v18 =	vadd.f32 v2, v6;
	v0 =	vld [tilespmem:s15+$0x138B0]  }
0xe5: {  	v25 =	vld [tilespmem:s15+$0x13940];
	v19 =	vadd.f32 v45, v19;
	v2 =	vadd.f32 v30, v8  }
0xe6: {  	v29 =	vld [tilespmem:s15+$0x13950];
	v4 =	vadd.f32 v28, v10;
	v6 =	vadd.f32 v31, v11  }
0xe7: {  	v32 =	vld [tilespmem:s15+$0x13840];
	v8 =	vadd.f32 v62, v14;
	v22 =	vadd.f32 v46, v22  }
0xe8: {  	v33 =	vld [tilespmem:s15+$0x13850];
	v2 =	vadd.f32 v26, v2;
	v4 =	vadd.f32 v27, v4  }
0xe9: {  	v34 =	vld [tilespmem:s15+$0x13860];
	v10 =	vadd.f32 v63, v6;
	v0 =	vadd.f32 v0, v8  }
0xea: {  	v30 =	vld [tilespmem:s15+$0x138C0];
	v6 =	vadd.f32 v59, v2;
	v35 =	vadd.f32 v60, v4  }
0xeb: {  	s17 =	simm.s32 $0xA00;
	v31 =	vld [tilespmem:s15+$0x138D0];
	v36 =	vadd.f32 v61, v10;
	v37 =	vadd.f32 v24, v0  }
.LBB2_7:
0xec: {  	p0 =	sne.s32 s17, $0x5A00;
	v0 =	vld [tilespmem:s15+$0x13870];
	v2 =	vadd.f32 v20, v6;
	v4 =	vadd.f32 v23, v35  }
0xed: {  	v6 =	vld [tilespmem:s15+$0x138E0];
	v8 =	vadd.f32 v17, v36;
	v10 =	vadd.f32 v21, v37  }
0xee: {  	v11 =	vld [tilespmem:s15+$0x138F0];
	v2 =	vadd.f32 v9, v2;
	v4 =	vadd.f32 v12, v4  }
0xef: {  	v12 =	vld [tilespmem:s15+$0x13960];
	v8 =	vadd.f32 v13, v8;
	v10 =	vadd.f32 v15, v10  }
0xf0: {  	v9 =	vadd.f32 v32, v16;
	v13 =	vadd.f32 v33, v18;
	v14 =	vld [tilespmem:s15+$0x13970]  }
0xf1: {  	v15 =	vadd.f32 v34, v19;
	v0 =	vadd.f32 v0, v22;
	v16 =	vld [tilespmem:s15+$0x139E0]  }
0xf2: {  	v9 =	vadd.f32 v30, v9;
	v13 =	vadd.f32 v31, v13;
	v17 =	vld [tilespmem:s15+$0x139F0]  }
0xf3: {  	v6 =	vadd.f32 v6, v15;
	v0 =	vadd.f32 v11, v0;
	v11 =	vld [tilespmem:s15+$0x13A60]  }
0xf4: {  	v15 =	vadd.f32 v25, v9;
	v13 =	vadd.f32 v29, v13;
	v20 =	vld [tilespmem:s15+$0x13A70];
	s15 =	sshra.s32 s17, $0x2  }
0xf5: {  	v6 =	vadd.f32 v12, v6;
	v9 =	vld [tilespmem:s15+$0x13A00];
	v0 =	vadd.f32 v14, v0  }
0xf6: {  	v5 =	vadd.f32 v5, v15;
	v7 =	vadd.f32 v7, v13;
	v12 =	vld [tilespmem:s15+$0x13A10]  }
0xf7: {  	v6 =	vadd.f32 v16, v6;
	v13 =	vld [tilespmem:s15+$0x13A20];
	v0 =	vadd.f32 v17, v0  }
0xf8: {  	v16 =	vadd.f32 v1, v5;
	v18 =	vadd.f32 v3, v7;
	v15 =	vld [tilespmem:s15+$0x13A30]  }
0xf9: {  	v19 =	vadd.f32 v11, v6;
	v1 =	vld [tilespmem:s15+$0x13A40];
	v22 =	vadd.f32 v20, v0  }
0xfa: {  	v3 =	vld [tilespmem:s15+$0x13A50]  }
0xfb: {  	v20 =	vld [tilespmem:s15+$0x13980]  }
0xfc: {  	v23 =	vld [tilespmem:s15+$0x13990]  }
0xfd: {  	v17 =	vld [tilespmem:s15+$0x139A0]  }
0xfe: {  	v21 =	vld [tilespmem:s15+$0x139B0]  }
0xff: {  	v5 =	vld [tilespmem:s15+$0x139C0]  }
0x100: {  	v7 =	vld [tilespmem:s15+$0x139D0]  }
0x101: {  	v0 =	vld [tilespmem:s15+$0x13900]  }
0x102: {  	v11 =	vld [tilespmem:s15+$0x13910]  }
0x103: {  	v14 =	vld [tilespmem:s15+$0x13920]  }
0x104: {  	v24 =	vld [tilespmem:s15+$0x13930]  }
0x105: {  	v6 =	vld [tilespmem:s15+$0x13880]  }
0x106: {  	v26 =	vld [tilespmem:s15+$0x13890]  }
0x107: {  	v27 =	vld [tilespmem:s15+$0x13800]  }
0x108: {  	v28 =	vld [tilespmem:s15+$0x13810]  }
0x109: {  	v30 =	vld [tilespmem:s15+$0x13820]  }
0x10a: {  	v31 =	vld [tilespmem:s15+$0x13830]  }
0x10b: {  	v33 =	vld [tilespmem:s15+$0x138A0]  }
0x10c: {  	v34 =	vld [tilespmem:s15+$0x138B0]  }
0x10d: {  	v25 =	vld [tilespmem:s15+$0x13940]  }
0x10e: {  	v2 =	vadd.f32 v27, v2;
	v4 =	vadd.f32 v28, v4;
	v29 =	vld [tilespmem:s15+$0x13950]  }
.Ltmp2:
0x10f: {  	v8 =	vadd.f32 v30, v8;
	v10 =	vadd.f32 v31, v10;
	v30 =	vld [tilespmem:s15+$0x138C0];
	(pc) =	sbr.rel @p0 .LBB2_7-.Ltmp2, $4  }
0x110: {  	v2 =	vadd.f32 v6, v2;
	v4 =	vadd.f32 v26, v4;
	v31 =	vld [tilespmem:s15+$0x138D0]  }
0x111: {  	v8 =	vadd.f32 v33, v8;
	v32 =	vld [tilespmem:s15+$0x13840];
	v10 =	vadd.f32 v34, v10  }
0x112: {  	v6 =	vadd.f32 v0, v2;
	v35 =	vadd.f32 v11, v4;
	v33 =	vld [tilespmem:s15+$0x13850]  }
0x113: {  	s17 =	sadd.s32 $0xA00, s17;
	v36 =	vadd.f32 v14, v8;
	v34 =	vld [tilespmem:s15+$0x13860];
	v37 =	vadd.f32 v24, v10  }
0x114: {  	v38 =	vld [tilespmem:s15+$0x13870]  }
0x115: {  	v39 =	vld [tilespmem:s15+$0x138E0]  }
0x116: {  	v40 =	vld [tilespmem:s15+$0x138F0]  }
0x117: {  	v41 =	vld [tilespmem:s15+$0x13960]  }
0x118: {  	v42 =	vld [tilespmem:s15+$0x13970]  }
0x119: {  	v43 =	vld [tilespmem:s15+$0x139E0];
	s17 =	smin.u32 s13, $0x1F5  }
0x11a: {  	v44 =	vld [tilespmem:s15+$0x139F0];
	s17 =	sshll.u32 s17, $0x7  }
0x11b: {  	v45 =	vld [tilespmem:s15+$0x13A60];
	s21 =	sadd.s32 $0x500, s17  }
0x11c: {  	v46 =	vld [tilespmem:s15+$0x13A70];
	[tilespmem:s14], [sflag:$0x3] =	stream.indirect.gather [hbm4b:s2+s9], $0x80, s21, s9, $0xb8  }
0x11d: {  	_ =	swait.ge [sflag:s28], $0x1900  }
0x11e: {  	[sflag:s28] =	ssyncset.done $0x0  }
0x11f: {  	s15 =	simm.s32 $0x0;
	[sflag:s28] =	ssyncadd.s32 $0xFFFFE700  }
0x120: {  	v8 =	vld [tilespmem:s15+$0x15600]  }
0x121: {  	v10 =	vld [tilespmem:s15+$0x15610]  }
0x122: {  	v11 =	vld [tilespmem:s15+$0x15620]  }
0x123: {  	v14 =	vld [tilespmem:s15+$0x15630]  }
0x124: {  	v0 =	vld [tilespmem:s15+$0x15640]  }
0x125: {  	v2 =	vld [tilespmem:s15+$0x15650]  }
0x126: {  	v26 =	vld [tilespmem:s15+$0x15580]  }
0x127: {  	v28 =	vld [tilespmem:s15+$0x15590]  }
0x128: {  	v24 =	vld [tilespmem:s15+$0x155A0]  }
0x129: {  	v27 =	vld [tilespmem:s15+$0x155B0]  }
0x12a: {  	v20 =	vadd.f32 v20, v6;
	v4 =	vld [tilespmem:s15+$0x155C0]  }
0x12b: {  	v23 =	vadd.f32 v23, v35;
	v17 =	vadd.f32 v17, v36;
	v6 =	vld [tilespmem:s15+$0x155D0]  }
0x12c: {  	v21 =	vadd.f32 v21, v37;
	v20 =	vadd.f32 v9, v20;
	v61 =	vld [tilespmem:s15+$0x15500]  }
0x12d: {  	v12 =	vadd.f32 v12, v23;
	v9 =	vadd.f32 v32, v16;
	v23 =	vld [tilespmem:s15+$0x15510]  }
0x12e: {  	v13 =	vadd.f32 v13, v17;
	v15 =	vadd.f32 v15, v21;
	v21 =	vld [tilespmem:s15+$0x15520]  }
0x12f: {  	v16 =	vadd.f32 v33, v18;
	v17 =	vadd.f32 v34, v19;
	v62 =	vld [tilespmem:s15+$0x15530]  }
0x130: {  	v9 =	vadd.f32 v30, v9;
	v18 =	vadd.f32 v38, v22;
	v19 =	vld [tilespmem:s15+$0x15480]  }
0x131: {  	v16 =	vadd.f32 v31, v16;
	v17 =	vadd.f32 v39, v17;
	v22 =	vld [tilespmem:s15+$0x15490]  }
0x132: {  	v9 =	vadd.f32 v25, v9;
	v18 =	vadd.f32 v40, v18;
	v30 =	vld [tilespmem:s15+$0x15400]  }
0x133: {  	v16 =	vadd.f32 v29, v16;
	v29 =	vld [tilespmem:s15+$0x15420];
	v17 =	vadd.f32 v41, v17  }
0x134: {  	v25 =	vld [tilespmem:s15+$0x15410];
	v5 =	vadd.f32 v5, v9;
	v18 =	vadd.f32 v42, v18  }
0x135: {  	v9 =	vadd.f32 v7, v16;
	v16 =	vld [tilespmem:s15+$0x15430];
	v17 =	vadd.f32 v43, v17  }
0x136: {  	v31 =	vld [tilespmem:s15+$0x154A0];
	v7 =	vadd.f32 v1, v5;
	v18 =	vadd.f32 v44, v18  }
0x137: {  	v63 =	vld [tilespmem:s15+$0x154B0];
	v3 =	vadd.f32 v3, v9;
	v5 =	vadd.f32 v45, v17  }
0x138: {  	v9 =	vld [tilespmem:s15+$0x15540];
	v17 =	vadd.f32 v30, v20;
	v20 =	vadd.f32 v29, v13  }
0x139: {  	v13 =	vld [tilespmem:s15+$0x154C0];
	v1 =	vadd.f32 v46, v18;
	v18 =	vadd.f32 v25, v12  }
0x13a: {  	v12 =	vld [tilespmem:s15+$0x15550];
	v25 =	vadd.f32 v16, v15  }
0x13b: {  	v19 =	vadd.f32 v19, v17;
	v15 =	vld [tilespmem:s15+$0x154D0];
	v18 =	vadd.f32 v22, v18  }
0x13c: {  	v16 =	vld [tilespmem:s15+$0x15440];
	v22 =	vadd.f32 v31, v20;
	v25 =	vadd.f32 v63, v25  }
0x13d: {  	v17 =	vld [tilespmem:s15+$0x15450];
	v19 =	vadd.f32 v61, v19;
	v20 =	vadd.f32 v23, v18  }
0x13e: {  	s17 =	simm.s32 $0xA00;
	v18 =	vld [tilespmem:s15+$0x15460];
	v21 =	vadd.f32 v21, v22;
	v22 =	vadd.f32 v62, v25  }
.LBB2_9:
0x13f: {  	p0 =	sne.s32 s17, $0x5A00;
	v23 =	vld [tilespmem:s15+$0x15470];
	v19 =	vadd.f32 v26, v19;
	v20 =	vadd.f32 v28, v20  }
0x140: {  	v25 =	vld [tilespmem:s15+$0x154E0];
	v21 =	vadd.f32 v24, v21;
	v22 =	vadd.f32 v27, v22  }
0x141: {  	v24 =	vld [tilespmem:s15+$0x154F0];
	v19 =	vadd.f32 v8, v19;
	v20 =	vadd.f32 v10, v20  }
0x142: {  	v10 =	vld [tilespmem:s15+$0x15560];
	v21 =	vadd.f32 v11, v21;
	v22 =	vadd.f32 v14, v22  }
0x143: {  	v7 =	vadd.f32 v16, v7;
	v3 =	vadd.f32 v17, v3;
	v11 =	vld [tilespmem:s15+$0x15570]  }
0x144: {  	v5 =	vadd.f32 v18, v5;
	v1 =	vadd.f32 v23, v1;
	v14 =	vld [tilespmem:s15+$0x155E0]  }
0x145: {  	v7 =	vadd.f32 v13, v7;
	v3 =	vadd.f32 v15, v3;
	v13 =	vld [tilespmem:s15+$0x155F0]  }
0x146: {  	v5 =	vadd.f32 v25, v5;
	v1 =	vadd.f32 v24, v1;
	v15 =	vld [tilespmem:s15+$0x15660]  }
0x147: {  	v7 =	vadd.f32 v9, v7;
	v3 =	vadd.f32 v12, v3;
	v9 =	vld [tilespmem:s15+$0x15670];
	s15 =	sshra.s32 s17, $0x2  }
0x148: {  	v5 =	vadd.f32 v10, v5;
	v8 =	vld [tilespmem:s15+$0x15600];
	v1 =	vadd.f32 v11, v1  }
0x149: {  	v4 =	vadd.f32 v4, v7;
	v3 =	vadd.f32 v6, v3;
	v10 =	vld [tilespmem:s15+$0x15610]  }
0x14a: {  	v5 =	vadd.f32 v14, v5;
	v11 =	vld [tilespmem:s15+$0x15620];
	v1 =	vadd.f32 v13, v1  }
0x14b: {  	v7 =	vadd.f32 v0, v4;
	v3 =	vadd.f32 v2, v3;
	v14 =	vld [tilespmem:s15+$0x15630]  }
0x14c: {  	v5 =	vadd.f32 v15, v5;
	v0 =	vld [tilespmem:s15+$0x15640];
	v1 =	vadd.f32 v9, v1  }
0x14d: {  	v2 =	vld [tilespmem:s15+$0x15650]  }
0x14e: {  	v26 =	vld [tilespmem:s15+$0x15580]  }
0x14f: {  	v28 =	vld [tilespmem:s15+$0x15590]  }
0x150: {  	v24 =	vld [tilespmem:s15+$0x155A0]  }
0x151: {  	v27 =	vld [tilespmem:s15+$0x155B0]  }
0x152: {  	v4 =	vld [tilespmem:s15+$0x155C0]  }
0x153: {  	v6 =	vld [tilespmem:s15+$0x155D0]  }
0x154: {  	v18 =	vld [tilespmem:s15+$0x15500]  }
0x155: {  	v23 =	vld [tilespmem:s15+$0x15510]  }
0x156: {  	v25 =	vld [tilespmem:s15+$0x15520]  }
0x157: {  	v29 =	vld [tilespmem:s15+$0x15530]  }
0x158: {  	v15 =	vld [tilespmem:s15+$0x15480]  }
0x159: {  	v16 =	vld [tilespmem:s15+$0x15490]  }
0x15a: {  	v12 =	vld [tilespmem:s15+$0x15400]  }
0x15b: {  	v13 =	vld [tilespmem:s15+$0x15410]  }
0x15c: {  	v17 =	vld [tilespmem:s15+$0x15420]  }
0x15d: {  	v30 =	vld [tilespmem:s15+$0x15430]  }
0x15e: {  	v31 =	vld [tilespmem:s15+$0x154A0]  }
0x15f: {  	v32 =	vld [tilespmem:s15+$0x154B0]  }
0x160: {  	v9 =	vld [tilespmem:s15+$0x15540]  }
0x161: {  	v19 =	vadd.f32 v12, v19;
	v20 =	vadd.f32 v13, v20;
	v12 =	vld [tilespmem:s15+$0x15550]  }
.Ltmp3:
0x162: {  	v17 =	vadd.f32 v17, v21;
	v21 =	vadd.f32 v30, v22;
	v13 =	vld [tilespmem:s15+$0x154C0];
	(pc) =	sbr.rel @p0 .LBB2_9-.Ltmp3, $4  }
0x163: {  	v19 =	vadd.f32 v15, v19;
	v20 =	vadd.f32 v16, v20;
	v15 =	vld [tilespmem:s15+$0x154D0]  }
0x164: {  	v22 =	vadd.f32 v31, v17;
	v16 =	vld [tilespmem:s15+$0x15440];
	v30 =	vadd.f32 v32, v21  }
0x165: {  	v19 =	vadd.f32 v18, v19;
	v20 =	vadd.f32 v23, v20;
	v17 =	vld [tilespmem:s15+$0x15450]  }
0x166: {  	s17 =	sadd.s32 $0xA00, s17;
	v21 =	vadd.f32 v25, v22;
	v18 =	vld [tilespmem:s15+$0x15460];
	v22 =	vadd.f32 v29, v30  }
0x167: {  	v23 =	vld [tilespmem:s15+$0x15470];
	v19 =	vadd.f32 v26, v19;
	v20 =	vadd.f32 v28, v20  }
0x168: {  	v25 =	vld [tilespmem:s15+$0x154E0];
	v21 =	vadd.f32 v24, v21;
	v22 =	vadd.f32 v27, v22  }
0x169: {  	v24 =	vld [tilespmem:s15+$0x154F0];
	v8 =	vadd.f32 v8, v19;
	v10 =	vadd.f32 v10, v20  }
0x16a: {  	v19 =	vld [tilespmem:s15+$0x15560];
	v7 =	vadd.f32 v16, v7;
	v11 =	vadd.f32 v11, v21  }
0x16b: {  	v16 =	vld [tilespmem:s15+$0x15570];
	v14 =	vadd.f32 v14, v22;
	v3 =	vadd.f32 v17, v3  }
0x16c: {  	v17 =	vld [tilespmem:s15+$0x155E0];
	v5 =	vadd.f32 v18, v5;
	v7 =	vadd.f32 v13, v7  }
0x16d: {  	v13 =	vld [tilespmem:s15+$0x155F0];
	v1 =	vadd.f32 v23, v1;
	v3 =	vadd.f32 v15, v3  }
0x16e: {  	s17 =	sshll.u32 s11, $0x8;
	v15 =	vld [tilespmem:s15+$0x15660];
	v5 =	vadd.f32 v25, v5;
	v7 =	vadd.f32 v9, v7  }
0x16f: {  	v9 =	vld [tilespmem:s15+$0x15670];
	s15 =	sand.u32 $0xF00, s17;
	v1 =	vadd.f32 v24, v1;
	v3 =	vadd.f32 v12, v3  }
0x170: {  	[tilespmem:s15+$0x1E000] =	vst v8;
	v5 =	vadd.f32 v19, v5;
	v4 =	vadd.f32 v4, v7  }
0x171: {  	[tilespmem:s15+$0x1E010] =	vst v10;
	v1 =	vadd.f32 v16, v1;
	v3 =	vadd.f32 v6, v3  }
0x172: {  	[tilespmem:s15+$0x1E020] =	vst v11;
	v5 =	vadd.f32 v17, v5;
	v0 =	vadd.f32 v0, v4  }
0x173: {  	[tilespmem:s15+$0x1E030] =	vst v14;
	v1 =	vadd.f32 v13, v1;
	v2 =	vadd.f32 v2, v3  }
0x174: {  	v3 =	vadd.f32 v15, v5;
	[tilespmem:s15+$0x1E040] =	vst v0  }
0x175: {  	s19 =	smin.u32 s13, $0x1F4;
	v0 =	vadd.f32 v9, v1;
	[tilespmem:s15+$0x1E050] =	vst v2  }
0x176: {  	s19 =	sshll.u32 s19, $0x7;
	[tilespmem:s15+$0x1E060] =	vst v3  }
0x177: {  	s19 =	sadd.s32 $0x580, s19;
	[tilespmem:s15+$0x1E070] =	vst v0  }
0x178: {  	[tilespmem:s16], [sflag:$0x4] =	stream.indirect.gather [hbm4b:s2+s9], $0x80, s19, s9, $0xb8;
	[tilespmem:$0x1F000] =	vst v63  }
0x179: {  	_ =	swait.ge [sflag:s29], $0x1900  }
0x17a: {  	[sflag:s29] =	ssyncset.done $0x0  }
0x17b: {  	s19 =	simm.s32 $0x0;
	[sflag:s29] =	ssyncadd.s32 $0xFFFFE700  }
0x17c: {  	v9 =	vld [tilespmem:s19+$0x17200]  }
0x17d: {  	v12 =	vld [tilespmem:s19+$0x17210]  }
0x17e: {  	v13 =	vld [tilespmem:s19+$0x17220]  }
0x17f: {  	v15 =	vld [tilespmem:s19+$0x17230]  }
0x180: {  	v1 =	vld [tilespmem:s19+$0x17240]  }
0x181: {  	v3 =	vld [tilespmem:s19+$0x17250]  }
0x182: {  	v6 =	vld [tilespmem:s19+$0x17180]  }
0x183: {  	v24 =	vld [tilespmem:s19+$0x17190]  }
0x184: {  	v20 =	vld [tilespmem:s19+$0x171A0]  }
0x185: {  	v21 =	vld [tilespmem:s19+$0x171B0]  }
0x186: {  	v5 =	vld [tilespmem:s19+$0x171C0]  }
0x187: {  	v7 =	vld [tilespmem:s19+$0x171D0]  }
0x188: {  	v0 =	vld [tilespmem:s19+$0x17100]  }
0x189: {  	v2 =	vld [tilespmem:s19+$0x17110]  }
0x18a: {  	v4 =	vld [tilespmem:s19+$0x17120]  }
0x18b: {  	v8 =	vld [tilespmem:s19+$0x17080]  }
0x18c: {  	v10 =	vld [tilespmem:s19+$0x17090]  }
0x18d: {  	v11 =	vld [tilespmem:s19+$0x17000]  }
0x18e: {  	v14 =	vld [tilespmem:s19+$0x17010]  }
0x18f: {  	v16 =	vld [tilespmem:s19+$0x17020]  }
0x190: {  	v18 =	vld [tilespmem:s19+$0x17030]  }
0x191: {  	v19 =	vld [tilespmem:s19+$0x170A0]  }
0x192: {  	v22 =	vld [tilespmem:s19+$0x170B0]  }
0x193: {  	v25 =	vld [tilespmem:s19+$0x17130]  }
0x194: {  	v17 =	vimm.f32 $0.0e+00;
	v23 =	vld [tilespmem:s19+$0x17140]  }
0x195: {  	v28 =	vld [tilespmem:s19+$0x17150];
	v11 =	vadd.f32 v11, v17;
	v14 =	vadd.f32 v14, v17  }
0x196: {  	v29 =	vld [tilespmem:s19+$0x170C0];
	v16 =	vadd.f32 v16, v17;
	v18 =	vadd.f32 v18, v17  }
0x197: {  	v30 =	vld [tilespmem:s19+$0x170D0];
	v8 =	vadd.f32 v8, v11;
	v10 =	vadd.f32 v10, v14  }
0x198: {  	v26 =	vimm.f32 $0.0e+00;
	v31 =	vld [tilespmem:s19+$0x17040];
	v11 =	vadd.f32 v19, v16;
	v14 =	vadd.f32 v22, v18  }
0x199: {  	v27 =	vimm.f32 $0.0e+00;
	v32 =	vld [tilespmem:s19+$0x17050];
	v34 =	vadd.f32 v0, v8;
	v35 =	vadd.f32 v2, v10  }
0x19a: {  	s21 =	simm.s32 $0xA00;
	v33 =	vld [tilespmem:s19+$0x17060];
	v36 =	vadd.f32 v4, v11;
	v37 =	vadd.f32 v25, v14;
	v25 =	vimm.f32 $0.0e+00  }
.LBB2_11:
0x19b: {  	p0 =	sne.s32 s21, $0x5A00;
	v0 =	vld [tilespmem:s19+$0x17070];
	v2 =	vadd.f32 v6, v34;
	v4 =	vadd.f32 v24, v35  }
0x19c: {  	v6 =	vld [tilespmem:s19+$0x170E0];
	v8 =	vadd.f32 v20, v36;
	v10 =	vadd.f32 v21, v37  }
0x19d: {  	v11 =	vld [tilespmem:s19+$0x170F0];
	v2 =	vadd.f32 v9, v2;
	v4 =	vadd.f32 v12, v4  }
0x19e: {  	v12 =	vld [tilespmem:s19+$0x17160];
	v8 =	vadd.f32 v13, v8;
	v10 =	vadd.f32 v15, v10  }
0x19f: {  	v9 =	vadd.f32 v31, v17;
	v13 =	vadd.f32 v32, v27;
	v14 =	vld [tilespmem:s19+$0x17170]  }
0x1a0: {  	v15 =	vadd.f32 v33, v25;
	v0 =	vadd.f32 v0, v26;
	v16 =	vld [tilespmem:s19+$0x171E0]  }
0x1a1: {  	v9 =	vadd.f32 v29, v9;
	v13 =	vadd.f32 v30, v13;
	v17 =	vld [tilespmem:s19+$0x171F0]  }
0x1a2: {  	v6 =	vadd.f32 v6, v15;
	v0 =	vadd.f32 v11, v0;
	v11 =	vld [tilespmem:s19+$0x17260]  }
0x1a3: {  	v15 =	vadd.f32 v23, v9;
	v13 =	vadd.f32 v28, v13;
	v18 =	vld [tilespmem:s19+$0x17270];
	s19 =	sshra.s32 s21, $0x2  }
0x1a4: {  	v6 =	vadd.f32 v12, v6;
	v9 =	vld [tilespmem:s19+$0x17200];
	v0 =	vadd.f32 v14, v0  }
0x1a5: {  	v5 =	vadd.f32 v5, v15;
	v7 =	vadd.f32 v7, v13;
	v12 =	vld [tilespmem:s19+$0x17210]  }
0x1a6: {  	v6 =	vadd.f32 v16, v6;
	v13 =	vld [tilespmem:s19+$0x17220];
	v0 =	vadd.f32 v17, v0  }
0x1a7: {  	v17 =	vadd.f32 v1, v5;
	v27 =	vadd.f32 v3, v7;
	v15 =	vld [tilespmem:s19+$0x17230]  }
0x1a8: {  	v25 =	vadd.f32 v11, v6;
	v1 =	vld [tilespmem:s19+$0x17240];
	v26 =	vadd.f32 v18, v0  }
0x1a9: {  	v3 =	vld [tilespmem:s19+$0x17250]  }
0x1aa: {  	v6 =	vld [tilespmem:s19+$0x17180]  }
0x1ab: {  	v24 =	vld [tilespmem:s19+$0x17190]  }
0x1ac: {  	v20 =	vld [tilespmem:s19+$0x171A0]  }
0x1ad: {  	v21 =	vld [tilespmem:s19+$0x171B0]  }
0x1ae: {  	v5 =	vld [tilespmem:s19+$0x171C0]  }
0x1af: {  	v7 =	vld [tilespmem:s19+$0x171D0]  }
0x1b0: {  	v0 =	vld [tilespmem:s19+$0x17100]  }
0x1b1: {  	v11 =	vld [tilespmem:s19+$0x17110]  }
0x1b2: {  	v14 =	vld [tilespmem:s19+$0x17120]  }
0x1b3: {  	v16 =	vld [tilespmem:s19+$0x17130]  }
0x1b4: {  	v18 =	vld [tilespmem:s19+$0x17080]  }
0x1b5: {  	v19 =	vld [tilespmem:s19+$0x17090]  }
0x1b6: {  	v22 =	vld [tilespmem:s19+$0x17000]  }
0x1b7: {  	v28 =	vld [tilespmem:s19+$0x17010]  }
0x1b8: {  	v29 =	vld [tilespmem:s19+$0x17020]  }
0x1b9: {  	v30 =	vld [tilespmem:s19+$0x17030]  }
0x1ba: {  	v32 =	vld [tilespmem:s19+$0x170A0]  }
0x1bb: {  	v33 =	vld [tilespmem:s19+$0x170B0]  }
0x1bc: {  	v23 =	vld [tilespmem:s19+$0x17140]  }
0x1bd: {  	v2 =	vadd.f32 v22, v2;
	v4 =	vadd.f32 v28, v4;
	v28 =	vld [tilespmem:s19+$0x17150]  }
.Ltmp4:
0x1be: {  	v8 =	vadd.f32 v29, v8;
	v10 =	vadd.f32 v30, v10;
	v29 =	vld [tilespmem:s19+$0x170C0];
	(pc) =	sbr.rel @p0 .LBB2_11-.Ltmp4, $4  }
0x1bf: {  	v2 =	vadd.f32 v18, v2;
	v4 =	vadd.f32 v19, v4;
	v30 =	vld [tilespmem:s19+$0x170D0]  }
0x1c0: {  	v8 =	vadd.f32 v32, v8;
	v31 =	vld [tilespmem:s19+$0x17040];
	v10 =	vadd.f32 v33, v10  }
0x1c1: {  	v34 =	vadd.f32 v0, v2;
	v35 =	vadd.f32 v11, v4;
	v32 =	vld [tilespmem:s19+$0x17050]  }
0x1c2: {  	s21 =	sadd.s32 $0xA00, s21;
	v36 =	vadd.f32 v14, v8;
	v33 =	vld [tilespmem:s19+$0x17060];
	v37 =	vadd.f32 v16, v10  }
0x1c3: {  	v38 =	vld [tilespmem:s19+$0x17070]  }
0x1c4: {  	v39 =	vld [tilespmem:s19+$0x170E0]  }
0x1c5: {  	v40 =	vld [tilespmem:s19+$0x170F0]  }
0x1c6: {  	v41 =	vld [tilespmem:s19+$0x17160]  }
0x1c7: {  	v42 =	vld [tilespmem:s19+$0x17170]  }
0x1c8: {  	v43 =	vld [tilespmem:s19+$0x171E0];
	s21 =	smin.u32 s13, $0x1F3  }
0x1c9: {  	v44 =	vld [tilespmem:s19+$0x171F0];
	s21 =	sshll.u32 s21, $0x7  }
0x1ca: {  	v45 =	vld [tilespmem:s19+$0x17260];
	s21 =	sadd.s32 $0x600, s21  }
0x1cb: {  	v46 =	vld [tilespmem:s19+$0x17270];
	[tilespmem:s18], [sflag:$0x5] =	stream.indirect.gather [hbm4b:s2+s9], $0x80, s21, s9, $0xb8  }
0x1cc: {  	_ =	swait.ge [sflag:s30], $0x1900  }
0x1cd: {  	[sflag:s30] =	ssyncset.done $0x0  }
0x1ce: {  	s19 =	simm.s32 $0x0;
	[sflag:s30] =	ssyncadd.s32 $0xFFFFE700  }
0x1cf: {  	v8 =	vld [tilespmem:s19+$0x18E00]  }
0x1d0: {  	v10 =	vld [tilespmem:s19+$0x18E10]  }
0x1d1: {  	v11 =	vld [tilespmem:s19+$0x18E20]  }
0x1d2: {  	v14 =	vld [tilespmem:s19+$0x18E30]  }
0x1d3: {  	v0 =	vld [tilespmem:s19+$0x18E40]  }
0x1d4: {  	v2 =	vld [tilespmem:s19+$0x18E50]  }
0x1d5: {  	v18 =	vld [tilespmem:s19+$0x18D80]  }
0x1d6: {  	v22 =	vld [tilespmem:s19+$0x18D90]  }
0x1d7: {  	v16 =	vld [tilespmem:s19+$0x18DA0]  }
0x1d8: {  	v19 =	vld [tilespmem:s19+$0x18DB0]  }
0x1d9: {  	v4 =	vld [tilespmem:s19+$0x18DC0]  }
0x1da: {  	v34 =	vadd.f32 v6, v34;
	v24 =	vadd.f32 v24, v35;
	v6 =	vld [tilespmem:s19+$0x18DD0]  }
0x1db: {  	v20 =	vadd.f32 v20, v36;
	v21 =	vadd.f32 v21, v37;
	v59 =	vld [tilespmem:s19+$0x18D00]  }
0x1dc: {  	v9 =	vadd.f32 v9, v34;
	v12 =	vadd.f32 v12, v24;
	v60 =	vld [tilespmem:s19+$0x18D10]  }
0x1dd: {  	v17 =	vadd.f32 v31, v17;
	v13 =	vadd.f32 v13, v20;
	v20 =	vld [tilespmem:s19+$0x18D20]  }
0x1de: {  	v15 =	vadd.f32 v15, v21;
	v21 =	vadd.f32 v32, v27;
	v61 =	vld [tilespmem:s19+$0x18D30]  }
0x1df: {  	v24 =	vadd.f32 v33, v25;
	v17 =	vadd.f32 v29, v17;
	v31 =	vld [tilespmem:s19+$0x18C80]  }
0x1e0: {  	v25 =	vadd.f32 v38, v26;
	v21 =	vadd.f32 v30, v21;
	v62 =	vld [tilespmem:s19+$0x18C90]  }
0x1e1: {  	v24 =	vadd.f32 v39, v24;
	v17 =	vadd.f32 v23, v17;
	v29 =	vld [tilespmem:s19+$0x18C00]  }
0x1e2: {  	v25 =	vadd.f32 v40, v25;
	v21 =	vadd.f32 v28, v21;
	v23 =	vld [tilespmem:s19+$0x18C10]  }
0x1e3: {  	v30 =	vld [tilespmem:s19+$0x18C20];
	v24 =	vadd.f32 v41, v24;
	v5 =	vadd.f32 v5, v17  }
0x1e4: {  	v17 =	vld [tilespmem:s19+$0x18C30];
	v25 =	vadd.f32 v42, v25;
	v7 =	vadd.f32 v7, v21  }
0x1e5: {  	v63 =	vld [tilespmem:s19+$0x18CA0];
	v21 =	vadd.f32 v43, v24;
	v24 =	vadd.f32 v1, v5  }
0x1e6: {  	v1 =	vld [tilespmem:s19+$0x18CB0];
	v27 =	vadd.f32 v44, v25;
	v25 =	vadd.f32 v3, v7  }
0x1e7: {  	v28 =	vld [tilespmem:s19+$0x18D40];
	v26 =	vadd.f32 v45, v21;
	v3 =	vadd.f32 v29, v9  }
0x1e8: {  	v32 =	vld [tilespmem:s19+$0x18C40];
	v5 =	vadd.f32 v23, v12;
	v7 =	vadd.f32 v30, v13  }
0x1e9: {  	v33 =	vld [tilespmem:s19+$0x18C50];
	v27 =	vadd.f32 v46, v27;
	v9 =	vadd.f32 v17, v15  }
0x1ea: {  	v34 =	vld [tilespmem:s19+$0x18C60];
	v3 =	vadd.f32 v31, v3;
	v5 =	vadd.f32 v62, v5  }
0x1eb: {  	v29 =	vld [tilespmem:s19+$0x18D50];
	v12 =	vadd.f32 v63, v7;
	v1 =	vadd.f32 v1, v9  }
0x1ec: {  	v30 =	vld [tilespmem:s19+$0x18CC0];
	v7 =	vadd.f32 v59, v3;
	v35 =	vadd.f32 v60, v5  }
0x1ed: {  	s21 =	simm.s32 $0xA00;
	v31 =	vld [tilespmem:s19+$0x18CD0];
	v36 =	vadd.f32 v20, v12;
	v37 =	vadd.f32 v61, v1  }
.LBB2_13:
0x1ee: {  	p0 =	sne.s32 s21, $0x5A00;
	v1 =	vld [tilespmem:s19+$0x18C70];
	v3 =	vadd.f32 v18, v7;
	v5 =	vadd.f32 v22, v35  }
0x1ef: {  	v7 =	vld [tilespmem:s19+$0x18CE0];
	v9 =	vadd.f32 v16, v36;
	v12 =	vadd.f32 v19, v37  }
0x1f0: {  	v13 =	vld [tilespmem:s19+$0x18CF0];
	v3 =	vadd.f32 v8, v3;
	v5 =	vadd.f32 v10, v5  }
0x1f1: {  	v10 =	vld [tilespmem:s19+$0x18D60];
	v9 =	vadd.f32 v11, v9;
	v12 =	vadd.f32 v14, v12  }
0x1f2: {  	v8 =	vadd.f32 v32, v24;
	v11 =	vadd.f32 v33, v25;
	v14 =	vld [tilespmem:s19+$0x18D70]  }
0x1f3: {  	v15 =	vadd.f32 v34, v26;
	v1 =	vadd.f32 v1, v27;
	v16 =	vld [tilespmem:s19+$0x18DE0]  }
0x1f4: {  	v8 =	vadd.f32 v30, v8;
	v11 =	vadd.f32 v31, v11;
	v17 =	vld [tilespmem:s19+$0x18DF0]  }
0x1f5: {  	v7 =	vadd.f32 v7, v15;
	v1 =	vadd.f32 v13, v1;
	v13 =	vld [tilespmem:s19+$0x18E60]  }
0x1f6: {  	v15 =	vadd.f32 v28, v8;
	v11 =	vadd.f32 v29, v11;
	v18 =	vld [tilespmem:s19+$0x18E70];
	s19 =	sshra.s32 s21, $0x2  }
0x1f7: {  	v7 =	vadd.f32 v10, v7;
	v8 =	vld [tilespmem:s19+$0x18E00];
	v1 =	vadd.f32 v14, v1  }
0x1f8: {  	v4 =	vadd.f32 v4, v15;
	v6 =	vadd.f32 v6, v11;
	v10 =	vld [tilespmem:s19+$0x18E10]  }
0x1f9: {  	v7 =	vadd.f32 v16, v7;
	v11 =	vld [tilespmem:s19+$0x18E20];
	v1 =	vadd.f32 v17, v1  }
0x1fa: {  	v24 =	vadd.f32 v0, v4;
	v25 =	vadd.f32 v2, v6;
	v14 =	vld [tilespmem:s19+$0x18E30]  }
0x1fb: {  	v26 =	vadd.f32 v13, v7;
	v0 =	vld [tilespmem:s19+$0x18E40];
	v27 =	vadd.f32 v18, v1  }
0x1fc: {  	v2 =	vld [tilespmem:s19+$0x18E50]  }
0x1fd: {  	v18 =	vld [tilespmem:s19+$0x18D80]  }
0x1fe: {  	v22 =	vld [tilespmem:s19+$0x18D90]  }
0x1ff: {  	v16 =	vld [tilespmem:s19+$0x18DA0]  }
0x200: {  	v19 =	vld [tilespmem:s19+$0x18DB0]  }
0x201: {  	v4 =	vld [tilespmem:s19+$0x18DC0]  }
0x202: {  	v6 =	vld [tilespmem:s19+$0x18DD0]  }
0x203: {  	v1 =	vld [tilespmem:s19+$0x18D00]  }
0x204: {  	v13 =	vld [tilespmem:s19+$0x18D10]  }
0x205: {  	v15 =	vld [tilespmem:s19+$0x18D20]  }
0x206: {  	v17 =	vld [tilespmem:s19+$0x18D30]  }
0x207: {  	v7 =	vld [tilespmem:s19+$0x18C80]  }
0x208: {  	v20 =	vld [tilespmem:s19+$0x18C90]  }
0x209: {  	v21 =	vld [tilespmem:s19+$0x18C00]  }
0x20a: {  	v23 =	vld [tilespmem:s19+$0x18C10]  }
0x20b: {  	v30 =	vld [tilespmem:s19+$0x18C20]  }
0x20c: {  	v31 =	vld [tilespmem:s19+$0x18C30]  }
0x20d: {  	v33 =	vld [tilespmem:s19+$0x18CA0]  }
0x20e: {  	v34 =	vld [tilespmem:s19+$0x18CB0]  }
0x20f: {  	v28 =	vld [tilespmem:s19+$0x18D40]  }
0x210: {  	v3 =	vadd.f32 v21, v3;
	v5 =	vadd.f32 v23, v5;
	v29 =	vld [tilespmem:s19+$0x18D50]  }
.Ltmp5:
0x211: {  	v9 =	vadd.f32 v30, v9;
	v12 =	vadd.f32 v31, v12;
	v30 =	vld [tilespmem:s19+$0x18CC0];
	(pc) =	sbr.rel @p0 .LBB2_13-.Ltmp5, $4  }
0x212: {  	v3 =	vadd.f32 v7, v3;
	v5 =	vadd.f32 v20, v5;
	v31 =	vld [tilespmem:s19+$0x18CD0]  }
0x213: {  	v9 =	vadd.f32 v33, v9;
	v32 =	vld [tilespmem:s19+$0x18C40];
	v12 =	vadd.f32 v34, v12  }
0x214: {  	v7 =	vadd.f32 v1, v3;
	v35 =	vadd.f32 v13, v5;
	v33 =	vld [tilespmem:s19+$0x18C50]  }
0x215: {  	s21 =	sadd.s32 $0xA00, s21;
	v36 =	vadd.f32 v15, v9;
	v34 =	vld [tilespmem:s19+$0x18C60];
	v37 =	vadd.f32 v17, v12  }
0x216: {  	v38 =	vld [tilespmem:s19+$0x18C70]  }
0x217: {  	v39 =	vld [tilespmem:s19+$0x18CE0]  }
0x218: {  	v40 =	vld [tilespmem:s19+$0x18CF0]  }
0x219: {  	v41 =	vld [tilespmem:s19+$0x18D60]  }
0x21a: {  	v42 =	vld [tilespmem:s19+$0x18D70]  }
0x21b: {  	v43 =	vld [tilespmem:s19+$0x18DE0];
	s21 =	smin.u32 s13, $0x1F2  }
0x21c: {  	v44 =	vld [tilespmem:s19+$0x18DF0];
	s21 =	sshll.u32 s21, $0x7  }
0x21d: {  	v45 =	vld [tilespmem:s19+$0x18E60];
	s21 =	sadd.s32 $0x680, s21  }
0x21e: {  	v46 =	vld [tilespmem:s19+$0x18E70];
	[tilespmem:s20], [sflag:$0x6] =	stream.indirect.gather [hbm4b:s2+s9], $0x80, s21, s9, $0xb8  }
0x21f: {  	_ =	swait.ge [sflag:s31], $0x1900  }
0x220: {  	[sflag:s31] =	ssyncset.done $0x0  }
0x221: {  	s19 =	simm.s32 $0x0;
	[sflag:s31] =	ssyncadd.s32 $0xFFFFE700  }
0x222: {  	v9 =	vld [tilespmem:s19+$0x1AA00]  }
0x223: {  	v12 =	vld [tilespmem:s19+$0x1AA10]  }
0x224: {  	v13 =	vld [tilespmem:s19+$0x1AA20]  }
0x225: {  	v15 =	vld [tilespmem:s19+$0x1AA30]  }
0x226: {  	v1 =	vld [tilespmem:s19+$0x1AA40]  }
0x227: {  	v3 =	vld [tilespmem:s19+$0x1AA50]  }
0x228: {  	v20 =	vld [tilespmem:s19+$0x1A980]  }
0x229: {  	v23 =	vld [tilespmem:s19+$0x1A990]  }
0x22a: {  	v17 =	vld [tilespmem:s19+$0x1A9A0]  }
0x22b: {  	v21 =	vld [tilespmem:s19+$0x1A9B0]  }
0x22c: {  	v5 =	vld [tilespmem:s19+$0x1A9C0]  }
0x22d: {  	v18 =	vadd.f32 v18, v7;
	v22 =	vadd.f32 v22, v35;
	v7 =	vld [tilespmem:s19+$0x1A9D0]  }
0x22e: {  	v16 =	vadd.f32 v16, v36;
	v19 =	vadd.f32 v19, v37;
	v59 =	vld [tilespmem:s19+$0x1A900]  }
0x22f: {  	v8 =	vadd.f32 v8, v18;
	v10 =	vadd.f32 v10, v22;
	v60 =	vld [tilespmem:s19+$0x1A910]  }
0x230: {  	v11 =	vadd.f32 v11, v16;
	v14 =	vadd.f32 v14, v19;
	v61 =	vld [tilespmem:s19+$0x1A920]  }
0x231: {  	v16 =	vadd.f32 v32, v24;
	v18 =	vadd.f32 v33, v25;
	v24 =	vld [tilespmem:s19+$0x1A930]  }
0x232: {  	v19 =	vadd.f32 v34, v26;
	v22 =	vadd.f32 v38, v27;
	v26 =	vld [tilespmem:s19+$0x1A880]  }
0x233: {  	v16 =	vadd.f32 v30, v16;
	v18 =	vadd.f32 v31, v18;
	v27 =	vld [tilespmem:s19+$0x1A890]  }
0x234: {  	v19 =	vadd.f32 v39, v19;
	v22 =	vadd.f32 v40, v22;
	v30 =	vld [tilespmem:s19+$0x1A800]  }
0x235: {  	v16 =	vadd.f32 v28, v16;
	v18 =	vadd.f32 v29, v18;
	v28 =	vld [tilespmem:s19+$0x1A810]  }
0x236: {  	v31 =	vld [tilespmem:s19+$0x1A820];
	v19 =	vadd.f32 v41, v19;
	v22 =	vadd.f32 v42, v22  }
0x237: {  	v62 =	vld [tilespmem:s19+$0x1A830];
	v4 =	vadd.f32 v4, v16;
	v6 =	vadd.f32 v6, v18  }
0x238: {  	v63 =	vld [tilespmem:s19+$0x1A8A0];
	v19 =	vadd.f32 v43, v19;
	v22 =	vadd.f32 v44, v22  }
0x239: {  	v16 =	vadd.f32 v0, v4;
	v18 =	vadd.f32 v2, v6;
	v0 =	vld [tilespmem:s19+$0x1A8B0]  }
0x23a: {  	v25 =	vld [tilespmem:s19+$0x1A940];
	v19 =	vadd.f32 v45, v19;
	v2 =	vadd.f32 v30, v8  }
0x23b: {  	v29 =	vld [tilespmem:s19+$0x1A950];
	v4 =	vadd.f32 v28, v10;
	v6 =	vadd.f32 v31, v11  }
0x23c: {  	v32 =	vld [tilespmem:s19+$0x1A840];
	v8 =	vadd.f32 v62, v14;
	v22 =	vadd.f32 v46, v22  }
0x23d: {  	v33 =	vld [tilespmem:s19+$0x1A850];
	v2 =	vadd.f32 v26, v2;
	v4 =	vadd.f32 v27, v4  }
0x23e: {  	v34 =	vld [tilespmem:s19+$0x1A860];
	v10 =	vadd.f32 v63, v6;
	v0 =	vadd.f32 v0, v8  }
0x23f: {  	v30 =	vld [tilespmem:s19+$0x1A8C0];
	v6 =	vadd.f32 v59, v2;
	v35 =	vadd.f32 v60, v4  }
0x240: {  	s21 =	simm.s32 $0xA00;
	v31 =	vld [tilespmem:s19+$0x1A8D0];
	v36 =	vadd.f32 v61, v10;
	v37 =	vadd.f32 v24, v0  }
.LBB2_15:
0x241: {  	p0 =	sne.s32 s21, $0x5A00;
	v0 =	vld [tilespmem:s19+$0x1A870];
	v2 =	vadd.f32 v20, v6;
	v4 =	vadd.f32 v23, v35  }
0x242: {  	v6 =	vld [tilespmem:s19+$0x1A8E0];
	v8 =	vadd.f32 v17, v36;
	v10 =	vadd.f32 v21, v37  }
0x243: {  	v11 =	vld [tilespmem:s19+$0x1A8F0];
	v2 =	vadd.f32 v9, v2;
	v4 =	vadd.f32 v12, v4  }
0x244: {  	v12 =	vld [tilespmem:s19+$0x1A960];
	v8 =	vadd.f32 v13, v8;
	v10 =	vadd.f32 v15, v10  }
0x245: {  	v9 =	vadd.f32 v32, v16;
	v13 =	vadd.f32 v33, v18;
	v14 =	vld [tilespmem:s19+$0x1A970]  }
0x246: {  	v15 =	vadd.f32 v34, v19;
	v0 =	vadd.f32 v0, v22;
	v16 =	vld [tilespmem:s19+$0x1A9E0]  }
0x247: {  	v9 =	vadd.f32 v30, v9;
	v13 =	vadd.f32 v31, v13;
	v17 =	vld [tilespmem:s19+$0x1A9F0]  }
0x248: {  	v6 =	vadd.f32 v6, v15;
	v0 =	vadd.f32 v11, v0;
	v11 =	vld [tilespmem:s19+$0x1AA60]  }
0x249: {  	v15 =	vadd.f32 v25, v9;
	v13 =	vadd.f32 v29, v13;
	v20 =	vld [tilespmem:s19+$0x1AA70];
	s19 =	sshra.s32 s21, $0x2  }
0x24a: {  	v6 =	vadd.f32 v12, v6;
	v9 =	vld [tilespmem:s19+$0x1AA00];
	v0 =	vadd.f32 v14, v0  }
0x24b: {  	v5 =	vadd.f32 v5, v15;
	v7 =	vadd.f32 v7, v13;
	v12 =	vld [tilespmem:s19+$0x1AA10]  }
0x24c: {  	v6 =	vadd.f32 v16, v6;
	v13 =	vld [tilespmem:s19+$0x1AA20];
	v0 =	vadd.f32 v17, v0  }
0x24d: {  	v16 =	vadd.f32 v1, v5;
	v18 =	vadd.f32 v3, v7;
	v15 =	vld [tilespmem:s19+$0x1AA30]  }
0x24e: {  	v19 =	vadd.f32 v11, v6;
	v1 =	vld [tilespmem:s19+$0x1AA40];
	v22 =	vadd.f32 v20, v0  }
0x24f: {  	v3 =	vld [tilespmem:s19+$0x1AA50]  }
0x250: {  	v20 =	vld [tilespmem:s19+$0x1A980]  }
0x251: {  	v23 =	vld [tilespmem:s19+$0x1A990]  }
0x252: {  	v17 =	vld [tilespmem:s19+$0x1A9A0]  }
0x253: {  	v21 =	vld [tilespmem:s19+$0x1A9B0]  }
0x254: {  	v5 =	vld [tilespmem:s19+$0x1A9C0]  }
0x255: {  	v7 =	vld [tilespmem:s19+$0x1A9D0]  }
0x256: {  	v0 =	vld [tilespmem:s19+$0x1A900]  }
0x257: {  	v11 =	vld [tilespmem:s19+$0x1A910]  }
0x258: {  	v14 =	vld [tilespmem:s19+$0x1A920]  }
0x259: {  	v24 =	vld [tilespmem:s19+$0x1A930]  }
0x25a: {  	v6 =	vld [tilespmem:s19+$0x1A880]  }
0x25b: {  	v26 =	vld [tilespmem:s19+$0x1A890]  }
0x25c: {  	v27 =	vld [tilespmem:s19+$0x1A800]  }
0x25d: {  	v28 =	vld [tilespmem:s19+$0x1A810]  }
0x25e: {  	v30 =	vld [tilespmem:s19+$0x1A820]  }
0x25f: {  	v31 =	vld [tilespmem:s19+$0x1A830]  }
0x260: {  	v33 =	vld [tilespmem:s19+$0x1A8A0]  }
0x261: {  	v34 =	vld [tilespmem:s19+$0x1A8B0]  }
0x262: {  	v25 =	vld [tilespmem:s19+$0x1A940]  }
0x263: {  	v2 =	vadd.f32 v27, v2;
	v4 =	vadd.f32 v28, v4;
	v29 =	vld [tilespmem:s19+$0x1A950]  }
.Ltmp6:
0x264: {  	v8 =	vadd.f32 v30, v8;
	v10 =	vadd.f32 v31, v10;
	v30 =	vld [tilespmem:s19+$0x1A8C0];
	(pc) =	sbr.rel @p0 .LBB2_15-.Ltmp6, $4  }
0x265: {  	v2 =	vadd.f32 v6, v2;
	v4 =	vadd.f32 v26, v4;
	v31 =	vld [tilespmem:s19+$0x1A8D0]  }
0x266: {  	v8 =	vadd.f32 v33, v8;
	v32 =	vld [tilespmem:s19+$0x1A840];
	v10 =	vadd.f32 v34, v10  }
0x267: {  	v6 =	vadd.f32 v0, v2;
	v35 =	vadd.f32 v11, v4;
	v33 =	vld [tilespmem:s19+$0x1A850]  }
0x268: {  	s21 =	sadd.s32 $0xA00, s21;
	v36 =	vadd.f32 v14, v8;
	v34 =	vld [tilespmem:s19+$0x1A860];
	v37 =	vadd.f32 v24, v10  }
0x269: {  	v38 =	vld [tilespmem:s19+$0x1A870]  }
0x26a: {  	v39 =	vld [tilespmem:s19+$0x1A8E0]  }
0x26b: {  	v40 =	vld [tilespmem:s19+$0x1A8F0]  }
0x26c: {  	v41 =	vld [tilespmem:s19+$0x1A960]  }
0x26d: {  	v42 =	vld [tilespmem:s19+$0x1A970]  }
0x26e: {  	v43 =	vld [tilespmem:s19+$0x1A9E0];
	s13 =	smin.u32 s13, $0x1F1  }
0x26f: {  	v44 =	vld [tilespmem:s19+$0x1A9F0];
	s13 =	sshll.u32 s13, $0x7  }
0x270: {  	v45 =	vld [tilespmem:s19+$0x1AA60];
	s13 =	sadd.s32 $0x700, s13  }
0x271: {  	v46 =	vld [tilespmem:s19+$0x1AA70];
	[tilespmem:s22], [sflag:$0x7] =	stream.indirect.gather [hbm4b:s2+s9], $0x80, s13, s9, $0xb8  }
0x272: {  	_ =	swait.ge [sflag:s1], $0x1900  }
0x273: {  	[sflag:s1] =	ssyncset.done $0x0  }
0x274: {  	s13 =	simm.s32 $0x0;
	[sflag:s1] =	ssyncadd.s32 $0xFFFFE700  }
0x275: {  	v8 =	vld [tilespmem:s13+$0x1C600]  }
0x276: {  	v10 =	vld [tilespmem:s13+$0x1C610]  }
0x277: {  	v11 =	vld [tilespmem:s13+$0x1C620]  }
0x278: {  	v14 =	vld [tilespmem:s13+$0x1C630]  }
0x279: {  	v0 =	vld [tilespmem:s13+$0x1C640]  }
0x27a: {  	v2 =	vld [tilespmem:s13+$0x1C650]  }
0x27b: {  	v26 =	vld [tilespmem:s13+$0x1C580]  }
0x27c: {  	v28 =	vld [tilespmem:s13+$0x1C590]  }
0x27d: {  	v24 =	vld [tilespmem:s13+$0x1C5A0]  }
0x27e: {  	v27 =	vld [tilespmem:s13+$0x1C5B0]  }
0x27f: {  	v20 =	vadd.f32 v20, v6;
	v4 =	vld [tilespmem:s13+$0x1C5C0]  }
0x280: {  	v23 =	vadd.f32 v23, v35;
	v17 =	vadd.f32 v17, v36;
	v6 =	vld [tilespmem:s13+$0x1C5D0]  }
0x281: {  	v21 =	vadd.f32 v21, v37;
	v20 =	vadd.f32 v9, v20;
	v61 =	vld [tilespmem:s13+$0x1C500]  }
0x282: {  	v12 =	vadd.f32 v12, v23;
	v9 =	vadd.f32 v32, v16;
	v23 =	vld [tilespmem:s13+$0x1C510]  }
0x283: {  	v13 =	vadd.f32 v13, v17;
	v15 =	vadd.f32 v15, v21;
	v21 =	vld [tilespmem:s13+$0x1C520]  }
0x284: {  	v16 =	vadd.f32 v33, v18;
	v17 =	vadd.f32 v34, v19;
	v62 =	vld [tilespmem:s13+$0x1C530]  }
0x285: {  	v9 =	vadd.f32 v30, v9;
	v18 =	vadd.f32 v38, v22;
	v19 =	vld [tilespmem:s13+$0x1C480]  }
0x286: {  	v16 =	vadd.f32 v31, v16;
	v17 =	vadd.f32 v39, v17;
	v22 =	vld [tilespmem:s13+$0x1C490]  }
0x287: {  	v9 =	vadd.f32 v25, v9;
	v18 =	vadd.f32 v40, v18;
	v30 =	vld [tilespmem:s13+$0x1C400]  }
0x288: {  	v16 =	vadd.f32 v29, v16;
	v29 =	vld [tilespmem:s13+$0x1C420];
	v17 =	vadd.f32 v41, v17  }
0x289: {  	v25 =	vld [tilespmem:s13+$0x1C410];
	v5 =	vadd.f32 v5, v9;
	v18 =	vadd.f32 v42, v18  }
0x28a: {  	v9 =	vadd.f32 v7, v16;
	v16 =	vld [tilespmem:s13+$0x1C430];
	v17 =	vadd.f32 v43, v17  }
0x28b: {  	v31 =	vld [tilespmem:s13+$0x1C4A0];
	v7 =	vadd.f32 v1, v5;
	v18 =	vadd.f32 v44, v18  }
0x28c: {  	v63 =	vld [tilespmem:s13+$0x1C4B0];
	v3 =	vadd.f32 v3, v9;
	v5 =	vadd.f32 v45, v17  }
0x28d: {  	v9 =	vld [tilespmem:s13+$0x1C540];
	v17 =	vadd.f32 v30, v20;
	v20 =	vadd.f32 v29, v13  }
0x28e: {  	v13 =	vld [tilespmem:s13+$0x1C4C0];
	v1 =	vadd.f32 v46, v18;
	v18 =	vadd.f32 v25, v12  }
0x28f: {  	v12 =	vld [tilespmem:s13+$0x1C550];
	v25 =	vadd.f32 v16, v15  }
0x290: {  	v19 =	vadd.f32 v19, v17;
	v15 =	vld [tilespmem:s13+$0x1C4D0];
	v18 =	vadd.f32 v22, v18  }
0x291: {  	v16 =	vld [tilespmem:s13+$0x1C440];
	v22 =	vadd.f32 v31, v20;
	v25 =	vadd.f32 v63, v25  }
0x292: {  	v17 =	vld [tilespmem:s13+$0x1C450];
	v19 =	vadd.f32 v61, v19;
	v20 =	vadd.f32 v23, v18  }
0x293: {  	s19 =	simm.s32 $0xA00;
	v18 =	vld [tilespmem:s13+$0x1C460];
	v21 =	vadd.f32 v21, v22;
	v22 =	vadd.f32 v62, v25  }
.LBB2_17:
0x294: {  	p0 =	sne.s32 s19, $0x5A00;
	v23 =	vld [tilespmem:s13+$0x1C470];
	v19 =	vadd.f32 v26, v19;
	v20 =	vadd.f32 v28, v20  }
0x295: {  	v25 =	vld [tilespmem:s13+$0x1C4E0];
	v21 =	vadd.f32 v24, v21;
	v22 =	vadd.f32 v27, v22  }
0x296: {  	v24 =	vld [tilespmem:s13+$0x1C4F0];
	v19 =	vadd.f32 v8, v19;
	v20 =	vadd.f32 v10, v20  }
0x297: {  	v10 =	vld [tilespmem:s13+$0x1C560];
	v21 =	vadd.f32 v11, v21;
	v22 =	vadd.f32 v14, v22  }
0x298: {  	v7 =	vadd.f32 v16, v7;
	v3 =	vadd.f32 v17, v3;
	v11 =	vld [tilespmem:s13+$0x1C570]  }
0x299: {  	v5 =	vadd.f32 v18, v5;
	v1 =	vadd.f32 v23, v1;
	v14 =	vld [tilespmem:s13+$0x1C5E0]  }
0x29a: {  	v7 =	vadd.f32 v13, v7;
	v3 =	vadd.f32 v15, v3;
	v13 =	vld [tilespmem:s13+$0x1C5F0]  }
0x29b: {  	v5 =	vadd.f32 v25, v5;
	v1 =	vadd.f32 v24, v1;
	v15 =	vld [tilespmem:s13+$0x1C660]  }
0x29c: {  	v7 =	vadd.f32 v9, v7;
	v3 =	vadd.f32 v12, v3;
	v9 =	vld [tilespmem:s13+$0x1C670];
	s13 =	sshra.s32 s19, $0x2  }
0x29d: {  	v5 =	vadd.f32 v10, v5;
	v8 =	vld [tilespmem:s13+$0x1C600];
	v1 =	vadd.f32 v11, v1  }
0x29e: {  	v4 =	vadd.f32 v4, v7;
	v3 =	vadd.f32 v6, v3;
	v10 =	vld [tilespmem:s13+$0x1C610]  }
0x29f: {  	v5 =	vadd.f32 v14, v5;
	v11 =	vld [tilespmem:s13+$0x1C620];
	v1 =	vadd.f32 v13, v1  }
0x2a0: {  	v7 =	vadd.f32 v0, v4;
	v3 =	vadd.f32 v2, v3;
	v14 =	vld [tilespmem:s13+$0x1C630]  }
0x2a1: {  	v5 =	vadd.f32 v15, v5;
	v0 =	vld [tilespmem:s13+$0x1C640];
	v1 =	vadd.f32 v9, v1  }
0x2a2: {  	v2 =	vld [tilespmem:s13+$0x1C650]  }
0x2a3: {  	v26 =	vld [tilespmem:s13+$0x1C580]  }
0x2a4: {  	v28 =	vld [tilespmem:s13+$0x1C590]  }
0x2a5: {  	v24 =	vld [tilespmem:s13+$0x1C5A0]  }
0x2a6: {  	v27 =	vld [tilespmem:s13+$0x1C5B0]  }
0x2a7: {  	v4 =	vld [tilespmem:s13+$0x1C5C0]  }
0x2a8: {  	v6 =	vld [tilespmem:s13+$0x1C5D0]  }
0x2a9: {  	v18 =	vld [tilespmem:s13+$0x1C500]  }
0x2aa: {  	v23 =	vld [tilespmem:s13+$0x1C510]  }
0x2ab: {  	v25 =	vld [tilespmem:s13+$0x1C520]  }
0x2ac: {  	v29 =	vld [tilespmem:s13+$0x1C530]  }
0x2ad: {  	v15 =	vld [tilespmem:s13+$0x1C480]  }
0x2ae: {  	v16 =	vld [tilespmem:s13+$0x1C490]  }
0x2af: {  	v12 =	vld [tilespmem:s13+$0x1C400]  }
0x2b0: {  	v13 =	vld [tilespmem:s13+$0x1C410]  }
0x2b1: {  	v17 =	vld [tilespmem:s13+$0x1C420]  }
0x2b2: {  	v30 =	vld [tilespmem:s13+$0x1C430]  }
0x2b3: {  	v31 =	vld [tilespmem:s13+$0x1C4A0]  }
0x2b4: {  	v32 =	vld [tilespmem:s13+$0x1C4B0]  }
0x2b5: {  	v9 =	vld [tilespmem:s13+$0x1C540]  }
0x2b6: {  	v19 =	vadd.f32 v12, v19;
	v20 =	vadd.f32 v13, v20;
	v12 =	vld [tilespmem:s13+$0x1C550]  }
.Ltmp7:
0x2b7: {  	v17 =	vadd.f32 v17, v21;
	v21 =	vadd.f32 v30, v22;
	v13 =	vld [tilespmem:s13+$0x1C4C0];
	(pc) =	sbr.rel @p0 .LBB2_17-.Ltmp7, $4  }
0x2b8: {  	v19 =	vadd.f32 v15, v19;
	v20 =	vadd.f32 v16, v20;
	v15 =	vld [tilespmem:s13+$0x1C4D0]  }
0x2b9: {  	v22 =	vadd.f32 v31, v17;
	v16 =	vld [tilespmem:s13+$0x1C440];
	v30 =	vadd.f32 v32, v21  }
0x2ba: {  	v19 =	vadd.f32 v18, v19;
	v20 =	vadd.f32 v23, v20;
	v17 =	vld [tilespmem:s13+$0x1C450]  }
0x2bb: {  	s19 =	sadd.s32 $0xA00, s19;
	v21 =	vadd.f32 v25, v22;
	v18 =	vld [tilespmem:s13+$0x1C460];
	v22 =	vadd.f32 v29, v30  }
0x2bc: {  	v19 =	vadd.f32 v26, v19;
	v20 =	vadd.f32 v28, v20  }
0x2bd: {  	v23 =	vld [tilespmem:s13+$0x1C470];
	v21 =	vadd.f32 v24, v21;
	v22 =	vadd.f32 v27, v22  }
0x2be: {  	v25 =	vld [tilespmem:s13+$0x1C4E0];
	v8 =	vadd.f32 v8, v19;
	v10 =	vadd.f32 v10, v20  }
0x2bf: {  	v55 =	vld [tilespmem:s13+$0x1C4F0];
	v7 =	vadd.f32 v16, v7;
	v11 =	vadd.f32 v11, v21  }
0x2c0: {  	v56 =	vld [tilespmem:s13+$0x1C560];
	v14 =	vadd.f32 v14, v22;
	v3 =	vadd.f32 v17, v3  }
0x2c1: {  	v57 =	vld [tilespmem:s13+$0x1C570];
	v5 =	vadd.f32 v18, v5;
	v7 =	vadd.f32 v13, v7  }
0x2c2: {  	v58 =	vld [tilespmem:s13+$0x1C5E0];
	v1 =	vadd.f32 v23, v1;
	v3 =	vadd.f32 v15, v3  }
0x2c3: {  	v59 =	vld [tilespmem:s13+$0x1C5F0];
	v5 =	vadd.f32 v25, v5;
	v7 =	vadd.f32 v9, v7  }
0x2c4: {  	v60 =	vld [tilespmem:s13+$0x1C660];
	v1 =	vadd.f32 v55, v1;
	v3 =	vadd.f32 v12, v3  }
0x2c5: {  	v61 =	vld [tilespmem:s13+$0x1C670];
	[tilespmem:s15+$0x1E080] =	vst v8;
	v5 =	vadd.f32 v56, v5;
	v4 =	vadd.f32 v4, v7  }
0x2c6: {  	[tilespmem:s15+$0x1E090] =	vst v10;
	v1 =	vadd.f32 v57, v1;
	v3 =	vadd.f32 v6, v3  }
0x2c7: {  	s21 =	sand.u32 $0xF, s11;
	[tilespmem:s15+$0x1E0A0] =	vst v11;
	v5 =	vadd.f32 v58, v5;
	v0 =	vadd.f32 v0, v4  }
0x2c8: {  	p0 =	sne.s32 s21, $0xF;
	[tilespmem:s15+$0x1E0B0] =	vst v14;
	v1 =	vadd.f32 v59, v1;
	v2 =	vadd.f32 v2, v3  }
0x2c9: {  	s13 =	sand.u32 @!p0 $0x7FFFF000, s17;
	v62 =	vadd.f32 v60, v5;
	[tilespmem:s15+$0x1E0C0] =	vst v0  }
0x2ca: {  	s11 =	sadd.s32 $0x1, s11;
	s13 =	sadd.s32 @!p0 s6, s13;
	v63 =	vadd.f32 v61, v1;
	[tilespmem:s15+$0x1E0D0] =	vst v2  }
0x2cb: {  	p1 =	sne.s32 s11, $0x40;
	s13 =	sshrl.u32 @!p0 s13, $0x3;
	[tilespmem:s15+$0x1E0E0] =	vst v62  }
0x2cc: {  	s17 =	simm.s32 @!p0 $0x1E000;
	s13 =	sadd.s32 @!p0 s3, s13;
	[tilespmem:s15+$0x1E0F0] =	vst v63;
	s15 =	simm.s32 @!p0 $0x0  }
0x2cd: {  	[hbm4b:s13+s15] =	stream.linear.scatter @!p0 [tilespmem:s17], [sflag:$0x9], $0x1000, $0x38;
	[tilespmem:$0x1F000] =	vst v63  }
.Ltmp8:
0x2ce: {  	_ = 	snop;
	(pc) =	sbr.rel @p1 .LBB2_2-.Ltmp8, $4  }
0x2cf: {  	s13 =	simm.s32 @!p0 $0x9  }
0x2d0: {  	_ =	swait.ge @!p0 [sflag:s13], $0x1000  }
0x2d1: {  	[sflag:s13] =	ssyncset.done @!p0 $0x0  }
0x2d2: {  	[sflag:s13] =	ssyncadd.s32 @!p0 $0xFFFFF000  }
0x2d3: {  	_ =	swait.ge [sflag:s24], $0x1900  }
0x2d4: {  	[sflag:s24] =	ssyncset.done $0x0  }
0x2d5: {  	[sflag:s24] =	ssyncadd.s32 $0xFFFFE700  }
0x2d6: {  	_ =	swait.ge [sflag:s25], $0x1900  }
0x2d7: {  	[sflag:s25] =	ssyncset.done $0x0  }
0x2d8: {  	[sflag:s25] =	ssyncadd.s32 $0xFFFFE700  }
0x2d9: {  	_ =	swait.ge [sflag:s26], $0x1900  }
0x2da: {  	[sflag:s26] =	ssyncset.done $0x0  }
0x2db: {  	[sflag:s26] =	ssyncadd.s32 $0xFFFFE700  }
0x2dc: {  	_ =	swait.ge [sflag:s28], $0x1900  }
0x2dd: {  	[sflag:s28] =	ssyncset.done $0x0  }
0x2de: {  	[sflag:s28] =	ssyncadd.s32 $0xFFFFE700  }
0x2df: {  	_ =	swait.ge [sflag:s29], $0x1900  }
0x2e0: {  	[sflag:s29] =	ssyncset.done $0x0  }
0x2e1: {  	s0 =	sadd.s32 $0x1, s0;
	[sflag:s29] =	ssyncadd.s32 $0xFFFFE700  }
0x2e2: {  	p0 =	sne.s32 s0, s7;
	_ =	swait.ge [sflag:s30], $0x1900  }
.Ltmp9:
0x2e3: {  	[sflag:s30] =	ssyncset.done $0x0;
	(pc) =	sbr.rel @p0 .LBB2_1-.Ltmp9, $4  }
0x2e4: {  	[sflag:s30] =	ssyncadd.s32 $0xFFFFE700  }
0x2e5: {  	_ =	swait.ge [sflag:s31], $0x1900  }
0x2e6: {  	[sflag:s31] =	ssyncset.done $0x0  }
0x2e7: {  	[sflag:s31] =	ssyncadd.s32 $0xFFFFE700  }
0x2e8: {  	_ =	sfence.sel $0x180000  }
0x2e9: {  	[bflag:$0x0] =	sbarrier.arrive $0xFFFF  }
0x2ea: {  	_ =	strace $0x90000047  }
0x2eb: {  	s0 =	stileid.u32;
	[bflag:$0x2] =	sbarrier.arrive $0xFFFF  }
0x2ec: {  	p0 =	sne.s32 s0, $0x0;
	s0 =	rddreg [dreg:$0x3]  }
0x2ed: {  	s0 =	sadd.s32 @!p0 $0x100000, s0  }
0x2ee: {  	[sflag:s0] =	ssyncadd.tile.s32 @!p0 $0x1;
	_ =	shalt  }
.Lfunc_end2:
_tile_overlayer_lowered:
.L_overlay_start_2:
0x2ef: {  	(tag) =	ssettag $0x2  }
0x2f0: {  	s0 =	rddreg [dreg:$0x0];
	s2 =	stileid.u32  }
0x2f1: {  	s1 =	rddreg [dreg:$0x1];
	p0 =	sne.s32 s2, $0x0  }
0x2f2: {  	s3 =	rddreg [dreg:$0x2];
	[bflag:$0x3] =	sbarrier.arrive $0xFFFF;
	s2 =	simm.s32 @!p0 $0x1C09  }
0x2f3: {  	[timem:s3], [sflag:s2] =	dma.local @!p0 [hbm:s0], s1  }
0x2f4: {  	s0 =	simm.s32 @!p0 $0x9  }
0x2f5: {  	_ =	swait.ge @!p0 [sflag:s0], s1  }
0x2f6: {  	s1 =	ssub.s32 @!p0 $0x0, s1;
	[sflag:s0] =	ssyncset.done @!p0 $0x0  }
0x2f7: {  	[sflag:s0] =	ssyncadd.s32 @!p0 s1  }
0x2f8: {  	[bflag:$0x3] =	sbarrier.arrive $0xFFFF  }
0x2f9: {  	_ =	shalt  }

</sc_bundles>
